<compile_context>
chip_gen: v7x
topology: tpu7x:2x2x1
jax: 0.10.2.dev20260603
libtpu: 0.0.44.dev20260713+nightly
codegen_flags: <defaults>
</compile_context>

<pallas_src>
import functools

import jax
import jax.numpy as jnp
from jax import lax
from jax.experimental import pallas as pl
from jax.experimental.pallas import tpu as pltpu
from jax.experimental.pallas import tpu_sc as plsc

N_NODES = 10000
N_PAD = 10240
D_FEAT = 128
K_SEEDS = 1000
N_EDGES = 320000
NW = 32
EDGES_PER_W = N_EDGES // NW
NODES_PER_W = N_PAD // NW
SENT = N_NODES
ROWS = N_PAD // 128


def _seed_body(scores_ref, seed_ref):
    s = scores_ref[...]
    b = lax.bitcast_convert_type(s, jnp.int32)
    ks = jnp.where(b >= 0, b, b ^ jnp.int32(0x7FFFFFFF))
    SIGN = jnp.int32(-(2**31))

    def bit_step(i, uprefix):
        bit = 31 - i
        bitval = lax.shift_left(jnp.int32(1), bit)
        ucand = uprefix | bitval
        scand = ucand ^ SIGN
        c = jnp.sum((ks >= scand).astype(jnp.int32))
        return jnp.where(c >= K_SEEDS, ucand, uprefix)

    uprefix = lax.fori_loop(0, 32, bit_step, jnp.int32(0))
    t = uprefix ^ SIGN
    gt = ks > t
    eq = ks == t
    need = jnp.float32(K_SEEDS) - jnp.sum(gt.astype(jnp.float32))
    eqf = eq.astype(jnp.float32)
    l_i = lax.broadcasted_iota(jnp.int32, (128, 128), 0)
    j_i = lax.broadcasted_iota(jnp.int32, (128, 128), 1)
    within = jnp.dot(eqf, (l_i < j_i).astype(jnp.float32),
                     preferred_element_type=jnp.float32)
    row_tot = jnp.sum(eqf, axis=1, keepdims=True)
    r_i = lax.broadcasted_iota(jnp.int32, (ROWS, ROWS), 0)
    c_i = lax.broadcasted_iota(jnp.int32, (ROWS, ROWS), 1)
    row_excl = jnp.dot((c_i < r_i).astype(jnp.float32), row_tot,
                       preferred_element_type=jnp.float32)
    rank = row_excl + within
    seed = gt | (eq & (rank < need))
    seed_ref[...] = seed.astype(jnp.int32)


_seed_call = pl.pallas_call(
    _seed_body,
    out_shape=jax.ShapeDtypeStruct((ROWS, 128), jnp.int32),
)


_sc_mesh = plsc.VectorSubcoreMesh(core_axis_name="c", subcore_axis_name="s")
_sc_params = pltpu.CompilerParams(needs_layout_passes=False)


@functools.partial(
    pl.kernel,
    mesh=_sc_mesh,
    compiler_params=_sc_params,
    out_type=jax.ShapeDtypeStruct((2 * N_PAD,), jnp.int32),
    scratch_types=[
        pltpu.VMEM((N_PAD,), jnp.int32),
        pltpu.VMEM((N_PAD,), jnp.int32),
        pltpu.VMEM((2 * EDGES_PER_W,), jnp.int32),
        pltpu.VMEM((16, 640), jnp.int32),
        pltpu.VMEM_SHARED((16, 16, 640), jnp.int32),
        pltpu.SemaphoreType.DMA,
    ],
)
def _tables_call(ei_hbm, tables_hbm, t0_v, t1_v, buf_v, tmp_v, shared_v, sem):
    cid = lax.axis_index("c")
    sid = lax.axis_index("s")
    wid = cid * 16 + sid

    base = wid * EDGES_PER_W
    cps = [
        pltpu.async_copy(ei_hbm.at[pl.ds(base, EDGES_PER_W)],
                         buf_v.at[pl.ds(0, EDGES_PER_W)], sem),
        pltpu.async_copy(ei_hbm.at[pl.ds(N_EDGES + base, EDGES_PER_W)],
                         buf_v.at[pl.ds(EDGES_PER_W, EDGES_PER_W)], sem),
    ]

    sent16 = jnp.full((16,), SENT, jnp.int32)

    def init_step(i, carry):
        for u in range(4):
            t0_v[pl.ds(i * 64 + u * 16, 16)] = sent16
            t1_v[pl.ds(i * 64 + u * 16, 16)] = sent16
        return carry

    lax.fori_loop(0, N_PAD // 64, init_step, 0)
    for cp in cps:
        cp.wait()

    iota16 = lax.iota(jnp.int32, 16)
    prev_idx = jnp.maximum(iota16 - 1, 0)

    def rmw(j, table):
        s = buf_v[pl.ds(j * 16, 16)]
        d = buf_v[pl.ds(EDGES_PER_W + j * 16, 16)]
        kc = lax.shift_left(s, 15) | d
        ksort, _ = plsc.sort_key_val(kc, kc)
        ss = lax.shift_right_logical(ksort, 15)
        dd = ksort & jnp.int32(32767)
        prev = ss.at[prev_idx].get(mode="promise_in_bounds")
        leader = (iota16 == 0) | (ss != prev)
        old = plsc.load_gather(table, [ss])
        plsc.store_scatter(table, [ss], jnp.minimum(old, dd), mask=leader)

    def edge_step(j, carry):
        rmw(j * 2, t0_v)
        rmw(j * 2 + 1, t1_v)
        return carry

    n_pairs = (EDGES_PER_W // 16) // 2
    lax.fori_loop(0, n_pairs, edge_step, 0)
    rmw(EDGES_PER_W // 16 - 1, t0_v)

    def fold_step(j, carry):
        for u in range(2):
            off = j * 32 + u * 16
            t0_v[pl.ds(off, 16)] = jnp.minimum(t0_v[pl.ds(off, 16)],
                                               t1_v[pl.ds(off, 16)])
        return carry

    lax.fori_loop(0, N_PAD // 32, fold_step, 0)

    cps = [pltpu.async_copy(t0_v.at[pl.ds(o * 640, 640)],
                            shared_v.at[sid, o], sem) for o in range(16)]
    for cp in cps:
        cp.wait()
    plsc.subcore_barrier()
    cps = [pltpu.async_copy(shared_v.at[w, sid], tmp_v.at[w], sem)
           for w in range(16)]
    for cp in cps:
        cp.wait()

    def merge_step(j, carry):
        m = tmp_v[0, pl.ds(j * 16, 16)]
        for w in range(1, 16):
            m = jnp.minimum(m, tmp_v[w, pl.ds(j * 16, 16)])
        t0_v[pl.ds(j * 16, 16)] = m
        return carry

    lax.fori_loop(0, 640 // 16, merge_step, 0)
    pltpu.sync_copy(t0_v.at[pl.ds(0, 640)],
                    tables_hbm.at[pl.ds(cid * N_PAD + sid * 640, 640)])


@functools.partial(
    pl.kernel,
    mesh=_sc_mesh,
    compiler_params=_sc_params,
    out_type=jax.ShapeDtypeStruct((N_PAD,), jnp.int32),
    scratch_types=[
        pltpu.VMEM((640,), jnp.int32),
        pltpu.VMEM((640,), jnp.int32),
        pltpu.VMEM((640,), jnp.int32),
        pltpu.VMEM((640,), jnp.int32),
        pltpu.VMEM((16, 640), jnp.int32),
        pltpu.VMEM((NODES_PER_W,), jnp.int32),
        pltpu.VMEM((NODES_PER_W,), jnp.int32),
        pltpu.VMEM((NODES_PER_W,), jnp.int32),
        pltpu.VMEM((NODES_PER_W,), jnp.int32),
        pltpu.VMEM((NODES_PER_W,), jnp.int32),
        pltpu.VMEM_SHARED((16, 640), jnp.int32),
        pltpu.SemaphoreType.DMA,
    ],
)
def _mask_call(tables_hbm, seed_hbm, mask_hbm,
               ta_v, tb_v, seed_v, tgt_v, lists_v,
               oa_v, ob_v, os_v, reach_v, mask_v, shared_v, sem):
    cid = lax.axis_index("c")
    sid = lax.axis_index("s")
    wid = cid * 16 + sid
    sbase = sid * 640
    obase = wid * NODES_PER_W
    cps = [
        pltpu.async_copy(tables_hbm.at[pl.ds(sbase, 640)], ta_v, sem),
        pltpu.async_copy(tables_hbm.at[pl.ds(N_PAD + sbase, 640)], tb_v, sem),
        pltpu.async_copy(seed_hbm.at[pl.ds(sbase, 640)], seed_v, sem),
        pltpu.async_copy(tables_hbm.at[pl.ds(obase, NODES_PER_W)], oa_v, sem),
        pltpu.async_copy(tables_hbm.at[pl.ds(N_PAD + obase, NODES_PER_W)],
                         ob_v, sem),
        pltpu.async_copy(seed_hbm.at[pl.ds(obase, NODES_PER_W)], os_v, sem),
    ]
    zero16 = jnp.zeros((16,), jnp.int32)

    def rzero_step(i, carry):
        reach_v[pl.ds(i * 16, 16)] = zero16
        return carry

    lax.fori_loop(0, NODES_PER_W // 16, rzero_step, 0)
    for cp in cps:
        cp.wait()

    def scan_step(i, carry):
        for u in range(2):
            off = (i * 2 + u) * 16
            nf = jnp.minimum(ta_v[pl.ds(off, 16)], tb_v[pl.ds(off, 16)])
            p1 = (seed_v[pl.ds(off, 16)] != 0) & (nf < SENT)
            tgt_v[pl.ds(off, 16)] = jnp.where(p1, nf, jnp.int32(-1))
        return carry

    lax.fori_loop(0, 640 // 32, scan_step, 0)
    pltpu.sync_copy(tgt_v, shared_v.at[sid])
    plsc.subcore_barrier()
    cps = [pltpu.async_copy(shared_v.at[w], lists_v.at[w], sem)
           for w in range(16)]
    for cp in cps:
        cp.wait()
    ones16 = jnp.ones((16,), jnp.int32)
    lim = obase + NODES_PER_W

    for w in range(16):
        def reach_step(i, carry, w=w):
            t = lists_v[w, pl.ds(i * 16, 16)]
            inr = (t >= obase) & (t < lim)
            tt = jnp.where(inr, t - obase, 0)
            plsc.store_scatter(reach_v, [tt], ones16, mask=inr)
            return carry

        lax.fori_loop(0, 640 // 16, reach_step, 0)

    def out_step(j, carry):
        nf = jnp.minimum(oa_v[pl.ds(j * 16, 16)], ob_v[pl.ds(j * 16, 16)])
        hs = nf < SENT
        sd = os_v[pl.ds(j * 16, 16)] != 0
        r = reach_v[pl.ds(j * 16, 16)] != 0
        mask_v[pl.ds(j * 16, 16)] = (hs & (sd | r)).astype(jnp.int32)
        return carry

    lax.fori_loop(0, NODES_PER_W // 16, out_step, 0)
    pltpu.sync_copy(mask_v, mask_hbm.at[pl.ds(obase, NODES_PER_W)])


_FEAT_BLK = 1000


def _feat_body(m_ref, e0_ref, f_ref, o_ref):
    b = pl.program_id(0)
    m = (m_ref[...] != 0).astype(jnp.float32)
    qb = (b * _FEAT_BLK) // 128
    off = (b * _FEAT_BLK) % 128
    m9 = pltpu.roll(m, (ROWS - qb) % ROWS, 0)[0:9, :]
    r9 = lax.broadcasted_iota(jnp.int32, (_FEAT_BLK, 9), 0)
    q9 = lax.broadcasted_iota(jnp.int32, (_FEAT_BLK, 9), 1)
    g = (lax.shift_right_logical(off + r9, 7) == q9).astype(jnp.float32)
    t1 = jnp.dot(g, m9, preferred_element_type=jnp.float32)
    eb = pltpu.roll(e0_ref[...], off, 1)
    sel = jnp.sum(t1 * eb, axis=1, keepdims=True)
    o_ref[...] = jnp.where(sel > 0.0, jnp.float32(0.0), f_ref[...])


_feat_call = pl.pallas_call(
    _feat_body,
    grid=(N_NODES // _FEAT_BLK,),
    in_specs=[
        pl.BlockSpec((ROWS, 128), lambda i: (0, 0)),
        pl.BlockSpec((_FEAT_BLK, 128), lambda i: (0, 0)),
        pl.BlockSpec((_FEAT_BLK, D_FEAT), lambda i: (i, 0)),
    ],
    out_specs=pl.BlockSpec((_FEAT_BLK, D_FEAT), lambda i: (i, 0)),
    out_shape=jax.ShapeDtypeStruct((N_NODES, D_FEAT), jnp.float32),
)


def kernel(features, edge_index, cic_scores):
    ei_flat = edge_index.reshape(-1)
    scores_p = jnp.concatenate(
        [cic_scores, jnp.full((N_PAD - N_NODES,), -jnp.inf, cic_scores.dtype)]
    ).reshape(ROWS, 128)
    seed = _seed_call(scores_p).reshape(-1)
    tables = _tables_call(ei_flat)
    maskp = _mask_call(tables, seed)
    r1 = lax.broadcasted_iota(jnp.int32, (_FEAT_BLK, 128), 0)
    l1 = lax.broadcasted_iota(jnp.int32, (_FEAT_BLK, 128), 1)
    e0 = (l1 == (r1 & 127)).astype(jnp.float32)
    new_features = _feat_call(maskp.reshape(ROWS, 128), e0, features)
    return new_features, maskp[:N_NODES] != 0

# --- scband reference (transcript-rebuilt; emitter-appended) ---
"""Pipeline reference for scband-causal-chain-masking-60498909331618 (READ-ONLY COPY).

The authoritative reference and input builder live on the scoring server;
editing this copy changes nothing except your own understanding.
"""

import jax, jax.numpy as jnp
import numpy as np

MASK_RATE = 0.3
CHAIN_LENGTH = 3
N_NODES = 10000
N_EDGES = 320000
D_FEAT = 128


def setup_inputs(seed: int = 0) -> dict:
    key = jax.random.key(seed)
    k1, k2, k3 = jax.random.split(key, 3)
    features = jax.random.normal(k1, (N_NODES, D_FEAT), dtype=jnp.float32)
    edge_index = jax.random.randint(k2, (2, N_EDGES), 0, N_NODES, dtype=jnp.int32)
    cic_scores = jax.random.uniform(k3, (N_NODES,), dtype=jnp.float32)
    return {"features": features, "edge_index": edge_index, "cic_scores": cic_scores}


def reference(features, edge_index, cic_scores):
    n_nodes = features.shape[0]
    # --- seed selection via CIC scores + top-k (faithful to torch branch) ---
    if cic_scores.ndim == 2:
        total_scores = 1.0 - jnp.prod(1.0 - 0.25 * cic_scores, axis=1)
    else:
        total_scores = cic_scores
    num_seeds = max(1, int(n_nodes * MASK_RATE / CHAIN_LENGTH))
    _, seed_nodes = jax.lax.top_k(total_scores, min(num_seeds, n_nodes))
    seed_nodes = seed_nodes.astype(jnp.int32)
    # --- deterministic successor table (min-index successor per node) ---
    # torch version uses random.choice over successors; here we pick the
    # minimum-index successor deterministically via scatter-min.
    src = edge_index[0].astype(jnp.int32)
    dst = edge_index[1].astype(jnp.int32)
    SENTINEL = jnp.int32(n_nodes)
    next_of = jnp.full((n_nodes,), SENTINEL, dtype=jnp.int32).at[src].min(dst)
    # --- walk chains of length CHAIN_LENGTH; mask chain[:-1] nodes ---
    cur = seed_nodes
    alive = jnp.ones(cur.shape, dtype=bool)
    masked = jnp.zeros((n_nodes,), dtype=jnp.int32)
    for _ in range(CHAIN_LENGTH - 1):
        nxt = next_of[cur]
        has_succ = nxt < n_nodes
        mask_now = alive & has_succ  # a node is in chain[:-1] iff a successor exists
        masked = masked.at[cur].max(mask_now.astype(jnp.int32))
        alive = mask_now
        cur = jnp.where(alive, nxt, 0)
    mask_flags = masked > 0
    # --- zero out masked node features (scatter-overwrite semantics) ---
    new_features = jnp.where(mask_flags[:, None], jnp.float32(0.0), features)
    return new_features, mask_flags

if __name__ == "__main__":
    import jax
    _d = setup_inputs()
    print(jax.jit(kernel)(*tuple(_d.values())))

</pallas_src>

<mosaic_0001>
#map = affine_map<(d0, d1) -> (0)>
module attributes {stable_mosaic.version = 14 : i64} {
  func.func @_tables_call(%arg0: i32, %arg1: i32, %arg2: memref<640000xi32, #tpu.memory_space<hbm>>, %arg3: memref<20480xi32, #tpu.memory_space<hbm>>, %arg4: memref<10240xi32, #tpu.memory_space<vmem>>, %arg5: memref<10240xi32, #tpu.memory_space<vmem>>, %arg6: memref<20000xi32, #tpu.memory_space<vmem>>, %arg7: memref<16x640xi32, #tpu.memory_space<vmem>>, %arg8: memref<16x16x640xi32, #tpu.memory_space<vmem_shared>>, %arg9: memref<!tpu.dma_semaphore, #tpu.memory_space<semaphore_mem>>) attributes {dimension_semantics = [#tpu.dimension_semantics<core_parallel>, #tpu.dimension_semantics<subcore_parallel>], iteration_bounds = array<i64: 2, 16>, scalar_prefetch = 0 : i64, scratch_operands = 6 : i64, tpu.core_type = #tpu.core_type<sc_vector_subcore>, window_params = [{transform_indices = #map}, {transform_indices = #map}]} {
    %mul3A = arith.constant 16 : i32
    %mul3A_0 = arith.muli %arg0, %mul3A : i32
    %add3A = arith.addi %mul3A_0, %arg1 : i32
    %mul3A_1 = arith.constant 10000 : i32
    %mul3A_2 = arith.muli %add3A, %mul3A_1 : i32
    %dma_start3A = arith.constant 0 : i32
    %dma_start3A_3 = tpu.memref_slice %arg6[%dma_start3A] : memref<20000xi32, #tpu.memory_space<vmem>> -> memref<10000xi32, #tpu.memory_space<vmem>>
    %dma_start3A_4 = tpu.memref_slice %arg2[%mul3A_2] : memref<640000xi32, #tpu.memory_space<hbm>> -> memref<10000xi32, #tpu.memory_space<hbm>>
    %dma_start3A_5 = arith.constant 0 : i32
    %dma_start3A_6 = tpu.memref_slice %arg6[%dma_start3A_5] : memref<20000xi32, #tpu.memory_space<vmem>> -> memref<10000xi32, #tpu.memory_space<vmem>>
    %dma_start3A_7 = tpu.memref_slice %arg2[%mul3A_2] : memref<640000xi32, #tpu.memory_space<hbm>> -> memref<10000xi32, #tpu.memory_space<hbm>>
    tpu.enqueue_dma source(%dma_start3A_7 : memref<10000xi32, #tpu.memory_space<hbm>>) target(%dma_start3A_6 : memref<10000xi32, #tpu.memory_space<vmem>>) target_semaphore(%arg9 : memref<!tpu.dma_semaphore, #tpu.memory_space<semaphore_mem>>)
    %add3A_8 = arith.constant 320000 : i32
    %add3A_9 = arith.addi %add3A_8, %mul3A_2 : i32
    %dma_start3A_10 = arith.constant 10000 : i32
    %dma_start3A_11 = tpu.memref_slice %arg6[%dma_start3A_10] : memref<20000xi32, #tpu.memory_space<vmem>> -> memref<10000xi32, #tpu.memory_space<vmem>>
    %dma_start3A_12 = tpu.memref_slice %arg2[%add3A_9] : memref<640000xi32, #tpu.memory_space<hbm>> -> memref<10000xi32, #tpu.memory_space<hbm>>
    %dma_start3A_13 = arith.constant 10000 : i32
    %dma_start3A_14 = tpu.memref_slice %arg6[%dma_start3A_13] : memref<20000xi32, #tpu.memory_space<vmem>> -> memref<10000xi32, #tpu.memory_space<vmem>>
    %dma_start3A_15 = tpu.memref_slice %arg2[%add3A_9] : memref<640000xi32, #tpu.memory_space<hbm>> -> memref<10000xi32, #tpu.memory_space<hbm>>
    tpu.enqueue_dma source(%dma_start3A_15 : memref<10000xi32, #tpu.memory_space<hbm>>) target(%dma_start3A_14 : memref<10000xi32, #tpu.memory_space<vmem>>) target_semaphore(%arg9 : memref<!tpu.dma_semaphore, #tpu.memory_space<semaphore_mem>>)
    %broadcast_in_dim3A = arith.constant 10000 : i32
    %broadcast_in_dim3A_16 = vector.broadcast %broadcast_in_dim3A : i32 to vector<16xi32>
    %scan3A = arith.constant 0 : i32
    %scan3A_17 = arith.constant 0 : i32
    %scan3A_18 = arith.constant 160 : i32
    %scan3A_19 = arith.addi %scan3A_17, %scan3A_18 : i32
    %scan3A_20 = arith.constant 1 : i32
    scf.for %scan3A_887 = %scan3A_17 to %scan3A_19 step %scan3A_20  : i32 {
      %mul3A_888 = arith.constant 64 : i32
      %mul3A_889 = arith.muli %scan3A_887, %mul3A_888 : i32
      %add3A_890 = arith.constant 0 : i32
      %add3A_891 = arith.addi %mul3A_889, %add3A_890 : i32
      %swap3A = arith.index_cast %add3A_891 : i32 to index
      %swap3A_892 = tpu.vector_load %arg4[%swap3A] {strides = array<i32>} : memref<10240xi32, #tpu.memory_space<vmem>>, vector<16xi32>,
      tpu.vector_store %arg4[%swap3A], %broadcast_in_dim3A_16 {strides = array<i32>} : memref<10240xi32, #tpu.memory_space<vmem>>, vector<16xi32>,
      %mul3A_893 = arith.constant 64 : i32
      %mul3A_894 = arith.muli %scan3A_887, %mul3A_893 : i32
      %add3A_895 = arith.constant 0 : i32
      %add3A_896 = arith.addi %mul3A_894, %add3A_895 : i32
      %swap3A_897 = arith.index_cast %add3A_896 : i32 to index
      %swap3A_898 = tpu.vector_load %arg5[%swap3A_897] {strides = array<i32>} : memref<10240xi32, #tpu.memory_space<vmem>>, vector<16xi32>,
      tpu.vector_store %arg5[%swap3A_897], %broadcast_in_dim3A_16 {strides = array<i32>} : memref<10240xi32, #tpu.memory_space<vmem>>, vector<16xi32>,
      %mul3A_899 = arith.constant 64 : i32
      %mul3A_900 = arith.muli %scan3A_887, %mul3A_899 : i32
      %add3A_901 = arith.constant 16 : i32
      %add3A_902 = arith.addi %mul3A_900, %add3A_901 : i32
      %swap3A_903 = arith.index_cast %add3A_902 : i32 to index
      %swap3A_904 = tpu.vector_load %arg4[%swap3A_903] {strides = array<i32>} : memref<10240xi32, #tpu.memory_space<vmem>>, vector<16xi32>,
      tpu.vector_store %arg4[%swap3A_903], %broadcast_in_dim3A_16 {strides = array<i32>} : memref<10240xi32, #tpu.memory_space<vmem>>, vector<16xi32>,
      %mul3A_905 = arith.constant 64 : i32
      %mul3A_906 = arith.muli %scan3A_887, %mul3A_905 : i32
      %add3A_907 = arith.constant 16 : i32
      %add3A_908 = arith.addi %mul3A_906, %add3A_907 : i32
      %swap3A_909 = arith.index_cast %add3A_908 : i32 to index
      %swap3A_910 = tpu.vector_load %arg5[%swap3A_909] {strides = array<i32>} : memref<10240xi32, #tpu.memory_space<vmem>>, vector<16xi32>,
      tpu.vector_store %arg5[%swap3A_909], %broadcast_in_dim3A_16 {strides = array<i32>} : memref<10240xi32, #tpu.memory_space<vmem>>, vector<16xi32>,
      %mul3A_911 = arith.constant 64 : i32
      %mul3A_912 = arith.muli %scan3A_887, %mul3A_911 : i32
      %add3A_913 = arith.constant 32 : i32
      %add3A_914 = arith.addi %mul3A_912, %add3A_913 : i32
      %swap3A_915 = arith.index_cast %add3A_914 : i32 to index
      %swap3A_916 = tpu.vector_load %arg4[%swap3A_915] {strides = array<i32>} : memref<10240xi32, #tpu.memory_space<vmem>>, vector<16xi32>,
      tpu.vector_store %arg4[%swap3A_915], %broadcast_in_dim3A_16 {strides = array<i32>} : memref<10240xi32, #tpu.memory_space<vmem>>, vector<16xi32>,
      %mul3A_917 = arith.constant 64 : i32
      %mul3A_918 = arith.muli %scan3A_887, %mul3A_917 : i32
      %add3A_919 = arith.constant 32 : i32
      %add3A_920 = arith.addi %mul3A_918, %add3A_919 : i32
      %swap3A_921 = arith.index_cast %add3A_920 : i32 to index
      %swap3A_922 = tpu.vector_load %arg5[%swap3A_921] {strides = array<i32>} : memref<10240xi32, #tpu.memory_space<vmem>>, vector<16xi32>,
      tpu.vector_store %arg5[%swap3A_921], %broadcast_in_dim3A_16 {strides = array<i32>} : memref<10240xi32, #tpu.memory_space<vmem>>, vector<16xi32>,
      %mul3A_923 = arith.constant 64 : i32
      %mul3A_924 = arith.muli %scan3A_887, %mul3A_923 : i32
      %add3A_925 = arith.constant 48 : i32
      %add3A_926 = arith.addi %mul3A_924, %add3A_925 : i32
      %swap3A_927 = arith.index_cast %add3A_926 : i32 to index
      %swap3A_928 = tpu.vector_load %arg4[%swap3A_927] {strides = array<i32>} : memref<10240xi32, #tpu.memory_space<vmem>>, vector<16xi32>,
      tpu.vector_store %arg4[%swap3A_927], %broadcast_in_dim3A_16 {strides = array<i32>} : memref<10240xi32, #tpu.memory_space<vmem>>, vector<16xi32>,
      %mul3A_929 = arith.constant 64 : i32
      %mul3A_930 = arith.muli %scan3A_887, %mul3A_929 : i32
      %add3A_931 = arith.constant 48 : i32
      %add3A_932 = arith.addi %mul3A_930, %add3A_931 : i32
      %swap3A_933 = arith.index_cast %add3A_932 : i32 to index
      %swap3A_934 = tpu.vector_load %arg5[%swap3A_933] {strides = array<i32>} : memref<10240xi32, #tpu.memory_space<vmem>>, vector<16xi32>,
      tpu.vector_store %arg5[%swap3A_933], %broadcast_in_dim3A_16 {strides = array<i32>} : memref<10240xi32, #tpu.memory_space<vmem>>, vector<16xi32>,
    }
    %scan3A_21 = arith.constant 160 : i32
    %dma_wait3A = arith.constant 0 : i32
    %dma_wait3A_22 = tpu.memref_slice %arg6[%dma_wait3A] : memref<20000xi32, #tpu.memory_space<vmem>> -> memref<10000xi32, #tpu.memory_space<vmem>>
    %dma_wait3A_23 = tpu.memref_slice %arg2[%mul3A_2] : memref<640000xi32, #tpu.memory_space<hbm>> -> memref<10000xi32, #tpu.memory_space<hbm>>
    %dma_wait3A_24 = arith.constant 0 : i32
    %dma_wait3A_25 = tpu.memref_slice %arg6[%dma_wait3A_24] : memref<20000xi32, #tpu.memory_space<vmem>> -> memref<10000xi32, #tpu.memory_space<vmem>>
    %dma_wait3A_26 = tpu.memref_slice %arg2[%mul3A_2] : memref<640000xi32, #tpu.memory_space<hbm>> -> memref<10000xi32, #tpu.memory_space<hbm>>
    tpu.wait_dma2 semaphore(%arg9 : memref<!tpu.dma_semaphore, #tpu.memory_space<semaphore_mem>>) src(%dma_wait3A_26 : memref<10000xi32, #tpu.memory_space<hbm>>) dst(%dma_wait3A_25 : memref<10000xi32, #tpu.memory_space<vmem>>)
    %dma_wait3A_27 = arith.constant 10000 : i32
    %dma_wait3A_28 = tpu.memref_slice %arg6[%dma_wait3A_27] : memref<20000xi32, #tpu.memory_space<vmem>> -> memref<10000xi32, #tpu.memory_space<vmem>>
    %dma_wait3A_29 = tpu.memref_slice %arg2[%add3A_9] : memref<640000xi32, #tpu.memory_space<hbm>> -> memref<10000xi32, #tpu.memory_space<hbm>>
    %dma_wait3A_30 = arith.constant 10000 : i32
    %dma_wait3A_31 = tpu.memref_slice %arg6[%dma_wait3A_30] : memref<20000xi32, #tpu.memory_space<vmem>> -> memref<10000xi32, #tpu.memory_space<vmem>>
    %dma_wait3A_32 = tpu.memref_slice %arg2[%add3A_9] : memref<640000xi32, #tpu.memory_space<hbm>> -> memref<10000xi32, #tpu.memory_space<hbm>>
    tpu.wait_dma2 semaphore(%arg9 : memref<!tpu.dma_semaphore, #tpu.memory_space<semaphore_mem>>) src(%dma_wait3A_32 : memref<10000xi32, #tpu.memory_space<hbm>>) dst(%dma_wait3A_31 : memref<10000xi32, #tpu.memory_space<vmem>>)
    %iota3A = tpu.iota {dimensions = array<i32: 0>} : vector<16xi32>
    %sub3A = arith.constant 1 : i32
    %sub3A_33 = vector.broadcast %sub3A : i32 to vector<16xi32>
    %sub3A_34 = arith.subi %iota3A, %sub3A_33 : vector<16xi32>
    %max3A = arith.constant 0 : i32
    %max3A_35 = vector.broadcast %max3A : i32 to vector<16xi32>
    %max3A_36 = arith.maxsi %sub3A_34, %max3A_35 : vector<16xi32>
    %scan3A_37 = arith.constant 0 : i32
    %scan3A_38 = arith.constant 0 : i32
    %scan3A_39 = arith.constant 312 : i32
    %scan3A_40 = arith.addi %scan3A_38, %scan3A_39 : i32
    %scan3A_41 = arith.constant 1 : i32
    scf.for %scan3A_887 = %scan3A_38 to %scan3A_40 step %scan3A_41  : i32 {
      %mul3A_888 = arith.constant 2 : i32
      %mul3A_889 = arith.muli %scan3A_887, %mul3A_888 : i32
      %mul3A_890 = arith.constant 16 : i32
      %mul3A_891 = arith.muli %mul3A_889, %mul3A_890 : i32
      %get3A_892 = arith.index_cast %mul3A_891 : i32 to index
      %get3A_893 = tpu.vector_load %arg6[%get3A_892] {strides = array<i32>} : memref<20000xi32, #tpu.memory_space<vmem>>, vector<16xi32>,
      %mul3A_894 = arith.constant 16 : i32
      %mul3A_895 = arith.muli %mul3A_889, %mul3A_894 : i32
      %add3A_896 = arith.constant 10000 : i32
      %add3A_897 = arith.addi %add3A_896, %mul3A_895 : i32
      %get3A_898 = arith.index_cast %add3A_897 : i32 to index
      %get3A_899 = tpu.vector_load %arg6[%get3A_898] {strides = array<i32>} : memref<20000xi32, #tpu.memory_space<vmem>>, vector<16xi32>,
      %shift_left3A_900 = arith.constant 15 : i32
      %shift_left3A_901 = vector.broadcast %shift_left3A_900 : i32 to vector<16xi32>
      %shift_left3A_902 = arith.shli %get3A_893, %shift_left3A_901 : vector<16xi32>
      %or3A_903 = arith.ori %shift_left3A_902, %get3A_899 : vector<16xi32>
      %masked_sort3A_904 = arith.constant dense<true> : vector<16xi1>
      %masked_sort3A_905 = arith.constant -2147483648 : i32
      %masked_sort3A_906 = vector.broadcast %masked_sort3A_905 : i32 to vector<16xi32>
      %masked_sort3A_907 = arith.xori %or3A_903, %masked_sort3A_906 : vector<16xi32>
      %masked_sort3A_908, %masked_sort3A_909, %masked_sort3A_910 = tpu.sort %masked_sort3A_907, %or3A_903 masked %masked_sort3A_904 : (vector<16xi32>, vector<16xi32>, vector<16xi1>) -> (vector<16xi1>, vector<16xi32>, vector<16xi32>)
      %masked_sort3A_911 = arith.xori %masked_sort3A_909, %masked_sort3A_906 : vector<16xi32>
      %shift_right_logical3A_912 = arith.constant 15 : i32
      %shift_right_logical3A_913 = vector.broadcast %shift_right_logical3A_912 : i32 to vector<16xi32>
      %shift_right_logical3A_914 = arith.shrui %masked_sort3A_911, %shift_right_logical3A_913 : vector<16xi32>
      %and3A_915 = arith.constant 32767 : i32
      %and3A_916 = vector.broadcast %and3A_915 : i32 to vector<16xi32>
      %and3A_917 = arith.andi %masked_sort3A_911, %and3A_916 : vector<16xi32>
      %lt3A_918 = arith.constant 0 : i32
      %lt3A_919 = vector.broadcast %lt3A_918 : i32 to vector<16xi32>
      %lt3A_920 = arith.cmpi slt, %max3A_36, %lt3A_919 : vector<16xi32>
      %add3A_921 = arith.constant 16 : i32
      %add3A_922 = vector.broadcast %add3A_921 : i32 to vector<16xi32>
      %add3A_923 = arith.addi %max3A_36, %add3A_922 : vector<16xi32>
      %select_n3A_924 = arith.select %lt3A_920, %add3A_923, %max3A_36 : vector<16xi1>, vector<16xi32>
      %broadcast_in_dim3A_925 = vector.shape_cast %select_n3A_924 : vector<16xi32> to vector<16x1xi32>
      %gather3A_926 = vector.shape_cast %broadcast_in_dim3A_925 : vector<16x1xi32> to vector<16xi32>
      %gather3A_927 = tpu.dynamic_gather %shift_right_logical3A_914[%gather3A_926] in [0] : vector<16xi32>, vector<16xi32> -> vector<16xi32>
      %eq3A_928 = arith.constant 0 : i32
      %eq3A_929 = vector.broadcast %eq3A_928 : i32 to vector<16xi32>
      %eq3A_930 = arith.cmpi eq, %iota3A, %eq3A_929 : vector<16xi32>
      %ne3A_931 = arith.cmpi ne, %shift_right_logical3A_914, %gather3A_927 : vector<16xi32>
      %or3A_932 = arith.ori %eq3A_930, %ne3A_931 : vector<16xi1>
      %gather3A_933 = tpu.vector_load_idx %arg4[%shift_right_logical3A_914] : memref<10240xi32, #tpu.memory_space<vmem>>[vector<16xi32>], vector<16xi32>,
      %min3A_934 = arith.minsi %gather3A_933, %and3A_917 : vector<16xi32>
      tpu.vector_store_idx %arg4[%shift_right_logical3A_914], %min3A_934 masked %or3A_932 : memref<10240xi32, #tpu.memory_space<vmem>>[vector<16xi32>], vector<16xi32>, vector<16xi1>
      %mul3A_935 = arith.constant 2 : i32
      %mul3A_936 = arith.muli %scan3A_887, %mul3A_935 : i32
      %add3A_937 = arith.constant 1 : i32
      %add3A_938 = arith.addi %mul3A_936, %add3A_937 : i32
      %mul3A_939 = arith.constant 16 : i32
      %mul3A_940 = arith.muli %add3A_938, %mul3A_939 : i32
      %get3A_941 = arith.index_cast %mul3A_940 : i32 to index
      %get3A_942 = tpu.vector_load %arg6[%get3A_941] {strides = array<i32>} : memref<20000xi32, #tpu.memory_space<vmem>>, vector<16xi32>,
      %mul3A_943 = arith.constant 16 : i32
      %mul3A_944 = arith.muli %add3A_938, %mul3A_943 : i32
      %add3A_945 = arith.constant 10000 : i32
      %add3A_946 = arith.addi %add3A_945, %mul3A_944 : i32
      %get3A_947 = arith.index_cast %add3A_946 : i32 to index
      %get3A_948 = tpu.vector_load %arg6[%get3A_947] {strides = array<i32>} : memref<20000xi32, #tpu.memory_space<vmem>>, vector<16xi32>,
      %shift_left3A_949 = arith.constant 15 : i32
      %shift_left3A_950 = vector.broadcast %shift_left3A_949 : i32 to vector<16xi32>
      %shift_left3A_951 = arith.shli %get3A_942, %shift_left3A_950 : vector<16xi32>
      %or3A_952 = arith.ori %shift_left3A_951, %get3A_948 : vector<16xi32>
      %masked_sort3A_953 = arith.constant dense<true> : vector<16xi1>
      %masked_sort3A_954 = arith.constant -2147483648 : i32
      %masked_sort3A_955 = vector.broadcast %masked_sort3A_954 : i32 to vector<16xi32>
      %masked_sort3A_956 = arith.xori %or3A_952, %masked_sort3A_955 : vector<16xi32>
      %masked_sort3A_957, %masked_sort3A_958, %masked_sort3A_959 = tpu.sort %masked_sort3A_956, %or3A_952 masked %masked_sort3A_953 : (vector<16xi32>, vector<16xi32>, vector<16xi1>) -> (vector<16xi1>, vector<16xi32>, vector<16xi32>)
      %masked_sort3A_960 = arith.xori %masked_sort3A_958, %masked_sort3A_955 : vector<16xi32>
      %shift_right_logical3A_961 = arith.constant 15 : i32
      %shift_right_logical3A_962 = vector.broadcast %shift_right_logical3A_961 : i32 to vector<16xi32>
      %shift_right_logical3A_963 = arith.shrui %masked_sort3A_960, %shift_right_logical3A_962 : vector<16xi32>
      %and3A_964 = arith.constant 32767 : i32
      %and3A_965 = vector.broadcast %and3A_964 : i32 to vector<16xi32>
      %and3A_966 = arith.andi %masked_sort3A_960, %and3A_965 : vector<16xi32>
      %lt3A_967 = arith.constant 0 : i32
      %lt3A_968 = vector.broadcast %lt3A_967 : i32 to vector<16xi32>
      %lt3A_969 = arith.cmpi slt, %max3A_36, %lt3A_968 : vector<16xi32>
      %add3A_970 = arith.constant 16 : i32
      %add3A_971 = vector.broadcast %add3A_970 : i32 to vector<16xi32>
      %add3A_972 = arith.addi %max3A_36, %add3A_971 : vector<16xi32>
      %select_n3A_973 = arith.select %lt3A_969, %add3A_972, %max3A_36 : vector<16xi1>, vector<16xi32>
      %broadcast_in_dim3A_974 = vector.shape_cast %select_n3A_973 : vector<16xi32> to vector<16x1xi32>
      %gather3A_975 = vector.shape_cast %broadcast_in_dim3A_974 : vector<16x1xi32> to vector<16xi32>
      %gather3A_976 = tpu.dynamic_gather %shift_right_logical3A_963[%gather3A_975] in [0] : vector<16xi32>, vector<16xi32> -> vector<16xi32>
      %eq3A_977 = arith.constant 0 : i32
      %eq3A_978 = vector.broadcast %eq3A_977 : i32 to vector<16xi32>
      %eq3A_979 = arith.cmpi eq, %iota3A, %eq3A_978 : vector<16xi32>
      %ne3A_980 = arith.cmpi ne, %shift_right_logical3A_963, %gather3A_976 : vector<16xi32>
      %or3A_981 = arith.ori %eq3A_979, %ne3A_980 : vector<16xi1>
      %gather3A_982 = tpu.vector_load_idx %arg5[%shift_right_logical3A_963] : memref<10240xi32, #tpu.memory_space<vmem>>[vector<16xi32>], vector<16xi32>,
      %min3A_983 = arith.minsi %gather3A_982, %and3A_966 : vector<16xi32>
      tpu.vector_store_idx %arg5[%shift_right_logical3A_963], %min3A_983 masked %or3A_981 : memref<10240xi32, #tpu.memory_space<vmem>>[vector<16xi32>], vector<16xi32>, vector<16xi1>
    }
    %scan3A_42 = arith.constant 312 : i32
    %get3A = arith.constant 9984 : index
    %get3A_43 = tpu.vector_load %arg6[%get3A] {strides = array<i32>} : memref<20000xi32, #tpu.memory_space<vmem>>, vector<16xi32>,
    %get3A_44 = arith.constant 19984 : index
    %get3A_45 = tpu.vector_load %arg6[%get3A_44] {strides = array<i32>} : memref<20000xi32, #tpu.memory_space<vmem>>, vector<16xi32>,
    %shift_left3A = arith.constant 15 : i32
    %shift_left3A_46 = vector.broadcast %shift_left3A : i32 to vector<16xi32>
    %shift_left3A_47 = arith.shli %get3A_43, %shift_left3A_46 : vector<16xi32>
    %or3A = arith.ori %shift_left3A_47, %get3A_45 : vector<16xi32>
    %masked_sort3A = arith.constant dense<true> : vector<16xi1>
    %masked_sort3A_48 = arith.constant -2147483648 : i32
    %masked_sort3A_49 = vector.broadcast %masked_sort3A_48 : i32 to vector<16xi32>
    %masked_sort3A_50 = arith.xori %or3A, %masked_sort3A_49 : vector<16xi32>
    %masked_sort3A_51, %masked_sort3A_52, %masked_sort3A_53 = tpu.sort %masked_sort3A_50, %or3A masked %masked_sort3A : (vector<16xi32>, vector<16xi32>, vector<16xi1>) -> (vector<16xi1>, vector<16xi32>, vector<16xi32>)
    %masked_sort3A_54 = arith.xori %masked_sort3A_52, %masked_sort3A_49 : vector<16xi32>
    %shift_right_logical3A = arith.constant 15 : i32
    %shift_right_logical3A_55 = vector.broadcast %shift_right_logical3A : i32 to vector<16xi32>
    %shift_right_logical3A_56 = arith.shrui %masked_sort3A_54, %shift_right_logical3A_55 : vector<16xi32>
    %and3A = arith.constant 32767 : i32
    %and3A_57 = vector.broadcast %and3A : i32 to vector<16xi32>
    %and3A_58 = arith.andi %masked_sort3A_54, %and3A_57 : vector<16xi32>
    %lt3A = arith.constant 0 : i32
    %lt3A_59 = vector.broadcast %lt3A : i32 to vector<16xi32>
    %lt3A_60 = arith.cmpi slt, %max3A_36, %lt3A_59 : vector<16xi32>
    %add3A_61 = arith.constant 16 : i32
    %add3A_62 = vector.broadcast %add3A_61 : i32 to vector<16xi32>
    %add3A_63 = arith.addi %max3A_36, %add3A_62 : vector<16xi32>
    %select_n3A = arith.select %lt3A_60, %add3A_63, %max3A_36 : vector<16xi1>, vector<16xi32>
    %broadcast_in_dim3A_64 = vector.shape_cast %select_n3A : vector<16xi32> to vector<16x1xi32>
    %gather3A = vector.shape_cast %broadcast_in_dim3A_64 : vector<16x1xi32> to vector<16xi32>
    %gather3A_65 = tpu.dynamic_gather %shift_right_logical3A_56[%gather3A] in [0] : vector<16xi32>, vector<16xi32> -> vector<16xi32>
    %eq3A = arith.constant 0 : i32
    %eq3A_66 = vector.broadcast %eq3A : i32 to vector<16xi32>
    %eq3A_67 = arith.cmpi eq, %iota3A, %eq3A_66 : vector<16xi32>
    %ne3A = arith.cmpi ne, %shift_right_logical3A_56, %gather3A_65 : vector<16xi32>
    %or3A_68 = arith.ori %eq3A_67, %ne3A : vector<16xi1>
    %gather3A_69 = tpu.vector_load_idx %arg4[%shift_right_logical3A_56] : memref<10240xi32, #tpu.memory_space<vmem>>[vector<16xi32>], vector<16xi32>,
    %min3A = arith.minsi %gather3A_69, %and3A_58 : vector<16xi32>
    tpu.vector_store_idx %arg4[%shift_right_logical3A_56], %min3A masked %or3A_68 : memref<10240xi32, #tpu.memory_space<vmem>>[vector<16xi32>], vector<16xi32>, vector<16xi1>
    %scan3A_70 = arith.constant 0 : i32
    %scan3A_71 = arith.constant 0 : i32
    %scan3A_72 = arith.constant 320 : i32
    %scan3A_73 = arith.addi %scan3A_71, %scan3A_72 : i32
    %scan3A_74 = arith.constant 1 : i32
    scf.for %scan3A_887 = %scan3A_71 to %scan3A_73 step %scan3A_74  : i32 {
      %mul3A_888 = arith.constant 32 : i32
      %mul3A_889 = arith.muli %scan3A_887, %mul3A_888 : i32
      %add3A_890 = arith.constant 0 : i32
      %add3A_891 = arith.addi %mul3A_889, %add3A_890 : i32
      %get3A_892 = arith.index_cast %add3A_891 : i32 to index
      %get3A_893 = tpu.vector_load %arg4[%get3A_892] {strides = array<i32>} : memref<10240xi32, #tpu.memory_space<vmem>>, vector<16xi32>,
      %get3A_894 = arith.index_cast %add3A_891 : i32 to index
      %get3A_895 = tpu.vector_load %arg5[%get3A_894] {strides = array<i32>} : memref<10240xi32, #tpu.memory_space<vmem>>, vector<16xi32>,
      %min3A_896 = arith.minsi %get3A_893, %get3A_895 : vector<16xi32>
      %swap3A = arith.index_cast %add3A_891 : i32 to index
      %swap3A_897 = tpu.vector_load %arg4[%swap3A] {strides = array<i32>} : memref<10240xi32, #tpu.memory_space<vmem>>, vector<16xi32>,
      tpu.vector_store %arg4[%swap3A], %min3A_896 {strides = array<i32>} : memref<10240xi32, #tpu.memory_space<vmem>>, vector<16xi32>,
      %mul3A_898 = arith.constant 32 : i32
      %mul3A_899 = arith.muli %scan3A_887, %mul3A_898 : i32
      %add3A_900 = arith.constant 16 : i32
      %add3A_901 = arith.addi %mul3A_899, %add3A_900 : i32
      %get3A_902 = arith.index_cast %add3A_901 : i32 to index
      %get3A_903 = tpu.vector_load %arg4[%get3A_902] {strides = array<i32>} : memref<10240xi32, #tpu.memory_space<vmem>>, vector<16xi32>,
      %get3A_904 = arith.index_cast %add3A_901 : i32 to index
      %get3A_905 = tpu.vector_load %arg5[%get3A_904] {strides = array<i32>} : memref<10240xi32, #tpu.memory_space<vmem>>, vector<16xi32>,
      %min3A_906 = arith.minsi %get3A_903, %get3A_905 : vector<16xi32>
      %swap3A_907 = arith.index_cast %add3A_901 : i32 to index
      %swap3A_908 = tpu.vector_load %arg4[%swap3A_907] {strides = array<i32>} : memref<10240xi32, #tpu.memory_space<vmem>>, vector<16xi32>,
      tpu.vector_store %arg4[%swap3A_907], %min3A_906 {strides = array<i32>} : memref<10240xi32, #tpu.memory_space<vmem>>, vector<16xi32>,
    }
    %scan3A_75 = arith.constant 320 : i32
    %dma_start3A_76 = arith.constant 0 : i32
    %dma_start3A_77 = arith.constant 0 : i32
    %dma_start3A_78 = tpu.memref_slice %arg4[%dma_start3A_77] : memref<10240xi32, #tpu.memory_space<vmem>> -> memref<640xi32, #tpu.memory_space<vmem>>
    %dma_start3A_79 = arith.constant 0 : i32
    %dma_start3A_80 = tpu.memref_slice %arg8[%arg1, %dma_start3A_76, %dma_start3A_79] : memref<16x16x640xi32, #tpu.memory_space<vmem_shared>> -> memref<1x1x640xi32, #tpu.memory_space<vmem_shared>>
    %dma_start3A_81 = tpu.memref_squeeze %dma_start3A_80 : memref<1x1x640xi32, #tpu.memory_space<vmem_shared>> -> memref<640xi32, #tpu.memory_space<vmem_shared>>
    %dma_start3A_82 = arith.constant 0 : i32
    %dma_start3A_83 = tpu.memref_slice %arg8[%arg1, %dma_start3A_76, %dma_start3A_82] : memref<16x16x640xi32, #tpu.memory_space<vmem_shared>> -> memref<1x1x640xi32, #tpu.memory_space<vmem_shared>>
    %dma_start3A_84 = tpu.memref_squeeze %dma_start3A_83 : memref<1x1x640xi32, #tpu.memory_space<vmem_shared>> -> memref<640xi32, #tpu.memory_space<vmem_shared>>
    %dma_start3A_85 = arith.constant 0 : i32
    %dma_start3A_86 = tpu.memref_slice %arg4[%dma_start3A_85] : memref<10240xi32, #tpu.memory_space<vmem>> -> memref<640xi32, #tpu.memory_space<vmem>>
    tpu.enqueue_dma source(%dma_start3A_86 : memref<640xi32, #tpu.memory_space<vmem>>) target(%dma_start3A_84 : memref<640xi32, #tpu.memory_space<vmem_shared>>) target_semaphore(%arg9 : memref<!tpu.dma_semaphore, #tpu.memory_space<semaphore_mem>>)
    %dma_start3A_87 = arith.constant 1 : i32
    %dma_start3A_88 = arith.constant 640 : i32
    %dma_start3A_89 = tpu.memref_slice %arg4[%dma_start3A_88] : memref<10240xi32, #tpu.memory_space<vmem>> -> memref<640xi32, #tpu.memory_space<vmem>>
    %dma_start3A_90 = arith.constant 0 : i32
    %dma_start3A_91 = tpu.memref_slice %arg8[%arg1, %dma_start3A_87, %dma_start3A_90] : memref<16x16x640xi32, #tpu.memory_space<vmem_shared>> -> memref<1x1x640xi32, #tpu.memory_space<vmem_shared>>
    %dma_start3A_92 = tpu.memref_squeeze %dma_start3A_91 : memref<1x1x640xi32, #tpu.memory_space<vmem_shared>> -> memref<640xi32, #tpu.memory_space<vmem_shared>>
    %dma_start3A_93 = arith.constant 0 : i32
    %dma_start3A_94 = tpu.memref_slice %arg8[%arg1, %dma_start3A_87, %dma_start3A_93] : memref<16x16x640xi32, #tpu.memory_space<vmem_shared>> -> memref<1x1x640xi32, #tpu.memory_space<vmem_shared>>
    %dma_start3A_95 = tpu.memref_squeeze %dma_start3A_94 : memref<1x1x640xi32, #tpu.memory_space<vmem_shared>> -> memref<640xi32, #tpu.memory_space<vmem_shared>>
    %dma_start3A_96 = arith.constant 640 : i32
    %dma_start3A_97 = tpu.memref_slice %arg4[%dma_start3A_96] : memref<10240xi32, #tpu.memory_space<vmem>> -> memref<640xi32, #tpu.memory_space<vmem>>
    tpu.enqueue_dma source(%dma_start3A_97 : memref<640xi32, #tpu.memory_space<vmem>>) target(%dma_start3A_95 : memref<640xi32, #tpu.memory_space<vmem_shared>>) target_semaphore(%arg9 : memref<!tpu.dma_semaphore, #tpu.memory_space<semaphore_mem>>)
    %dma_start3A_98 = arith.constant 2 : i32
    %dma_start3A_99 = arith.constant 1280 : i32
    %dma_start3A_100 = tpu.memref_slice %arg4[%dma_start3A_99] : memref<10240xi32, #tpu.memory_space<vmem>> -> memref<640xi32, #tpu.memory_space<vmem>>
    %dma_start3A_101 = arith.constant 0 : i32
    %dma_start3A_102 = tpu.memref_slice %arg8[%arg1, %dma_start3A_98, %dma_start3A_101] : memref<16x16x640xi32, #tpu.memory_space<vmem_shared>> -> memref<1x1x640xi32, #tpu.memory_space<vmem_shared>>
    %dma_start3A_103 = tpu.memref_squeeze %dma_start3A_102 : memref<1x1x640xi32, #tpu.memory_space<vmem_shared>> -> memref<640xi32, #tpu.memory_space<vmem_shared>>
    %dma_start3A_104 = arith.constant 0 : i32
    %dma_start3A_105 = tpu.memref_slice %arg8[%arg1, %dma_start3A_98, %dma_start3A_104] : memref<16x16x640xi32, #tpu.memory_space<vmem_shared>> -> memref<1x1x640xi32, #tpu.memory_space<vmem_shared>>
    %dma_start3A_106 = tpu.memref_squeeze %dma_start3A_105 : memref<1x1x640xi32, #tpu.memory_space<vmem_shared>> -> memref<640xi32, #tpu.memory_space<vmem_shared>>
    %dma_start3A_107 = arith.constant 1280 : i32
    %dma_start3A_108 = tpu.memref_slice %arg4[%dma_start3A_107] : memref<10240xi32, #tpu.memory_space<vmem>> -> memref<640xi32, #tpu.memory_space<vmem>>
    tpu.enqueue_dma source(%dma_start3A_108 : memref<640xi32, #tpu.memory_space<vmem>>) target(%dma_start3A_106 : memref<640xi32, #tpu.memory_space<vmem_shared>>) target_semaphore(%arg9 : memref<!tpu.dma_semaphore, #tpu.memory_space<semaphore_mem>>)
    %dma_start3A_109 = arith.constant 3 : i32
    %dma_start3A_110 = arith.constant 1920 : i32
    %dma_start3A_111 = tpu.memref_slice %arg4[%dma_start3A_110] : memref<10240xi32, #tpu.memory_space<vmem>> -> memref<640xi32, #tpu.memory_space<vmem>>
    %dma_start3A_112 = arith.constant 0 : i32
    %dma_start3A_113 = tpu.memref_slice %arg8[%arg1, %dma_start3A_109, %dma_start3A_112] : memref<16x16x640xi32, #tpu.memory_space<vmem_shared>> -> memref<1x1x640xi32, #tpu.memory_space<vmem_shared>>
    %dma_start3A_114 = tpu.memref_squeeze %dma_start3A_113 : memref<1x1x640xi32, #tpu.memory_space<vmem_shared>> -> memref<640xi32, #tpu.memory_space<vmem_shared>>
    %dma_start3A_115 = arith.constant 0 : i32
    %dma_start3A_116 = tpu.memref_slice %arg8[%arg1, %dma_start3A_109, %dma_start3A_115] : memref<16x16x640xi32, #tpu.memory_space<vmem_shared>> -> memref<1x1x640xi32, #tpu.memory_space<vmem_shared>>
    %dma_start3A_117 = tpu.memref_squeeze %dma_start3A_116 : memref<1x1x640xi32, #tpu.memory_space<vmem_shared>> -> memref<640xi32, #tpu.memory_space<vmem_shared>>
    %dma_start3A_118 = arith.constant 1920 : i32
    %dma_start3A_119 = tpu.memref_slice %arg4[%dma_start3A_118] : memref<10240xi32, #tpu.memory_space<vmem>> -> memref<640xi32, #tpu.memory_space<vmem>>
    tpu.enqueue_dma source(%dma_start3A_119 : memref<640xi32, #tpu.memory_space<vmem>>) target(%dma_start3A_117 : memref<640xi32, #tpu.memory_space<vmem_shared>>) target_semaphore(%arg9 : memref<!tpu.dma_semaphore, #tpu.memory_space<semaphore_mem>>)
    %dma_start3A_120 = arith.constant 4 : i32
    %dma_start3A_121 = arith.constant 2560 : i32
    %dma_start3A_122 = tpu.memref_slice %arg4[%dma_start3A_121] : memref<10240xi32, #tpu.memory_space<vmem>> -> memref<640xi32, #tpu.memory_space<vmem>>
    %dma_start3A_123 = arith.constant 0 : i32
    %dma_start3A_124 = tpu.memref_slice %arg8[%arg1, %dma_start3A_120, %dma_start3A_123] : memref<16x16x640xi32, #tpu.memory_space<vmem_shared>> -> memref<1x1x640xi32, #tpu.memory_space<vmem_shared>>
    %dma_start3A_125 = tpu.memref_squeeze %dma_start3A_124 : memref<1x1x640xi32, #tpu.memory_space<vmem_shared>> -> memref<640xi32, #tpu.memory_space<vmem_shared>>
    %dma_start3A_126 = arith.constant 0 : i32
    %dma_start3A_127 = tpu.memref_slice %arg8[%arg1, %dma_start3A_120, %dma_start3A_126] : memref<16x16x640xi32, #tpu.memory_space<vmem_shared>> -> memref<1x1x640xi32, #tpu.memory_space<vmem_shared>>
    %dma_start3A_128 = tpu.memref_squeeze %dma_start3A_127 : memref<1x1x640xi32, #tpu.memory_space<vmem_shared>> -> memref<640xi32, #tpu.memory_space<vmem_shared>>
    %dma_start3A_129 = arith.constant 2560 : i32
    %dma_start3A_130 = tpu.memref_slice %arg4[%dma_start3A_129] : memref<10240xi32, #tpu.memory_space<vmem>> -> memref<640xi32, #tpu.memory_space<vmem>>
    tpu.enqueue_dma source(%dma_start3A_130 : memref<640xi32, #tpu.memory_space<vmem>>) target(%dma_start3A_128 : memref<640xi32, #tpu.memory_space<vmem_shared>>) target_semaphore(%arg9 : memref<!tpu.dma_semaphore, #tpu.memory_space<semaphore_mem>>)
    %dma_start3A_131 = arith.constant 5 : i32
    %dma_start3A_132 = arith.constant 3200 : i32
    %dma_start3A_133 = tpu.memref_slice %arg4[%dma_start3A_132] : memref<10240xi32, #tpu.memory_space<vmem>> -> memref<640xi32, #tpu.memory_space<vmem>>
    %dma_start3A_134 = arith.constant 0 : i32
    %dma_start3A_135 = tpu.memref_slice %arg8[%arg1, %dma_start3A_131, %dma_start3A_134] : memref<16x16x640xi32, #tpu.memory_space<vmem_shared>> -> memref<1x1x640xi32, #tpu.memory_space<vmem_shared>>
    %dma_start3A_136 = tpu.memref_squeeze %dma_start3A_135 : memref<1x1x640xi32, #tpu.memory_space<vmem_shared>> -> memref<640xi32, #tpu.memory_space<vmem_shared>>
    %dma_start3A_137 = arith.constant 0 : i32
    %dma_start3A_138 = tpu.memref_slice %arg8[%arg1, %dma_start3A_131, %dma_start3A_137] : memref<16x16x640xi32, #tpu.memory_space<vmem_shared>> -> memref<1x1x640xi32, #tpu.memory_space<vmem_shared>>
    %dma_start3A_139 = tpu.memref_squeeze %dma_start3A_138 : memref<1x1x640xi32, #tpu.memory_space<vmem_shared>> -> memref<640xi32, #tpu.memory_space<vmem_shared>>
    %dma_start3A_140 = arith.constant 3200 : i32
    %dma_start3A_141 = tpu.memref_slice %arg4[%dma_start3A_140] : memref<10240xi32, #tpu.memory_space<vmem>> -> memref<640xi32, #tpu.memory_space<vmem>>
    tpu.enqueue_dma source(%dma_start3A_141 : memref<640xi32, #tpu.memory_space<vmem>>) target(%dma_start3A_139 : memref<640xi32, #tpu.memory_space<vmem_shared>>) target_semaphore(%arg9 : memref<!tpu.dma_semaphore, #tpu.memory_space<semaphore_mem>>)
    %dma_start3A_142 = arith.constant 6 : i32
    %dma_start3A_143 = arith.constant 3840 : i32
    %dma_start3A_144 = tpu.memref_slice %arg4[%dma_start3A_143] : memref<10240xi32, #tpu.memory_space<vmem>> -> memref<640xi32, #tpu.memory_space<vmem>>
    %dma_start3A_145 = arith.constant 0 : i32
    %dma_start3A_146 = tpu.memref_slice %arg8[%arg1, %dma_start3A_142, %dma_start3A_145] : memref<16x16x640xi32, #tpu.memory_space<vmem_shared>> -> memref<1x1x640xi32, #tpu.memory_space<vmem_shared>>
    %dma_start3A_147 = tpu.memref_squeeze %dma_start3A_146 : memref<1x1x640xi32, #tpu.memory_space<vmem_shared>> -> memref<640xi32, #tpu.memory_space<vmem_shared>>
    %dma_start3A_148 = arith.constant 0 : i32
    %dma_start3A_149 = tpu.memref_slice %arg8[%arg1, %dma_start3A_142, %dma_start3A_148] : memref<16x16x640xi32, #tpu.memory_space<vmem_shared>> -> memref<1x1x640xi32, #tpu.memory_space<vmem_shared>>
    %dma_start3A_150 = tpu.memref_squeeze %dma_start3A_149 : memref<1x1x640xi32, #tpu.memory_space<vmem_shared>> -> memref<640xi32, #tpu.memory_space<vmem_shared>>
    %dma_start3A_151 = arith.constant 3840 : i32
    %dma_start3A_152 = tpu.memref_slice %arg4[%dma_start3A_151] : memref<10240xi32, #tpu.memory_space<vmem>> -> memref<640xi32, #tpu.memory_space<vmem>>
    tpu.enqueue_dma source(%dma_start3A_152 : memref<640xi32, #tpu.memory_space<vmem>>) target(%dma_start3A_150 : memref<640xi32, #tpu.memory_space<vmem_shared>>) target_semaphore(%arg9 : memref<!tpu.dma_semaphore, #tpu.memory_space<semaphore_mem>>)
    %dma_start3A_153 = arith.constant 7 : i32
    %dma_start3A_154 = arith.constant 4480 : i32
    %dma_start3A_155 = tpu.memref_slice %arg4[%dma_start3A_154] : memref<10240xi32, #tpu.memory_space<vmem>> -> memref<640xi32, #tpu.memory_space<vmem>>
    %dma_start3A_156 = arith.constant 0 : i32
    %dma_start3A_157 = tpu.memref_slice %arg8[%arg1, %dma_start3A_153, %dma_start3A_156] : memref<16x16x640xi32, #tpu.memory_space<vmem_shared>> -> memref<1x1x640xi32, #tpu.memory_space<vmem_shared>>
    %dma_start3A_158 = tpu.memref_squeeze %dma_start3A_157 : memref<1x1x640xi32, #tpu.memory_space<vmem_shared>> -> memref<640xi32, #tpu.memory_space<vmem_shared>>
    %dma_start3A_159 = arith.constant 0 : i32
    %dma_start3A_160 = tpu.memref_slice %arg8[%arg1, %dma_start3A_153, %dma_start3A_159] : memref<16x16x640xi32, #tpu.memory_space<vmem_shared>> -> memref<1x1x640xi32, #tpu.memory_space<vmem_shared>>
    %dma_start3A_161 = tpu.memref_squeeze %dma_start3A_160 : memref<1x1x640xi32, #tpu.memory_space<vmem_shared>> -> memref<640xi32, #tpu.memory_space<vmem_shared>>
    %dma_start3A_162 = arith.constant 4480 : i32
    %dma_start3A_163 = tpu.memref_slice %arg4[%dma_start3A_162] : memref<10240xi32, #tpu.memory_space<vmem>> -> memref<640xi32, #tpu.memory_space<vmem>>
    tpu.enqueue_dma source(%dma_start3A_163 : memref<640xi32, #tpu.memory_space<vmem>>) target(%dma_start3A_161 : memref<640xi32, #tpu.memory_space<vmem_shared>>) target_semaphore(%arg9 : memref<!tpu.dma_semaphore, #tpu.memory_space<semaphore_mem>>)
    %dma_start3A_164 = arith.constant 8 : i32
    %dma_start3A_165 = arith.constant 5120 : i32
    %dma_start3A_166 = tpu.memref_slice %arg4[%dma_start3A_165] : memref<10240xi32, #tpu.memory_space<vmem>> -> memref<640xi32, #tpu.memory_space<vmem>>
    %dma_start3A_167 = arith.constant 0 : i32
    %dma_start3A_168 = tpu.memref_slice %arg8[%arg1, %dma_start3A_164, %dma_start3A_167] : memref<16x16x640xi32, #tpu.memory_space<vmem_shared>> -> memref<1x1x640xi32, #tpu.memory_space<vmem_shared>>
    %dma_start3A_169 = tpu.memref_squeeze %dma_start3A_168 : memref<1x1x640xi32, #tpu.memory_space<vmem_shared>> -> memref<640xi32, #tpu.memory_space<vmem_shared>>
    %dma_start3A_170 = arith.constant 0 : i32
    %dma_start3A_171 = tpu.memref_slice %arg8[%arg1, %dma_start3A_164, %dma_start3A_170] : memref<16x16x640xi32, #tpu.memory_space<vmem_shared>> -> memref<1x1x640xi32, #tpu.memory_space<vmem_shared>>
    %dma_start3A_172 = tpu.memref_squeeze %dma_start3A_171 : memref<1x1x640xi32, #tpu.memory_space<vmem_shared>> -> memref<640xi32, #tpu.memory_space<vmem_shared>>
    %dma_start3A_173 = arith.constant 5120 : i32
    %dma_start3A_174 = tpu.memref_slice %arg4[%dma_start3A_173] : memref<10240xi32, #tpu.memory_space<vmem>> -> memref<640xi32, #tpu.memory_space<vmem>>
    tpu.enqueue_dma source(%dma_start3A_174 : memref<640xi32, #tpu.memory_space<vmem>>) target(%dma_start3A_172 : memref<640xi32, #tpu.memory_space<vmem_shared>>) target_semaphore(%arg9 : memref<!tpu.dma_semaphore, #tpu.memory_space<semaphore_mem>>)
    %dma_start3A_175 = arith.constant 9 : i32
    %dma_start3A_176 = arith.constant 5760 : i32
    %dma_start3A_177 = tpu.memref_slice %arg4[%dma_start3A_176] : memref<10240xi32, #tpu.memory_space<vmem>> -> memref<640xi32, #tpu.memory_space<vmem>>
    %dma_start3A_178 = arith.constant 0 : i32
    %dma_start3A_179 = tpu.memref_slice %arg8[%arg1, %dma_start3A_175, %dma_start3A_178] : memref<16x16x640xi32, #tpu.memory_space<vmem_shared>> -> memref<1x1x640xi32, #tpu.memory_space<vmem_shared>>
    %dma_start3A_180 = tpu.memref_squeeze %dma_start3A_179 : memref<1x1x640xi32, #tpu.memory_space<vmem_shared>> -> memref<640xi32, #tpu.memory_space<vmem_shared>>
    %dma_start3A_181 = arith.constant 0 : i32
    %dma_start3A_182 = tpu.memref_slice %arg8[%arg1, %dma_start3A_175, %dma_start3A_181] : memref<16x16x640xi32, #tpu.memory_space<vmem_shared>> -> memref<1x1x640xi32, #tpu.memory_space<vmem_shared>>
    %dma_start3A_183 = tpu.memref_squeeze %dma_start3A_182 : memref<1x1x640xi32, #tpu.memory_space<vmem_shared>> -> memref<640xi32, #tpu.memory_space<vmem_shared>>
    %dma_start3A_184 = arith.constant 5760 : i32
    %dma_start3A_185 = tpu.memref_slice %arg4[%dma_start3A_184] : memref<10240xi32, #tpu.memory_space<vmem>> -> memref<640xi32, #tpu.memory_space<vmem>>
    tpu.enqueue_dma source(%dma_start3A_185 : memref<640xi32, #tpu.memory_space<vmem>>) target(%dma_start3A_183 : memref<640xi32, #tpu.memory_space<vmem_shared>>) target_semaphore(%arg9 : memref<!tpu.dma_semaphore, #tpu.memory_space<semaphore_mem>>)
    %dma_start3A_186 = arith.constant 10 : i32
    %dma_start3A_187 = arith.constant 6400 : i32
    %dma_start3A_188 = tpu.memref_slice %arg4[%dma_start3A_187] : memref<10240xi32, #tpu.memory_space<vmem>> -> memref<640xi32, #tpu.memory_space<vmem>>
    %dma_start3A_189 = arith.constant 0 : i32
    %dma_start3A_190 = tpu.memref_slice %arg8[%arg1, %dma_start3A_186, %dma_start3A_189] : memref<16x16x640xi32, #tpu.memory_space<vmem_shared>> -> memref<1x1x640xi32, #tpu.memory_space<vmem_shared>>
    %dma_start3A_191 = tpu.memref_squeeze %dma_start3A_190 : memref<1x1x640xi32, #tpu.memory_space<vmem_shared>> -> memref<640xi32, #tpu.memory_space<vmem_shared>>
    %dma_start3A_192 = arith.constant 0 : i32
    %dma_start3A_193 = tpu.memref_slice %arg8[%arg1, %dma_start3A_186, %dma_start3A_192] : memref<16x16x640xi32, #tpu.memory_space<vmem_shared>> -> memref<1x1x640xi32, #tpu.memory_space<vmem_shared>>
    %dma_start3A_194 = tpu.memref_squeeze %dma_start3A_193 : memref<1x1x640xi32, #tpu.memory_space<vmem_shared>> -> memref<640xi32, #tpu.memory_space<vmem_shared>>
    %dma_start3A_195 = arith.constant 6400 : i32
    %dma_start3A_196 = tpu.memref_slice %arg4[%dma_start3A_195] : memref<10240xi32, #tpu.memory_space<vmem>> -> memref<640xi32, #tpu.memory_space<vmem>>
    tpu.enqueue_dma source(%dma_start3A_196 : memref<640xi32, #tpu.memory_space<vmem>>) target(%dma_start3A_194 : memref<640xi32, #tpu.memory_space<vmem_shared>>) target_semaphore(%arg9 : memref<!tpu.dma_semaphore, #tpu.memory_space<semaphore_mem>>)
    %dma_start3A_197 = arith.constant 11 : i32
    %dma_start3A_198 = arith.constant 7040 : i32
    %dma_start3A_199 = tpu.memref_slice %arg4[%dma_start3A_198] : memref<10240xi32, #tpu.memory_space<vmem>> -> memref<640xi32, #tpu.memory_space<vmem>>
    %dma_start3A_200 = arith.constant 0 : i32
    %dma_start3A_201 = tpu.memref_slice %arg8[%arg1, %dma_start3A_197, %dma_start3A_200] : memref<16x16x640xi32, #tpu.memory_space<vmem_shared>> -> memref<1x1x640xi32, #tpu.memory_space<vmem_shared>>
    %dma_start3A_202 = tpu.memref_squeeze %dma_start3A_201 : memref<1x1x640xi32, #tpu.memory_space<vmem_shared>> -> memref<640xi32, #tpu.memory_space<vmem_shared>>
    %dma_start3A_203 = arith.constant 0 : i32
    %dma_start3A_204 = tpu.memref_slice %arg8[%arg1, %dma_start3A_197, %dma_start3A_203] : memref<16x16x640xi32, #tpu.memory_space<vmem_shared>> -> memref<1x1x640xi32, #tpu.memory_space<vmem_shared>>
    %dma_start3A_205 = tpu.memref_squeeze %dma_start3A_204 : memref<1x1x640xi32, #tpu.memory_space<vmem_shared>> -> memref<640xi32, #tpu.memory_space<vmem_shared>>
    %dma_start3A_206 = arith.constant 7040 : i32
    %dma_start3A_207 = tpu.memref_slice %arg4[%dma_start3A_206] : memref<10240xi32, #tpu.memory_space<vmem>> -> memref<640xi32, #tpu.memory_space<vmem>>
    tpu.enqueue_dma source(%dma_start3A_207 : memref<640xi32, #tpu.memory_space<vmem>>) target(%dma_start3A_205 : memref<640xi32, #tpu.memory_space<vmem_shared>>) target_semaphore(%arg9 : memref<!tpu.dma_semaphore, #tpu.memory_space<semaphore_mem>>)
    %dma_start3A_208 = arith.constant 12 : i32
    %dma_start3A_209 = arith.constant 7680 : i32
    %dma_start3A_210 = tpu.memref_slice %arg4[%dma_start3A_209] : memref<10240xi32, #tpu.memory_space<vmem>> -> memref<640xi32, #tpu.memory_space<vmem>>
    %dma_start3A_211 = arith.constant 0 : i32
    %dma_start3A_212 = tpu.memref_slice %arg8[%arg1, %dma_start3A_208, %dma_start3A_211] : memref<16x16x640xi32, #tpu.memory_space<vmem_shared>> -> memref<1x1x640xi32, #tpu.memory_space<vmem_shared>>
    %dma_start3A_213 = tpu.memref_squeeze %dma_start3A_212 : memref<1x1x640xi32, #tpu.memory_space<vmem_shared>> -> memref<640xi32, #tpu.memory_space<vmem_shared>>
    %dma_start3A_214 = arith.constant 0 : i32
    %dma_start3A_215 = tpu.memref_slice %arg8[%arg1, %dma_start3A_208, %dma_start3A_214] : memref<16x16x640xi32, #tpu.memory_space<vmem_shared>> -> memref<1x1x640xi32, #tpu.memory_space<vmem_shared>>
    %dma_start3A_216 = tpu.memref_squeeze %dma_start3A_215 : memref<1x1x640xi32, #tpu.memory_space<vmem_shared>> -> memref<640xi32, #tpu.memory_space<vmem_shared>>
    %dma_start3A_217 = arith.constant 7680 : i32
    %dma_start3A_218 = tpu.memref_slice %arg4[%dma_start3A_217] : memref<10240xi32, #tpu.memory_space<vmem>> -> memref<640xi32, #tpu.memory_space<vmem>>
    tpu.enqueue_dma source(%dma_start3A_218 : memref<640xi32, #tpu.memory_space<vmem>>) target(%dma_start3A_216 : memref<640xi32, #tpu.memory_space<vmem_shared>>) target_semaphore(%arg9 : memref<!tpu.dma_semaphore, #tpu.memory_space<semaphore_mem>>)
    %dma_start3A_219 = arith.constant 13 : i32
    %dma_start3A_220 = arith.constant 8320 : i32
    %dma_start3A_221 = tpu.memref_slice %arg4[%dma_start3A_220] : memref<10240xi32, #tpu.memory_space<vmem>> -> memref<640xi32, #tpu.memory_space<vmem>>
    %dma_start3A_222 = arith.constant 0 : i32
    %dma_start3A_223 = tpu.memref_slice %arg8[%arg1, %dma_start3A_219, %dma_start3A_222] : memref<16x16x640xi32, #tpu.memory_space<vmem_shared>> -> memref<1x1x640xi32, #tpu.memory_space<vmem_shared>>
    %dma_start3A_224 = tpu.memref_squeeze %dma_start3A_223 : memref<1x1x640xi32, #tpu.memory_space<vmem_shared>> -> memref<640xi32, #tpu.memory_space<vmem_shared>>
    %dma_start3A_225 = arith.constant 0 : i32
    %dma_start3A_226 = tpu.memref_slice %arg8[%arg1, %dma_start3A_219, %dma_start3A_225] : memref<16x16x640xi32, #tpu.memory_space<vmem_shared>> -> memref<1x1x640xi32, #tpu.memory_space<vmem_shared>>
    %dma_start3A_227 = tpu.memref_squeeze %dma_start3A_226 : memref<1x1x640xi32, #tpu.memory_space<vmem_shared>> -> memref<640xi32, #tpu.memory_space<vmem_shared>>
    %dma_start3A_228 = arith.constant 8320 : i32
    %dma_start3A_229 = tpu.memref_slice %arg4[%dma_start3A_228] : memref<10240xi32, #tpu.memory_space<vmem>> -> memref<640xi32, #tpu.memory_space<vmem>>
    tpu.enqueue_dma source(%dma_start3A_229 : memref<640xi32, #tpu.memory_space<vmem>>) target(%dma_start3A_227 : memref<640xi32, #tpu.memory_space<vmem_shared>>) target_semaphore(%arg9 : memref<!tpu.dma_semaphore, #tpu.memory_space<semaphore_mem>>)
    %dma_start3A_230 = arith.constant 14 : i32
    %dma_start3A_231 = arith.constant 8960 : i32
    %dma_start3A_232 = tpu.memref_slice %arg4[%dma_start3A_231] : memref<10240xi32, #tpu.memory_space<vmem>> -> memref<640xi32, #tpu.memory_space<vmem>>
    %dma_start3A_233 = arith.constant 0 : i32
    %dma_start3A_234 = tpu.memref_slice %arg8[%arg1, %dma_start3A_230, %dma_start3A_233] : memref<16x16x640xi32, #tpu.memory_space<vmem_shared>> -> memref<1x1x640xi32, #tpu.memory_space<vmem_shared>>
    %dma_start3A_235 = tpu.memref_squeeze %dma_start3A_234 : memref<1x1x640xi32, #tpu.memory_space<vmem_shared>> -> memref<640xi32, #tpu.memory_space<vmem_shared>>
    %dma_start3A_236 = arith.constant 0 : i32
    %dma_start3A_237 = tpu.memref_slice %arg8[%arg1, %dma_start3A_230, %dma_start3A_236] : memref<16x16x640xi32, #tpu.memory_space<vmem_shared>> -> memref<1x1x640xi32, #tpu.memory_space<vmem_shared>>
    %dma_start3A_238 = tpu.memref_squeeze %dma_start3A_237 : memref<1x1x640xi32, #tpu.memory_space<vmem_shared>> -> memref<640xi32, #tpu.memory_space<vmem_shared>>
    %dma_start3A_239 = arith.constant 8960 : i32
    %dma_start3A_240 = tpu.memref_slice %arg4[%dma_start3A_239] : memref<10240xi32, #tpu.memory_space<vmem>> -> memref<640xi32, #tpu.memory_space<vmem>>
    tpu.enqueue_dma source(%dma_start3A_240 : memref<640xi32, #tpu.memory_space<vmem>>) target(%dma_start3A_238 : memref<640xi32, #tpu.memory_space<vmem_shared>>) target_semaphore(%arg9 : memref<!tpu.dma_semaphore, #tpu.memory_space<semaphore_mem>>)
    %dma_start3A_241 = arith.constant 15 : i32
    %dma_start3A_242 = arith.constant 9600 : i32
    %dma_start3A_243 = tpu.memref_slice %arg4[%dma_start3A_242] : memref<10240xi32, #tpu.memory_space<vmem>> -> memref<640xi32, #tpu.memory_space<vmem>>
    %dma_start3A_244 = arith.constant 0 : i32
    %dma_start3A_245 = tpu.memref_slice %arg8[%arg1, %dma_start3A_241, %dma_start3A_244] : memref<16x16x640xi32, #tpu.memory_space<vmem_shared>> -> memref<1x1x640xi32, #tpu.memory_space<vmem_shared>>
    %dma_start3A_246 = tpu.memref_squeeze %dma_start3A_245 : memref<1x1x640xi32, #tpu.memory_space<vmem_shared>> -> memref<640xi32, #tpu.memory_space<vmem_shared>>
    %dma_start3A_247 = arith.constant 0 : i32
    %dma_start3A_248 = tpu.memref_slice %arg8[%arg1, %dma_start3A_241, %dma_start3A_247] : memref<16x16x640xi32, #tpu.memory_space<vmem_shared>> -> memref<1x1x640xi32, #tpu.memory_space<vmem_shared>>
    %dma_start3A_249 = tpu.memref_squeeze %dma_start3A_248 : memref<1x1x640xi32, #tpu.memory_space<vmem_shared>> -> memref<640xi32, #tpu.memory_space<vmem_shared>>
    %dma_start3A_250 = arith.constant 9600 : i32
    %dma_start3A_251 = tpu.memref_slice %arg4[%dma_start3A_250] : memref<10240xi32, #tpu.memory_space<vmem>> -> memref<640xi32, #tpu.memory_space<vmem>>
    tpu.enqueue_dma source(%dma_start3A_251 : memref<640xi32, #tpu.memory_space<vmem>>) target(%dma_start3A_249 : memref<640xi32, #tpu.memory_space<vmem_shared>>) target_semaphore(%arg9 : memref<!tpu.dma_semaphore, #tpu.memory_space<semaphore_mem>>)
    %dma_wait3A_252 = arith.constant 0 : i32
    %dma_wait3A_253 = arith.constant 0 : i32
    %dma_wait3A_254 = tpu.memref_slice %arg4[%dma_wait3A_253] : memref<10240xi32, #tpu.memory_space<vmem>> -> memref<640xi32, #tpu.memory_space<vmem>>
    %dma_wait3A_255 = arith.constant 0 : i32
    %dma_wait3A_256 = tpu.memref_slice %arg8[%arg1, %dma_wait3A_252, %dma_wait3A_255] : memref<16x16x640xi32, #tpu.memory_space<vmem_shared>> -> memref<1x1x640xi32, #tpu.memory_space<vmem_shared>>
    %dma_wait3A_257 = tpu.memref_squeeze %dma_wait3A_256 : memref<1x1x640xi32, #tpu.memory_space<vmem_shared>> -> memref<640xi32, #tpu.memory_space<vmem_shared>>
    %dma_wait3A_258 = arith.constant 0 : i32
    %dma_wait3A_259 = tpu.memref_slice %arg8[%arg1, %dma_wait3A_252, %dma_wait3A_258] : memref<16x16x640xi32, #tpu.memory_space<vmem_shared>> -> memref<1x1x640xi32, #tpu.memory_space<vmem_shared>>
    %dma_wait3A_260 = tpu.memref_squeeze %dma_wait3A_259 : memref<1x1x640xi32, #tpu.memory_space<vmem_shared>> -> memref<640xi32, #tpu.memory_space<vmem_shared>>
    %dma_wait3A_261 = arith.constant 0 : i32
    %dma_wait3A_262 = tpu.memref_slice %arg4[%dma_wait3A_261] : memref<10240xi32, #tpu.memory_space<vmem>> -> memref<640xi32, #tpu.memory_space<vmem>>
    tpu.wait_dma2 semaphore(%arg9 : memref<!tpu.dma_semaphore, #tpu.memory_space<semaphore_mem>>) src(%dma_wait3A_262 : memref<640xi32, #tpu.memory_space<vmem>>) dst(%dma_wait3A_260 : memref<640xi32, #tpu.memory_space<vmem_shared>>)
    %dma_wait3A_263 = arith.constant 1 : i32
    %dma_wait3A_264 = arith.constant 640 : i32
    %dma_wait3A_265 = tpu.memref_slice %arg4[%dma_wait3A_264] : memref<10240xi32, #tpu.memory_space<vmem>> -> memref<640xi32, #tpu.memory_space<vmem>>
    %dma_wait3A_266 = arith.constant 0 : i32
    %dma_wait3A_267 = tpu.memref_slice %arg8[%arg1, %dma_wait3A_263, %dma_wait3A_266] : memref<16x16x640xi32, #tpu.memory_space<vmem_shared>> -> memref<1x1x640xi32, #tpu.memory_space<vmem_shared>>
    %dma_wait3A_268 = tpu.memref_squeeze %dma_wait3A_267 : memref<1x1x640xi32, #tpu.memory_space<vmem_shared>> -> memref<640xi32, #tpu.memory_space<vmem_shared>>
    %dma_wait3A_269 = arith.constant 0 : i32
    %dma_wait3A_270 = tpu.memref_slice %arg8[%arg1, %dma_wait3A_263, %dma_wait3A_269] : memref<16x16x640xi32, #tpu.memory_space<vmem_shared>> -> memref<1x1x640xi32, #tpu.memory_space<vmem_shared>>
    %dma_wait3A_271 = tpu.memref_squeeze %dma_wait3A_270 : memref<1x1x640xi32, #tpu.memory_space<vmem_shared>> -> memref<640xi32, #tpu.memory_space<vmem_shared>>
    %dma_wait3A_272 = arith.constant 640 : i32
    %dma_wait3A_273 = tpu.memref_slice %arg4[%dma_wait3A_272] : memref<10240xi32, #tpu.memory_space<vmem>> -> memref<640xi32, #tpu.memory_space<vmem>>
    tpu.wait_dma2 semaphore(%arg9 : memref<!tpu.dma_semaphore, #tpu.memory_space<semaphore_mem>>) src(%dma_wait3A_273 : memref<640xi32, #tpu.memory_space<vmem>>) dst(%dma_wait3A_271 : memref<640xi32, #tpu.memory_space<vmem_shared>>)
    %dma_wait3A_274 = arith.constant 2 : i32
    %dma_wait3A_275 = arith.constant 1280 : i32
    %dma_wait3A_276 = tpu.memref_slice %arg4[%dma_wait3A_275] : memref<10240xi32, #tpu.memory_space<vmem>> -> memref<640xi32, #tpu.memory_space<vmem>>
    %dma_wait3A_277 = arith.constant 0 : i32
    %dma_wait3A_278 = tpu.memref_slice %arg8[%arg1, %dma_wait3A_274, %dma_wait3A_277] : memref<16x16x640xi32, #tpu.memory_space<vmem_shared>> -> memref<1x1x640xi32, #tpu.memory_space<vmem_shared>>
    %dma_wait3A_279 = tpu.memref_squeeze %dma_wait3A_278 : memref<1x1x640xi32, #tpu.memory_space<vmem_shared>> -> memref<640xi32, #tpu.memory_space<vmem_shared>>
    %dma_wait3A_280 = arith.constant 0 : i32
    %dma_wait3A_281 = tpu.memref_slice %arg8[%arg1, %dma_wait3A_274, %dma_wait3A_280] : memref<16x16x640xi32, #tpu.memory_space<vmem_shared>> -> memref<1x1x640xi32, #tpu.memory_space<vmem_shared>>
    %dma_wait3A_282 = tpu.memref_squeeze %dma_wait3A_281 : memref<1x1x640xi32, #tpu.memory_space<vmem_shared>> -> memref<640xi32, #tpu.memory_space<vmem_shared>>
    %dma_wait3A_283 = arith.constant 1280 : i32
    %dma_wait3A_284 = tpu.memref_slice %arg4[%dma_wait3A_283] : memref<10240xi32, #tpu.memory_space<vmem>> -> memref<640xi32, #tpu.memory_space<vmem>>
    tpu.wait_dma2 semaphore(%arg9 : memref<!tpu.dma_semaphore, #tpu.memory_space<semaphore_mem>>) src(%dma_wait3A_284 : memref<640xi32, #tpu.memory_space<vmem>>) dst(%dma_wait3A_282 : memref<640xi32, #tpu.memory_space<vmem_shared>>)
    %dma_wait3A_285 = arith.constant 3 : i32
    %dma_wait3A_286 = arith.constant 1920 : i32
    %dma_wait3A_287 = tpu.memref_slice %arg4[%dma_wait3A_286] : memref<10240xi32, #tpu.memory_space<vmem>> -> memref<640xi32, #tpu.memory_space<vmem>>
    %dma_wait3A_288 = arith.constant 0 : i32
    %dma_wait3A_289 = tpu.memref_slice %arg8[%arg1, %dma_wait3A_285, %dma_wait3A_288] : memref<16x16x640xi32, #tpu.memory_space<vmem_shared>> -> memref<1x1x640xi32, #tpu.memory_space<vmem_shared>>
    %dma_wait3A_290 = tpu.memref_squeeze %dma_wait3A_289 : memref<1x1x640xi32, #tpu.memory_space<vmem_shared>> -> memref<640xi32, #tpu.memory_space<vmem_shared>>
    %dma_wait3A_291 = arith.constant 0 : i32
    %dma_wait3A_292 = tpu.memref_slice %arg8[%arg1, %dma_wait3A_285, %dma_wait3A_291] : memref<16x16x640xi32, #tpu.memory_space<vmem_shared>> -> memref<1x1x640xi32, #tpu.memory_space<vmem_shared>>
    %dma_wait3A_293 = tpu.memref_squeeze %dma_wait3A_292 : memref<1x1x640xi32, #tpu.memory_space<vmem_shared>> -> memref<640xi32, #tpu.memory_space<vmem_shared>>
    %dma_wait3A_294 = arith.constant 1920 : i32
    %dma_wait3A_295 = tpu.memref_slice %arg4[%dma_wait3A_294] : memref<10240xi32, #tpu.memory_space<vmem>> -> memref<640xi32, #tpu.memory_space<vmem>>
    tpu.wait_dma2 semaphore(%arg9 : memref<!tpu.dma_semaphore, #tpu.memory_space<semaphore_mem>>) src(%dma_wait3A_295 : memref<640xi32, #tpu.memory_space<vmem>>) dst(%dma_wait3A_293 : memref<640xi32, #tpu.memory_space<vmem_shared>>)
    %dma_wait3A_296 = arith.constant 4 : i32
    %dma_wait3A_297 = arith.constant 2560 : i32
    %dma_wait3A_298 = tpu.memref_slice %arg4[%dma_wait3A_297] : memref<10240xi32, #tpu.memory_space<vmem>> -> memref<640xi32, #tpu.memory_space<vmem>>
    %dma_wait3A_299 = arith.constant 0 : i32
    %dma_wait3A_300 = tpu.memref_slice %arg8[%arg1, %dma_wait3A_296, %dma_wait3A_299] : memref<16x16x640xi32, #tpu.memory_space<vmem_shared>> -> memref<1x1x640xi32, #tpu.memory_space<vmem_shared>>
    %dma_wait3A_301 = tpu.memref_squeeze %dma_wait3A_300 : memref<1x1x640xi32, #tpu.memory_space<vmem_shared>> -> memref<640xi32, #tpu.memory_space<vmem_shared>>
    %dma_wait3A_302 = arith.constant 0 : i32
    %dma_wait3A_303 = tpu.memref_slice %arg8[%arg1, %dma_wait3A_296, %dma_wait3A_302] : memref<16x16x640xi32, #tpu.memory_space<vmem_shared>> -> memref<1x1x640xi32, #tpu.memory_space<vmem_shared>>
    %dma_wait3A_304 = tpu.memref_squeeze %dma_wait3A_303 : memref<1x1x640xi32, #tpu.memory_space<vmem_shared>> -> memref<640xi32, #tpu.memory_space<vmem_shared>>
    %dma_wait3A_305 = arith.constant 2560 : i32
    %dma_wait3A_306 = tpu.memref_slice %arg4[%dma_wait3A_305] : memref<10240xi32, #tpu.memory_space<vmem>> -> memref<640xi32, #tpu.memory_space<vmem>>
    tpu.wait_dma2 semaphore(%arg9 : memref<!tpu.dma_semaphore, #tpu.memory_space<semaphore_mem>>) src(%dma_wait3A_306 : memref<640xi32, #tpu.memory_space<vmem>>) dst(%dma_wait3A_304 : memref<640xi32, #tpu.memory_space<vmem_shared>>)
    %dma_wait3A_307 = arith.constant 5 : i32
    %dma_wait3A_308 = arith.constant 3200 : i32
    %dma_wait3A_309 = tpu.memref_slice %arg4[%dma_wait3A_308] : memref<10240xi32, #tpu.memory_space<vmem>> -> memref<640xi32, #tpu.memory_space<vmem>>
    %dma_wait3A_310 = arith.constant 0 : i32
    %dma_wait3A_311 = tpu.memref_slice %arg8[%arg1, %dma_wait3A_307, %dma_wait3A_310] : memref<16x16x640xi32, #tpu.memory_space<vmem_shared>> -> memref<1x1x640xi32, #tpu.memory_space<vmem_shared>>
    %dma_wait3A_312 = tpu.memref_squeeze %dma_wait3A_311 : memref<1x1x640xi32, #tpu.memory_space<vmem_shared>> -> memref<640xi32, #tpu.memory_space<vmem_shared>>
    %dma_wait3A_313 = arith.constant 0 : i32
    %dma_wait3A_314 = tpu.memref_slice %arg8[%arg1, %dma_wait3A_307, %dma_wait3A_313] : memref<16x16x640xi32, #tpu.memory_space<vmem_shared>> -> memref<1x1x640xi32, #tpu.memory_space<vmem_shared>>
    %dma_wait3A_315 = tpu.memref_squeeze %dma_wait3A_314 : memref<1x1x640xi32, #tpu.memory_space<vmem_shared>> -> memref<640xi32, #tpu.memory_space<vmem_shared>>
    %dma_wait3A_316 = arith.constant 3200 : i32
    %dma_wait3A_317 = tpu.memref_slice %arg4[%dma_wait3A_316] : memref<10240xi32, #tpu.memory_space<vmem>> -> memref<640xi32, #tpu.memory_space<vmem>>
    tpu.wait_dma2 semaphore(%arg9 : memref<!tpu.dma_semaphore, #tpu.memory_space<semaphore_mem>>) src(%dma_wait3A_317 : memref<640xi32, #tpu.memory_space<vmem>>) dst(%dma_wait3A_315 : memref<640xi32, #tpu.memory_space<vmem_shared>>)
    %dma_wait3A_318 = arith.constant 6 : i32
    %dma_wait3A_319 = arith.constant 3840 : i32
    %dma_wait3A_320 = tpu.memref_slice %arg4[%dma_wait3A_319] : memref<10240xi32, #tpu.memory_space<vmem>> -> memref<640xi32, #tpu.memory_space<vmem>>
    %dma_wait3A_321 = arith.constant 0 : i32
    %dma_wait3A_322 = tpu.memref_slice %arg8[%arg1, %dma_wait3A_318, %dma_wait3A_321] : memref<16x16x640xi32, #tpu.memory_space<vmem_shared>> -> memref<1x1x640xi32, #tpu.memory_space<vmem_shared>>
    %dma_wait3A_323 = tpu.memref_squeeze %dma_wait3A_322 : memref<1x1x640xi32, #tpu.memory_space<vmem_shared>> -> memref<640xi32, #tpu.memory_space<vmem_shared>>
    %dma_wait3A_324 = arith.constant 0 : i32
    %dma_wait3A_325 = tpu.memref_slice %arg8[%arg1, %dma_wait3A_318, %dma_wait3A_324] : memref<16x16x640xi32, #tpu.memory_space<vmem_shared>> -> memref<1x1x640xi32, #tpu.memory_space<vmem_shared>>
    %dma_wait3A_326 = tpu.memref_squeeze %dma_wait3A_325 : memref<1x1x640xi32, #tpu.memory_space<vmem_shared>> -> memref<640xi32, #tpu.memory_space<vmem_shared>>
    %dma_wait3A_327 = arith.constant 3840 : i32
    %dma_wait3A_328 = tpu.memref_slice %arg4[%dma_wait3A_327] : memref<10240xi32, #tpu.memory_space<vmem>> -> memref<640xi32, #tpu.memory_space<vmem>>
    tpu.wait_dma2 semaphore(%arg9 : memref<!tpu.dma_semaphore, #tpu.memory_space<semaphore_mem>>) src(%dma_wait3A_328 : memref<640xi32, #tpu.memory_space<vmem>>) dst(%dma_wait3A_326 : memref<640xi32, #tpu.memory_space<vmem_shared>>)
    %dma_wait3A_329 = arith.constant 7 : i32
    %dma_wait3A_330 = arith.constant 4480 : i32
    %dma_wait3A_331 = tpu.memref_slice %arg4[%dma_wait3A_330] : memref<10240xi32, #tpu.memory_space<vmem>> -> memref<640xi32, #tpu.memory_space<vmem>>
    %dma_wait3A_332 = arith.constant 0 : i32
    %dma_wait3A_333 = tpu.memref_slice %arg8[%arg1, %dma_wait3A_329, %dma_wait3A_332] : memref<16x16x640xi32, #tpu.memory_space<vmem_shared>> -> memref<1x1x640xi32, #tpu.memory_space<vmem_shared>>
    %dma_wait3A_334 = tpu.memref_squeeze %dma_wait3A_333 : memref<1x1x640xi32, #tpu.memory_space<vmem_shared>> -> memref<640xi32, #tpu.memory_space<vmem_shared>>
    %dma_wait3A_335 = arith.constant 0 : i32
    %dma_wait3A_336 = tpu.memref_slice %arg8[%arg1, %dma_wait3A_329, %dma_wait3A_335] : memref<16x16x640xi32, #tpu.memory_space<vmem_shared>> -> memref<1x1x640xi32, #tpu.memory_space<vmem_shared>>
    %dma_wait3A_337 = tpu.memref_squeeze %dma_wait3A_336 : memref<1x1x640xi32, #tpu.memory_space<vmem_shared>> -> memref<640xi32, #tpu.memory_space<vmem_shared>>
    %dma_wait3A_338 = arith.constant 4480 : i32
    %dma_wait3A_339 = tpu.memref_slice %arg4[%dma_wait3A_338] : memref<10240xi32, #tpu.memory_space<vmem>> -> memref<640xi32, #tpu.memory_space<vmem>>
    tpu.wait_dma2 semaphore(%arg9 : memref<!tpu.dma_semaphore, #tpu.memory_space<semaphore_mem>>) src(%dma_wait3A_339 : memref<640xi32, #tpu.memory_space<vmem>>) dst(%dma_wait3A_337 : memref<640xi32, #tpu.memory_space<vmem_shared>>)
    %dma_wait3A_340 = arith.constant 8 : i32
    %dma_wait3A_341 = arith.constant 5120 : i32
    %dma_wait3A_342 = tpu.memref_slice %arg4[%dma_wait3A_341] : memref<10240xi32, #tpu.memory_space<vmem>> -> memref<640xi32, #tpu.memory_space<vmem>>
    %dma_wait3A_343 = arith.constant 0 : i32
    %dma_wait3A_344 = tpu.memref_slice %arg8[%arg1, %dma_wait3A_340, %dma_wait3A_343] : memref<16x16x640xi32, #tpu.memory_space<vmem_shared>> -> memref<1x1x640xi32, #tpu.memory_space<vmem_shared>>
    %dma_wait3A_345 = tpu.memref_squeeze %dma_wait3A_344 : memref<1x1x640xi32, #tpu.memory_space<vmem_shared>> -> memref<640xi32, #tpu.memory_space<vmem_shared>>
    %dma_wait3A_346 = arith.constant 0 : i32
    %dma_wait3A_347 = tpu.memref_slice %arg8[%arg1, %dma_wait3A_340, %dma_wait3A_346] : memref<16x16x640xi32, #tpu.memory_space<vmem_shared>> -> memref<1x1x640xi32, #tpu.memory_space<vmem_shared>>
    %dma_wait3A_348 = tpu.memref_squeeze %dma_wait3A_347 : memref<1x1x640xi32, #tpu.memory_space<vmem_shared>> -> memref<640xi32, #tpu.memory_space<vmem_shared>>
    %dma_wait3A_349 = arith.constant 5120 : i32
    %dma_wait3A_350 = tpu.memref_slice %arg4[%dma_wait3A_349] : memref<10240xi32, #tpu.memory_space<vmem>> -> memref<640xi32, #tpu.memory_space<vmem>>
    tpu.wait_dma2 semaphore(%arg9 : memref<!tpu.dma_semaphore, #tpu.memory_space<semaphore_mem>>) src(%dma_wait3A_350 : memref<640xi32, #tpu.memory_space<vmem>>) dst(%dma_wait3A_348 : memref<640xi32, #tpu.memory_space<vmem_shared>>)
    %dma_wait3A_351 = arith.constant 9 : i32
    %dma_wait3A_352 = arith.constant 5760 : i32
    %dma_wait3A_353 = tpu.memref_slice %arg4[%dma_wait3A_352] : memref<10240xi32, #tpu.memory_space<vmem>> -> memref<640xi32, #tpu.memory_space<vmem>>
    %dma_wait3A_354 = arith.constant 0 : i32
    %dma_wait3A_355 = tpu.memref_slice %arg8[%arg1, %dma_wait3A_351, %dma_wait3A_354] : memref<16x16x640xi32, #tpu.memory_space<vmem_shared>> -> memref<1x1x640xi32, #tpu.memory_space<vmem_shared>>
    %dma_wait3A_356 = tpu.memref_squeeze %dma_wait3A_355 : memref<1x1x640xi32, #tpu.memory_space<vmem_shared>> -> memref<640xi32, #tpu.memory_space<vmem_shared>>
    %dma_wait3A_357 = arith.constant 0 : i32
    %dma_wait3A_358 = tpu.memref_slice %arg8[%arg1, %dma_wait3A_351, %dma_wait3A_357] : memref<16x16x640xi32, #tpu.memory_space<vmem_shared>> -> memref<1x1x640xi32, #tpu.memory_space<vmem_shared>>
    %dma_wait3A_359 = tpu.memref_squeeze %dma_wait3A_358 : memref<1x1x640xi32, #tpu.memory_space<vmem_shared>> -> memref<640xi32, #tpu.memory_space<vmem_shared>>
    %dma_wait3A_360 = arith.constant 5760 : i32
    %dma_wait3A_361 = tpu.memref_slice %arg4[%dma_wait3A_360] : memref<10240xi32, #tpu.memory_space<vmem>> -> memref<640xi32, #tpu.memory_space<vmem>>
    tpu.wait_dma2 semaphore(%arg9 : memref<!tpu.dma_semaphore, #tpu.memory_space<semaphore_mem>>) src(%dma_wait3A_361 : memref<640xi32, #tpu.memory_space<vmem>>) dst(%dma_wait3A_359 : memref<640xi32, #tpu.memory_space<vmem_shared>>)
    %dma_wait3A_362 = arith.constant 10 : i32
    %dma_wait3A_363 = arith.constant 6400 : i32
    %dma_wait3A_364 = tpu.memref_slice %arg4[%dma_wait3A_363] : memref<10240xi32, #tpu.memory_space<vmem>> -> memref<640xi32, #tpu.memory_space<vmem>>
    %dma_wait3A_365 = arith.constant 0 : i32
    %dma_wait3A_366 = tpu.memref_slice %arg8[%arg1, %dma_wait3A_362, %dma_wait3A_365] : memref<16x16x640xi32, #tpu.memory_space<vmem_shared>> -> memref<1x1x640xi32, #tpu.memory_space<vmem_shared>>
    %dma_wait3A_367 = tpu.memref_squeeze %dma_wait3A_366 : memref<1x1x640xi32, #tpu.memory_space<vmem_shared>> -> memref<640xi32, #tpu.memory_space<vmem_shared>>
    %dma_wait3A_368 = arith.constant 0 : i32
    %dma_wait3A_369 = tpu.memref_slice %arg8[%arg1, %dma_wait3A_362, %dma_wait3A_368] : memref<16x16x640xi32, #tpu.memory_space<vmem_shared>> -> memref<1x1x640xi32, #tpu.memory_space<vmem_shared>>
    %dma_wait3A_370 = tpu.memref_squeeze %dma_wait3A_369 : memref<1x1x640xi32, #tpu.memory_space<vmem_shared>> -> memref<640xi32, #tpu.memory_space<vmem_shared>>
    %dma_wait3A_371 = arith.constant 6400 : i32
    %dma_wait3A_372 = tpu.memref_slice %arg4[%dma_wait3A_371] : memref<10240xi32, #tpu.memory_space<vmem>> -> memref<640xi32, #tpu.memory_space<vmem>>
    tpu.wait_dma2 semaphore(%arg9 : memref<!tpu.dma_semaphore, #tpu.memory_space<semaphore_mem>>) src(%dma_wait3A_372 : memref<640xi32, #tpu.memory_space<vmem>>) dst(%dma_wait3A_370 : memref<640xi32, #tpu.memory_space<vmem_shared>>)
    %dma_wait3A_373 = arith.constant 11 : i32
    %dma_wait3A_374 = arith.constant 7040 : i32
    %dma_wait3A_375 = tpu.memref_slice %arg4[%dma_wait3A_374] : memref<10240xi32, #tpu.memory_space<vmem>> -> memref<640xi32, #tpu.memory_space<vmem>>
    %dma_wait3A_376 = arith.constant 0 : i32
    %dma_wait3A_377 = tpu.memref_slice %arg8[%arg1, %dma_wait3A_373, %dma_wait3A_376] : memref<16x16x640xi32, #tpu.memory_space<vmem_shared>> -> memref<1x1x640xi32, #tpu.memory_space<vmem_shared>>
    %dma_wait3A_378 = tpu.memref_squeeze %dma_wait3A_377 : memref<1x1x640xi32, #tpu.memory_space<vmem_shared>> -> memref<640xi32, #tpu.memory_space<vmem_shared>>
    %dma_wait3A_379 = arith.constant 0 : i32
    %dma_wait3A_380 = tpu.memref_slice %arg8[%arg1, %dma_wait3A_373, %dma_wait3A_379] : memref<16x16x640xi32, #tpu.memory_space<vmem_shared>> -> memref<1x1x640xi32, #tpu.memory_space<vmem_shared>>
    %dma_wait3A_381 = tpu.memref_squeeze %dma_wait3A_380 : memref<1x1x640xi32, #tpu.memory_space<vmem_shared>> -> memref<640xi32, #tpu.memory_space<vmem_shared>>
    %dma_wait3A_382 = arith.constant 7040 : i32
    %dma_wait3A_383 = tpu.memref_slice %arg4[%dma_wait3A_382] : memref<10240xi32, #tpu.memory_space<vmem>> -> memref<640xi32, #tpu.memory_space<vmem>>
    tpu.wait_dma2 semaphore(%arg9 : memref<!tpu.dma_semaphore, #tpu.memory_space<semaphore_mem>>) src(%dma_wait3A_383 : memref<640xi32, #tpu.memory_space<vmem>>) dst(%dma_wait3A_381 : memref<640xi32, #tpu.memory_space<vmem_shared>>)
    %dma_wait3A_384 = arith.constant 12 : i32
    %dma_wait3A_385 = arith.constant 7680 : i32
    %dma_wait3A_386 = tpu.memref_slice %arg4[%dma_wait3A_385] : memref<10240xi32, #tpu.memory_space<vmem>> -> memref<640xi32, #tpu.memory_space<vmem>>
    %dma_wait3A_387 = arith.constant 0 : i32
    %dma_wait3A_388 = tpu.memref_slice %arg8[%arg1, %dma_wait3A_384, %dma_wait3A_387] : memref<16x16x640xi32, #tpu.memory_space<vmem_shared>> -> memref<1x1x640xi32, #tpu.memory_space<vmem_shared>>
    %dma_wait3A_389 = tpu.memref_squeeze %dma_wait3A_388 : memref<1x1x640xi32, #tpu.memory_space<vmem_shared>> -> memref<640xi32, #tpu.memory_space<vmem_shared>>
    %dma_wait3A_390 = arith.constant 0 : i32
    %dma_wait3A_391 = tpu.memref_slice %arg8[%arg1, %dma_wait3A_384, %dma_wait3A_390] : memref<16x16x640xi32, #tpu.memory_space<vmem_shared>> -> memref<1x1x640xi32, #tpu.memory_space<vmem_shared>>
    %dma_wait3A_392 = tpu.memref_squeeze %dma_wait3A_391 : memref<1x1x640xi32, #tpu.memory_space<vmem_shared>> -> memref<640xi32, #tpu.memory_space<vmem_shared>>
    %dma_wait3A_393 = arith.constant 7680 : i32
    %dma_wait3A_394 = tpu.memref_slice %arg4[%dma_wait3A_393] : memref<10240xi32, #tpu.memory_space<vmem>> -> memref<640xi32, #tpu.memory_space<vmem>>
    tpu.wait_dma2 semaphore(%arg9 : memref<!tpu.dma_semaphore, #tpu.memory_space<semaphore_mem>>) src(%dma_wait3A_394 : memref<640xi32, #tpu.memory_space<vmem>>) dst(%dma_wait3A_392 : memref<640xi32, #tpu.memory_space<vmem_shared>>)
    %dma_wait3A_395 = arith.constant 13 : i32
    %dma_wait3A_396 = arith.constant 8320 : i32
    %dma_wait3A_397 = tpu.memref_slice %arg4[%dma_wait3A_396] : memref<10240xi32, #tpu.memory_space<vmem>> -> memref<640xi32, #tpu.memory_space<vmem>>
    %dma_wait3A_398 = arith.constant 0 : i32
    %dma_wait3A_399 = tpu.memref_slice %arg8[%arg1, %dma_wait3A_395, %dma_wait3A_398] : memref<16x16x640xi32, #tpu.memory_space<vmem_shared>> -> memref<1x1x640xi32, #tpu.memory_space<vmem_shared>>
    %dma_wait3A_400 = tpu.memref_squeeze %dma_wait3A_399 : memref<1x1x640xi32, #tpu.memory_space<vmem_shared>> -> memref<640xi32, #tpu.memory_space<vmem_shared>>
    %dma_wait3A_401 = arith.constant 0 : i32
    %dma_wait3A_402 = tpu.memref_slice %arg8[%arg1, %dma_wait3A_395, %dma_wait3A_401] : memref<16x16x640xi32, #tpu.memory_space<vmem_shared>> -> memref<1x1x640xi32, #tpu.memory_space<vmem_shared>>
    %dma_wait3A_403 = tpu.memref_squeeze %dma_wait3A_402 : memref<1x1x640xi32, #tpu.memory_space<vmem_shared>> -> memref<640xi32, #tpu.memory_space<vmem_shared>>
    %dma_wait3A_404 = arith.constant 8320 : i32
    %dma_wait3A_405 = tpu.memref_slice %arg4[%dma_wait3A_404] : memref<10240xi32, #tpu.memory_space<vmem>> -> memref<640xi32, #tpu.memory_space<vmem>>
    tpu.wait_dma2 semaphore(%arg9 : memref<!tpu.dma_semaphore, #tpu.memory_space<semaphore_mem>>) src(%dma_wait3A_405 : memref<640xi32, #tpu.memory_space<vmem>>) dst(%dma_wait3A_403 : memref<640xi32, #tpu.memory_space<vmem_shared>>)
    %dma_wait3A_406 = arith.constant 14 : i32
    %dma_wait3A_407 = arith.constant 8960 : i32
    %dma_wait3A_408 = tpu.memref_slice %arg4[%dma_wait3A_407] : memref<10240xi32, #tpu.memory_space<vmem>> -> memref<640xi32, #tpu.memory_space<vmem>>
    %dma_wait3A_409 = arith.constant 0 : i32
    %dma_wait3A_410 = tpu.memref_slice %arg8[%arg1, %dma_wait3A_406, %dma_wait3A_409] : memref<16x16x640xi32, #tpu.memory_space<vmem_shared>> -> memref<1x1x640xi32, #tpu.memory_space<vmem_shared>>
    %dma_wait3A_411 = tpu.memref_squeeze %dma_wait3A_410 : memref<1x1x640xi32, #tpu.memory_space<vmem_shared>> -> memref<640xi32, #tpu.memory_space<vmem_shared>>
    %dma_wait3A_412 = arith.constant 0 : i32
    %dma_wait3A_413 = tpu.memref_slice %arg8[%arg1, %dma_wait3A_406, %dma_wait3A_412] : memref<16x16x640xi32, #tpu.memory_space<vmem_shared>> -> memref<1x1x640xi32, #tpu.memory_space<vmem_shared>>
    %dma_wait3A_414 = tpu.memref_squeeze %dma_wait3A_413 : memref<1x1x640xi32, #tpu.memory_space<vmem_shared>> -> memref<640xi32, #tpu.memory_space<vmem_shared>>
    %dma_wait3A_415 = arith.constant 8960 : i32
    %dma_wait3A_416 = tpu.memref_slice %arg4[%dma_wait3A_415] : memref<10240xi32, #tpu.memory_space<vmem>> -> memref<640xi32, #tpu.memory_space<vmem>>
    tpu.wait_dma2 semaphore(%arg9 : memref<!tpu.dma_semaphore, #tpu.memory_space<semaphore_mem>>) src(%dma_wait3A_416 : memref<640xi32, #tpu.memory_space<vmem>>) dst(%dma_wait3A_414 : memref<640xi32, #tpu.memory_space<vmem_shared>>)
    %dma_wait3A_417 = arith.constant 15 : i32
    %dma_wait3A_418 = arith.constant 9600 : i32
    %dma_wait3A_419 = tpu.memref_slice %arg4[%dma_wait3A_418] : memref<10240xi32, #tpu.memory_space<vmem>> -> memref<640xi32, #tpu.memory_space<vmem>>
    %dma_wait3A_420 = arith.constant 0 : i32
    %dma_wait3A_421 = tpu.memref_slice %arg8[%arg1, %dma_wait3A_417, %dma_wait3A_420] : memref<16x16x640xi32, #tpu.memory_space<vmem_shared>> -> memref<1x1x640xi32, #tpu.memory_space<vmem_shared>>
    %dma_wait3A_422 = tpu.memref_squeeze %dma_wait3A_421 : memref<1x1x640xi32, #tpu.memory_space<vmem_shared>> -> memref<640xi32, #tpu.memory_space<vmem_shared>>
    %dma_wait3A_423 = arith.constant 0 : i32
    %dma_wait3A_424 = tpu.memref_slice %arg8[%arg1, %dma_wait3A_417, %dma_wait3A_423] : memref<16x16x640xi32, #tpu.memory_space<vmem_shared>> -> memref<1x1x640xi32, #tpu.memory_space<vmem_shared>>
    %dma_wait3A_425 = tpu.memref_squeeze %dma_wait3A_424 : memref<1x1x640xi32, #tpu.memory_space<vmem_shared>> -> memref<640xi32, #tpu.memory_space<vmem_shared>>
    %dma_wait3A_426 = arith.constant 9600 : i32
    %dma_wait3A_427 = tpu.memref_slice %arg4[%dma_wait3A_426] : memref<10240xi32, #tpu.memory_space<vmem>> -> memref<640xi32, #tpu.memory_space<vmem>>
    tpu.wait_dma2 semaphore(%arg9 : memref<!tpu.dma_semaphore, #tpu.memory_space<semaphore_mem>>) src(%dma_wait3A_427 : memref<640xi32, #tpu.memory_space<vmem>>) dst(%dma_wait3A_425 : memref<640xi32, #tpu.memory_space<vmem_shared>>)
    %barrier3A = arith.constant 0 : index
    tpu.barrier barrier_id(%barrier3A)
    %dma_start3A_428 = arith.constant 0 : i32
    %dma_start3A_429 = arith.constant 0 : i32
    %dma_start3A_430 = arith.constant 0 : i32
    %dma_start3A_431 = tpu.memref_slice %arg7[%dma_start3A_429, %dma_start3A_430] : memref<16x640xi32, #tpu.memory_space<vmem>> -> memref<1x640xi32, #tpu.memory_space<vmem>>
    %dma_start3A_432 = tpu.memref_squeeze %dma_start3A_431 : memref<1x640xi32, #tpu.memory_space<vmem>> -> memref<640xi32, #tpu.memory_space<vmem>>
    %dma_start3A_433 = arith.constant 0 : i32
    %dma_start3A_434 = tpu.memref_slice %arg8[%dma_start3A_428, %arg1, %dma_start3A_433] : memref<16x16x640xi32, #tpu.memory_space<vmem_shared>> -> memref<1x1x640xi32, #tpu.memory_space<vmem_shared>>
    %dma_start3A_435 = tpu.memref_squeeze %dma_start3A_434 : memref<1x1x640xi32, #tpu.memory_space<vmem_shared>> -> memref<640xi32, #tpu.memory_space<vmem_shared>>
    %dma_start3A_436 = arith.constant 0 : i32
    %dma_start3A_437 = tpu.memref_slice %arg7[%dma_start3A_429, %dma_start3A_436] : memref<16x640xi32, #tpu.memory_space<vmem>> -> memref<1x640xi32, #tpu.memory_space<vmem>>
    %dma_start3A_438 = tpu.memref_squeeze %dma_start3A_437 : memref<1x640xi32, #tpu.memory_space<vmem>> -> memref<640xi32, #tpu.memory_space<vmem>>
    %dma_start3A_439 = arith.constant 0 : i32
    %dma_start3A_440 = tpu.memref_slice %arg8[%dma_start3A_428, %arg1, %dma_start3A_439] : memref<16x16x640xi32, #tpu.memory_space<vmem_shared>> -> memref<1x1x640xi32, #tpu.memory_space<vmem_shared>>
    %dma_start3A_441 = tpu.memref_squeeze %dma_start3A_440 : memref<1x1x640xi32, #tpu.memory_space<vmem_shared>> -> memref<640xi32, #tpu.memory_space<vmem_shared>>
    tpu.enqueue_dma source(%dma_start3A_441 : memref<640xi32, #tpu.memory_space<vmem_shared>>) target(%dma_start3A_438 : memref<640xi32, #tpu.memory_space<vmem>>) target_semaphore(%arg9 : memref<!tpu.dma_semaphore, #tpu.memory_space<semaphore_mem>>)
    %dma_start3A_442 = arith.constant 1 : i32
    %dma_start3A_443 = arith.constant 1 : i32
    %dma_start3A_444 = arith.constant 0 : i32
    %dma_start3A_445 = tpu.memref_slice %arg7[%dma_start3A_443, %dma_start3A_444] : memref<16x640xi32, #tpu.memory_space<vmem>> -> memref<1x640xi32, #tpu.memory_space<vmem>>
    %dma_start3A_446 = tpu.memref_squeeze %dma_start3A_445 : memref<1x640xi32, #tpu.memory_space<vmem>> -> memref<640xi32, #tpu.memory_space<vmem>>
    %dma_start3A_447 = arith.constant 0 : i32
    %dma_start3A_448 = tpu.memref_slice %arg8[%dma_start3A_442, %arg1, %dma_start3A_447] : memref<16x16x640xi32, #tpu.memory_space<vmem_shared>> -> memref<1x1x640xi32, #tpu.memory_space<vmem_shared>>
    %dma_start3A_449 = tpu.memref_squeeze %dma_start3A_448 : memref<1x1x640xi32, #tpu.memory_space<vmem_shared>> -> memref<640xi32, #tpu.memory_space<vmem_shared>>
    %dma_start3A_450 = arith.constant 0 : i32
    %dma_start3A_451 = tpu.memref_slice %arg7[%dma_start3A_443, %dma_start3A_450] : memref<16x640xi32, #tpu.memory_space<vmem>> -> memref<1x640xi32, #tpu.memory_space<vmem>>
    %dma_start3A_452 = tpu.memref_squeeze %dma_start3A_451 : memref<1x640xi32, #tpu.memory_space<vmem>> -> memref<640xi32, #tpu.memory_space<vmem>>
    %dma_start3A_453 = arith.constant 0 : i32
    %dma_start3A_454 = tpu.memref_slice %arg8[%dma_start3A_442, %arg1, %dma_start3A_453] : memref<16x16x640xi32, #tpu.memory_space<vmem_shared>> -> memref<1x1x640xi32, #tpu.memory_space<vmem_shared>>
    %dma_start3A_455 = tpu.memref_squeeze %dma_start3A_454 : memref<1x1x640xi32, #tpu.memory_space<vmem_shared>> -> memref<640xi32, #tpu.memory_space<vmem_shared>>
    tpu.enqueue_dma source(%dma_start3A_455 : memref<640xi32, #tpu.memory_space<vmem_shared>>) target(%dma_start3A_452 : memref<640xi32, #tpu.memory_space<vmem>>) target_semaphore(%arg9 : memref<!tpu.dma_semaphore, #tpu.memory_space<semaphore_mem>>)
    %dma_start3A_456 = arith.constant 2 : i32
    %dma_start3A_457 = arith.constant 2 : i32
    %dma_start3A_458 = arith.constant 0 : i32
    %dma_start3A_459 = tpu.memref_slice %arg7[%dma_start3A_457, %dma_start3A_458] : memref<16x640xi32, #tpu.memory_space<vmem>> -> memref<1x640xi32, #tpu.memory_space<vmem>>
    %dma_start3A_460 = tpu.memref_squeeze %dma_start3A_459 : memref<1x640xi32, #tpu.memory_space<vmem>> -> memref<640xi32, #tpu.memory_space<vmem>>
    %dma_start3A_461 = arith.constant 0 : i32
    %dma_start3A_462 = tpu.memref_slice %arg8[%dma_start3A_456, %arg1, %dma_start3A_461] : memref<16x16x640xi32, #tpu.memory_space<vmem_shared>> -> memref<1x1x640xi32, #tpu.memory_space<vmem_shared>>
    %dma_start3A_463 = tpu.memref_squeeze %dma_start3A_462 : memref<1x1x640xi32, #tpu.memory_space<vmem_shared>> -> memref<640xi32, #tpu.memory_space<vmem_shared>>
    %dma_start3A_464 = arith.constant 0 : i32
    %dma_start3A_465 = tpu.memref_slice %arg7[%dma_start3A_457, %dma_start3A_464] : memref<16x640xi32, #tpu.memory_space<vmem>> -> memref<1x640xi32, #tpu.memory_space<vmem>>
    %dma_start3A_466 = tpu.memref_squeeze %dma_start3A_465 : memref<1x640xi32, #tpu.memory_space<vmem>> -> memref<640xi32, #tpu.memory_space<vmem>>
    %dma_start3A_467 = arith.constant 0 : i32
    %dma_start3A_468 = tpu.memref_slice %arg8[%dma_start3A_456, %arg1, %dma_start3A_467] : memref<16x16x640xi32, #tpu.memory_space<vmem_shared>> -> memref<1x1x640xi32, #tpu.memory_space<vmem_shared>>
    %dma_start3A_469 = tpu.memref_squeeze %dma_start3A_468 : memref<1x1x640xi32, #tpu.memory_space<vmem_shared>> -> memref<640xi32, #tpu.memory_space<vmem_shared>>
    tpu.enqueue_dma source(%dma_start3A_469 : memref<640xi32, #tpu.memory_space<vmem_shared>>) target(%dma_start3A_466 : memref<640xi32, #tpu.memory_space<vmem>>) target_semaphore(%arg9 : memref<!tpu.dma_semaphore, #tpu.memory_space<semaphore_mem>>)
    %dma_start3A_470 = arith.constant 3 : i32
    %dma_start3A_471 = arith.constant 3 : i32
    %dma_start3A_472 = arith.constant 0 : i32
    %dma_start3A_473 = tpu.memref_slice %arg7[%dma_start3A_471, %dma_start3A_472] : memref<16x640xi32, #tpu.memory_space<vmem>> -> memref<1x640xi32, #tpu.memory_space<vmem>>
    %dma_start3A_474 = tpu.memref_squeeze %dma_start3A_473 : memref<1x640xi32, #tpu.memory_space<vmem>> -> memref<640xi32, #tpu.memory_space<vmem>>
    %dma_start3A_475 = arith.constant 0 : i32
    %dma_start3A_476 = tpu.memref_slice %arg8[%dma_start3A_470, %arg1, %dma_start3A_475] : memref<16x16x640xi32, #tpu.memory_space<vmem_shared>> -> memref<1x1x640xi32, #tpu.memory_space<vmem_shared>>
    %dma_start3A_477 = tpu.memref_squeeze %dma_start3A_476 : memref<1x1x640xi32, #tpu.memory_space<vmem_shared>> -> memref<640xi32, #tpu.memory_space<vmem_shared>>
    %dma_start3A_478 = arith.constant 0 : i32
    %dma_start3A_479 = tpu.memref_slice %arg7[%dma_start3A_471, %dma_start3A_478] : memref<16x640xi32, #tpu.memory_space<vmem>> -> memref<1x640xi32, #tpu.memory_space<vmem>>
    %dma_start3A_480 = tpu.memref_squeeze %dma_start3A_479 : memref<1x640xi32, #tpu.memory_space<vmem>> -> memref<640xi32, #tpu.memory_space<vmem>>
    %dma_start3A_481 = arith.constant 0 : i32
    %dma_start3A_482 = tpu.memref_slice %arg8[%dma_start3A_470, %arg1, %dma_start3A_481] : memref<16x16x640xi32, #tpu.memory_space<vmem_shared>> -> memref<1x1x640xi32, #tpu.memory_space<vmem_shared>>
    %dma_start3A_483 = tpu.memref_squeeze %dma_start3A_482 : memref<1x1x640xi32, #tpu.memory_space<vmem_shared>> -> memref<640xi32, #tpu.memory_space<vmem_shared>>
    tpu.enqueue_dma source(%dma_start3A_483 : memref<640xi32, #tpu.memory_space<vmem_shared>>) target(%dma_start3A_480 : memref<640xi32, #tpu.memory_space<vmem>>) target_semaphore(%arg9 : memref<!tpu.dma_semaphore, #tpu.memory_space<semaphore_mem>>)
    %dma_start3A_484 = arith.constant 4 : i32
    %dma_start3A_485 = arith.constant 4 : i32
    %dma_start3A_486 = arith.constant 0 : i32
    %dma_start3A_487 = tpu.memref_slice %arg7[%dma_start3A_485, %dma_start3A_486] : memref<16x640xi32, #tpu.memory_space<vmem>> -> memref<1x640xi32, #tpu.memory_space<vmem>>
    %dma_start3A_488 = tpu.memref_squeeze %dma_start3A_487 : memref<1x640xi32, #tpu.memory_space<vmem>> -> memref<640xi32, #tpu.memory_space<vmem>>
    %dma_start3A_489 = arith.constant 0 : i32
    %dma_start3A_490 = tpu.memref_slice %arg8[%dma_start3A_484, %arg1, %dma_start3A_489] : memref<16x16x640xi32, #tpu.memory_space<vmem_shared>> -> memref<1x1x640xi32, #tpu.memory_space<vmem_shared>>
    %dma_start3A_491 = tpu.memref_squeeze %dma_start3A_490 : memref<1x1x640xi32, #tpu.memory_space<vmem_shared>> -> memref<640xi32, #tpu.memory_space<vmem_shared>>
    %dma_start3A_492 = arith.constant 0 : i32
    %dma_start3A_493 = tpu.memref_slice %arg7[%dma_start3A_485, %dma_start3A_492] : memref<16x640xi32, #tpu.memory_space<vmem>> -> memref<1x640xi32, #tpu.memory_space<vmem>>
    %dma_start3A_494 = tpu.memref_squeeze %dma_start3A_493 : memref<1x640xi32, #tpu.memory_space<vmem>> -> memref<640xi32, #tpu.memory_space<vmem>>
    %dma_start3A_495 = arith.constant 0 : i32
    %dma_start3A_496 = tpu.memref_slice %arg8[%dma_start3A_484, %arg1, %dma_start3A_495] : memref<16x16x640xi32, #tpu.memory_space<vmem_shared>> -> memref<1x1x640xi32, #tpu.memory_space<vmem_shared>>
    %dma_start3A_497 = tpu.memref_squeeze %dma_start3A_496 : memref<1x1x640xi32, #tpu.memory_space<vmem_shared>> -> memref<640xi32, #tpu.memory_space<vmem_shared>>
    tpu.enqueue_dma source(%dma_start3A_497 : memref<640xi32, #tpu.memory_space<vmem_shared>>) target(%dma_start3A_494 : memref<640xi32, #tpu.memory_space<vmem>>) target_semaphore(%arg9 : memref<!tpu.dma_semaphore, #tpu.memory_space<semaphore_mem>>)
    %dma_start3A_498 = arith.constant 5 : i32
    %dma_start3A_499 = arith.constant 5 : i32
    %dma_start3A_500 = arith.constant 0 : i32
    %dma_start3A_501 = tpu.memref_slice %arg7[%dma_start3A_499, %dma_start3A_500] : memref<16x640xi32, #tpu.memory_space<vmem>> -> memref<1x640xi32, #tpu.memory_space<vmem>>
    %dma_start3A_502 = tpu.memref_squeeze %dma_start3A_501 : memref<1x640xi32, #tpu.memory_space<vmem>> -> memref<640xi32, #tpu.memory_space<vmem>>
    %dma_start3A_503 = arith.constant 0 : i32
    %dma_start3A_504 = tpu.memref_slice %arg8[%dma_start3A_498, %arg1, %dma_start3A_503] : memref<16x16x640xi32, #tpu.memory_space<vmem_shared>> -> memref<1x1x640xi32, #tpu.memory_space<vmem_shared>>
    %dma_start3A_505 = tpu.memref_squeeze %dma_start3A_504 : memref<1x1x640xi32, #tpu.memory_space<vmem_shared>> -> memref<640xi32, #tpu.memory_space<vmem_shared>>
    %dma_start3A_506 = arith.constant 0 : i32
    %dma_start3A_507 = tpu.memref_slice %arg7[%dma_start3A_499, %dma_start3A_506] : memref<16x640xi32, #tpu.memory_space<vmem>> -> memref<1x640xi32, #tpu.memory_space<vmem>>
    %dma_start3A_508 = tpu.memref_squeeze %dma_start3A_507 : memref<1x640xi32, #tpu.memory_space<vmem>> -> memref<640xi32, #tpu.memory_space<vmem>>
    %dma_start3A_509 = arith.constant 0 : i32
    %dma_start3A_510 = tpu.memref_slice %arg8[%dma_start3A_498, %arg1, %dma_start3A_509] : memref<16x16x640xi32, #tpu.memory_space<vmem_shared>> -> memref<1x1x640xi32, #tpu.memory_space<vmem_shared>>
    %dma_start3A_511 = tpu.memref_squeeze %dma_start3A_510 : memref<1x1x640xi32, #tpu.memory_space<vmem_shared>> -> memref<640xi32, #tpu.memory_space<vmem_shared>>
    tpu.enqueue_dma source(%dma_start3A_511 : memref<640xi32, #tpu.memory_space<vmem_shared>>) target(%dma_start3A_508 : memref<640xi32, #tpu.memory_space<vmem>>) target_semaphore(%arg9 : memref<!tpu.dma_semaphore, #tpu.memory_space<semaphore_mem>>)
    %dma_start3A_512 = arith.constant 6 : i32
    %dma_start3A_513 = arith.constant 6 : i32
    %dma_start3A_514 = arith.constant 0 : i32
    %dma_start3A_515 = tpu.memref_slice %arg7[%dma_start3A_513, %dma_start3A_514] : memref<16x640xi32, #tpu.memory_space<vmem>> -> memref<1x640xi32, #tpu.memory_space<vmem>>
    %dma_start3A_516 = tpu.memref_squeeze %dma_start3A_515 : memref<1x640xi32, #tpu.memory_space<vmem>> -> memref<640xi32, #tpu.memory_space<vmem>>
    %dma_start3A_517 = arith.constant 0 : i32
    %dma_start3A_518 = tpu.memref_slice %arg8[%dma_start3A_512, %arg1, %dma_start3A_517] : memref<16x16x640xi32, #tpu.memory_space<vmem_shared>> -> memref<1x1x640xi32, #tpu.memory_space<vmem_shared>>
    %dma_start3A_519 = tpu.memref_squeeze %dma_start3A_518 : memref<1x1x640xi32, #tpu.memory_space<vmem_shared>> -> memref<640xi32, #tpu.memory_space<vmem_shared>>
    %dma_start3A_520 = arith.constant 0 : i32
    %dma_start3A_521 = tpu.memref_slice %arg7[%dma_start3A_513, %dma_start3A_520] : memref<16x640xi32, #tpu.memory_space<vmem>> -> memref<1x640xi32, #tpu.memory_space<vmem>>
    %dma_start3A_522 = tpu.memref_squeeze %dma_start3A_521 : memref<1x640xi32, #tpu.memory_space<vmem>> -> memref<640xi32, #tpu.memory_space<vmem>>
    %dma_start3A_523 = arith.constant 0 : i32
    %dma_start3A_524 = tpu.memref_slice %arg8[%dma_start3A_512, %arg1, %dma_start3A_523] : memref<16x16x640xi32, #tpu.memory_space<vmem_shared>> -> memref<1x1x640xi32, #tpu.memory_space<vmem_shared>>
    %dma_start3A_525 = tpu.memref_squeeze %dma_start3A_524 : memref<1x1x640xi32, #tpu.memory_space<vmem_shared>> -> memref<640xi32, #tpu.memory_space<vmem_shared>>
    tpu.enqueue_dma source(%dma_start3A_525 : memref<640xi32, #tpu.memory_space<vmem_shared>>) target(%dma_start3A_522 : memref<640xi32, #tpu.memory_space<vmem>>) target_semaphore(%arg9 : memref<!tpu.dma_semaphore, #tpu.memory_space<semaphore_mem>>)
    %dma_start3A_526 = arith.constant 7 : i32
    %dma_start3A_527 = arith.constant 7 : i32
    %dma_start3A_528 = arith.constant 0 : i32
    %dma_start3A_529 = tpu.memref_slice %arg7[%dma_start3A_527, %dma_start3A_528] : memref<16x640xi32, #tpu.memory_space<vmem>> -> memref<1x640xi32, #tpu.memory_space<vmem>>
    %dma_start3A_530 = tpu.memref_squeeze %dma_start3A_529 : memref<1x640xi32, #tpu.memory_space<vmem>> -> memref<640xi32, #tpu.memory_space<vmem>>
    %dma_start3A_531 = arith.constant 0 : i32
    %dma_start3A_532 = tpu.memref_slice %arg8[%dma_start3A_526, %arg1, %dma_start3A_531] : memref<16x16x640xi32, #tpu.memory_space<vmem_shared>> -> memref<1x1x640xi32, #tpu.memory_space<vmem_shared>>
    %dma_start3A_533 = tpu.memref_squeeze %dma_start3A_532 : memref<1x1x640xi32, #tpu.memory_space<vmem_shared>> -> memref<640xi32, #tpu.memory_space<vmem_shared>>
    %dma_start3A_534 = arith.constant 0 : i32
    %dma_start3A_535 = tpu.memref_slice %arg7[%dma_start3A_527, %dma_start3A_534] : memref<16x640xi32, #tpu.memory_space<vmem>> -> memref<1x640xi32, #tpu.memory_space<vmem>>
    %dma_start3A_536 = tpu.memref_squeeze %dma_start3A_535 : memref<1x640xi32, #tpu.memory_space<vmem>> -> memref<640xi32, #tpu.memory_space<vmem>>
    %dma_start3A_537 = arith.constant 0 : i32
    %dma_start3A_538 = tpu.memref_slice %arg8[%dma_start3A_526, %arg1, %dma_start3A_537] : memref<16x16x640xi32, #tpu.memory_space<vmem_shared>> -> memref<1x1x640xi32, #tpu.memory_space<vmem_shared>>
    %dma_start3A_539 = tpu.memref_squeeze %dma_start3A_538 : memref<1x1x640xi32, #tpu.memory_space<vmem_shared>> -> memref<640xi32, #tpu.memory_space<vmem_shared>>
    tpu.enqueue_dma source(%dma_start3A_539 : memref<640xi32, #tpu.memory_space<vmem_shared>>) target(%dma_start3A_536 : memref<640xi32, #tpu.memory_space<vmem>>) target_semaphore(%arg9 : memref<!tpu.dma_semaphore, #tpu.memory_space<semaphore_mem>>)
    %dma_start3A_540 = arith.constant 8 : i32
    %dma_start3A_541 = arith.constant 8 : i32
    %dma_start3A_542 = arith.constant 0 : i32
    %dma_start3A_543 = tpu.memref_slice %arg7[%dma_start3A_541, %dma_start3A_542] : memref<16x640xi32, #tpu.memory_space<vmem>> -> memref<1x640xi32, #tpu.memory_space<vmem>>
    %dma_start3A_544 = tpu.memref_squeeze %dma_start3A_543 : memref<1x640xi32, #tpu.memory_space<vmem>> -> memref<640xi32, #tpu.memory_space<vmem>>
    %dma_start3A_545 = arith.constant 0 : i32
    %dma_start3A_546 = tpu.memref_slice %arg8[%dma_start3A_540, %arg1, %dma_start3A_545] : memref<16x16x640xi32, #tpu.memory_space<vmem_shared>> -> memref<1x1x640xi32, #tpu.memory_space<vmem_shared>>
    %dma_start3A_547 = tpu.memref_squeeze %dma_start3A_546 : memref<1x1x640xi32, #tpu.memory_space<vmem_shared>> -> memref<640xi32, #tpu.memory_space<vmem_shared>>
    %dma_start3A_548 = arith.constant 0 : i32
    %dma_start3A_549 = tpu.memref_slice %arg7[%dma_start3A_541, %dma_start3A_548] : memref<16x640xi32, #tpu.memory_space<vmem>> -> memref<1x640xi32, #tpu.memory_space<vmem>>
    %dma_start3A_550 = tpu.memref_squeeze %dma_start3A_549 : memref<1x640xi32, #tpu.memory_space<vmem>> -> memref<640xi32, #tpu.memory_space<vmem>>
    %dma_start3A_551 = arith.constant 0 : i32
    %dma_start3A_552 = tpu.memref_slice %arg8[%dma_start3A_540, %arg1, %dma_start3A_551] : memref<16x16x640xi32, #tpu.memory_space<vmem_shared>> -> memref<1x1x640xi32, #tpu.memory_space<vmem_shared>>
    %dma_start3A_553 = tpu.memref_squeeze %dma_start3A_552 : memref<1x1x640xi32, #tpu.memory_space<vmem_shared>> -> memref<640xi32, #tpu.memory_space<vmem_shared>>
    tpu.enqueue_dma source(%dma_start3A_553 : memref<640xi32, #tpu.memory_space<vmem_shared>>) target(%dma_start3A_550 : memref<640xi32, #tpu.memory_space<vmem>>) target_semaphore(%arg9 : memref<!tpu.dma_semaphore, #tpu.memory_space<semaphore_mem>>)
    %dma_start3A_554 = arith.constant 9 : i32
    %dma_start3A_555 = arith.constant 9 : i32
    %dma_start3A_556 = arith.constant 0 : i32
    %dma_start3A_557 = tpu.memref_slice %arg7[%dma_start3A_555, %dma_start3A_556] : memref<16x640xi32, #tpu.memory_space<vmem>> -> memref<1x640xi32, #tpu.memory_space<vmem>>
    %dma_start3A_558 = tpu.memref_squeeze %dma_start3A_557 : memref<1x640xi32, #tpu.memory_space<vmem>> -> memref<640xi32, #tpu.memory_space<vmem>>
    %dma_start3A_559 = arith.constant 0 : i32
    %dma_start3A_560 = tpu.memref_slice %arg8[%dma_start3A_554, %arg1, %dma_start3A_559] : memref<16x16x640xi32, #tpu.memory_space<vmem_shared>> -> memref<1x1x640xi32, #tpu.memory_space<vmem_shared>>
    %dma_start3A_561 = tpu.memref_squeeze %dma_start3A_560 : memref<1x1x640xi32, #tpu.memory_space<vmem_shared>> -> memref<640xi32, #tpu.memory_space<vmem_shared>>
    %dma_start3A_562 = arith.constant 0 : i32
    %dma_start3A_563 = tpu.memref_slice %arg7[%dma_start3A_555, %dma_start3A_562] : memref<16x640xi32, #tpu.memory_space<vmem>> -> memref<1x640xi32, #tpu.memory_space<vmem>>
    %dma_start3A_564 = tpu.memref_squeeze %dma_start3A_563 : memref<1x640xi32, #tpu.memory_space<vmem>> -> memref<640xi32, #tpu.memory_space<vmem>>
    %dma_start3A_565 = arith.constant 0 : i32
    %dma_start3A_566 = tpu.memref_slice %arg8[%dma_start3A_554, %arg1, %dma_start3A_565] : memref<16x16x640xi32, #tpu.memory_space<vmem_shared>> -> memref<1x1x640xi32, #tpu.memory_space<vmem_shared>>
    %dma_start3A_567 = tpu.memref_squeeze %dma_start3A_566 : memref<1x1x640xi32, #tpu.memory_space<vmem_shared>> -> memref<640xi32, #tpu.memory_space<vmem_shared>>
    tpu.enqueue_dma source(%dma_start3A_567 : memref<640xi32, #tpu.memory_space<vmem_shared>>) target(%dma_start3A_564 : memref<640xi32, #tpu.memory_space<vmem>>) target_semaphore(%arg9 : memref<!tpu.dma_semaphore, #tpu.memory_space<semaphore_mem>>)
    %dma_start3A_568 = arith.constant 10 : i32
    %dma_start3A_569 = arith.constant 10 : i32
    %dma_start3A_570 = arith.constant 0 : i32
    %dma_start3A_571 = tpu.memref_slice %arg7[%dma_start3A_569, %dma_start3A_570] : memref<16x640xi32, #tpu.memory_space<vmem>> -> memref<1x640xi32, #tpu.memory_space<vmem>>
    %dma_start3A_572 = tpu.memref_squeeze %dma_start3A_571 : memref<1x640xi32, #tpu.memory_space<vmem>> -> memref<640xi32, #tpu.memory_space<vmem>>
    %dma_start3A_573 = arith.constant 0 : i32
    %dma_start3A_574 = tpu.memref_slice %arg8[%dma_start3A_568, %arg1, %dma_start3A_573] : memref<16x16x640xi32, #tpu.memory_space<vmem_shared>> -> memref<1x1x640xi32, #tpu.memory_space<vmem_shared>>
    %dma_start3A_575 = tpu.memref_squeeze %dma_start3A_574 : memref<1x1x640xi32, #tpu.memory_space<vmem_shared>> -> memref<640xi32, #tpu.memory_space<vmem_shared>>
    %dma_start3A_576 = arith.constant 0 : i32
    %dma_start3A_577 = tpu.memref_slice %arg7[%dma_start3A_569, %dma_start3A_576] : memref<16x640xi32, #tpu.memory_space<vmem>> -> memref<1x640xi32, #tpu.memory_space<vmem>>
    %dma_start3A_578 = tpu.memref_squeeze %dma_start3A_577 : memref<1x640xi32, #tpu.memory_space<vmem>> -> memref<640xi32, #tpu.memory_space<vmem>>
    %dma_start3A_579 = arith.constant 0 : i32
    %dma_start3A_580 = tpu.memref_slice %arg8[%dma_start3A_568, %arg1, %dma_start3A_579] : memref<16x16x640xi32, #tpu.memory_space<vmem_shared>> -> memref<1x1x640xi32, #tpu.memory_space<vmem_shared>>
    %dma_start3A_581 = tpu.memref_squeeze %dma_start3A_580 : memref<1x1x640xi32, #tpu.memory_space<vmem_shared>> -> memref<640xi32, #tpu.memory_space<vmem_shared>>
    tpu.enqueue_dma source(%dma_start3A_581 : memref<640xi32, #tpu.memory_space<vmem_shared>>) target(%dma_start3A_578 : memref<640xi32, #tpu.memory_space<vmem>>) target_semaphore(%arg9 : memref<!tpu.dma_semaphore, #tpu.memory_space<semaphore_mem>>)
    %dma_start3A_582 = arith.constant 11 : i32
    %dma_start3A_583 = arith.constant 11 : i32
    %dma_start3A_584 = arith.constant 0 : i32
    %dma_start3A_585 = tpu.memref_slice %arg7[%dma_start3A_583, %dma_start3A_584] : memref<16x640xi32, #tpu.memory_space<vmem>> -> memref<1x640xi32, #tpu.memory_space<vmem>>
    %dma_start3A_586 = tpu.memref_squeeze %dma_start3A_585 : memref<1x640xi32, #tpu.memory_space<vmem>> -> memref<640xi32, #tpu.memory_space<vmem>>
    %dma_start3A_587 = arith.constant 0 : i32
    %dma_start3A_588 = tpu.memref_slice %arg8[%dma_start3A_582, %arg1, %dma_start3A_587] : memref<16x16x640xi32, #tpu.memory_space<vmem_shared>> -> memref<1x1x640xi32, #tpu.memory_space<vmem_shared>>
    %dma_start3A_589 = tpu.memref_squeeze %dma_start3A_588 : memref<1x1x640xi32, #tpu.memory_space<vmem_shared>> -> memref<640xi32, #tpu.memory_space<vmem_shared>>
    %dma_start3A_590 = arith.constant 0 : i32
    %dma_start3A_591 = tpu.memref_slice %arg7[%dma_start3A_583, %dma_start3A_590] : memref<16x640xi32, #tpu.memory_space<vmem>> -> memref<1x640xi32, #tpu.memory_space<vmem>>
    %dma_start3A_592 = tpu.memref_squeeze %dma_start3A_591 : memref<1x640xi32, #tpu.memory_space<vmem>> -> memref<640xi32, #tpu.memory_space<vmem>>
    %dma_start3A_593 = arith.constant 0 : i32
    %dma_start3A_594 = tpu.memref_slice %arg8[%dma_start3A_582, %arg1, %dma_start3A_593] : memref<16x16x640xi32, #tpu.memory_space<vmem_shared>> -> memref<1x1x640xi32, #tpu.memory_space<vmem_shared>>
    %dma_start3A_595 = tpu.memref_squeeze %dma_start3A_594 : memref<1x1x640xi32, #tpu.memory_space<vmem_shared>> -> memref<640xi32, #tpu.memory_space<vmem_shared>>
    tpu.enqueue_dma source(%dma_start3A_595 : memref<640xi32, #tpu.memory_space<vmem_shared>>) target(%dma_start3A_592 : memref<640xi32, #tpu.memory_space<vmem>>) target_semaphore(%arg9 : memref<!tpu.dma_semaphore, #tpu.memory_space<semaphore_mem>>)
    %dma_start3A_596 = arith.constant 12 : i32
    %dma_start3A_597 = arith.constant 12 : i32
    %dma_start3A_598 = arith.constant 0 : i32
    %dma_start3A_599 = tpu.memref_slice %arg7[%dma_start3A_597, %dma_start3A_598] : memref<16x640xi32, #tpu.memory_space<vmem>> -> memref<1x640xi32, #tpu.memory_space<vmem>>
    %dma_start3A_600 = tpu.memref_squeeze %dma_start3A_599 : memref<1x640xi32, #tpu.memory_space<vmem>> -> memref<640xi32, #tpu.memory_space<vmem>>
    %dma_start3A_601 = arith.constant 0 : i32
    %dma_start3A_602 = tpu.memref_slice %arg8[%dma_start3A_596, %arg1, %dma_start3A_601] : memref<16x16x640xi32, #tpu.memory_space<vmem_shared>> -> memref<1x1x640xi32, #tpu.memory_space<vmem_shared>>
    %dma_start3A_603 = tpu.memref_squeeze %dma_start3A_602 : memref<1x1x640xi32, #tpu.memory_space<vmem_shared>> -> memref<640xi32, #tpu.memory_space<vmem_shared>>
    %dma_start3A_604 = arith.constant 0 : i32
    %dma_start3A_605 = tpu.memref_slice %arg7[%dma_start3A_597, %dma_start3A_604] : memref<16x640xi32, #tpu.memory_space<vmem>> -> memref<1x640xi32, #tpu.memory_space<vmem>>
    %dma_start3A_606 = tpu.memref_squeeze %dma_start3A_605 : memref<1x640xi32, #tpu.memory_space<vmem>> -> memref<640xi32, #tpu.memory_space<vmem>>
    %dma_start3A_607 = arith.constant 0 : i32
    %dma_start3A_608 = tpu.memref_slice %arg8[%dma_start3A_596, %arg1, %dma_start3A_607] : memref<16x16x640xi32, #tpu.memory_space<vmem_shared>> -> memref<1x1x640xi32, #tpu.memory_space<vmem_shared>>
    %dma_start3A_609 = tpu.memref_squeeze %dma_start3A_608 : memref<1x1x640xi32, #tpu.memory_space<vmem_shared>> -> memref<640xi32, #tpu.memory_space<vmem_shared>>
    tpu.enqueue_dma source(%dma_start3A_609 : memref<640xi32, #tpu.memory_space<vmem_shared>>) target(%dma_start3A_606 : memref<640xi32, #tpu.memory_space<vmem>>) target_semaphore(%arg9 : memref<!tpu.dma_semaphore, #tpu.memory_space<semaphore_mem>>)
    %dma_start3A_610 = arith.constant 13 : i32
    %dma_start3A_611 = arith.constant 13 : i32
    %dma_start3A_612 = arith.constant 0 : i32
    %dma_start3A_613 = tpu.memref_slice %arg7[%dma_start3A_611, %dma_start3A_612] : memref<16x640xi32, #tpu.memory_space<vmem>> -> memref<1x640xi32, #tpu.memory_space<vmem>>
    %dma_start3A_614 = tpu.memref_squeeze %dma_start3A_613 : memref<1x640xi32, #tpu.memory_space<vmem>> -> memref<640xi32, #tpu.memory_space<vmem>>
    %dma_start3A_615 = arith.constant 0 : i32
    %dma_start3A_616 = tpu.memref_slice %arg8[%dma_start3A_610, %arg1, %dma_start3A_615] : memref<16x16x640xi32, #tpu.memory_space<vmem_shared>> -> memref<1x1x640xi32, #tpu.memory_space<vmem_shared>>
    %dma_start3A_617 = tpu.memref_squeeze %dma_start3A_616 : memref<1x1x640xi32, #tpu.memory_space<vmem_shared>> -> memref<640xi32, #tpu.memory_space<vmem_shared>>
    %dma_start3A_618 = arith.constant 0 : i32
    %dma_start3A_619 = tpu.memref_slice %arg7[%dma_start3A_611, %dma_start3A_618] : memref<16x640xi32, #tpu.memory_space<vmem>> -> memref<1x640xi32, #tpu.memory_space<vmem>>
    %dma_start3A_620 = tpu.memref_squeeze %dma_start3A_619 : memref<1x640xi32, #tpu.memory_space<vmem>> -> memref<640xi32, #tpu.memory_space<vmem>>
    %dma_start3A_621 = arith.constant 0 : i32
    %dma_start3A_622 = tpu.memref_slice %arg8[%dma_start3A_610, %arg1, %dma_start3A_621] : memref<16x16x640xi32, #tpu.memory_space<vmem_shared>> -> memref<1x1x640xi32, #tpu.memory_space<vmem_shared>>
    %dma_start3A_623 = tpu.memref_squeeze %dma_start3A_622 : memref<1x1x640xi32, #tpu.memory_space<vmem_shared>> -> memref<640xi32, #tpu.memory_space<vmem_shared>>
    tpu.enqueue_dma source(%dma_start3A_623 : memref<640xi32, #tpu.memory_space<vmem_shared>>) target(%dma_start3A_620 : memref<640xi32, #tpu.memory_space<vmem>>) target_semaphore(%arg9 : memref<!tpu.dma_semaphore, #tpu.memory_space<semaphore_mem>>)
    %dma_start3A_624 = arith.constant 14 : i32
    %dma_start3A_625 = arith.constant 14 : i32
    %dma_start3A_626 = arith.constant 0 : i32
    %dma_start3A_627 = tpu.memref_slice %arg7[%dma_start3A_625, %dma_start3A_626] : memref<16x640xi32, #tpu.memory_space<vmem>> -> memref<1x640xi32, #tpu.memory_space<vmem>>
    %dma_start3A_628 = tpu.memref_squeeze %dma_start3A_627 : memref<1x640xi32, #tpu.memory_space<vmem>> -> memref<640xi32, #tpu.memory_space<vmem>>
    %dma_start3A_629 = arith.constant 0 : i32
    %dma_start3A_630 = tpu.memref_slice %arg8[%dma_start3A_624, %arg1, %dma_start3A_629] : memref<16x16x640xi32, #tpu.memory_space<vmem_shared>> -> memref<1x1x640xi32, #tpu.memory_space<vmem_shared>>
    %dma_start3A_631 = tpu.memref_squeeze %dma_start3A_630 : memref<1x1x640xi32, #tpu.memory_space<vmem_shared>> -> memref<640xi32, #tpu.memory_space<vmem_shared>>
    %dma_start3A_632 = arith.constant 0 : i32
    %dma_start3A_633 = tpu.memref_slice %arg7[%dma_start3A_625, %dma_start3A_632] : memref<16x640xi32, #tpu.memory_space<vmem>> -> memref<1x640xi32, #tpu.memory_space<vmem>>
    %dma_start3A_634 = tpu.memref_squeeze %dma_start3A_633 : memref<1x640xi32, #tpu.memory_space<vmem>> -> memref<640xi32, #tpu.memory_space<vmem>>
    %dma_start3A_635 = arith.constant 0 : i32
    %dma_start3A_636 = tpu.memref_slice %arg8[%dma_start3A_624, %arg1, %dma_start3A_635] : memref<16x16x640xi32, #tpu.memory_space<vmem_shared>> -> memref<1x1x640xi32, #tpu.memory_space<vmem_shared>>
    %dma_start3A_637 = tpu.memref_squeeze %dma_start3A_636 : memref<1x1x640xi32, #tpu.memory_space<vmem_shared>> -> memref<640xi32, #tpu.memory_space<vmem_shared>>
    tpu.enqueue_dma source(%dma_start3A_637 : memref<640xi32, #tpu.memory_space<vmem_shared>>) target(%dma_start3A_634 : memref<640xi32, #tpu.memory_space<vmem>>) target_semaphore(%arg9 : memref<!tpu.dma_semaphore, #tpu.memory_space<semaphore_mem>>)
    %dma_start3A_638 = arith.constant 15 : i32
    %dma_start3A_639 = arith.constant 15 : i32
    %dma_start3A_640 = arith.constant 0 : i32
    %dma_start3A_641 = tpu.memref_slice %arg7[%dma_start3A_639, %dma_start3A_640] : memref<16x640xi32, #tpu.memory_space<vmem>> -> memref<1x640xi32, #tpu.memory_space<vmem>>
    %dma_start3A_642 = tpu.memref_squeeze %dma_start3A_641 : memref<1x640xi32, #tpu.memory_space<vmem>> -> memref<640xi32, #tpu.memory_space<vmem>>
    %dma_start3A_643 = arith.constant 0 : i32
    %dma_start3A_644 = tpu.memref_slice %arg8[%dma_start3A_638, %arg1, %dma_start3A_643] : memref<16x16x640xi32, #tpu.memory_space<vmem_shared>> -> memref<1x1x640xi32, #tpu.memory_space<vmem_shared>>
    %dma_start3A_645 = tpu.memref_squeeze %dma_start3A_644 : memref<1x1x640xi32, #tpu.memory_space<vmem_shared>> -> memref<640xi32, #tpu.memory_space<vmem_shared>>
    %dma_start3A_646 = arith.constant 0 : i32
    %dma_start3A_647 = tpu.memref_slice %arg7[%dma_start3A_639, %dma_start3A_646] : memref<16x640xi32, #tpu.memory_space<vmem>> -> memref<1x640xi32, #tpu.memory_space<vmem>>
    %dma_start3A_648 = tpu.memref_squeeze %dma_start3A_647 : memref<1x640xi32, #tpu.memory_space<vmem>> -> memref<640xi32, #tpu.memory_space<vmem>>
    %dma_start3A_649 = arith.constant 0 : i32
    %dma_start3A_650 = tpu.memref_slice %arg8[%dma_start3A_638, %arg1, %dma_start3A_649] : memref<16x16x640xi32, #tpu.memory_space<vmem_shared>> -> memref<1x1x640xi32, #tpu.memory_space<vmem_shared>>
    %dma_start3A_651 = tpu.memref_squeeze %dma_start3A_650 : memref<1x1x640xi32, #tpu.memory_space<vmem_shared>> -> memref<640xi32, #tpu.memory_space<vmem_shared>>
    tpu.enqueue_dma source(%dma_start3A_651 : memref<640xi32, #tpu.memory_space<vmem_shared>>) target(%dma_start3A_648 : memref<640xi32, #tpu.memory_space<vmem>>) target_semaphore(%arg9 : memref<!tpu.dma_semaphore, #tpu.memory_space<semaphore_mem>>)
    %dma_wait3A_652 = arith.constant 0 : i32
    %dma_wait3A_653 = arith.constant 0 : i32
    %dma_wait3A_654 = arith.constant 0 : i32
    %dma_wait3A_655 = tpu.memref_slice %arg7[%dma_wait3A_653, %dma_wait3A_654] : memref<16x640xi32, #tpu.memory_space<vmem>> -> memref<1x640xi32, #tpu.memory_space<vmem>>
    %dma_wait3A_656 = tpu.memref_squeeze %dma_wait3A_655 : memref<1x640xi32, #tpu.memory_space<vmem>> -> memref<640xi32, #tpu.memory_space<vmem>>
    %dma_wait3A_657 = arith.constant 0 : i32
    %dma_wait3A_658 = tpu.memref_slice %arg8[%dma_wait3A_652, %arg1, %dma_wait3A_657] : memref<16x16x640xi32, #tpu.memory_space<vmem_shared>> -> memref<1x1x640xi32, #tpu.memory_space<vmem_shared>>
    %dma_wait3A_659 = tpu.memref_squeeze %dma_wait3A_658 : memref<1x1x640xi32, #tpu.memory_space<vmem_shared>> -> memref<640xi32, #tpu.memory_space<vmem_shared>>
    %dma_wait3A_660 = arith.constant 0 : i32
    %dma_wait3A_661 = tpu.memref_slice %arg7[%dma_wait3A_653, %dma_wait3A_660] : memref<16x640xi32, #tpu.memory_space<vmem>> -> memref<1x640xi32, #tpu.memory_space<vmem>>
    %dma_wait3A_662 = tpu.memref_squeeze %dma_wait3A_661 : memref<1x640xi32, #tpu.memory_space<vmem>> -> memref<640xi32, #tpu.memory_space<vmem>>
    %dma_wait3A_663 = arith.constant 0 : i32
    %dma_wait3A_664 = tpu.memref_slice %arg8[%dma_wait3A_652, %arg1, %dma_wait3A_663] : memref<16x16x640xi32, #tpu.memory_space<vmem_shared>> -> memref<1x1x640xi32, #tpu.memory_space<vmem_shared>>
    %dma_wait3A_665 = tpu.memref_squeeze %dma_wait3A_664 : memref<1x1x640xi32, #tpu.memory_space<vmem_shared>> -> memref<640xi32, #tpu.memory_space<vmem_shared>>
    tpu.wait_dma2 semaphore(%arg9 : memref<!tpu.dma_semaphore, #tpu.memory_space<semaphore_mem>>) src(%dma_wait3A_665 : memref<640xi32, #tpu.memory_space<vmem_shared>>) dst(%dma_wait3A_662 : memref<640xi32, #tpu.memory_space<vmem>>)
    %dma_wait3A_666 = arith.constant 1 : i32
    %dma_wait3A_667 = arith.constant 1 : i32
    %dma_wait3A_668 = arith.constant 0 : i32
    %dma_wait3A_669 = tpu.memref_slice %arg7[%dma_wait3A_667, %dma_wait3A_668] : memref<16x640xi32, #tpu.memory_space<vmem>> -> memref<1x640xi32, #tpu.memory_space<vmem>>
    %dma_wait3A_670 = tpu.memref_squeeze %dma_wait3A_669 : memref<1x640xi32, #tpu.memory_space<vmem>> -> memref<640xi32, #tpu.memory_space<vmem>>
    %dma_wait3A_671 = arith.constant 0 : i32
    %dma_wait3A_672 = tpu.memref_slice %arg8[%dma_wait3A_666, %arg1, %dma_wait3A_671] : memref<16x16x640xi32, #tpu.memory_space<vmem_shared>> -> memref<1x1x640xi32, #tpu.memory_space<vmem_shared>>
    %dma_wait3A_673 = tpu.memref_squeeze %dma_wait3A_672 : memref<1x1x640xi32, #tpu.memory_space<vmem_shared>> -> memref<640xi32, #tpu.memory_space<vmem_shared>>
    %dma_wait3A_674 = arith.constant 0 : i32
    %dma_wait3A_675 = tpu.memref_slice %arg7[%dma_wait3A_667, %dma_wait3A_674] : memref<16x640xi32, #tpu.memory_space<vmem>> -> memref<1x640xi32, #tpu.memory_space<vmem>>
    %dma_wait3A_676 = tpu.memref_squeeze %dma_wait3A_675 : memref<1x640xi32, #tpu.memory_space<vmem>> -> memref<640xi32, #tpu.memory_space<vmem>>
    %dma_wait3A_677 = arith.constant 0 : i32
    %dma_wait3A_678 = tpu.memref_slice %arg8[%dma_wait3A_666, %arg1, %dma_wait3A_677] : memref<16x16x640xi32, #tpu.memory_space<vmem_shared>> -> memref<1x1x640xi32, #tpu.memory_space<vmem_shared>>
    %dma_wait3A_679 = tpu.memref_squeeze %dma_wait3A_678 : memref<1x1x640xi32, #tpu.memory_space<vmem_shared>> -> memref<640xi32, #tpu.memory_space<vmem_shared>>
    tpu.wait_dma2 semaphore(%arg9 : memref<!tpu.dma_semaphore, #tpu.memory_space<semaphore_mem>>) src(%dma_wait3A_679 : memref<640xi32, #tpu.memory_space<vmem_shared>>) dst(%dma_wait3A_676 : memref<640xi32, #tpu.memory_space<vmem>>)
    %dma_wait3A_680 = arith.constant 2 : i32
    %dma_wait3A_681 = arith.constant 2 : i32
    %dma_wait3A_682 = arith.constant 0 : i32
    %dma_wait3A_683 = tpu.memref_slice %arg7[%dma_wait3A_681, %dma_wait3A_682] : memref<16x640xi32, #tpu.memory_space<vmem>> -> memref<1x640xi32, #tpu.memory_space<vmem>>
    %dma_wait3A_684 = tpu.memref_squeeze %dma_wait3A_683 : memref<1x640xi32, #tpu.memory_space<vmem>> -> memref<640xi32, #tpu.memory_space<vmem>>
    %dma_wait3A_685 = arith.constant 0 : i32
    %dma_wait3A_686 = tpu.memref_slice %arg8[%dma_wait3A_680, %arg1, %dma_wait3A_685] : memref<16x16x640xi32, #tpu.memory_space<vmem_shared>> -> memref<1x1x640xi32, #tpu.memory_space<vmem_shared>>
    %dma_wait3A_687 = tpu.memref_squeeze %dma_wait3A_686 : memref<1x1x640xi32, #tpu.memory_space<vmem_shared>> -> memref<640xi32, #tpu.memory_space<vmem_shared>>
    %dma_wait3A_688 = arith.constant 0 : i32
    %dma_wait3A_689 = tpu.memref_slice %arg7[%dma_wait3A_681, %dma_wait3A_688] : memref<16x640xi32, #tpu.memory_space<vmem>> -> memref<1x640xi32, #tpu.memory_space<vmem>>
    %dma_wait3A_690 = tpu.memref_squeeze %dma_wait3A_689 : memref<1x640xi32, #tpu.memory_space<vmem>> -> memref<640xi32, #tpu.memory_space<vmem>>
    %dma_wait3A_691 = arith.constant 0 : i32
    %dma_wait3A_692 = tpu.memref_slice %arg8[%dma_wait3A_680, %arg1, %dma_wait3A_691] : memref<16x16x640xi32, #tpu.memory_space<vmem_shared>> -> memref<1x1x640xi32, #tpu.memory_space<vmem_shared>>
    %dma_wait3A_693 = tpu.memref_squeeze %dma_wait3A_692 : memref<1x1x640xi32, #tpu.memory_space<vmem_shared>> -> memref<640xi32, #tpu.memory_space<vmem_shared>>
    tpu.wait_dma2 semaphore(%arg9 : memref<!tpu.dma_semaphore, #tpu.memory_space<semaphore_mem>>) src(%dma_wait3A_693 : memref<640xi32, #tpu.memory_space<vmem_shared>>) dst(%dma_wait3A_690 : memref<640xi32, #tpu.memory_space<vmem>>)
    %dma_wait3A_694 = arith.constant 3 : i32
    %dma_wait3A_695 = arith.constant 3 : i32
    %dma_wait3A_696 = arith.constant 0 : i32
    %dma_wait3A_697 = tpu.memref_slice %arg7[%dma_wait3A_695, %dma_wait3A_696] : memref<16x640xi32, #tpu.memory_space<vmem>> -> memref<1x640xi32, #tpu.memory_space<vmem>>
    %dma_wait3A_698 = tpu.memref_squeeze %dma_wait3A_697 : memref<1x640xi32, #tpu.memory_space<vmem>> -> memref<640xi32, #tpu.memory_space<vmem>>
    %dma_wait3A_699 = arith.constant 0 : i32
    %dma_wait3A_700 = tpu.memref_slice %arg8[%dma_wait3A_694, %arg1, %dma_wait3A_699] : memref<16x16x640xi32, #tpu.memory_space<vmem_shared>> -> memref<1x1x640xi32, #tpu.memory_space<vmem_shared>>
    %dma_wait3A_701 = tpu.memref_squeeze %dma_wait3A_700 : memref<1x1x640xi32, #tpu.memory_space<vmem_shared>> -> memref<640xi32, #tpu.memory_space<vmem_shared>>
    %dma_wait3A_702 = arith.constant 0 : i32
    %dma_wait3A_703 = tpu.memref_slice %arg7[%dma_wait3A_695, %dma_wait3A_702] : memref<16x640xi32, #tpu.memory_space<vmem>> -> memref<1x640xi32, #tpu.memory_space<vmem>>
    %dma_wait3A_704 = tpu.memref_squeeze %dma_wait3A_703 : memref<1x640xi32, #tpu.memory_space<vmem>> -> memref<640xi32, #tpu.memory_space<vmem>>
    %dma_wait3A_705 = arith.constant 0 : i32
    %dma_wait3A_706 = tpu.memref_slice %arg8[%dma_wait3A_694, %arg1, %dma_wait3A_705] : memref<16x16x640xi32, #tpu.memory_space<vmem_shared>> -> memref<1x1x640xi32, #tpu.memory_space<vmem_shared>>
    %dma_wait3A_707 = tpu.memref_squeeze %dma_wait3A_706 : memref<1x1x640xi32, #tpu.memory_space<vmem_shared>> -> memref<640xi32, #tpu.memory_space<vmem_shared>>
    tpu.wait_dma2 semaphore(%arg9 : memref<!tpu.dma_semaphore, #tpu.memory_space<semaphore_mem>>) src(%dma_wait3A_707 : memref<640xi32, #tpu.memory_space<vmem_shared>>) dst(%dma_wait3A_704 : memref<640xi32, #tpu.memory_space<vmem>>)
    %dma_wait3A_708 = arith.constant 4 : i32
    %dma_wait3A_709 = arith.constant 4 : i32
    %dma_wait3A_710 = arith.constant 0 : i32
    %dma_wait3A_711 = tpu.memref_slice %arg7[%dma_wait3A_709, %dma_wait3A_710] : memref<16x640xi32, #tpu.memory_space<vmem>> -> memref<1x640xi32, #tpu.memory_space<vmem>>
    %dma_wait3A_712 = tpu.memref_squeeze %dma_wait3A_711 : memref<1x640xi32, #tpu.memory_space<vmem>> -> memref<640xi32, #tpu.memory_space<vmem>>
    %dma_wait3A_713 = arith.constant 0 : i32
    %dma_wait3A_714 = tpu.memref_slice %arg8[%dma_wait3A_708, %arg1, %dma_wait3A_713] : memref<16x16x640xi32, #tpu.memory_space<vmem_shared>> -> memref<1x1x640xi32, #tpu.memory_space<vmem_shared>>
    %dma_wait3A_715 = tpu.memref_squeeze %dma_wait3A_714 : memref<1x1x640xi32, #tpu.memory_space<vmem_shared>> -> memref<640xi32, #tpu.memory_space<vmem_shared>>
    %dma_wait3A_716 = arith.constant 0 : i32
    %dma_wait3A_717 = tpu.memref_slice %arg7[%dma_wait3A_709, %dma_wait3A_716] : memref<16x640xi32, #tpu.memory_space<vmem>> -> memref<1x640xi32, #tpu.memory_space<vmem>>
    %dma_wait3A_718 = tpu.memref_squeeze %dma_wait3A_717 : memref<1x640xi32, #tpu.memory_space<vmem>> -> memref<640xi32, #tpu.memory_space<vmem>>
    %dma_wait3A_719 = arith.constant 0 : i32
    %dma_wait3A_720 = tpu.memref_slice %arg8[%dma_wait3A_708, %arg1, %dma_wait3A_719] : memref<16x16x640xi32, #tpu.memory_space<vmem_shared>> -> memref<1x1x640xi32, #tpu.memory_space<vmem_shared>>
    %dma_wait3A_721 = tpu.memref_squeeze %dma_wait3A_720 : memref<1x1x640xi32, #tpu.memory_space<vmem_shared>> -> memref<640xi32, #tpu.memory_space<vmem_shared>>
    tpu.wait_dma2 semaphore(%arg9 : memref<!tpu.dma_semaphore, #tpu.memory_space<semaphore_mem>>) src(%dma_wait3A_721 : memref<640xi32, #tpu.memory_space<vmem_shared>>) dst(%dma_wait3A_718 : memref<640xi32, #tpu.memory_space<vmem>>)
    %dma_wait3A_722 = arith.constant 5 : i32
    %dma_wait3A_723 = arith.constant 5 : i32
    %dma_wait3A_724 = arith.constant 0 : i32
    %dma_wait3A_725 = tpu.memref_slice %arg7[%dma_wait3A_723, %dma_wait3A_724] : memref<16x640xi32, #tpu.memory_space<vmem>> -> memref<1x640xi32, #tpu.memory_space<vmem>>
    %dma_wait3A_726 = tpu.memref_squeeze %dma_wait3A_725 : memref<1x640xi32, #tpu.memory_space<vmem>> -> memref<640xi32, #tpu.memory_space<vmem>>
    %dma_wait3A_727 = arith.constant 0 : i32
    %dma_wait3A_728 = tpu.memref_slice %arg8[%dma_wait3A_722, %arg1, %dma_wait3A_727] : memref<16x16x640xi32, #tpu.memory_space<vmem_shared>> -> memref<1x1x640xi32, #tpu.memory_space<vmem_shared>>
    %dma_wait3A_729 = tpu.memref_squeeze %dma_wait3A_728 : memref<1x1x640xi32, #tpu.memory_space<vmem_shared>> -> memref<640xi32, #tpu.memory_space<vmem_shared>>
    %dma_wait3A_730 = arith.constant 0 : i32
    %dma_wait3A_731 = tpu.memref_slice %arg7[%dma_wait3A_723, %dma_wait3A_730] : memref<16x640xi32, #tpu.memory_space<vmem>> -> memref<1x640xi32, #tpu.memory_space<vmem>>
    %dma_wait3A_732 = tpu.memref_squeeze %dma_wait3A_731 : memref<1x640xi32, #tpu.memory_space<vmem>> -> memref<640xi32, #tpu.memory_space<vmem>>
    %dma_wait3A_733 = arith.constant 0 : i32
    %dma_wait3A_734 = tpu.memref_slice %arg8[%dma_wait3A_722, %arg1, %dma_wait3A_733] : memref<16x16x640xi32, #tpu.memory_space<vmem_shared>> -> memref<1x1x640xi32, #tpu.memory_space<vmem_shared>>
    %dma_wait3A_735 = tpu.memref_squeeze %dma_wait3A_734 : memref<1x1x640xi32, #tpu.memory_space<vmem_shared>> -> memref<640xi32, #tpu.memory_space<vmem_shared>>
    tpu.wait_dma2 semaphore(%arg9 : memref<!tpu.dma_semaphore, #tpu.memory_space<semaphore_mem>>) src(%dma_wait3A_735 : memref<640xi32, #tpu.memory_space<vmem_shared>>) dst(%dma_wait3A_732 : memref<640xi32, #tpu.memory_space<vmem>>)
    %dma_wait3A_736 = arith.constant 6 : i32
    %dma_wait3A_737 = arith.constant 6 : i32
    %dma_wait3A_738 = arith.constant 0 : i32
    %dma_wait3A_739 = tpu.memref_slice %arg7[%dma_wait3A_737, %dma_wait3A_738] : memref<16x640xi32, #tpu.memory_space<vmem>> -> memref<1x640xi32, #tpu.memory_space<vmem>>
    %dma_wait3A_740 = tpu.memref_squeeze %dma_wait3A_739 : memref<1x640xi32, #tpu.memory_space<vmem>> -> memref<640xi32, #tpu.memory_space<vmem>>
    %dma_wait3A_741 = arith.constant 0 : i32
    %dma_wait3A_742 = tpu.memref_slice %arg8[%dma_wait3A_736, %arg1, %dma_wait3A_741] : memref<16x16x640xi32, #tpu.memory_space<vmem_shared>> -> memref<1x1x640xi32, #tpu.memory_space<vmem_shared>>
    %dma_wait3A_743 = tpu.memref_squeeze %dma_wait3A_742 : memref<1x1x640xi32, #tpu.memory_space<vmem_shared>> -> memref<640xi32, #tpu.memory_space<vmem_shared>>
    %dma_wait3A_744 = arith.constant 0 : i32
    %dma_wait3A_745 = tpu.memref_slice %arg7[%dma_wait3A_737, %dma_wait3A_744] : memref<16x640xi32, #tpu.memory_space<vmem>> -> memref<1x640xi32, #tpu.memory_space<vmem>>
    %dma_wait3A_746 = tpu.memref_squeeze %dma_wait3A_745 : memref<1x640xi32, #tpu.memory_space<vmem>> -> memref<640xi32, #tpu.memory_space<vmem>>
    %dma_wait3A_747 = arith.constant 0 : i32
    %dma_wait3A_748 = tpu.memref_slice %arg8[%dma_wait3A_736, %arg1, %dma_wait3A_747] : memref<16x16x640xi32, #tpu.memory_space<vmem_shared>> -> memref<1x1x640xi32, #tpu.memory_space<vmem_shared>>
    %dma_wait3A_749 = tpu.memref_squeeze %dma_wait3A_748 : memref<1x1x640xi32, #tpu.memory_space<vmem_shared>> -> memref<640xi32, #tpu.memory_space<vmem_shared>>
    tpu.wait_dma2 semaphore(%arg9 : memref<!tpu.dma_semaphore, #tpu.memory_space<semaphore_mem>>) src(%dma_wait3A_749 : memref<640xi32, #tpu.memory_space<vmem_shared>>) dst(%dma_wait3A_746 : memref<640xi32, #tpu.memory_space<vmem>>)
    %dma_wait3A_750 = arith.constant 7 : i32
    %dma_wait3A_751 = arith.constant 7 : i32
    %dma_wait3A_752 = arith.constant 0 : i32
    %dma_wait3A_753 = tpu.memref_slice %arg7[%dma_wait3A_751, %dma_wait3A_752] : memref<16x640xi32, #tpu.memory_space<vmem>> -> memref<1x640xi32, #tpu.memory_space<vmem>>
    %dma_wait3A_754 = tpu.memref_squeeze %dma_wait3A_753 : memref<1x640xi32, #tpu.memory_space<vmem>> -> memref<640xi32, #tpu.memory_space<vmem>>
    %dma_wait3A_755 = arith.constant 0 : i32
    %dma_wait3A_756 = tpu.memref_slice %arg8[%dma_wait3A_750, %arg1, %dma_wait3A_755] : memref<16x16x640xi32, #tpu.memory_space<vmem_shared>> -> memref<1x1x640xi32, #tpu.memory_space<vmem_shared>>
    %dma_wait3A_757 = tpu.memref_squeeze %dma_wait3A_756 : memref<1x1x640xi32, #tpu.memory_space<vmem_shared>> -> memref<640xi32, #tpu.memory_space<vmem_shared>>
    %dma_wait3A_758 = arith.constant 0 : i32
    %dma_wait3A_759 = tpu.memref_slice %arg7[%dma_wait3A_751, %dma_wait3A_758] : memref<16x640xi32, #tpu.memory_space<vmem>> -> memref<1x640xi32, #tpu.memory_space<vmem>>
    %dma_wait3A_760 = tpu.memref_squeeze %dma_wait3A_759 : memref<1x640xi32, #tpu.memory_space<vmem>> -> memref<640xi32, #tpu.memory_space<vmem>>
    %dma_wait3A_761 = arith.constant 0 : i32
    %dma_wait3A_762 = tpu.memref_slice %arg8[%dma_wait3A_750, %arg1, %dma_wait3A_761] : memref<16x16x640xi32, #tpu.memory_space<vmem_shared>> -> memref<1x1x640xi32, #tpu.memory_space<vmem_shared>>
    %dma_wait3A_763 = tpu.memref_squeeze %dma_wait3A_762 : memref<1x1x640xi32, #tpu.memory_space<vmem_shared>> -> memref<640xi32, #tpu.memory_space<vmem_shared>>
    tpu.wait_dma2 semaphore(%arg9 : memref<!tpu.dma_semaphore, #tpu.memory_space<semaphore_mem>>) src(%dma_wait3A_763 : memref<640xi32, #tpu.memory_space<vmem_shared>>) dst(%dma_wait3A_760 : memref<640xi32, #tpu.memory_space<vmem>>)
    %dma_wait3A_764 = arith.constant 8 : i32
    %dma_wait3A_765 = arith.constant 8 : i32
    %dma_wait3A_766 = arith.constant 0 : i32
    %dma_wait3A_767 = tpu.memref_slice %arg7[%dma_wait3A_765, %dma_wait3A_766] : memref<16x640xi32, #tpu.memory_space<vmem>> -> memref<1x640xi32, #tpu.memory_space<vmem>>
    %dma_wait3A_768 = tpu.memref_squeeze %dma_wait3A_767 : memref<1x640xi32, #tpu.memory_space<vmem>> -> memref<640xi32, #tpu.memory_space<vmem>>
    %dma_wait3A_769 = arith.constant 0 : i32
    %dma_wait3A_770 = tpu.memref_slice %arg8[%dma_wait3A_764, %arg1, %dma_wait3A_769] : memref<16x16x640xi32, #tpu.memory_space<vmem_shared>> -> memref<1x1x640xi32, #tpu.memory_space<vmem_shared>>
    %dma_wait3A_771 = tpu.memref_squeeze %dma_wait3A_770 : memref<1x1x640xi32, #tpu.memory_space<vmem_shared>> -> memref<640xi32, #tpu.memory_space<vmem_shared>>
    %dma_wait3A_772 = arith.constant 0 : i32
    %dma_wait3A_773 = tpu.memref_slice %arg7[%dma_wait3A_765, %dma_wait3A_772] : memref<16x640xi32, #tpu.memory_space<vmem>> -> memref<1x640xi32, #tpu.memory_space<vmem>>
    %dma_wait3A_774 = tpu.memref_squeeze %dma_wait3A_773 : memref<1x640xi32, #tpu.memory_space<vmem>> -> memref<640xi32, #tpu.memory_space<vmem>>
    %dma_wait3A_775 = arith.constant 0 : i32
    %dma_wait3A_776 = tpu.memref_slice %arg8[%dma_wait3A_764, %arg1, %dma_wait3A_775] : memref<16x16x640xi32, #tpu.memory_space<vmem_shared>> -> memref<1x1x640xi32, #tpu.memory_space<vmem_shared>>
    %dma_wait3A_777 = tpu.memref_squeeze %dma_wait3A_776 : memref<1x1x640xi32, #tpu.memory_space<vmem_shared>> -> memref<640xi32, #tpu.memory_space<vmem_shared>>
    tpu.wait_dma2 semaphore(%arg9 : memref<!tpu.dma_semaphore, #tpu.memory_space<semaphore_mem>>) src(%dma_wait3A_777 : memref<640xi32, #tpu.memory_space<vmem_shared>>) dst(%dma_wait3A_774 : memref<640xi32, #tpu.memory_space<vmem>>)
    %dma_wait3A_778 = arith.constant 9 : i32
    %dma_wait3A_779 = arith.constant 9 : i32
    %dma_wait3A_780 = arith.constant 0 : i32
    %dma_wait3A_781 = tpu.memref_slice %arg7[%dma_wait3A_779, %dma_wait3A_780] : memref<16x640xi32, #tpu.memory_space<vmem>> -> memref<1x640xi32, #tpu.memory_space<vmem>>
    %dma_wait3A_782 = tpu.memref_squeeze %dma_wait3A_781 : memref<1x640xi32, #tpu.memory_space<vmem>> -> memref<640xi32, #tpu.memory_space<vmem>>
    %dma_wait3A_783 = arith.constant 0 : i32
    %dma_wait3A_784 = tpu.memref_slice %arg8[%dma_wait3A_778, %arg1, %dma_wait3A_783] : memref<16x16x640xi32, #tpu.memory_space<vmem_shared>> -> memref<1x1x640xi32, #tpu.memory_space<vmem_shared>>
    %dma_wait3A_785 = tpu.memref_squeeze %dma_wait3A_784 : memref<1x1x640xi32, #tpu.memory_space<vmem_shared>> -> memref<640xi32, #tpu.memory_space<vmem_shared>>
    %dma_wait3A_786 = arith.constant 0 : i32
    %dma_wait3A_787 = tpu.memref_slice %arg7[%dma_wait3A_779, %dma_wait3A_786] : memref<16x640xi32, #tpu.memory_space<vmem>> -> memref<1x640xi32, #tpu.memory_space<vmem>>
    %dma_wait3A_788 = tpu.memref_squeeze %dma_wait3A_787 : memref<1x640xi32, #tpu.memory_space<vmem>> -> memref<640xi32, #tpu.memory_space<vmem>>
    %dma_wait3A_789 = arith.constant 0 : i32
    %dma_wait3A_790 = tpu.memref_slice %arg8[%dma_wait3A_778, %arg1, %dma_wait3A_789] : memref<16x16x640xi32, #tpu.memory_space<vmem_shared>> -> memref<1x1x640xi32, #tpu.memory_space<vmem_shared>>
    %dma_wait3A_791 = tpu.memref_squeeze %dma_wait3A_790 : memref<1x1x640xi32, #tpu.memory_space<vmem_shared>> -> memref<640xi32, #tpu.memory_space<vmem_shared>>
    tpu.wait_dma2 semaphore(%arg9 : memref<!tpu.dma_semaphore, #tpu.memory_space<semaphore_mem>>) src(%dma_wait3A_791 : memref<640xi32, #tpu.memory_space<vmem_shared>>) dst(%dma_wait3A_788 : memref<640xi32, #tpu.memory_space<vmem>>)
    %dma_wait3A_792 = arith.constant 10 : i32
    %dma_wait3A_793 = arith.constant 10 : i32
    %dma_wait3A_794 = arith.constant 0 : i32
    %dma_wait3A_795 = tpu.memref_slice %arg7[%dma_wait3A_793, %dma_wait3A_794] : memref<16x640xi32, #tpu.memory_space<vmem>> -> memref<1x640xi32, #tpu.memory_space<vmem>>
    %dma_wait3A_796 = tpu.memref_squeeze %dma_wait3A_795 : memref<1x640xi32, #tpu.memory_space<vmem>> -> memref<640xi32, #tpu.memory_space<vmem>>
    %dma_wait3A_797 = arith.constant 0 : i32
    %dma_wait3A_798 = tpu.memref_slice %arg8[%dma_wait3A_792, %arg1, %dma_wait3A_797] : memref<16x16x640xi32, #tpu.memory_space<vmem_shared>> -> memref<1x1x640xi32, #tpu.memory_space<vmem_shared>>
    %dma_wait3A_799 = tpu.memref_squeeze %dma_wait3A_798 : memref<1x1x640xi32, #tpu.memory_space<vmem_shared>> -> memref<640xi32, #tpu.memory_space<vmem_shared>>
    %dma_wait3A_800 = arith.constant 0 : i32
    %dma_wait3A_801 = tpu.memref_slice %arg7[%dma_wait3A_793, %dma_wait3A_800] : memref<16x640xi32, #tpu.memory_space<vmem>> -> memref<1x640xi32, #tpu.memory_space<vmem>>
    %dma_wait3A_802 = tpu.memref_squeeze %dma_wait3A_801 : memref<1x640xi32, #tpu.memory_space<vmem>> -> memref<640xi32, #tpu.memory_space<vmem>>
    %dma_wait3A_803 = arith.constant 0 : i32
    %dma_wait3A_804 = tpu.memref_slice %arg8[%dma_wait3A_792, %arg1, %dma_wait3A_803] : memref<16x16x640xi32, #tpu.memory_space<vmem_shared>> -> memref<1x1x640xi32, #tpu.memory_space<vmem_shared>>
    %dma_wait3A_805 = tpu.memref_squeeze %dma_wait3A_804 : memref<1x1x640xi32, #tpu.memory_space<vmem_shared>> -> memref<640xi32, #tpu.memory_space<vmem_shared>>
    tpu.wait_dma2 semaphore(%arg9 : memref<!tpu.dma_semaphore, #tpu.memory_space<semaphore_mem>>) src(%dma_wait3A_805 : memref<640xi32, #tpu.memory_space<vmem_shared>>) dst(%dma_wait3A_802 : memref<640xi32, #tpu.memory_space<vmem>>)
    %dma_wait3A_806 = arith.constant 11 : i32
    %dma_wait3A_807 = arith.constant 11 : i32
    %dma_wait3A_808 = arith.constant 0 : i32
    %dma_wait3A_809 = tpu.memref_slice %arg7[%dma_wait3A_807, %dma_wait3A_808] : memref<16x640xi32, #tpu.memory_space<vmem>> -> memref<1x640xi32, #tpu.memory_space<vmem>>
    %dma_wait3A_810 = tpu.memref_squeeze %dma_wait3A_809 : memref<1x640xi32, #tpu.memory_space<vmem>> -> memref<640xi32, #tpu.memory_space<vmem>>
    %dma_wait3A_811 = arith.constant 0 : i32
    %dma_wait3A_812 = tpu.memref_slice %arg8[%dma_wait3A_806, %arg1, %dma_wait3A_811] : memref<16x16x640xi32, #tpu.memory_space<vmem_shared>> -> memref<1x1x640xi32, #tpu.memory_space<vmem_shared>>
    %dma_wait3A_813 = tpu.memref_squeeze %dma_wait3A_812 : memref<1x1x640xi32, #tpu.memory_space<vmem_shared>> -> memref<640xi32, #tpu.memory_space<vmem_shared>>
    %dma_wait3A_814 = arith.constant 0 : i32
    %dma_wait3A_815 = tpu.memref_slice %arg7[%dma_wait3A_807, %dma_wait3A_814] : memref<16x640xi32, #tpu.memory_space<vmem>> -> memref<1x640xi32, #tpu.memory_space<vmem>>
    %dma_wait3A_816 = tpu.memref_squeeze %dma_wait3A_815 : memref<1x640xi32, #tpu.memory_space<vmem>> -> memref<640xi32, #tpu.memory_space<vmem>>
    %dma_wait3A_817 = arith.constant 0 : i32
    %dma_wait3A_818 = tpu.memref_slice %arg8[%dma_wait3A_806, %arg1, %dma_wait3A_817] : memref<16x16x640xi32, #tpu.memory_space<vmem_shared>> -> memref<1x1x640xi32, #tpu.memory_space<vmem_shared>>
    %dma_wait3A_819 = tpu.memref_squeeze %dma_wait3A_818 : memref<1x1x640xi32, #tpu.memory_space<vmem_shared>> -> memref<640xi32, #tpu.memory_space<vmem_shared>>
    tpu.wait_dma2 semaphore(%arg9 : memref<!tpu.dma_semaphore, #tpu.memory_space<semaphore_mem>>) src(%dma_wait3A_819 : memref<640xi32, #tpu.memory_space<vmem_shared>>) dst(%dma_wait3A_816 : memref<640xi32, #tpu.memory_space<vmem>>)
    %dma_wait3A_820 = arith.constant 12 : i32
    %dma_wait3A_821 = arith.constant 12 : i32
    %dma_wait3A_822 = arith.constant 0 : i32
    %dma_wait3A_823 = tpu.memref_slice %arg7[%dma_wait3A_821, %dma_wait3A_822] : memref<16x640xi32, #tpu.memory_space<vmem>> -> memref<1x640xi32, #tpu.memory_space<vmem>>
    %dma_wait3A_824 = tpu.memref_squeeze %dma_wait3A_823 : memref<1x640xi32, #tpu.memory_space<vmem>> -> memref<640xi32, #tpu.memory_space<vmem>>
    %dma_wait3A_825 = arith.constant 0 : i32
    %dma_wait3A_826 = tpu.memref_slice %arg8[%dma_wait3A_820, %arg1, %dma_wait3A_825] : memref<16x16x640xi32, #tpu.memory_space<vmem_shared>> -> memref<1x1x640xi32, #tpu.memory_space<vmem_shared>>
    %dma_wait3A_827 = tpu.memref_squeeze %dma_wait3A_826 : memref<1x1x640xi32, #tpu.memory_space<vmem_shared>> -> memref<640xi32, #tpu.memory_space<vmem_shared>>
    %dma_wait3A_828 = arith.constant 0 : i32
    %dma_wait3A_829 = tpu.memref_slice %arg7[%dma_wait3A_821, %dma_wait3A_828] : memref<16x640xi32, #tpu.memory_space<vmem>> -> memref<1x640xi32, #tpu.memory_space<vmem>>
    %dma_wait3A_830 = tpu.memref_squeeze %dma_wait3A_829 : memref<1x640xi32, #tpu.memory_space<vmem>> -> memref<640xi32, #tpu.memory_space<vmem>>
    %dma_wait3A_831 = arith.constant 0 : i32
    %dma_wait3A_832 = tpu.memref_slice %arg8[%dma_wait3A_820, %arg1, %dma_wait3A_831] : memref<16x16x640xi32, #tpu.memory_space<vmem_shared>> -> memref<1x1x640xi32, #tpu.memory_space<vmem_shared>>
    %dma_wait3A_833 = tpu.memref_squeeze %dma_wait3A_832 : memref<1x1x640xi32, #tpu.memory_space<vmem_shared>> -> memref<640xi32, #tpu.memory_space<vmem_shared>>
    tpu.wait_dma2 semaphore(%arg9 : memref<!tpu.dma_semaphore, #tpu.memory_space<semaphore_mem>>) src(%dma_wait3A_833 : memref<640xi32, #tpu.memory_space<vmem_shared>>) dst(%dma_wait3A_830 : memref<640xi32, #tpu.memory_space<vmem>>)
    %dma_wait3A_834 = arith.constant 13 : i32
    %dma_wait3A_835 = arith.constant 13 : i32
    %dma_wait3A_836 = arith.constant 0 : i32
    %dma_wait3A_837 = tpu.memref_slice %arg7[%dma_wait3A_835, %dma_wait3A_836] : memref<16x640xi32, #tpu.memory_space<vmem>> -> memref<1x640xi32, #tpu.memory_space<vmem>>
    %dma_wait3A_838 = tpu.memref_squeeze %dma_wait3A_837 : memref<1x640xi32, #tpu.memory_space<vmem>> -> memref<640xi32, #tpu.memory_space<vmem>>
    %dma_wait3A_839 = arith.constant 0 : i32
    %dma_wait3A_840 = tpu.memref_slice %arg8[%dma_wait3A_834, %arg1, %dma_wait3A_839] : memref<16x16x640xi32, #tpu.memory_space<vmem_shared>> -> memref<1x1x640xi32, #tpu.memory_space<vmem_shared>>
    %dma_wait3A_841 = tpu.memref_squeeze %dma_wait3A_840 : memref<1x1x640xi32, #tpu.memory_space<vmem_shared>> -> memref<640xi32, #tpu.memory_space<vmem_shared>>
    %dma_wait3A_842 = arith.constant 0 : i32
    %dma_wait3A_843 = tpu.memref_slice %arg7[%dma_wait3A_835, %dma_wait3A_842] : memref<16x640xi32, #tpu.memory_space<vmem>> -> memref<1x640xi32, #tpu.memory_space<vmem>>
    %dma_wait3A_844 = tpu.memref_squeeze %dma_wait3A_843 : memref<1x640xi32, #tpu.memory_space<vmem>> -> memref<640xi32, #tpu.memory_space<vmem>>
    %dma_wait3A_845 = arith.constant 0 : i32
    %dma_wait3A_846 = tpu.memref_slice %arg8[%dma_wait3A_834, %arg1, %dma_wait3A_845] : memref<16x16x640xi32, #tpu.memory_space<vmem_shared>> -> memref<1x1x640xi32, #tpu.memory_space<vmem_shared>>
    %dma_wait3A_847 = tpu.memref_squeeze %dma_wait3A_846 : memref<1x1x640xi32, #tpu.memory_space<vmem_shared>> -> memref<640xi32, #tpu.memory_space<vmem_shared>>
    tpu.wait_dma2 semaphore(%arg9 : memref<!tpu.dma_semaphore, #tpu.memory_space<semaphore_mem>>) src(%dma_wait3A_847 : memref<640xi32, #tpu.memory_space<vmem_shared>>) dst(%dma_wait3A_844 : memref<640xi32, #tpu.memory_space<vmem>>)
    %dma_wait3A_848 = arith.constant 14 : i32
    %dma_wait3A_849 = arith.constant 14 : i32
    %dma_wait3A_850 = arith.constant 0 : i32
    %dma_wait3A_851 = tpu.memref_slice %arg7[%dma_wait3A_849, %dma_wait3A_850] : memref<16x640xi32, #tpu.memory_space<vmem>> -> memref<1x640xi32, #tpu.memory_space<vmem>>
    %dma_wait3A_852 = tpu.memref_squeeze %dma_wait3A_851 : memref<1x640xi32, #tpu.memory_space<vmem>> -> memref<640xi32, #tpu.memory_space<vmem>>
    %dma_wait3A_853 = arith.constant 0 : i32
    %dma_wait3A_854 = tpu.memref_slice %arg8[%dma_wait3A_848, %arg1, %dma_wait3A_853] : memref<16x16x640xi32, #tpu.memory_space<vmem_shared>> -> memref<1x1x640xi32, #tpu.memory_space<vmem_shared>>
    %dma_wait3A_855 = tpu.memref_squeeze %dma_wait3A_854 : memref<1x1x640xi32, #tpu.memory_space<vmem_shared>> -> memref<640xi32, #tpu.memory_space<vmem_shared>>
    %dma_wait3A_856 = arith.constant 0 : i32
    %dma_wait3A_857 = tpu.memref_slice %arg7[%dma_wait3A_849, %dma_wait3A_856] : memref<16x640xi32, #tpu.memory_space<vmem>> -> memref<1x640xi32, #tpu.memory_space<vmem>>
    %dma_wait3A_858 = tpu.memref_squeeze %dma_wait3A_857 : memref<1x640xi32, #tpu.memory_space<vmem>> -> memref<640xi32, #tpu.memory_space<vmem>>
    %dma_wait3A_859 = arith.constant 0 : i32
    %dma_wait3A_860 = tpu.memref_slice %arg8[%dma_wait3A_848, %arg1, %dma_wait3A_859] : memref<16x16x640xi32, #tpu.memory_space<vmem_shared>> -> memref<1x1x640xi32, #tpu.memory_space<vmem_shared>>
    %dma_wait3A_861 = tpu.memref_squeeze %dma_wait3A_860 : memref<1x1x640xi32, #tpu.memory_space<vmem_shared>> -> memref<640xi32, #tpu.memory_space<vmem_shared>>
    tpu.wait_dma2 semaphore(%arg9 : memref<!tpu.dma_semaphore, #tpu.memory_space<semaphore_mem>>) src(%dma_wait3A_861 : memref<640xi32, #tpu.memory_space<vmem_shared>>) dst(%dma_wait3A_858 : memref<640xi32, #tpu.memory_space<vmem>>)
    %dma_wait3A_862 = arith.constant 15 : i32
    %dma_wait3A_863 = arith.constant 15 : i32
    %dma_wait3A_864 = arith.constant 0 : i32
    %dma_wait3A_865 = tpu.memref_slice %arg7[%dma_wait3A_863, %dma_wait3A_864] : memref<16x640xi32, #tpu.memory_space<vmem>> -> memref<1x640xi32, #tpu.memory_space<vmem>>
    %dma_wait3A_866 = tpu.memref_squeeze %dma_wait3A_865 : memref<1x640xi32, #tpu.memory_space<vmem>> -> memref<640xi32, #tpu.memory_space<vmem>>
    %dma_wait3A_867 = arith.constant 0 : i32
    %dma_wait3A_868 = tpu.memref_slice %arg8[%dma_wait3A_862, %arg1, %dma_wait3A_867] : memref<16x16x640xi32, #tpu.memory_space<vmem_shared>> -> memref<1x1x640xi32, #tpu.memory_space<vmem_shared>>
    %dma_wait3A_869 = tpu.memref_squeeze %dma_wait3A_868 : memref<1x1x640xi32, #tpu.memory_space<vmem_shared>> -> memref<640xi32, #tpu.memory_space<vmem_shared>>
    %dma_wait3A_870 = arith.constant 0 : i32
    %dma_wait3A_871 = tpu.memref_slice %arg7[%dma_wait3A_863, %dma_wait3A_870] : memref<16x640xi32, #tpu.memory_space<vmem>> -> memref<1x640xi32, #tpu.memory_space<vmem>>
    %dma_wait3A_872 = tpu.memref_squeeze %dma_wait3A_871 : memref<1x640xi32, #tpu.memory_space<vmem>> -> memref<640xi32, #tpu.memory_space<vmem>>
    %dma_wait3A_873 = arith.constant 0 : i32
    %dma_wait3A_874 = tpu.memref_slice %arg8[%dma_wait3A_862, %arg1, %dma_wait3A_873] : memref<16x16x640xi32, #tpu.memory_space<vmem_shared>> -> memref<1x1x640xi32, #tpu.memory_space<vmem_shared>>
    %dma_wait3A_875 = tpu.memref_squeeze %dma_wait3A_874 : memref<1x1x640xi32, #tpu.memory_space<vmem_shared>> -> memref<640xi32, #tpu.memory_space<vmem_shared>>
    tpu.wait_dma2 semaphore(%arg9 : memref<!tpu.dma_semaphore, #tpu.memory_space<semaphore_mem>>) src(%dma_wait3A_875 : memref<640xi32, #tpu.memory_space<vmem_shared>>) dst(%dma_wait3A_872 : memref<640xi32, #tpu.memory_space<vmem>>)
    %scan3A_876 = arith.constant 0 : i32
    %scan3A_877 = arith.constant 0 : i32
    %scan3A_878 = arith.constant 40 : i32
    %scan3A_879 = arith.addi %scan3A_877, %scan3A_878 : i32
    %scan3A_880 = arith.constant 1 : i32
    scf.for %scan3A_887 = %scan3A_877 to %scan3A_879 step %scan3A_880  : i32 {
      %mul3A_888 = arith.constant 16 : i32
      %mul3A_889 = arith.muli %scan3A_887, %mul3A_888 : i32
      %get3A_890 = arith.constant 0 : i32
      %get3A_891 = arith.index_cast %get3A_890 : i32 to index
      %get3A_892 = arith.index_cast %mul3A_889 : i32 to index
      %get3A_893 = tpu.vector_load %arg7[%get3A_891, %get3A_892] {strides = array<i32>} : memref<16x640xi32, #tpu.memory_space<vmem>>, vector<16xi32>,
      %mul3A_894 = arith.constant 16 : i32
      %mul3A_895 = arith.muli %scan3A_887, %mul3A_894 : i32
      %get3A_896 = arith.constant 1 : i32
      %get3A_897 = arith.index_cast %get3A_896 : i32 to index
      %get3A_898 = arith.index_cast %mul3A_895 : i32 to index
      %get3A_899 = tpu.vector_load %arg7[%get3A_897, %get3A_898] {strides = array<i32>} : memref<16x640xi32, #tpu.memory_space<vmem>>, vector<16xi32>,
      %min3A_900 = arith.minsi %get3A_893, %get3A_899 : vector<16xi32>
      %mul3A_901 = arith.constant 16 : i32
      %mul3A_902 = arith.muli %scan3A_887, %mul3A_901 : i32
      %get3A_903 = arith.constant 2 : i32
      %get3A_904 = arith.index_cast %get3A_903 : i32 to index
      %get3A_905 = arith.index_cast %mul3A_902 : i32 to index
      %get3A_906 = tpu.vector_load %arg7[%get3A_904, %get3A_905] {strides = array<i32>} : memref<16x640xi32, #tpu.memory_space<vmem>>, vector<16xi32>,
      %min3A_907 = arith.minsi %min3A_900, %get3A_906 : vector<16xi32>
      %mul3A_908 = arith.constant 16 : i32
      %mul3A_909 = arith.muli %scan3A_887, %mul3A_908 : i32
      %get3A_910 = arith.constant 3 : i32
      %get3A_911 = arith.index_cast %get3A_910 : i32 to index
      %get3A_912 = arith.index_cast %mul3A_909 : i32 to index
      %get3A_913 = tpu.vector_load %arg7[%get3A_911, %get3A_912] {strides = array<i32>} : memref<16x640xi32, #tpu.memory_space<vmem>>, vector<16xi32>,
      %min3A_914 = arith.minsi %min3A_907, %get3A_913 : vector<16xi32>
      %mul3A_915 = arith.constant 16 : i32
      %mul3A_916 = arith.muli %scan3A_887, %mul3A_915 : i32
      %get3A_917 = arith.constant 4 : i32
      %get3A_918 = arith.index_cast %get3A_917 : i32 to index
      %get3A_919 = arith.index_cast %mul3A_916 : i32 to index
      %get3A_920 = tpu.vector_load %arg7[%get3A_918, %get3A_919] {strides = array<i32>} : memref<16x640xi32, #tpu.memory_space<vmem>>, vector<16xi32>,
      %min3A_921 = arith.minsi %min3A_914, %get3A_920 : vector<16xi32>
      %mul3A_922 = arith.constant 16 : i32
      %mul3A_923 = arith.muli %scan3A_887, %mul3A_922 : i32
      %get3A_924 = arith.constant 5 : i32
      %get3A_925 = arith.index_cast %get3A_924 : i32 to index
      %get3A_926 = arith.index_cast %mul3A_923 : i32 to index
      %get3A_927 = tpu.vector_load %arg7[%get3A_925, %get3A_926] {strides = array<i32>} : memref<16x640xi32, #tpu.memory_space<vmem>>, vector<16xi32>,
      %min3A_928 = arith.minsi %min3A_921, %get3A_927 : vector<16xi32>
      %mul3A_929 = arith.constant 16 : i32
      %mul3A_930 = arith.muli %scan3A_887, %mul3A_929 : i32
      %get3A_931 = arith.constant 6 : i32
      %get3A_932 = arith.index_cast %get3A_931 : i32 to index
      %get3A_933 = arith.index_cast %mul3A_930 : i32 to index
      %get3A_934 = tpu.vector_load %arg7[%get3A_932, %get3A_933] {strides = array<i32>} : memref<16x640xi32, #tpu.memory_space<vmem>>, vector<16xi32>,
      %min3A_935 = arith.minsi %min3A_928, %get3A_934 : vector<16xi32>
      %mul3A_936 = arith.constant 16 : i32
      %mul3A_937 = arith.muli %scan3A_887, %mul3A_936 : i32
      %get3A_938 = arith.constant 7 : i32
      %get3A_939 = arith.index_cast %get3A_938 : i32 to index
      %get3A_940 = arith.index_cast %mul3A_937 : i32 to index
      %get3A_941 = tpu.vector_load %arg7[%get3A_939, %get3A_940] {strides = array<i32>} : memref<16x640xi32, #tpu.memory_space<vmem>>, vector<16xi32>,
      %min3A_942 = arith.minsi %min3A_935, %get3A_941 : vector<16xi32>
      %mul3A_943 = arith.constant 16 : i32
      %mul3A_944 = arith.muli %scan3A_887, %mul3A_943 : i32
      %get3A_945 = arith.constant 8 : i32
      %get3A_946 = arith.index_cast %get3A_945 : i32 to index
      %get3A_947 = arith.index_cast %mul3A_944 : i32 to index
      %get3A_948 = tpu.vector_load %arg7[%get3A_946, %get3A_947] {strides = array<i32>} : memref<16x640xi32, #tpu.memory_space<vmem>>, vector<16xi32>,
      %min3A_949 = arith.minsi %min3A_942, %get3A_948 : vector<16xi32>
      %mul3A_950 = arith.constant 16 : i32
      %mul3A_951 = arith.muli %scan3A_887, %mul3A_950 : i32
      %get3A_952 = arith.constant 9 : i32
      %get3A_953 = arith.index_cast %get3A_952 : i32 to index
      %get3A_954 = arith.index_cast %mul3A_951 : i32 to index
      %get3A_955 = tpu.vector_load %arg7[%get3A_953, %get3A_954] {strides = array<i32>} : memref<16x640xi32, #tpu.memory_space<vmem>>, vector<16xi32>,
      %min3A_956 = arith.minsi %min3A_949, %get3A_955 : vector<16xi32>
      %mul3A_957 = arith.constant 16 : i32
      %mul3A_958 = arith.muli %scan3A_887, %mul3A_957 : i32
      %get3A_959 = arith.constant 10 : i32
      %get3A_960 = arith.index_cast %get3A_959 : i32 to index
      %get3A_961 = arith.index_cast %mul3A_958 : i32 to index
      %get3A_962 = tpu.vector_load %arg7[%get3A_960, %get3A_961] {strides = array<i32>} : memref<16x640xi32, #tpu.memory_space<vmem>>, vector<16xi32>,
      %min3A_963 = arith.minsi %min3A_956, %get3A_962 : vector<16xi32>
      %mul3A_964 = arith.constant 16 : i32
      %mul3A_965 = arith.muli %scan3A_887, %mul3A_964 : i32
      %get3A_966 = arith.constant 11 : i32
      %get3A_967 = arith.index_cast %get3A_966 : i32 to index
      %get3A_968 = arith.index_cast %mul3A_965 : i32 to index
      %get3A_969 = tpu.vector_load %arg7[%get3A_967, %get3A_968] {strides = array<i32>} : memref<16x640xi32, #tpu.memory_space<vmem>>, vector<16xi32>,
      %min3A_970 = arith.minsi %min3A_963, %get3A_969 : vector<16xi32>
      %mul3A_971 = arith.constant 16 : i32
      %mul3A_972 = arith.muli %scan3A_887, %mul3A_971 : i32
      %get3A_973 = arith.constant 12 : i32
      %get3A_974 = arith.index_cast %get3A_973 : i32 to index
      %get3A_975 = arith.index_cast %mul3A_972 : i32 to index
      %get3A_976 = tpu.vector_load %arg7[%get3A_974, %get3A_975] {strides = array<i32>} : memref<16x640xi32, #tpu.memory_space<vmem>>, vector<16xi32>,
      %min3A_977 = arith.minsi %min3A_970, %get3A_976 : vector<16xi32>
      %mul3A_978 = arith.constant 16 : i32
      %mul3A_979 = arith.muli %scan3A_887, %mul3A_978 : i32
      %get3A_980 = arith.constant 13 : i32
      %get3A_981 = arith.index_cast %get3A_980 : i32 to index
      %get3A_982 = arith.index_cast %mul3A_979 : i32 to index
      %get3A_983 = tpu.vector_load %arg7[%get3A_981, %get3A_982] {strides = array<i32>} : memref<16x640xi32, #tpu.memory_space<vmem>>, vector<16xi32>,
      %min3A_984 = arith.minsi %min3A_977, %get3A_983 : vector<16xi32>
      %mul3A_985 = arith.constant 16 : i32
      %mul3A_986 = arith.muli %scan3A_887, %mul3A_985 : i32
      %get3A_987 = arith.constant 14 : i32
      %get3A_988 = arith.index_cast %get3A_987 : i32 to index
      %get3A_989 = arith.index_cast %mul3A_986 : i32 to index
      %get3A_990 = tpu.vector_load %arg7[%get3A_988, %get3A_989] {strides = array<i32>} : memref<16x640xi32, #tpu.memory_space<vmem>>, vector<16xi32>,
      %min3A_991 = arith.minsi %min3A_984, %get3A_990 : vector<16xi32>
      %mul3A_992 = arith.constant 16 : i32
      %mul3A_993 = arith.muli %scan3A_887, %mul3A_992 : i32
      %get3A_994 = arith.constant 15 : i32
      %get3A_995 = arith.index_cast %get3A_994 : i32 to index
      %get3A_996 = arith.index_cast %mul3A_993 : i32 to index
      %get3A_997 = tpu.vector_load %arg7[%get3A_995, %get3A_996] {strides = array<i32>} : memref<16x640xi32, #tpu.memory_space<vmem>>, vector<16xi32>,
      %min3A_998 = arith.minsi %min3A_991, %get3A_997 : vector<16xi32>
      %mul3A_999 = arith.constant 16 : i32
      %mul3A_1000 = arith.muli %scan3A_887, %mul3A_999 : i32
      %swap3A = arith.index_cast %mul3A_1000 : i32 to index
      %swap3A_1001 = tpu.vector_load %arg4[%swap3A] {strides = array<i32>} : memref<10240xi32, #tpu.memory_space<vmem>>, vector<16xi32>,
      tpu.vector_store %arg4[%swap3A], %min3A_998 {strides = array<i32>} : memref<10240xi32, #tpu.memory_space<vmem>>, vector<16xi32>,
    }
    %scan3A_881 = arith.constant 40 : i32
    %mul3A_882 = arith.constant 10240 : i32
    %mul3A_883 = arith.muli %arg0, %mul3A_882 : i32
    %mul3A_884 = arith.constant 640 : i32
    %mul3A_885 = arith.muli %arg1, %mul3A_884 : i32
    %add3A_886 = arith.addi %mul3A_883, %mul3A_885 : i32
    "tpu.region"() ({
      %run_scoped3A = tpu.sem_alloc : memref<!tpu.dma_semaphore, #tpu.memory_space<semaphore_mem>>
      %dma_start3A_887 = arith.constant 0 : i32
      %dma_start3A_888 = tpu.memref_slice %arg4[%dma_start3A_887] : memref<10240xi32, #tpu.memory_space<vmem>> -> memref<640xi32, #tpu.memory_space<vmem>>
      %dma_start3A_889 = tpu.memref_slice %arg3[%add3A_886] : memref<20480xi32, #tpu.memory_space<hbm>> -> memref<640xi32, #tpu.memory_space<hbm>>
      %dma_start3A_890 = tpu.memref_slice %arg3[%add3A_886] : memref<20480xi32, #tpu.memory_space<hbm>> -> memref<640xi32, #tpu.memory_space<hbm>>
      %dma_start3A_891 = arith.constant 0 : i32
      %dma_start3A_892 = tpu.memref_slice %arg4[%dma_start3A_891] : memref<10240xi32, #tpu.memory_space<vmem>> -> memref<640xi32, #tpu.memory_space<vmem>>
      tpu.enqueue_dma source(%dma_start3A_892 : memref<640xi32, #tpu.memory_space<vmem>>) target(%dma_start3A_890 : memref<640xi32, #tpu.memory_space<hbm>>) target_semaphore(%run_scoped3A : memref<!tpu.dma_semaphore, #tpu.memory_space<semaphore_mem>>)
      %dma_wait3A_893 = arith.constant 0 : i32
      %dma_wait3A_894 = tpu.memref_slice %arg4[%dma_wait3A_893] : memref<10240xi32, #tpu.memory_space<vmem>> -> memref<640xi32, #tpu.memory_space<vmem>>
      %dma_wait3A_895 = tpu.memref_slice %arg3[%add3A_886] : memref<20480xi32, #tpu.memory_space<hbm>> -> memref<640xi32, #tpu.memory_space<hbm>>
      %dma_wait3A_896 = tpu.memref_slice %arg3[%add3A_886] : memref<20480xi32, #tpu.memory_space<hbm>> -> memref<640xi32, #tpu.memory_space<hbm>>
      %dma_wait3A_897 = arith.constant 0 : i32
      %dma_wait3A_898 = tpu.memref_slice %arg4[%dma_wait3A_897] : memref<10240xi32, #tpu.memory_space<vmem>> -> memref<640xi32, #tpu.memory_space<vmem>>
      tpu.wait_dma2 semaphore(%run_scoped3A : memref<!tpu.dma_semaphore, #tpu.memory_space<semaphore_mem>>) src(%dma_wait3A_898 : memref<640xi32, #tpu.memory_space<vmem>>) dst(%dma_wait3A_896 : memref<640xi32, #tpu.memory_space<hbm>>)
      tpu.yield
    }) : () -> ()
    return
  }
}

#map = affine_map<(d0, d1) -> (0)>
module attributes {stable_mosaic.version = 14 : i64} {
  func.func @_mask_call(%arg0: i32, %arg1: i32, %arg2: memref<20480xi32, #tpu.memory_space<hbm>>, %arg3: memref<10240xi32, #tpu.memory_space<hbm>>, %arg4: memref<10240xi32, #tpu.memory_space<hbm>>, %arg5: memref<640xi32, #tpu.memory_space<vmem>>, %arg6: memref<640xi32, #tpu.memory_space<vmem>>, %arg7: memref<640xi32, #tpu.memory_space<vmem>>, %arg8: memref<640xi32, #tpu.memory_space<vmem>>, %arg9: memref<16x640xi32, #tpu.memory_space<vmem>>, %arg10: memref<320xi32, #tpu.memory_space<vmem>>, %arg11: memref<320xi32, #tpu.memory_space<vmem>>, %arg12: memref<320xi32, #tpu.memory_space<vmem>>, %arg13: memref<320xi32, #tpu.memory_space<vmem>>, %arg14: memref<320xi32, #tpu.memory_space<vmem>>, %arg15: memref<16x640xi32, #tpu.memory_space<vmem_shared>>, %arg16: memref<!tpu.dma_semaphore, #tpu.memory_space<semaphore_mem>>) attributes {dimension_semantics = [#tpu.dimension_semantics<core_parallel>, #tpu.dimension_semantics<subcore_parallel>], iteration_bounds = array<i64: 2, 16>, scalar_prefetch = 0 : i64, scratch_operands = 12 : i64, tpu.core_type = #tpu.core_type<sc_vector_subcore>, window_params = [{transform_indices = #map}, {transform_indices = #map}, {transform_indices = #map}]} {
    %mul3A = arith.constant 16 : i32
    %mul3A_0 = arith.muli %arg0, %mul3A : i32
    %add3A = arith.addi %mul3A_0, %arg1 : i32
    %mul3A_1 = arith.constant 640 : i32
    %mul3A_2 = arith.muli %arg1, %mul3A_1 : i32
    %mul3A_3 = arith.constant 320 : i32
    %mul3A_4 = arith.muli %add3A, %mul3A_3 : i32
    %dma_start3A = tpu.memref_slice %arg2[%mul3A_2] : memref<20480xi32, #tpu.memory_space<hbm>> -> memref<640xi32, #tpu.memory_space<hbm>>
    %dma_start3A_5 = tpu.memref_slice %arg2[%mul3A_2] : memref<20480xi32, #tpu.memory_space<hbm>> -> memref<640xi32, #tpu.memory_space<hbm>>
    tpu.enqueue_dma source(%dma_start3A_5 : memref<640xi32, #tpu.memory_space<hbm>>) target(%arg5 : memref<640xi32, #tpu.memory_space<vmem>>) target_semaphore(%arg16 : memref<!tpu.dma_semaphore, #tpu.memory_space<semaphore_mem>>)
    %add3A_6 = arith.constant 10240 : i32
    %add3A_7 = arith.addi %add3A_6, %mul3A_2 : i32
    %dma_start3A_8 = tpu.memref_slice %arg2[%add3A_7] : memref<20480xi32, #tpu.memory_space<hbm>> -> memref<640xi32, #tpu.memory_space<hbm>>
    %dma_start3A_9 = tpu.memref_slice %arg2[%add3A_7] : memref<20480xi32, #tpu.memory_space<hbm>> -> memref<640xi32, #tpu.memory_space<hbm>>
    tpu.enqueue_dma source(%dma_start3A_9 : memref<640xi32, #tpu.memory_space<hbm>>) target(%arg6 : memref<640xi32, #tpu.memory_space<vmem>>) target_semaphore(%arg16 : memref<!tpu.dma_semaphore, #tpu.memory_space<semaphore_mem>>)
    %dma_start3A_10 = tpu.memref_slice %arg3[%mul3A_2] : memref<10240xi32, #tpu.memory_space<hbm>> -> memref<640xi32, #tpu.memory_space<hbm>>
    %dma_start3A_11 = tpu.memref_slice %arg3[%mul3A_2] : memref<10240xi32, #tpu.memory_space<hbm>> -> memref<640xi32, #tpu.memory_space<hbm>>
    tpu.enqueue_dma source(%dma_start3A_11 : memref<640xi32, #tpu.memory_space<hbm>>) target(%arg7 : memref<640xi32, #tpu.memory_space<vmem>>) target_semaphore(%arg16 : memref<!tpu.dma_semaphore, #tpu.memory_space<semaphore_mem>>)
    %dma_start3A_12 = tpu.memref_slice %arg2[%mul3A_4] : memref<20480xi32, #tpu.memory_space<hbm>> -> memref<320xi32, #tpu.memory_space<hbm>>
    %dma_start3A_13 = tpu.memref_slice %arg2[%mul3A_4] : memref<20480xi32, #tpu.memory_space<hbm>> -> memref<320xi32, #tpu.memory_space<hbm>>
    tpu.enqueue_dma source(%dma_start3A_13 : memref<320xi32, #tpu.memory_space<hbm>>) target(%arg10 : memref<320xi32, #tpu.memory_space<vmem>>) target_semaphore(%arg16 : memref<!tpu.dma_semaphore, #tpu.memory_space<semaphore_mem>>)
    %add3A_14 = arith.constant 10240 : i32
    %add3A_15 = arith.addi %add3A_14, %mul3A_4 : i32
    %dma_start3A_16 = tpu.memref_slice %arg2[%add3A_15] : memref<20480xi32, #tpu.memory_space<hbm>> -> memref<320xi32, #tpu.memory_space<hbm>>
    %dma_start3A_17 = tpu.memref_slice %arg2[%add3A_15] : memref<20480xi32, #tpu.memory_space<hbm>> -> memref<320xi32, #tpu.memory_space<hbm>>
    tpu.enqueue_dma source(%dma_start3A_17 : memref<320xi32, #tpu.memory_space<hbm>>) target(%arg11 : memref<320xi32, #tpu.memory_space<vmem>>) target_semaphore(%arg16 : memref<!tpu.dma_semaphore, #tpu.memory_space<semaphore_mem>>)
    %dma_start3A_18 = tpu.memref_slice %arg3[%mul3A_4] : memref<10240xi32, #tpu.memory_space<hbm>> -> memref<320xi32, #tpu.memory_space<hbm>>
    %dma_start3A_19 = tpu.memref_slice %arg3[%mul3A_4] : memref<10240xi32, #tpu.memory_space<hbm>> -> memref<320xi32, #tpu.memory_space<hbm>>
    tpu.enqueue_dma source(%dma_start3A_19 : memref<320xi32, #tpu.memory_space<hbm>>) target(%arg12 : memref<320xi32, #tpu.memory_space<vmem>>) target_semaphore(%arg16 : memref<!tpu.dma_semaphore, #tpu.memory_space<semaphore_mem>>)
    %broadcast_in_dim3A = arith.constant 0 : i32
    %broadcast_in_dim3A_20 = vector.broadcast %broadcast_in_dim3A : i32 to vector<16xi32>
    %scan3A = arith.constant 0 : i32
    %scan3A_21 = arith.constant 0 : i32
    %scan3A_22 = arith.constant 20 : i32
    %scan3A_23 = arith.addi %scan3A_21, %scan3A_22 : i32
    %scan3A_24 = arith.constant 1 : i32
    scf.for %scan3A_597 = %scan3A_21 to %scan3A_23 step %scan3A_24  : i32 {
      %mul3A_598 = arith.constant 16 : i32
      %mul3A_599 = arith.muli %scan3A_597, %mul3A_598 : i32
      %swap3A = arith.index_cast %mul3A_599 : i32 to index
      %swap3A_600 = tpu.vector_load %arg13[%swap3A] {strides = array<i32>} : memref<320xi32, #tpu.memory_space<vmem>>, vector<16xi32>,
      tpu.vector_store %arg13[%swap3A], %broadcast_in_dim3A_20 {strides = array<i32>} : memref<320xi32, #tpu.memory_space<vmem>>, vector<16xi32>,
    }
    %scan3A_25 = arith.constant 20 : i32
    %dma_wait3A = tpu.memref_slice %arg2[%mul3A_2] : memref<20480xi32, #tpu.memory_space<hbm>> -> memref<640xi32, #tpu.memory_space<hbm>>
    %dma_wait3A_26 = tpu.memref_slice %arg2[%mul3A_2] : memref<20480xi32, #tpu.memory_space<hbm>> -> memref<640xi32, #tpu.memory_space<hbm>>
    tpu.wait_dma2 semaphore(%arg16 : memref<!tpu.dma_semaphore, #tpu.memory_space<semaphore_mem>>) src(%dma_wait3A_26 : memref<640xi32, #tpu.memory_space<hbm>>) dst(%arg5 : memref<640xi32, #tpu.memory_space<vmem>>)
    %dma_wait3A_27 = tpu.memref_slice %arg2[%add3A_7] : memref<20480xi32, #tpu.memory_space<hbm>> -> memref<640xi32, #tpu.memory_space<hbm>>
    %dma_wait3A_28 = tpu.memref_slice %arg2[%add3A_7] : memref<20480xi32, #tpu.memory_space<hbm>> -> memref<640xi32, #tpu.memory_space<hbm>>
    tpu.wait_dma2 semaphore(%arg16 : memref<!tpu.dma_semaphore, #tpu.memory_space<semaphore_mem>>) src(%dma_wait3A_28 : memref<640xi32, #tpu.memory_space<hbm>>) dst(%arg6 : memref<640xi32, #tpu.memory_space<vmem>>)
    %dma_wait3A_29 = tpu.memref_slice %arg3[%mul3A_2] : memref<10240xi32, #tpu.memory_space<hbm>> -> memref<640xi32, #tpu.memory_space<hbm>>
    %dma_wait3A_30 = tpu.memref_slice %arg3[%mul3A_2] : memref<10240xi32, #tpu.memory_space<hbm>> -> memref<640xi32, #tpu.memory_space<hbm>>
    tpu.wait_dma2 semaphore(%arg16 : memref<!tpu.dma_semaphore, #tpu.memory_space<semaphore_mem>>) src(%dma_wait3A_30 : memref<640xi32, #tpu.memory_space<hbm>>) dst(%arg7 : memref<640xi32, #tpu.memory_space<vmem>>)
    %dma_wait3A_31 = tpu.memref_slice %arg2[%mul3A_4] : memref<20480xi32, #tpu.memory_space<hbm>> -> memref<320xi32, #tpu.memory_space<hbm>>
    %dma_wait3A_32 = tpu.memref_slice %arg2[%mul3A_4] : memref<20480xi32, #tpu.memory_space<hbm>> -> memref<320xi32, #tpu.memory_space<hbm>>
    tpu.wait_dma2 semaphore(%arg16 : memref<!tpu.dma_semaphore, #tpu.memory_space<semaphore_mem>>) src(%dma_wait3A_32 : memref<320xi32, #tpu.memory_space<hbm>>) dst(%arg10 : memref<320xi32, #tpu.memory_space<vmem>>)
    %dma_wait3A_33 = tpu.memref_slice %arg2[%add3A_15] : memref<20480xi32, #tpu.memory_space<hbm>> -> memref<320xi32, #tpu.memory_space<hbm>>
    %dma_wait3A_34 = tpu.memref_slice %arg2[%add3A_15] : memref<20480xi32, #tpu.memory_space<hbm>> -> memref<320xi32, #tpu.memory_space<hbm>>
    tpu.wait_dma2 semaphore(%arg16 : memref<!tpu.dma_semaphore, #tpu.memory_space<semaphore_mem>>) src(%dma_wait3A_34 : memref<320xi32, #tpu.memory_space<hbm>>) dst(%arg11 : memref<320xi32, #tpu.memory_space<vmem>>)
    %dma_wait3A_35 = tpu.memref_slice %arg3[%mul3A_4] : memref<10240xi32, #tpu.memory_space<hbm>> -> memref<320xi32, #tpu.memory_space<hbm>>
    %dma_wait3A_36 = tpu.memref_slice %arg3[%mul3A_4] : memref<10240xi32, #tpu.memory_space<hbm>> -> memref<320xi32, #tpu.memory_space<hbm>>
    tpu.wait_dma2 semaphore(%arg16 : memref<!tpu.dma_semaphore, #tpu.memory_space<semaphore_mem>>) src(%dma_wait3A_36 : memref<320xi32, #tpu.memory_space<hbm>>) dst(%arg12 : memref<320xi32, #tpu.memory_space<vmem>>)
    %scan3A_37 = arith.constant 0 : i32
    %scan3A_38 = arith.constant 0 : i32
    %scan3A_39 = arith.constant 20 : i32
    %scan3A_40 = arith.addi %scan3A_38, %scan3A_39 : i32
    %scan3A_41 = arith.constant 1 : i32
    scf.for %scan3A_597 = %scan3A_38 to %scan3A_40 step %scan3A_41  : i32 {
      %mul3A_598 = arith.constant 2 : i32
      %mul3A_599 = arith.muli %scan3A_597, %mul3A_598 : i32
      %add3A_600 = arith.constant 0 : i32
      %add3A_601 = arith.addi %mul3A_599, %add3A_600 : i32
      %mul3A_602 = arith.constant 16 : i32
      %mul3A_603 = arith.muli %add3A_601, %mul3A_602 : i32
      %get3A = arith.index_cast %mul3A_603 : i32 to index
      %get3A_604 = tpu.vector_load %arg5[%get3A] {strides = array<i32>} : memref<640xi32, #tpu.memory_space<vmem>>, vector<16xi32>,
      %get3A_605 = arith.index_cast %mul3A_603 : i32 to index
      %get3A_606 = tpu.vector_load %arg6[%get3A_605] {strides = array<i32>} : memref<640xi32, #tpu.memory_space<vmem>>, vector<16xi32>,
      %min3A = arith.minsi %get3A_604, %get3A_606 : vector<16xi32>
      %get3A_607 = arith.index_cast %mul3A_603 : i32 to index
      %get3A_608 = tpu.vector_load %arg7[%get3A_607] {strides = array<i32>} : memref<640xi32, #tpu.memory_space<vmem>>, vector<16xi32>,
      %ne3A = arith.constant 0 : i32
      %ne3A_609 = vector.broadcast %ne3A : i32 to vector<16xi32>
      %ne3A_610 = arith.cmpi ne, %get3A_608, %ne3A_609 : vector<16xi32>
      %lt3A = arith.constant 10000 : i32
      %lt3A_611 = vector.broadcast %lt3A : i32 to vector<16xi32>
      %lt3A_612 = arith.cmpi slt, %min3A, %lt3A_611 : vector<16xi32>
      %and3A = arith.andi %ne3A_610, %lt3A_612 : vector<16xi1>
      %jit3A = arith.constant -1 : i32
      %broadcast_in_dim3A_613 = vector.broadcast %jit3A : i32 to vector<16xi32>
      %select_n3A = arith.select %and3A, %min3A, %broadcast_in_dim3A_613 : vector<16xi1>, vector<16xi32>
      %swap3A = arith.index_cast %mul3A_603 : i32 to index
      %swap3A_614 = tpu.vector_load %arg8[%swap3A] {strides = array<i32>} : memref<640xi32, #tpu.memory_space<vmem>>, vector<16xi32>,
      tpu.vector_store %arg8[%swap3A], %select_n3A {strides = array<i32>} : memref<640xi32, #tpu.memory_space<vmem>>, vector<16xi32>,
      %mul3A_615 = arith.constant 2 : i32
      %mul3A_616 = arith.muli %scan3A_597, %mul3A_615 : i32
      %add3A_617 = arith.constant 1 : i32
      %add3A_618 = arith.addi %mul3A_616, %add3A_617 : i32
      %mul3A_619 = arith.constant 16 : i32
      %mul3A_620 = arith.muli %add3A_618, %mul3A_619 : i32
      %get3A_621 = arith.index_cast %mul3A_620 : i32 to index
      %get3A_622 = tpu.vector_load %arg5[%get3A_621] {strides = array<i32>} : memref<640xi32, #tpu.memory_space<vmem>>, vector<16xi32>,
      %get3A_623 = arith.index_cast %mul3A_620 : i32 to index
      %get3A_624 = tpu.vector_load %arg6[%get3A_623] {strides = array<i32>} : memref<640xi32, #tpu.memory_space<vmem>>, vector<16xi32>,
      %min3A_625 = arith.minsi %get3A_622, %get3A_624 : vector<16xi32>
      %get3A_626 = arith.index_cast %mul3A_620 : i32 to index
      %get3A_627 = tpu.vector_load %arg7[%get3A_626] {strides = array<i32>} : memref<640xi32, #tpu.memory_space<vmem>>, vector<16xi32>,
      %ne3A_628 = arith.constant 0 : i32
      %ne3A_629 = vector.broadcast %ne3A_628 : i32 to vector<16xi32>
      %ne3A_630 = arith.cmpi ne, %get3A_627, %ne3A_629 : vector<16xi32>
      %lt3A_631 = arith.constant 10000 : i32
      %lt3A_632 = vector.broadcast %lt3A_631 : i32 to vector<16xi32>
      %lt3A_633 = arith.cmpi slt, %min3A_625, %lt3A_632 : vector<16xi32>
      %and3A_634 = arith.andi %ne3A_630, %lt3A_633 : vector<16xi1>
      %jit3A_635 = arith.constant -1 : i32
      %broadcast_in_dim3A_636 = vector.broadcast %jit3A_635 : i32 to vector<16xi32>
      %select_n3A_637 = arith.select %and3A_634, %min3A_625, %broadcast_in_dim3A_636 : vector<16xi1>, vector<16xi32>
      %swap3A_638 = arith.index_cast %mul3A_620 : i32 to index
      %swap3A_639 = tpu.vector_load %arg8[%swap3A_638] {strides = array<i32>} : memref<640xi32, #tpu.memory_space<vmem>>, vector<16xi32>,
      tpu.vector_store %arg8[%swap3A_638], %select_n3A_637 {strides = array<i32>} : memref<640xi32, #tpu.memory_space<vmem>>, vector<16xi32>,
    }
    %scan3A_42 = arith.constant 20 : i32
    "tpu.region"() ({
      %run_scoped3A = tpu.sem_alloc : memref<!tpu.dma_semaphore, #tpu.memory_space<semaphore_mem>>
      %dma_start3A_597 = arith.constant 0 : i32
      %dma_start3A_598 = tpu.memref_slice %arg15[%arg1, %dma_start3A_597] : memref<16x640xi32, #tpu.memory_space<vmem_shared>> -> memref<1x640xi32, #tpu.memory_space<vmem_shared>>
      %dma_start3A_599 = tpu.memref_squeeze %dma_start3A_598 : memref<1x640xi32, #tpu.memory_space<vmem_shared>> -> memref<640xi32, #tpu.memory_space<vmem_shared>>
      %dma_start3A_600 = arith.constant 0 : i32
      %dma_start3A_601 = tpu.memref_slice %arg15[%arg1, %dma_start3A_600] : memref<16x640xi32, #tpu.memory_space<vmem_shared>> -> memref<1x640xi32, #tpu.memory_space<vmem_shared>>
      %dma_start3A_602 = tpu.memref_squeeze %dma_start3A_601 : memref<1x640xi32, #tpu.memory_space<vmem_shared>> -> memref<640xi32, #tpu.memory_space<vmem_shared>>
      tpu.enqueue_dma source(%arg8 : memref<640xi32, #tpu.memory_space<vmem>>) target(%dma_start3A_602 : memref<640xi32, #tpu.memory_space<vmem_shared>>) target_semaphore(%run_scoped3A : memref<!tpu.dma_semaphore, #tpu.memory_space<semaphore_mem>>)
      %dma_wait3A_603 = arith.constant 0 : i32
      %dma_wait3A_604 = tpu.memref_slice %arg15[%arg1, %dma_wait3A_603] : memref<16x640xi32, #tpu.memory_space<vmem_shared>> -> memref<1x640xi32, #tpu.memory_space<vmem_shared>>
      %dma_wait3A_605 = tpu.memref_squeeze %dma_wait3A_604 : memref<1x640xi32, #tpu.memory_space<vmem_shared>> -> memref<640xi32, #tpu.memory_space<vmem_shared>>
      %dma_wait3A_606 = arith.constant 0 : i32
      %dma_wait3A_607 = tpu.memref_slice %arg15[%arg1, %dma_wait3A_606] : memref<16x640xi32, #tpu.memory_space<vmem_shared>> -> memref<1x640xi32, #tpu.memory_space<vmem_shared>>
      %dma_wait3A_608 = tpu.memref_squeeze %dma_wait3A_607 : memref<1x640xi32, #tpu.memory_space<vmem_shared>> -> memref<640xi32, #tpu.memory_space<vmem_shared>>
      tpu.wait_dma2 semaphore(%run_scoped3A : memref<!tpu.dma_semaphore, #tpu.memory_space<semaphore_mem>>) src(%arg8 : memref<640xi32, #tpu.memory_space<vmem>>) dst(%dma_wait3A_608 : memref<640xi32, #tpu.memory_space<vmem_shared>>)
      tpu.yield
    }) : () -> ()
    %barrier3A = arith.constant 0 : index
    tpu.barrier barrier_id(%barrier3A)
    %dma_start3A_43 = arith.constant 0 : i32
    %dma_start3A_44 = arith.constant 0 : i32
    %dma_start3A_45 = arith.constant 0 : i32
    %dma_start3A_46 = tpu.memref_slice %arg9[%dma_start3A_44, %dma_start3A_45] : memref<16x640xi32, #tpu.memory_space<vmem>> -> memref<1x640xi32, #tpu.memory_space<vmem>>
    %dma_start3A_47 = tpu.memref_squeeze %dma_start3A_46 : memref<1x640xi32, #tpu.memory_space<vmem>> -> memref<640xi32, #tpu.memory_space<vmem>>
    %dma_start3A_48 = arith.constant 0 : i32
    %dma_start3A_49 = tpu.memref_slice %arg15[%dma_start3A_43, %dma_start3A_48] : memref<16x640xi32, #tpu.memory_space<vmem_shared>> -> memref<1x640xi32, #tpu.memory_space<vmem_shared>>
    %dma_start3A_50 = tpu.memref_squeeze %dma_start3A_49 : memref<1x640xi32, #tpu.memory_space<vmem_shared>> -> memref<640xi32, #tpu.memory_space<vmem_shared>>
    %dma_start3A_51 = arith.constant 0 : i32
    %dma_start3A_52 = tpu.memref_slice %arg9[%dma_start3A_44, %dma_start3A_51] : memref<16x640xi32, #tpu.memory_space<vmem>> -> memref<1x640xi32, #tpu.memory_space<vmem>>
    %dma_start3A_53 = tpu.memref_squeeze %dma_start3A_52 : memref<1x640xi32, #tpu.memory_space<vmem>> -> memref<640xi32, #tpu.memory_space<vmem>>
    %dma_start3A_54 = arith.constant 0 : i32
    %dma_start3A_55 = tpu.memref_slice %arg15[%dma_start3A_43, %dma_start3A_54] : memref<16x640xi32, #tpu.memory_space<vmem_shared>> -> memref<1x640xi32, #tpu.memory_space<vmem_shared>>
    %dma_start3A_56 = tpu.memref_squeeze %dma_start3A_55 : memref<1x640xi32, #tpu.memory_space<vmem_shared>> -> memref<640xi32, #tpu.memory_space<vmem_shared>>
    tpu.enqueue_dma source(%dma_start3A_56 : memref<640xi32, #tpu.memory_space<vmem_shared>>) target(%dma_start3A_53 : memref<640xi32, #tpu.memory_space<vmem>>) target_semaphore(%arg16 : memref<!tpu.dma_semaphore, #tpu.memory_space<semaphore_mem>>)
    %dma_start3A_57 = arith.constant 1 : i32
    %dma_start3A_58 = arith.constant 1 : i32
    %dma_start3A_59 = arith.constant 0 : i32
    %dma_start3A_60 = tpu.memref_slice %arg9[%dma_start3A_58, %dma_start3A_59] : memref<16x640xi32, #tpu.memory_space<vmem>> -> memref<1x640xi32, #tpu.memory_space<vmem>>
    %dma_start3A_61 = tpu.memref_squeeze %dma_start3A_60 : memref<1x640xi32, #tpu.memory_space<vmem>> -> memref<640xi32, #tpu.memory_space<vmem>>
    %dma_start3A_62 = arith.constant 0 : i32
    %dma_start3A_63 = tpu.memref_slice %arg15[%dma_start3A_57, %dma_start3A_62] : memref<16x640xi32, #tpu.memory_space<vmem_shared>> -> memref<1x640xi32, #tpu.memory_space<vmem_shared>>
    %dma_start3A_64 = tpu.memref_squeeze %dma_start3A_63 : memref<1x640xi32, #tpu.memory_space<vmem_shared>> -> memref<640xi32, #tpu.memory_space<vmem_shared>>
    %dma_start3A_65 = arith.constant 0 : i32
    %dma_start3A_66 = tpu.memref_slice %arg9[%dma_start3A_58, %dma_start3A_65] : memref<16x640xi32, #tpu.memory_space<vmem>> -> memref<1x640xi32, #tpu.memory_space<vmem>>
    %dma_start3A_67 = tpu.memref_squeeze %dma_start3A_66 : memref<1x640xi32, #tpu.memory_space<vmem>> -> memref<640xi32, #tpu.memory_space<vmem>>
    %dma_start3A_68 = arith.constant 0 : i32
    %dma_start3A_69 = tpu.memref_slice %arg15[%dma_start3A_57, %dma_start3A_68] : memref<16x640xi32, #tpu.memory_space<vmem_shared>> -> memref<1x640xi32, #tpu.memory_space<vmem_shared>>
    %dma_start3A_70 = tpu.memref_squeeze %dma_start3A_69 : memref<1x640xi32, #tpu.memory_space<vmem_shared>> -> memref<640xi32, #tpu.memory_space<vmem_shared>>
    tpu.enqueue_dma source(%dma_start3A_70 : memref<640xi32, #tpu.memory_space<vmem_shared>>) target(%dma_start3A_67 : memref<640xi32, #tpu.memory_space<vmem>>) target_semaphore(%arg16 : memref<!tpu.dma_semaphore, #tpu.memory_space<semaphore_mem>>)
    %dma_start3A_71 = arith.constant 2 : i32
    %dma_start3A_72 = arith.constant 2 : i32
    %dma_start3A_73 = arith.constant 0 : i32
    %dma_start3A_74 = tpu.memref_slice %arg9[%dma_start3A_72, %dma_start3A_73] : memref<16x640xi32, #tpu.memory_space<vmem>> -> memref<1x640xi32, #tpu.memory_space<vmem>>
    %dma_start3A_75 = tpu.memref_squeeze %dma_start3A_74 : memref<1x640xi32, #tpu.memory_space<vmem>> -> memref<640xi32, #tpu.memory_space<vmem>>
    %dma_start3A_76 = arith.constant 0 : i32
    %dma_start3A_77 = tpu.memref_slice %arg15[%dma_start3A_71, %dma_start3A_76] : memref<16x640xi32, #tpu.memory_space<vmem_shared>> -> memref<1x640xi32, #tpu.memory_space<vmem_shared>>
    %dma_start3A_78 = tpu.memref_squeeze %dma_start3A_77 : memref<1x640xi32, #tpu.memory_space<vmem_shared>> -> memref<640xi32, #tpu.memory_space<vmem_shared>>
    %dma_start3A_79 = arith.constant 0 : i32
    %dma_start3A_80 = tpu.memref_slice %arg9[%dma_start3A_72, %dma_start3A_79] : memref<16x640xi32, #tpu.memory_space<vmem>> -> memref<1x640xi32, #tpu.memory_space<vmem>>
    %dma_start3A_81 = tpu.memref_squeeze %dma_start3A_80 : memref<1x640xi32, #tpu.memory_space<vmem>> -> memref<640xi32, #tpu.memory_space<vmem>>
    %dma_start3A_82 = arith.constant 0 : i32
    %dma_start3A_83 = tpu.memref_slice %arg15[%dma_start3A_71, %dma_start3A_82] : memref<16x640xi32, #tpu.memory_space<vmem_shared>> -> memref<1x640xi32, #tpu.memory_space<vmem_shared>>
    %dma_start3A_84 = tpu.memref_squeeze %dma_start3A_83 : memref<1x640xi32, #tpu.memory_space<vmem_shared>> -> memref<640xi32, #tpu.memory_space<vmem_shared>>
    tpu.enqueue_dma source(%dma_start3A_84 : memref<640xi32, #tpu.memory_space<vmem_shared>>) target(%dma_start3A_81 : memref<640xi32, #tpu.memory_space<vmem>>) target_semaphore(%arg16 : memref<!tpu.dma_semaphore, #tpu.memory_space<semaphore_mem>>)
    %dma_start3A_85 = arith.constant 3 : i32
    %dma_start3A_86 = arith.constant 3 : i32
    %dma_start3A_87 = arith.constant 0 : i32
    %dma_start3A_88 = tpu.memref_slice %arg9[%dma_start3A_86, %dma_start3A_87] : memref<16x640xi32, #tpu.memory_space<vmem>> -> memref<1x640xi32, #tpu.memory_space<vmem>>
    %dma_start3A_89 = tpu.memref_squeeze %dma_start3A_88 : memref<1x640xi32, #tpu.memory_space<vmem>> -> memref<640xi32, #tpu.memory_space<vmem>>
    %dma_start3A_90 = arith.constant 0 : i32
    %dma_start3A_91 = tpu.memref_slice %arg15[%dma_start3A_85, %dma_start3A_90] : memref<16x640xi32, #tpu.memory_space<vmem_shared>> -> memref<1x640xi32, #tpu.memory_space<vmem_shared>>
    %dma_start3A_92 = tpu.memref_squeeze %dma_start3A_91 : memref<1x640xi32, #tpu.memory_space<vmem_shared>> -> memref<640xi32, #tpu.memory_space<vmem_shared>>
    %dma_start3A_93 = arith.constant 0 : i32
    %dma_start3A_94 = tpu.memref_slice %arg9[%dma_start3A_86, %dma_start3A_93] : memref<16x640xi32, #tpu.memory_space<vmem>> -> memref<1x640xi32, #tpu.memory_space<vmem>>
    %dma_start3A_95 = tpu.memref_squeeze %dma_start3A_94 : memref<1x640xi32, #tpu.memory_space<vmem>> -> memref<640xi32, #tpu.memory_space<vmem>>
    %dma_start3A_96 = arith.constant 0 : i32
    %dma_start3A_97 = tpu.memref_slice %arg15[%dma_start3A_85, %dma_start3A_96] : memref<16x640xi32, #tpu.memory_space<vmem_shared>> -> memref<1x640xi32, #tpu.memory_space<vmem_shared>>
    %dma_start3A_98 = tpu.memref_squeeze %dma_start3A_97 : memref<1x640xi32, #tpu.memory_space<vmem_shared>> -> memref<640xi32, #tpu.memory_space<vmem_shared>>
    tpu.enqueue_dma source(%dma_start3A_98 : memref<640xi32, #tpu.memory_space<vmem_shared>>) target(%dma_start3A_95 : memref<640xi32, #tpu.memory_space<vmem>>) target_semaphore(%arg16 : memref<!tpu.dma_semaphore, #tpu.memory_space<semaphore_mem>>)
    %dma_start3A_99 = arith.constant 4 : i32
    %dma_start3A_100 = arith.constant 4 : i32
    %dma_start3A_101 = arith.constant 0 : i32
    %dma_start3A_102 = tpu.memref_slice %arg9[%dma_start3A_100, %dma_start3A_101] : memref<16x640xi32, #tpu.memory_space<vmem>> -> memref<1x640xi32, #tpu.memory_space<vmem>>
    %dma_start3A_103 = tpu.memref_squeeze %dma_start3A_102 : memref<1x640xi32, #tpu.memory_space<vmem>> -> memref<640xi32, #tpu.memory_space<vmem>>
    %dma_start3A_104 = arith.constant 0 : i32
    %dma_start3A_105 = tpu.memref_slice %arg15[%dma_start3A_99, %dma_start3A_104] : memref<16x640xi32, #tpu.memory_space<vmem_shared>> -> memref<1x640xi32, #tpu.memory_space<vmem_shared>>
    %dma_start3A_106 = tpu.memref_squeeze %dma_start3A_105 : memref<1x640xi32, #tpu.memory_space<vmem_shared>> -> memref<640xi32, #tpu.memory_space<vmem_shared>>
    %dma_start3A_107 = arith.constant 0 : i32
    %dma_start3A_108 = tpu.memref_slice %arg9[%dma_start3A_100, %dma_start3A_107] : memref<16x640xi32, #tpu.memory_space<vmem>> -> memref<1x640xi32, #tpu.memory_space<vmem>>
    %dma_start3A_109 = tpu.memref_squeeze %dma_start3A_108 : memref<1x640xi32, #tpu.memory_space<vmem>> -> memref<640xi32, #tpu.memory_space<vmem>>
    %dma_start3A_110 = arith.constant 0 : i32
    %dma_start3A_111 = tpu.memref_slice %arg15[%dma_start3A_99, %dma_start3A_110] : memref<16x640xi32, #tpu.memory_space<vmem_shared>> -> memref<1x640xi32, #tpu.memory_space<vmem_shared>>
    %dma_start3A_112 = tpu.memref_squeeze %dma_start3A_111 : memref<1x640xi32, #tpu.memory_space<vmem_shared>> -> memref<640xi32, #tpu.memory_space<vmem_shared>>
    tpu.enqueue_dma source(%dma_start3A_112 : memref<640xi32, #tpu.memory_space<vmem_shared>>) target(%dma_start3A_109 : memref<640xi32, #tpu.memory_space<vmem>>) target_semaphore(%arg16 : memref<!tpu.dma_semaphore, #tpu.memory_space<semaphore_mem>>)
    %dma_start3A_113 = arith.constant 5 : i32
    %dma_start3A_114 = arith.constant 5 : i32
    %dma_start3A_115 = arith.constant 0 : i32
    %dma_start3A_116 = tpu.memref_slice %arg9[%dma_start3A_114, %dma_start3A_115] : memref<16x640xi32, #tpu.memory_space<vmem>> -> memref<1x640xi32, #tpu.memory_space<vmem>>
    %dma_start3A_117 = tpu.memref_squeeze %dma_start3A_116 : memref<1x640xi32, #tpu.memory_space<vmem>> -> memref<640xi32, #tpu.memory_space<vmem>>
    %dma_start3A_118 = arith.constant 0 : i32
    %dma_start3A_119 = tpu.memref_slice %arg15[%dma_start3A_113, %dma_start3A_118] : memref<16x640xi32, #tpu.memory_space<vmem_shared>> -> memref<1x640xi32, #tpu.memory_space<vmem_shared>>
    %dma_start3A_120 = tpu.memref_squeeze %dma_start3A_119 : memref<1x640xi32, #tpu.memory_space<vmem_shared>> -> memref<640xi32, #tpu.memory_space<vmem_shared>>
    %dma_start3A_121 = arith.constant 0 : i32
    %dma_start3A_122 = tpu.memref_slice %arg9[%dma_start3A_114, %dma_start3A_121] : memref<16x640xi32, #tpu.memory_space<vmem>> -> memref<1x640xi32, #tpu.memory_space<vmem>>
    %dma_start3A_123 = tpu.memref_squeeze %dma_start3A_122 : memref<1x640xi32, #tpu.memory_space<vmem>> -> memref<640xi32, #tpu.memory_space<vmem>>
    %dma_start3A_124 = arith.constant 0 : i32
    %dma_start3A_125 = tpu.memref_slice %arg15[%dma_start3A_113, %dma_start3A_124] : memref<16x640xi32, #tpu.memory_space<vmem_shared>> -> memref<1x640xi32, #tpu.memory_space<vmem_shared>>
    %dma_start3A_126 = tpu.memref_squeeze %dma_start3A_125 : memref<1x640xi32, #tpu.memory_space<vmem_shared>> -> memref<640xi32, #tpu.memory_space<vmem_shared>>
    tpu.enqueue_dma source(%dma_start3A_126 : memref<640xi32, #tpu.memory_space<vmem_shared>>) target(%dma_start3A_123 : memref<640xi32, #tpu.memory_space<vmem>>) target_semaphore(%arg16 : memref<!tpu.dma_semaphore, #tpu.memory_space<semaphore_mem>>)
    %dma_start3A_127 = arith.constant 6 : i32
    %dma_start3A_128 = arith.constant 6 : i32
    %dma_start3A_129 = arith.constant 0 : i32
    %dma_start3A_130 = tpu.memref_slice %arg9[%dma_start3A_128, %dma_start3A_129] : memref<16x640xi32, #tpu.memory_space<vmem>> -> memref<1x640xi32, #tpu.memory_space<vmem>>
    %dma_start3A_131 = tpu.memref_squeeze %dma_start3A_130 : memref<1x640xi32, #tpu.memory_space<vmem>> -> memref<640xi32, #tpu.memory_space<vmem>>
    %dma_start3A_132 = arith.constant 0 : i32
    %dma_start3A_133 = tpu.memref_slice %arg15[%dma_start3A_127, %dma_start3A_132] : memref<16x640xi32, #tpu.memory_space<vmem_shared>> -> memref<1x640xi32, #tpu.memory_space<vmem_shared>>
    %dma_start3A_134 = tpu.memref_squeeze %dma_start3A_133 : memref<1x640xi32, #tpu.memory_space<vmem_shared>> -> memref<640xi32, #tpu.memory_space<vmem_shared>>
    %dma_start3A_135 = arith.constant 0 : i32
    %dma_start3A_136 = tpu.memref_slice %arg9[%dma_start3A_128, %dma_start3A_135] : memref<16x640xi32, #tpu.memory_space<vmem>> -> memref<1x640xi32, #tpu.memory_space<vmem>>
    %dma_start3A_137 = tpu.memref_squeeze %dma_start3A_136 : memref<1x640xi32, #tpu.memory_space<vmem>> -> memref<640xi32, #tpu.memory_space<vmem>>
    %dma_start3A_138 = arith.constant 0 : i32
    %dma_start3A_139 = tpu.memref_slice %arg15[%dma_start3A_127, %dma_start3A_138] : memref<16x640xi32, #tpu.memory_space<vmem_shared>> -> memref<1x640xi32, #tpu.memory_space<vmem_shared>>
    %dma_start3A_140 = tpu.memref_squeeze %dma_start3A_139 : memref<1x640xi32, #tpu.memory_space<vmem_shared>> -> memref<640xi32, #tpu.memory_space<vmem_shared>>
    tpu.enqueue_dma source(%dma_start3A_140 : memref<640xi32, #tpu.memory_space<vmem_shared>>) target(%dma_start3A_137 : memref<640xi32, #tpu.memory_space<vmem>>) target_semaphore(%arg16 : memref<!tpu.dma_semaphore, #tpu.memory_space<semaphore_mem>>)
    %dma_start3A_141 = arith.constant 7 : i32
    %dma_start3A_142 = arith.constant 7 : i32
    %dma_start3A_143 = arith.constant 0 : i32
    %dma_start3A_144 = tpu.memref_slice %arg9[%dma_start3A_142, %dma_start3A_143] : memref<16x640xi32, #tpu.memory_space<vmem>> -> memref<1x640xi32, #tpu.memory_space<vmem>>
    %dma_start3A_145 = tpu.memref_squeeze %dma_start3A_144 : memref<1x640xi32, #tpu.memory_space<vmem>> -> memref<640xi32, #tpu.memory_space<vmem>>
    %dma_start3A_146 = arith.constant 0 : i32
    %dma_start3A_147 = tpu.memref_slice %arg15[%dma_start3A_141, %dma_start3A_146] : memref<16x640xi32, #tpu.memory_space<vmem_shared>> -> memref<1x640xi32, #tpu.memory_space<vmem_shared>>
    %dma_start3A_148 = tpu.memref_squeeze %dma_start3A_147 : memref<1x640xi32, #tpu.memory_space<vmem_shared>> -> memref<640xi32, #tpu.memory_space<vmem_shared>>
    %dma_start3A_149 = arith.constant 0 : i32
    %dma_start3A_150 = tpu.memref_slice %arg9[%dma_start3A_142, %dma_start3A_149] : memref<16x640xi32, #tpu.memory_space<vmem>> -> memref<1x640xi32, #tpu.memory_space<vmem>>
    %dma_start3A_151 = tpu.memref_squeeze %dma_start3A_150 : memref<1x640xi32, #tpu.memory_space<vmem>> -> memref<640xi32, #tpu.memory_space<vmem>>
    %dma_start3A_152 = arith.constant 0 : i32
    %dma_start3A_153 = tpu.memref_slice %arg15[%dma_start3A_141, %dma_start3A_152] : memref<16x640xi32, #tpu.memory_space<vmem_shared>> -> memref<1x640xi32, #tpu.memory_space<vmem_shared>>
    %dma_start3A_154 = tpu.memref_squeeze %dma_start3A_153 : memref<1x640xi32, #tpu.memory_space<vmem_shared>> -> memref<640xi32, #tpu.memory_space<vmem_shared>>
    tpu.enqueue_dma source(%dma_start3A_154 : memref<640xi32, #tpu.memory_space<vmem_shared>>) target(%dma_start3A_151 : memref<640xi32, #tpu.memory_space<vmem>>) target_semaphore(%arg16 : memref<!tpu.dma_semaphore, #tpu.memory_space<semaphore_mem>>)
    %dma_start3A_155 = arith.constant 8 : i32
    %dma_start3A_156 = arith.constant 8 : i32
    %dma_start3A_157 = arith.constant 0 : i32
    %dma_start3A_158 = tpu.memref_slice %arg9[%dma_start3A_156, %dma_start3A_157] : memref<16x640xi32, #tpu.memory_space<vmem>> -> memref<1x640xi32, #tpu.memory_space<vmem>>
    %dma_start3A_159 = tpu.memref_squeeze %dma_start3A_158 : memref<1x640xi32, #tpu.memory_space<vmem>> -> memref<640xi32, #tpu.memory_space<vmem>>
    %dma_start3A_160 = arith.constant 0 : i32
    %dma_start3A_161 = tpu.memref_slice %arg15[%dma_start3A_155, %dma_start3A_160] : memref<16x640xi32, #tpu.memory_space<vmem_shared>> -> memref<1x640xi32, #tpu.memory_space<vmem_shared>>
    %dma_start3A_162 = tpu.memref_squeeze %dma_start3A_161 : memref<1x640xi32, #tpu.memory_space<vmem_shared>> -> memref<640xi32, #tpu.memory_space<vmem_shared>>
    %dma_start3A_163 = arith.constant 0 : i32
    %dma_start3A_164 = tpu.memref_slice %arg9[%dma_start3A_156, %dma_start3A_163] : memref<16x640xi32, #tpu.memory_space<vmem>> -> memref<1x640xi32, #tpu.memory_space<vmem>>
    %dma_start3A_165 = tpu.memref_squeeze %dma_start3A_164 : memref<1x640xi32, #tpu.memory_space<vmem>> -> memref<640xi32, #tpu.memory_space<vmem>>
    %dma_start3A_166 = arith.constant 0 : i32
    %dma_start3A_167 = tpu.memref_slice %arg15[%dma_start3A_155, %dma_start3A_166] : memref<16x640xi32, #tpu.memory_space<vmem_shared>> -> memref<1x640xi32, #tpu.memory_space<vmem_shared>>
    %dma_start3A_168 = tpu.memref_squeeze %dma_start3A_167 : memref<1x640xi32, #tpu.memory_space<vmem_shared>> -> memref<640xi32, #tpu.memory_space<vmem_shared>>
    tpu.enqueue_dma source(%dma_start3A_168 : memref<640xi32, #tpu.memory_space<vmem_shared>>) target(%dma_start3A_165 : memref<640xi32, #tpu.memory_space<vmem>>) target_semaphore(%arg16 : memref<!tpu.dma_semaphore, #tpu.memory_space<semaphore_mem>>)
    %dma_start3A_169 = arith.constant 9 : i32
    %dma_start3A_170 = arith.constant 9 : i32
    %dma_start3A_171 = arith.constant 0 : i32
    %dma_start3A_172 = tpu.memref_slice %arg9[%dma_start3A_170, %dma_start3A_171] : memref<16x640xi32, #tpu.memory_space<vmem>> -> memref<1x640xi32, #tpu.memory_space<vmem>>
    %dma_start3A_173 = tpu.memref_squeeze %dma_start3A_172 : memref<1x640xi32, #tpu.memory_space<vmem>> -> memref<640xi32, #tpu.memory_space<vmem>>
    %dma_start3A_174 = arith.constant 0 : i32
    %dma_start3A_175 = tpu.memref_slice %arg15[%dma_start3A_169, %dma_start3A_174] : memref<16x640xi32, #tpu.memory_space<vmem_shared>> -> memref<1x640xi32, #tpu.memory_space<vmem_shared>>
    %dma_start3A_176 = tpu.memref_squeeze %dma_start3A_175 : memref<1x640xi32, #tpu.memory_space<vmem_shared>> -> memref<640xi32, #tpu.memory_space<vmem_shared>>
    %dma_start3A_177 = arith.constant 0 : i32
    %dma_start3A_178 = tpu.memref_slice %arg9[%dma_start3A_170, %dma_start3A_177] : memref<16x640xi32, #tpu.memory_space<vmem>> -> memref<1x640xi32, #tpu.memory_space<vmem>>
    %dma_start3A_179 = tpu.memref_squeeze %dma_start3A_178 : memref<1x640xi32, #tpu.memory_space<vmem>> -> memref<640xi32, #tpu.memory_space<vmem>>
    %dma_start3A_180 = arith.constant 0 : i32
    %dma_start3A_181 = tpu.memref_slice %arg15[%dma_start3A_169, %dma_start3A_180] : memref<16x640xi32, #tpu.memory_space<vmem_shared>> -> memref<1x640xi32, #tpu.memory_space<vmem_shared>>
    %dma_start3A_182 = tpu.memref_squeeze %dma_start3A_181 : memref<1x640xi32, #tpu.memory_space<vmem_shared>> -> memref<640xi32, #tpu.memory_space<vmem_shared>>
    tpu.enqueue_dma source(%dma_start3A_182 : memref<640xi32, #tpu.memory_space<vmem_shared>>) target(%dma_start3A_179 : memref<640xi32, #tpu.memory_space<vmem>>) target_semaphore(%arg16 : memref<!tpu.dma_semaphore, #tpu.memory_space<semaphore_mem>>)
    %dma_start3A_183 = arith.constant 10 : i32
    %dma_start3A_184 = arith.constant 10 : i32
    %dma_start3A_185 = arith.constant 0 : i32
    %dma_start3A_186 = tpu.memref_slice %arg9[%dma_start3A_184, %dma_start3A_185] : memref<16x640xi32, #tpu.memory_space<vmem>> -> memref<1x640xi32, #tpu.memory_space<vmem>>
    %dma_start3A_187 = tpu.memref_squeeze %dma_start3A_186 : memref<1x640xi32, #tpu.memory_space<vmem>> -> memref<640xi32, #tpu.memory_space<vmem>>
    %dma_start3A_188 = arith.constant 0 : i32
    %dma_start3A_189 = tpu.memref_slice %arg15[%dma_start3A_183, %dma_start3A_188] : memref<16x640xi32, #tpu.memory_space<vmem_shared>> -> memref<1x640xi32, #tpu.memory_space<vmem_shared>>
    %dma_start3A_190 = tpu.memref_squeeze %dma_start3A_189 : memref<1x640xi32, #tpu.memory_space<vmem_shared>> -> memref<640xi32, #tpu.memory_space<vmem_shared>>
    %dma_start3A_191 = arith.constant 0 : i32
    %dma_start3A_192 = tpu.memref_slice %arg9[%dma_start3A_184, %dma_start3A_191] : memref<16x640xi32, #tpu.memory_space<vmem>> -> memref<1x640xi32, #tpu.memory_space<vmem>>
    %dma_start3A_193 = tpu.memref_squeeze %dma_start3A_192 : memref<1x640xi32, #tpu.memory_space<vmem>> -> memref<640xi32, #tpu.memory_space<vmem>>
    %dma_start3A_194 = arith.constant 0 : i32
    %dma_start3A_195 = tpu.memref_slice %arg15[%dma_start3A_183, %dma_start3A_194] : memref<16x640xi32, #tpu.memory_space<vmem_shared>> -> memref<1x640xi32, #tpu.memory_space<vmem_shared>>
    %dma_start3A_196 = tpu.memref_squeeze %dma_start3A_195 : memref<1x640xi32, #tpu.memory_space<vmem_shared>> -> memref<640xi32, #tpu.memory_space<vmem_shared>>
    tpu.enqueue_dma source(%dma_start3A_196 : memref<640xi32, #tpu.memory_space<vmem_shared>>) target(%dma_start3A_193 : memref<640xi32, #tpu.memory_space<vmem>>) target_semaphore(%arg16 : memref<!tpu.dma_semaphore, #tpu.memory_space<semaphore_mem>>)
    %dma_start3A_197 = arith.constant 11 : i32
    %dma_start3A_198 = arith.constant 11 : i32
    %dma_start3A_199 = arith.constant 0 : i32
    %dma_start3A_200 = tpu.memref_slice %arg9[%dma_start3A_198, %dma_start3A_199] : memref<16x640xi32, #tpu.memory_space<vmem>> -> memref<1x640xi32, #tpu.memory_space<vmem>>
    %dma_start3A_201 = tpu.memref_squeeze %dma_start3A_200 : memref<1x640xi32, #tpu.memory_space<vmem>> -> memref<640xi32, #tpu.memory_space<vmem>>
    %dma_start3A_202 = arith.constant 0 : i32
    %dma_start3A_203 = tpu.memref_slice %arg15[%dma_start3A_197, %dma_start3A_202] : memref<16x640xi32, #tpu.memory_space<vmem_shared>> -> memref<1x640xi32, #tpu.memory_space<vmem_shared>>
    %dma_start3A_204 = tpu.memref_squeeze %dma_start3A_203 : memref<1x640xi32, #tpu.memory_space<vmem_shared>> -> memref<640xi32, #tpu.memory_space<vmem_shared>>
    %dma_start3A_205 = arith.constant 0 : i32
    %dma_start3A_206 = tpu.memref_slice %arg9[%dma_start3A_198, %dma_start3A_205] : memref<16x640xi32, #tpu.memory_space<vmem>> -> memref<1x640xi32, #tpu.memory_space<vmem>>
    %dma_start3A_207 = tpu.memref_squeeze %dma_start3A_206 : memref<1x640xi32, #tpu.memory_space<vmem>> -> memref<640xi32, #tpu.memory_space<vmem>>
    %dma_start3A_208 = arith.constant 0 : i32
    %dma_start3A_209 = tpu.memref_slice %arg15[%dma_start3A_197, %dma_start3A_208] : memref<16x640xi32, #tpu.memory_space<vmem_shared>> -> memref<1x640xi32, #tpu.memory_space<vmem_shared>>
    %dma_start3A_210 = tpu.memref_squeeze %dma_start3A_209 : memref<1x640xi32, #tpu.memory_space<vmem_shared>> -> memref<640xi32, #tpu.memory_space<vmem_shared>>
    tpu.enqueue_dma source(%dma_start3A_210 : memref<640xi32, #tpu.memory_space<vmem_shared>>) target(%dma_start3A_207 : memref<640xi32, #tpu.memory_space<vmem>>) target_semaphore(%arg16 : memref<!tpu.dma_semaphore, #tpu.memory_space<semaphore_mem>>)
    %dma_start3A_211 = arith.constant 12 : i32
    %dma_start3A_212 = arith.constant 12 : i32
    %dma_start3A_213 = arith.constant 0 : i32
    %dma_start3A_214 = tpu.memref_slice %arg9[%dma_start3A_212, %dma_start3A_213] : memref<16x640xi32, #tpu.memory_space<vmem>> -> memref<1x640xi32, #tpu.memory_space<vmem>>
    %dma_start3A_215 = tpu.memref_squeeze %dma_start3A_214 : memref<1x640xi32, #tpu.memory_space<vmem>> -> memref<640xi32, #tpu.memory_space<vmem>>
    %dma_start3A_216 = arith.constant 0 : i32
    %dma_start3A_217 = tpu.memref_slice %arg15[%dma_start3A_211, %dma_start3A_216] : memref<16x640xi32, #tpu.memory_space<vmem_shared>> -> memref<1x640xi32, #tpu.memory_space<vmem_shared>>
    %dma_start3A_218 = tpu.memref_squeeze %dma_start3A_217 : memref<1x640xi32, #tpu.memory_space<vmem_shared>> -> memref<640xi32, #tpu.memory_space<vmem_shared>>
    %dma_start3A_219 = arith.constant 0 : i32
    %dma_start3A_220 = tpu.memref_slice %arg9[%dma_start3A_212, %dma_start3A_219] : memref<16x640xi32, #tpu.memory_space<vmem>> -> memref<1x640xi32, #tpu.memory_space<vmem>>
    %dma_start3A_221 = tpu.memref_squeeze %dma_start3A_220 : memref<1x640xi32, #tpu.memory_space<vmem>> -> memref<640xi32, #tpu.memory_space<vmem>>
    %dma_start3A_222 = arith.constant 0 : i32
    %dma_start3A_223 = tpu.memref_slice %arg15[%dma_start3A_211, %dma_start3A_222] : memref<16x640xi32, #tpu.memory_space<vmem_shared>> -> memref<1x640xi32, #tpu.memory_space<vmem_shared>>
    %dma_start3A_224 = tpu.memref_squeeze %dma_start3A_223 : memref<1x640xi32, #tpu.memory_space<vmem_shared>> -> memref<640xi32, #tpu.memory_space<vmem_shared>>
    tpu.enqueue_dma source(%dma_start3A_224 : memref<640xi32, #tpu.memory_space<vmem_shared>>) target(%dma_start3A_221 : memref<640xi32, #tpu.memory_space<vmem>>) target_semaphore(%arg16 : memref<!tpu.dma_semaphore, #tpu.memory_space<semaphore_mem>>)
    %dma_start3A_225 = arith.constant 13 : i32
    %dma_start3A_226 = arith.constant 13 : i32
    %dma_start3A_227 = arith.constant 0 : i32
    %dma_start3A_228 = tpu.memref_slice %arg9[%dma_start3A_226, %dma_start3A_227] : memref<16x640xi32, #tpu.memory_space<vmem>> -> memref<1x640xi32, #tpu.memory_space<vmem>>
    %dma_start3A_229 = tpu.memref_squeeze %dma_start3A_228 : memref<1x640xi32, #tpu.memory_space<vmem>> -> memref<640xi32, #tpu.memory_space<vmem>>
    %dma_start3A_230 = arith.constant 0 : i32
    %dma_start3A_231 = tpu.memref_slice %arg15[%dma_start3A_225, %dma_start3A_230] : memref<16x640xi32, #tpu.memory_space<vmem_shared>> -> memref<1x640xi32, #tpu.memory_space<vmem_shared>>
    %dma_start3A_232 = tpu.memref_squeeze %dma_start3A_231 : memref<1x640xi32, #tpu.memory_space<vmem_shared>> -> memref<640xi32, #tpu.memory_space<vmem_shared>>
    %dma_start3A_233 = arith.constant 0 : i32
    %dma_start3A_234 = tpu.memref_slice %arg9[%dma_start3A_226, %dma_start3A_233] : memref<16x640xi32, #tpu.memory_space<vmem>> -> memref<1x640xi32, #tpu.memory_space<vmem>>
    %dma_start3A_235 = tpu.memref_squeeze %dma_start3A_234 : memref<1x640xi32, #tpu.memory_space<vmem>> -> memref<640xi32, #tpu.memory_space<vmem>>
    %dma_start3A_236 = arith.constant 0 : i32
    %dma_start3A_237 = tpu.memref_slice %arg15[%dma_start3A_225, %dma_start3A_236] : memref<16x640xi32, #tpu.memory_space<vmem_shared>> -> memref<1x640xi32, #tpu.memory_space<vmem_shared>>
    %dma_start3A_238 = tpu.memref_squeeze %dma_start3A_237 : memref<1x640xi32, #tpu.memory_space<vmem_shared>> -> memref<640xi32, #tpu.memory_space<vmem_shared>>
    tpu.enqueue_dma source(%dma_start3A_238 : memref<640xi32, #tpu.memory_space<vmem_shared>>) target(%dma_start3A_235 : memref<640xi32, #tpu.memory_space<vmem>>) target_semaphore(%arg16 : memref<!tpu.dma_semaphore, #tpu.memory_space<semaphore_mem>>)
    %dma_start3A_239 = arith.constant 14 : i32
    %dma_start3A_240 = arith.constant 14 : i32
    %dma_start3A_241 = arith.constant 0 : i32
    %dma_start3A_242 = tpu.memref_slice %arg9[%dma_start3A_240, %dma_start3A_241] : memref<16x640xi32, #tpu.memory_space<vmem>> -> memref<1x640xi32, #tpu.memory_space<vmem>>
    %dma_start3A_243 = tpu.memref_squeeze %dma_start3A_242 : memref<1x640xi32, #tpu.memory_space<vmem>> -> memref<640xi32, #tpu.memory_space<vmem>>
    %dma_start3A_244 = arith.constant 0 : i32
    %dma_start3A_245 = tpu.memref_slice %arg15[%dma_start3A_239, %dma_start3A_244] : memref<16x640xi32, #tpu.memory_space<vmem_shared>> -> memref<1x640xi32, #tpu.memory_space<vmem_shared>>
    %dma_start3A_246 = tpu.memref_squeeze %dma_start3A_245 : memref<1x640xi32, #tpu.memory_space<vmem_shared>> -> memref<640xi32, #tpu.memory_space<vmem_shared>>
    %dma_start3A_247 = arith.constant 0 : i32
    %dma_start3A_248 = tpu.memref_slice %arg9[%dma_start3A_240, %dma_start3A_247] : memref<16x640xi32, #tpu.memory_space<vmem>> -> memref<1x640xi32, #tpu.memory_space<vmem>>
    %dma_start3A_249 = tpu.memref_squeeze %dma_start3A_248 : memref<1x640xi32, #tpu.memory_space<vmem>> -> memref<640xi32, #tpu.memory_space<vmem>>
    %dma_start3A_250 = arith.constant 0 : i32
    %dma_start3A_251 = tpu.memref_slice %arg15[%dma_start3A_239, %dma_start3A_250] : memref<16x640xi32, #tpu.memory_space<vmem_shared>> -> memref<1x640xi32, #tpu.memory_space<vmem_shared>>
    %dma_start3A_252 = tpu.memref_squeeze %dma_start3A_251 : memref<1x640xi32, #tpu.memory_space<vmem_shared>> -> memref<640xi32, #tpu.memory_space<vmem_shared>>
    tpu.enqueue_dma source(%dma_start3A_252 : memref<640xi32, #tpu.memory_space<vmem_shared>>) target(%dma_start3A_249 : memref<640xi32, #tpu.memory_space<vmem>>) target_semaphore(%arg16 : memref<!tpu.dma_semaphore, #tpu.memory_space<semaphore_mem>>)
    %dma_start3A_253 = arith.constant 15 : i32
    %dma_start3A_254 = arith.constant 15 : i32
    %dma_start3A_255 = arith.constant 0 : i32
    %dma_start3A_256 = tpu.memref_slice %arg9[%dma_start3A_254, %dma_start3A_255] : memref<16x640xi32, #tpu.memory_space<vmem>> -> memref<1x640xi32, #tpu.memory_space<vmem>>
    %dma_start3A_257 = tpu.memref_squeeze %dma_start3A_256 : memref<1x640xi32, #tpu.memory_space<vmem>> -> memref<640xi32, #tpu.memory_space<vmem>>
    %dma_start3A_258 = arith.constant 0 : i32
    %dma_start3A_259 = tpu.memref_slice %arg15[%dma_start3A_253, %dma_start3A_258] : memref<16x640xi32, #tpu.memory_space<vmem_shared>> -> memref<1x640xi32, #tpu.memory_space<vmem_shared>>
    %dma_start3A_260 = tpu.memref_squeeze %dma_start3A_259 : memref<1x640xi32, #tpu.memory_space<vmem_shared>> -> memref<640xi32, #tpu.memory_space<vmem_shared>>
    %dma_start3A_261 = arith.constant 0 : i32
    %dma_start3A_262 = tpu.memref_slice %arg9[%dma_start3A_254, %dma_start3A_261] : memref<16x640xi32, #tpu.memory_space<vmem>> -> memref<1x640xi32, #tpu.memory_space<vmem>>
    %dma_start3A_263 = tpu.memref_squeeze %dma_start3A_262 : memref<1x640xi32, #tpu.memory_space<vmem>> -> memref<640xi32, #tpu.memory_space<vmem>>
    %dma_start3A_264 = arith.constant 0 : i32
    %dma_start3A_265 = tpu.memref_slice %arg15[%dma_start3A_253, %dma_start3A_264] : memref<16x640xi32, #tpu.memory_space<vmem_shared>> -> memref<1x640xi32, #tpu.memory_space<vmem_shared>>
    %dma_start3A_266 = tpu.memref_squeeze %dma_start3A_265 : memref<1x640xi32, #tpu.memory_space<vmem_shared>> -> memref<640xi32, #tpu.memory_space<vmem_shared>>
    tpu.enqueue_dma source(%dma_start3A_266 : memref<640xi32, #tpu.memory_space<vmem_shared>>) target(%dma_start3A_263 : memref<640xi32, #tpu.memory_space<vmem>>) target_semaphore(%arg16 : memref<!tpu.dma_semaphore, #tpu.memory_space<semaphore_mem>>)
    %dma_wait3A_267 = arith.constant 0 : i32
    %dma_wait3A_268 = arith.constant 0 : i32
    %dma_wait3A_269 = arith.constant 0 : i32
    %dma_wait3A_270 = tpu.memref_slice %arg9[%dma_wait3A_268, %dma_wait3A_269] : memref<16x640xi32, #tpu.memory_space<vmem>> -> memref<1x640xi32, #tpu.memory_space<vmem>>
    %dma_wait3A_271 = tpu.memref_squeeze %dma_wait3A_270 : memref<1x640xi32, #tpu.memory_space<vmem>> -> memref<640xi32, #tpu.memory_space<vmem>>
    %dma_wait3A_272 = arith.constant 0 : i32
    %dma_wait3A_273 = tpu.memref_slice %arg15[%dma_wait3A_267, %dma_wait3A_272] : memref<16x640xi32, #tpu.memory_space<vmem_shared>> -> memref<1x640xi32, #tpu.memory_space<vmem_shared>>
    %dma_wait3A_274 = tpu.memref_squeeze %dma_wait3A_273 : memref<1x640xi32, #tpu.memory_space<vmem_shared>> -> memref<640xi32, #tpu.memory_space<vmem_shared>>
    %dma_wait3A_275 = arith.constant 0 : i32
    %dma_wait3A_276 = tpu.memref_slice %arg9[%dma_wait3A_268, %dma_wait3A_275] : memref<16x640xi32, #tpu.memory_space<vmem>> -> memref<1x640xi32, #tpu.memory_space<vmem>>
    %dma_wait3A_277 = tpu.memref_squeeze %dma_wait3A_276 : memref<1x640xi32, #tpu.memory_space<vmem>> -> memref<640xi32, #tpu.memory_space<vmem>>
    %dma_wait3A_278 = arith.constant 0 : i32
    %dma_wait3A_279 = tpu.memref_slice %arg15[%dma_wait3A_267, %dma_wait3A_278] : memref<16x640xi32, #tpu.memory_space<vmem_shared>> -> memref<1x640xi32, #tpu.memory_space<vmem_shared>>
    %dma_wait3A_280 = tpu.memref_squeeze %dma_wait3A_279 : memref<1x640xi32, #tpu.memory_space<vmem_shared>> -> memref<640xi32, #tpu.memory_space<vmem_shared>>
    tpu.wait_dma2 semaphore(%arg16 : memref<!tpu.dma_semaphore, #tpu.memory_space<semaphore_mem>>) src(%dma_wait3A_280 : memref<640xi32, #tpu.memory_space<vmem_shared>>) dst(%dma_wait3A_277 : memref<640xi32, #tpu.memory_space<vmem>>)
    %dma_wait3A_281 = arith.constant 1 : i32
    %dma_wait3A_282 = arith.constant 1 : i32
    %dma_wait3A_283 = arith.constant 0 : i32
    %dma_wait3A_284 = tpu.memref_slice %arg9[%dma_wait3A_282, %dma_wait3A_283] : memref<16x640xi32, #tpu.memory_space<vmem>> -> memref<1x640xi32, #tpu.memory_space<vmem>>
    %dma_wait3A_285 = tpu.memref_squeeze %dma_wait3A_284 : memref<1x640xi32, #tpu.memory_space<vmem>> -> memref<640xi32, #tpu.memory_space<vmem>>
    %dma_wait3A_286 = arith.constant 0 : i32
    %dma_wait3A_287 = tpu.memref_slice %arg15[%dma_wait3A_281, %dma_wait3A_286] : memref<16x640xi32, #tpu.memory_space<vmem_shared>> -> memref<1x640xi32, #tpu.memory_space<vmem_shared>>
    %dma_wait3A_288 = tpu.memref_squeeze %dma_wait3A_287 : memref<1x640xi32, #tpu.memory_space<vmem_shared>> -> memref<640xi32, #tpu.memory_space<vmem_shared>>
    %dma_wait3A_289 = arith.constant 0 : i32
    %dma_wait3A_290 = tpu.memref_slice %arg9[%dma_wait3A_282, %dma_wait3A_289] : memref<16x640xi32, #tpu.memory_space<vmem>> -> memref<1x640xi32, #tpu.memory_space<vmem>>
    %dma_wait3A_291 = tpu.memref_squeeze %dma_wait3A_290 : memref<1x640xi32, #tpu.memory_space<vmem>> -> memref<640xi32, #tpu.memory_space<vmem>>
    %dma_wait3A_292 = arith.constant 0 : i32
    %dma_wait3A_293 = tpu.memref_slice %arg15[%dma_wait3A_281, %dma_wait3A_292] : memref<16x640xi32, #tpu.memory_space<vmem_shared>> -> memref<1x640xi32, #tpu.memory_space<vmem_shared>>
    %dma_wait3A_294 = tpu.memref_squeeze %dma_wait3A_293 : memref<1x640xi32, #tpu.memory_space<vmem_shared>> -> memref<640xi32, #tpu.memory_space<vmem_shared>>
    tpu.wait_dma2 semaphore(%arg16 : memref<!tpu.dma_semaphore, #tpu.memory_space<semaphore_mem>>) src(%dma_wait3A_294 : memref<640xi32, #tpu.memory_space<vmem_shared>>) dst(%dma_wait3A_291 : memref<640xi32, #tpu.memory_space<vmem>>)
    %dma_wait3A_295 = arith.constant 2 : i32
    %dma_wait3A_296 = arith.constant 2 : i32
    %dma_wait3A_297 = arith.constant 0 : i32
    %dma_wait3A_298 = tpu.memref_slice %arg9[%dma_wait3A_296, %dma_wait3A_297] : memref<16x640xi32, #tpu.memory_space<vmem>> -> memref<1x640xi32, #tpu.memory_space<vmem>>
    %dma_wait3A_299 = tpu.memref_squeeze %dma_wait3A_298 : memref<1x640xi32, #tpu.memory_space<vmem>> -> memref<640xi32, #tpu.memory_space<vmem>>
    %dma_wait3A_300 = arith.constant 0 : i32
    %dma_wait3A_301 = tpu.memref_slice %arg15[%dma_wait3A_295, %dma_wait3A_300] : memref<16x640xi32, #tpu.memory_space<vmem_shared>> -> memref<1x640xi32, #tpu.memory_space<vmem_shared>>
    %dma_wait3A_302 = tpu.memref_squeeze %dma_wait3A_301 : memref<1x640xi32, #tpu.memory_space<vmem_shared>> -> memref<640xi32, #tpu.memory_space<vmem_shared>>
    %dma_wait3A_303 = arith.constant 0 : i32
    %dma_wait3A_304 = tpu.memref_slice %arg9[%dma_wait3A_296, %dma_wait3A_303] : memref<16x640xi32, #tpu.memory_space<vmem>> -> memref<1x640xi32, #tpu.memory_space<vmem>>
    %dma_wait3A_305 = tpu.memref_squeeze %dma_wait3A_304 : memref<1x640xi32, #tpu.memory_space<vmem>> -> memref<640xi32, #tpu.memory_space<vmem>>
    %dma_wait3A_306 = arith.constant 0 : i32
    %dma_wait3A_307 = tpu.memref_slice %arg15[%dma_wait3A_295, %dma_wait3A_306] : memref<16x640xi32, #tpu.memory_space<vmem_shared>> -> memref<1x640xi32, #tpu.memory_space<vmem_shared>>
    %dma_wait3A_308 = tpu.memref_squeeze %dma_wait3A_307 : memref<1x640xi32, #tpu.memory_space<vmem_shared>> -> memref<640xi32, #tpu.memory_space<vmem_shared>>
    tpu.wait_dma2 semaphore(%arg16 : memref<!tpu.dma_semaphore, #tpu.memory_space<semaphore_mem>>) src(%dma_wait3A_308 : memref<640xi32, #tpu.memory_space<vmem_shared>>) dst(%dma_wait3A_305 : memref<640xi32, #tpu.memory_space<vmem>>)
    %dma_wait3A_309 = arith.constant 3 : i32
    %dma_wait3A_310 = arith.constant 3 : i32
    %dma_wait3A_311 = arith.constant 0 : i32
    %dma_wait3A_312 = tpu.memref_slice %arg9[%dma_wait3A_310, %dma_wait3A_311] : memref<16x640xi32, #tpu.memory_space<vmem>> -> memref<1x640xi32, #tpu.memory_space<vmem>>
    %dma_wait3A_313 = tpu.memref_squeeze %dma_wait3A_312 : memref<1x640xi32, #tpu.memory_space<vmem>> -> memref<640xi32, #tpu.memory_space<vmem>>
    %dma_wait3A_314 = arith.constant 0 : i32
    %dma_wait3A_315 = tpu.memref_slice %arg15[%dma_wait3A_309, %dma_wait3A_314] : memref<16x640xi32, #tpu.memory_space<vmem_shared>> -> memref<1x640xi32, #tpu.memory_space<vmem_shared>>
    %dma_wait3A_316 = tpu.memref_squeeze %dma_wait3A_315 : memref<1x640xi32, #tpu.memory_space<vmem_shared>> -> memref<640xi32, #tpu.memory_space<vmem_shared>>
    %dma_wait3A_317 = arith.constant 0 : i32
    %dma_wait3A_318 = tpu.memref_slice %arg9[%dma_wait3A_310, %dma_wait3A_317] : memref<16x640xi32, #tpu.memory_space<vmem>> -> memref<1x640xi32, #tpu.memory_space<vmem>>
    %dma_wait3A_319 = tpu.memref_squeeze %dma_wait3A_318 : memref<1x640xi32, #tpu.memory_space<vmem>> -> memref<640xi32, #tpu.memory_space<vmem>>
    %dma_wait3A_320 = arith.constant 0 : i32
    %dma_wait3A_321 = tpu.memref_slice %arg15[%dma_wait3A_309, %dma_wait3A_320] : memref<16x640xi32, #tpu.memory_space<vmem_shared>> -> memref<1x640xi32, #tpu.memory_space<vmem_shared>>
    %dma_wait3A_322 = tpu.memref_squeeze %dma_wait3A_321 : memref<1x640xi32, #tpu.memory_space<vmem_shared>> -> memref<640xi32, #tpu.memory_space<vmem_shared>>
    tpu.wait_dma2 semaphore(%arg16 : memref<!tpu.dma_semaphore, #tpu.memory_space<semaphore_mem>>) src(%dma_wait3A_322 : memref<640xi32, #tpu.memory_space<vmem_shared>>) dst(%dma_wait3A_319 : memref<640xi32, #tpu.memory_space<vmem>>)
    %dma_wait3A_323 = arith.constant 4 : i32
    %dma_wait3A_324 = arith.constant 4 : i32
    %dma_wait3A_325 = arith.constant 0 : i32
    %dma_wait3A_326 = tpu.memref_slice %arg9[%dma_wait3A_324, %dma_wait3A_325] : memref<16x640xi32, #tpu.memory_space<vmem>> -> memref<1x640xi32, #tpu.memory_space<vmem>>
    %dma_wait3A_327 = tpu.memref_squeeze %dma_wait3A_326 : memref<1x640xi32, #tpu.memory_space<vmem>> -> memref<640xi32, #tpu.memory_space<vmem>>
    %dma_wait3A_328 = arith.constant 0 : i32
    %dma_wait3A_329 = tpu.memref_slice %arg15[%dma_wait3A_323, %dma_wait3A_328] : memref<16x640xi32, #tpu.memory_space<vmem_shared>> -> memref<1x640xi32, #tpu.memory_space<vmem_shared>>
    %dma_wait3A_330 = tpu.memref_squeeze %dma_wait3A_329 : memref<1x640xi32, #tpu.memory_space<vmem_shared>> -> memref<640xi32, #tpu.memory_space<vmem_shared>>
    %dma_wait3A_331 = arith.constant 0 : i32
    %dma_wait3A_332 = tpu.memref_slice %arg9[%dma_wait3A_324, %dma_wait3A_331] : memref<16x640xi32, #tpu.memory_space<vmem>> -> memref<1x640xi32, #tpu.memory_space<vmem>>
    %dma_wait3A_333 = tpu.memref_squeeze %dma_wait3A_332 : memref<1x640xi32, #tpu.memory_space<vmem>> -> memref<640xi32, #tpu.memory_space<vmem>>
    %dma_wait3A_334 = arith.constant 0 : i32
    %dma_wait3A_335 = tpu.memref_slice %arg15[%dma_wait3A_323, %dma_wait3A_334] : memref<16x640xi32, #tpu.memory_space<vmem_shared>> -> memref<1x640xi32, #tpu.memory_space<vmem_shared>>
    %dma_wait3A_336 = tpu.memref_squeeze %dma_wait3A_335 : memref<1x640xi32, #tpu.memory_space<vmem_shared>> -> memref<640xi32, #tpu.memory_space<vmem_shared>>
    tpu.wait_dma2 semaphore(%arg16 : memref<!tpu.dma_semaphore, #tpu.memory_space<semaphore_mem>>) src(%dma_wait3A_336 : memref<640xi32, #tpu.memory_space<vmem_shared>>) dst(%dma_wait3A_333 : memref<640xi32, #tpu.memory_space<vmem>>)
    %dma_wait3A_337 = arith.constant 5 : i32
    %dma_wait3A_338 = arith.constant 5 : i32
    %dma_wait3A_339 = arith.constant 0 : i32
    %dma_wait3A_340 = tpu.memref_slice %arg9[%dma_wait3A_338, %dma_wait3A_339] : memref<16x640xi32, #tpu.memory_space<vmem>> -> memref<1x640xi32, #tpu.memory_space<vmem>>
    %dma_wait3A_341 = tpu.memref_squeeze %dma_wait3A_340 : memref<1x640xi32, #tpu.memory_space<vmem>> -> memref<640xi32, #tpu.memory_space<vmem>>
    %dma_wait3A_342 = arith.constant 0 : i32
    %dma_wait3A_343 = tpu.memref_slice %arg15[%dma_wait3A_337, %dma_wait3A_342] : memref<16x640xi32, #tpu.memory_space<vmem_shared>> -> memref<1x640xi32, #tpu.memory_space<vmem_shared>>
    %dma_wait3A_344 = tpu.memref_squeeze %dma_wait3A_343 : memref<1x640xi32, #tpu.memory_space<vmem_shared>> -> memref<640xi32, #tpu.memory_space<vmem_shared>>
    %dma_wait3A_345 = arith.constant 0 : i32
    %dma_wait3A_346 = tpu.memref_slice %arg9[%dma_wait3A_338, %dma_wait3A_345] : memref<16x640xi32, #tpu.memory_space<vmem>> -> memref<1x640xi32, #tpu.memory_space<vmem>>
    %dma_wait3A_347 = tpu.memref_squeeze %dma_wait3A_346 : memref<1x640xi32, #tpu.memory_space<vmem>> -> memref<640xi32, #tpu.memory_space<vmem>>
    %dma_wait3A_348 = arith.constant 0 : i32
    %dma_wait3A_349 = tpu.memref_slice %arg15[%dma_wait3A_337, %dma_wait3A_348] : memref<16x640xi32, #tpu.memory_space<vmem_shared>> -> memref<1x640xi32, #tpu.memory_space<vmem_shared>>
    %dma_wait3A_350 = tpu.memref_squeeze %dma_wait3A_349 : memref<1x640xi32, #tpu.memory_space<vmem_shared>> -> memref<640xi32, #tpu.memory_space<vmem_shared>>
    tpu.wait_dma2 semaphore(%arg16 : memref<!tpu.dma_semaphore, #tpu.memory_space<semaphore_mem>>) src(%dma_wait3A_350 : memref<640xi32, #tpu.memory_space<vmem_shared>>) dst(%dma_wait3A_347 : memref<640xi32, #tpu.memory_space<vmem>>)
    %dma_wait3A_351 = arith.constant 6 : i32
    %dma_wait3A_352 = arith.constant 6 : i32
    %dma_wait3A_353 = arith.constant 0 : i32
    %dma_wait3A_354 = tpu.memref_slice %arg9[%dma_wait3A_352, %dma_wait3A_353] : memref<16x640xi32, #tpu.memory_space<vmem>> -> memref<1x640xi32, #tpu.memory_space<vmem>>
    %dma_wait3A_355 = tpu.memref_squeeze %dma_wait3A_354 : memref<1x640xi32, #tpu.memory_space<vmem>> -> memref<640xi32, #tpu.memory_space<vmem>>
    %dma_wait3A_356 = arith.constant 0 : i32
    %dma_wait3A_357 = tpu.memref_slice %arg15[%dma_wait3A_351, %dma_wait3A_356] : memref<16x640xi32, #tpu.memory_space<vmem_shared>> -> memref<1x640xi32, #tpu.memory_space<vmem_shared>>
    %dma_wait3A_358 = tpu.memref_squeeze %dma_wait3A_357 : memref<1x640xi32, #tpu.memory_space<vmem_shared>> -> memref<640xi32, #tpu.memory_space<vmem_shared>>
    %dma_wait3A_359 = arith.constant 0 : i32
    %dma_wait3A_360 = tpu.memref_slice %arg9[%dma_wait3A_352, %dma_wait3A_359] : memref<16x640xi32, #tpu.memory_space<vmem>> -> memref<1x640xi32, #tpu.memory_space<vmem>>
    %dma_wait3A_361 = tpu.memref_squeeze %dma_wait3A_360 : memref<1x640xi32, #tpu.memory_space<vmem>> -> memref<640xi32, #tpu.memory_space<vmem>>
    %dma_wait3A_362 = arith.constant 0 : i32
    %dma_wait3A_363 = tpu.memref_slice %arg15[%dma_wait3A_351, %dma_wait3A_362] : memref<16x640xi32, #tpu.memory_space<vmem_shared>> -> memref<1x640xi32, #tpu.memory_space<vmem_shared>>
    %dma_wait3A_364 = tpu.memref_squeeze %dma_wait3A_363 : memref<1x640xi32, #tpu.memory_space<vmem_shared>> -> memref<640xi32, #tpu.memory_space<vmem_shared>>
    tpu.wait_dma2 semaphore(%arg16 : memref<!tpu.dma_semaphore, #tpu.memory_space<semaphore_mem>>) src(%dma_wait3A_364 : memref<640xi32, #tpu.memory_space<vmem_shared>>) dst(%dma_wait3A_361 : memref<640xi32, #tpu.memory_space<vmem>>)
    %dma_wait3A_365 = arith.constant 7 : i32
    %dma_wait3A_366 = arith.constant 7 : i32
    %dma_wait3A_367 = arith.constant 0 : i32
    %dma_wait3A_368 = tpu.memref_slice %arg9[%dma_wait3A_366, %dma_wait3A_367] : memref<16x640xi32, #tpu.memory_space<vmem>> -> memref<1x640xi32, #tpu.memory_space<vmem>>
    %dma_wait3A_369 = tpu.memref_squeeze %dma_wait3A_368 : memref<1x640xi32, #tpu.memory_space<vmem>> -> memref<640xi32, #tpu.memory_space<vmem>>
    %dma_wait3A_370 = arith.constant 0 : i32
    %dma_wait3A_371 = tpu.memref_slice %arg15[%dma_wait3A_365, %dma_wait3A_370] : memref<16x640xi32, #tpu.memory_space<vmem_shared>> -> memref<1x640xi32, #tpu.memory_space<vmem_shared>>
    %dma_wait3A_372 = tpu.memref_squeeze %dma_wait3A_371 : memref<1x640xi32, #tpu.memory_space<vmem_shared>> -> memref<640xi32, #tpu.memory_space<vmem_shared>>
    %dma_wait3A_373 = arith.constant 0 : i32
    %dma_wait3A_374 = tpu.memref_slice %arg9[%dma_wait3A_366, %dma_wait3A_373] : memref<16x640xi32, #tpu.memory_space<vmem>> -> memref<1x640xi32, #tpu.memory_space<vmem>>
    %dma_wait3A_375 = tpu.memref_squeeze %dma_wait3A_374 : memref<1x640xi32, #tpu.memory_space<vmem>> -> memref<640xi32, #tpu.memory_space<vmem>>
    %dma_wait3A_376 = arith.constant 0 : i32
    %dma_wait3A_377 = tpu.memref_slice %arg15[%dma_wait3A_365, %dma_wait3A_376] : memref<16x640xi32, #tpu.memory_space<vmem_shared>> -> memref<1x640xi32, #tpu.memory_space<vmem_shared>>
    %dma_wait3A_378 = tpu.memref_squeeze %dma_wait3A_377 : memref<1x640xi32, #tpu.memory_space<vmem_shared>> -> memref<640xi32, #tpu.memory_space<vmem_shared>>
    tpu.wait_dma2 semaphore(%arg16 : memref<!tpu.dma_semaphore, #tpu.memory_space<semaphore_mem>>) src(%dma_wait3A_378 : memref<640xi32, #tpu.memory_space<vmem_shared>>) dst(%dma_wait3A_375 : memref<640xi32, #tpu.memory_space<vmem>>)
    %dma_wait3A_379 = arith.constant 8 : i32
    %dma_wait3A_380 = arith.constant 8 : i32
    %dma_wait3A_381 = arith.constant 0 : i32
    %dma_wait3A_382 = tpu.memref_slice %arg9[%dma_wait3A_380, %dma_wait3A_381] : memref<16x640xi32, #tpu.memory_space<vmem>> -> memref<1x640xi32, #tpu.memory_space<vmem>>
    %dma_wait3A_383 = tpu.memref_squeeze %dma_wait3A_382 : memref<1x640xi32, #tpu.memory_space<vmem>> -> memref<640xi32, #tpu.memory_space<vmem>>
    %dma_wait3A_384 = arith.constant 0 : i32
    %dma_wait3A_385 = tpu.memref_slice %arg15[%dma_wait3A_379, %dma_wait3A_384] : memref<16x640xi32, #tpu.memory_space<vmem_shared>> -> memref<1x640xi32, #tpu.memory_space<vmem_shared>>
    %dma_wait3A_386 = tpu.memref_squeeze %dma_wait3A_385 : memref<1x640xi32, #tpu.memory_space<vmem_shared>> -> memref<640xi32, #tpu.memory_space<vmem_shared>>
    %dma_wait3A_387 = arith.constant 0 : i32
    %dma_wait3A_388 = tpu.memref_slice %arg9[%dma_wait3A_380, %dma_wait3A_387] : memref<16x640xi32, #tpu.memory_space<vmem>> -> memref<1x640xi32, #tpu.memory_space<vmem>>
    %dma_wait3A_389 = tpu.memref_squeeze %dma_wait3A_388 : memref<1x640xi32, #tpu.memory_space<vmem>> -> memref<640xi32, #tpu.memory_space<vmem>>
    %dma_wait3A_390 = arith.constant 0 : i32
    %dma_wait3A_391 = tpu.memref_slice %arg15[%dma_wait3A_379, %dma_wait3A_390] : memref<16x640xi32, #tpu.memory_space<vmem_shared>> -> memref<1x640xi32, #tpu.memory_space<vmem_shared>>
    %dma_wait3A_392 = tpu.memref_squeeze %dma_wait3A_391 : memref<1x640xi32, #tpu.memory_space<vmem_shared>> -> memref<640xi32, #tpu.memory_space<vmem_shared>>
    tpu.wait_dma2 semaphore(%arg16 : memref<!tpu.dma_semaphore, #tpu.memory_space<semaphore_mem>>) src(%dma_wait3A_392 : memref<640xi32, #tpu.memory_space<vmem_shared>>) dst(%dma_wait3A_389 : memref<640xi32, #tpu.memory_space<vmem>>)
    %dma_wait3A_393 = arith.constant 9 : i32
    %dma_wait3A_394 = arith.constant 9 : i32
    %dma_wait3A_395 = arith.constant 0 : i32
    %dma_wait3A_396 = tpu.memref_slice %arg9[%dma_wait3A_394, %dma_wait3A_395] : memref<16x640xi32, #tpu.memory_space<vmem>> -> memref<1x640xi32, #tpu.memory_space<vmem>>
    %dma_wait3A_397 = tpu.memref_squeeze %dma_wait3A_396 : memref<1x640xi32, #tpu.memory_space<vmem>> -> memref<640xi32, #tpu.memory_space<vmem>>
    %dma_wait3A_398 = arith.constant 0 : i32
    %dma_wait3A_399 = tpu.memref_slice %arg15[%dma_wait3A_393, %dma_wait3A_398] : memref<16x640xi32, #tpu.memory_space<vmem_shared>> -> memref<1x640xi32, #tpu.memory_space<vmem_shared>>
    %dma_wait3A_400 = tpu.memref_squeeze %dma_wait3A_399 : memref<1x640xi32, #tpu.memory_space<vmem_shared>> -> memref<640xi32, #tpu.memory_space<vmem_shared>>
    %dma_wait3A_401 = arith.constant 0 : i32
    %dma_wait3A_402 = tpu.memref_slice %arg9[%dma_wait3A_394, %dma_wait3A_401] : memref<16x640xi32, #tpu.memory_space<vmem>> -> memref<1x640xi32, #tpu.memory_space<vmem>>
    %dma_wait3A_403 = tpu.memref_squeeze %dma_wait3A_402 : memref<1x640xi32, #tpu.memory_space<vmem>> -> memref<640xi32, #tpu.memory_space<vmem>>
    %dma_wait3A_404 = arith.constant 0 : i32
    %dma_wait3A_405 = tpu.memref_slice %arg15[%dma_wait3A_393, %dma_wait3A_404] : memref<16x640xi32, #tpu.memory_space<vmem_shared>> -> memref<1x640xi32, #tpu.memory_space<vmem_shared>>
    %dma_wait3A_406 = tpu.memref_squeeze %dma_wait3A_405 : memref<1x640xi32, #tpu.memory_space<vmem_shared>> -> memref<640xi32, #tpu.memory_space<vmem_shared>>
    tpu.wait_dma2 semaphore(%arg16 : memref<!tpu.dma_semaphore, #tpu.memory_space<semaphore_mem>>) src(%dma_wait3A_406 : memref<640xi32, #tpu.memory_space<vmem_shared>>) dst(%dma_wait3A_403 : memref<640xi32, #tpu.memory_space<vmem>>)
    %dma_wait3A_407 = arith.constant 10 : i32
    %dma_wait3A_408 = arith.constant 10 : i32
    %dma_wait3A_409 = arith.constant 0 : i32
    %dma_wait3A_410 = tpu.memref_slice %arg9[%dma_wait3A_408, %dma_wait3A_409] : memref<16x640xi32, #tpu.memory_space<vmem>> -> memref<1x640xi32, #tpu.memory_space<vmem>>
    %dma_wait3A_411 = tpu.memref_squeeze %dma_wait3A_410 : memref<1x640xi32, #tpu.memory_space<vmem>> -> memref<640xi32, #tpu.memory_space<vmem>>
    %dma_wait3A_412 = arith.constant 0 : i32
    %dma_wait3A_413 = tpu.memref_slice %arg15[%dma_wait3A_407, %dma_wait3A_412] : memref<16x640xi32, #tpu.memory_space<vmem_shared>> -> memref<1x640xi32, #tpu.memory_space<vmem_shared>>
    %dma_wait3A_414 = tpu.memref_squeeze %dma_wait3A_413 : memref<1x640xi32, #tpu.memory_space<vmem_shared>> -> memref<640xi32, #tpu.memory_space<vmem_shared>>
    %dma_wait3A_415 = arith.constant 0 : i32
    %dma_wait3A_416 = tpu.memref_slice %arg9[%dma_wait3A_408, %dma_wait3A_415] : memref<16x640xi32, #tpu.memory_space<vmem>> -> memref<1x640xi32, #tpu.memory_space<vmem>>
    %dma_wait3A_417 = tpu.memref_squeeze %dma_wait3A_416 : memref<1x640xi32, #tpu.memory_space<vmem>> -> memref<640xi32, #tpu.memory_space<vmem>>
    %dma_wait3A_418 = arith.constant 0 : i32
    %dma_wait3A_419 = tpu.memref_slice %arg15[%dma_wait3A_407, %dma_wait3A_418] : memref<16x640xi32, #tpu.memory_space<vmem_shared>> -> memref<1x640xi32, #tpu.memory_space<vmem_shared>>
    %dma_wait3A_420 = tpu.memref_squeeze %dma_wait3A_419 : memref<1x640xi32, #tpu.memory_space<vmem_shared>> -> memref<640xi32, #tpu.memory_space<vmem_shared>>
    tpu.wait_dma2 semaphore(%arg16 : memref<!tpu.dma_semaphore, #tpu.memory_space<semaphore_mem>>) src(%dma_wait3A_420 : memref<640xi32, #tpu.memory_space<vmem_shared>>) dst(%dma_wait3A_417 : memref<640xi32, #tpu.memory_space<vmem>>)
    %dma_wait3A_421 = arith.constant 11 : i32
    %dma_wait3A_422 = arith.constant 11 : i32
    %dma_wait3A_423 = arith.constant 0 : i32
    %dma_wait3A_424 = tpu.memref_slice %arg9[%dma_wait3A_422, %dma_wait3A_423] : memref<16x640xi32, #tpu.memory_space<vmem>> -> memref<1x640xi32, #tpu.memory_space<vmem>>
    %dma_wait3A_425 = tpu.memref_squeeze %dma_wait3A_424 : memref<1x640xi32, #tpu.memory_space<vmem>> -> memref<640xi32, #tpu.memory_space<vmem>>
    %dma_wait3A_426 = arith.constant 0 : i32
    %dma_wait3A_427 = tpu.memref_slice %arg15[%dma_wait3A_421, %dma_wait3A_426] : memref<16x640xi32, #tpu.memory_space<vmem_shared>> -> memref<1x640xi32, #tpu.memory_space<vmem_shared>>
    %dma_wait3A_428 = tpu.memref_squeeze %dma_wait3A_427 : memref<1x640xi32, #tpu.memory_space<vmem_shared>> -> memref<640xi32, #tpu.memory_space<vmem_shared>>
    %dma_wait3A_429 = arith.constant 0 : i32
    %dma_wait3A_430 = tpu.memref_slice %arg9[%dma_wait3A_422, %dma_wait3A_429] : memref<16x640xi32, #tpu.memory_space<vmem>> -> memref<1x640xi32, #tpu.memory_space<vmem>>
    %dma_wait3A_431 = tpu.memref_squeeze %dma_wait3A_430 : memref<1x640xi32, #tpu.memory_space<vmem>> -> memref<640xi32, #tpu.memory_space<vmem>>
    %dma_wait3A_432 = arith.constant 0 : i32
    %dma_wait3A_433 = tpu.memref_slice %arg15[%dma_wait3A_421, %dma_wait3A_432] : memref<16x640xi32, #tpu.memory_space<vmem_shared>> -> memref<1x640xi32, #tpu.memory_space<vmem_shared>>
    %dma_wait3A_434 = tpu.memref_squeeze %dma_wait3A_433 : memref<1x640xi32, #tpu.memory_space<vmem_shared>> -> memref<640xi32, #tpu.memory_space<vmem_shared>>
    tpu.wait_dma2 semaphore(%arg16 : memref<!tpu.dma_semaphore, #tpu.memory_space<semaphore_mem>>) src(%dma_wait3A_434 : memref<640xi32, #tpu.memory_space<vmem_shared>>) dst(%dma_wait3A_431 : memref<640xi32, #tpu.memory_space<vmem>>)
    %dma_wait3A_435 = arith.constant 12 : i32
    %dma_wait3A_436 = arith.constant 12 : i32
    %dma_wait3A_437 = arith.constant 0 : i32
    %dma_wait3A_438 = tpu.memref_slice %arg9[%dma_wait3A_436, %dma_wait3A_437] : memref<16x640xi32, #tpu.memory_space<vmem>> -> memref<1x640xi32, #tpu.memory_space<vmem>>
    %dma_wait3A_439 = tpu.memref_squeeze %dma_wait3A_438 : memref<1x640xi32, #tpu.memory_space<vmem>> -> memref<640xi32, #tpu.memory_space<vmem>>
    %dma_wait3A_440 = arith.constant 0 : i32
    %dma_wait3A_441 = tpu.memref_slice %arg15[%dma_wait3A_435, %dma_wait3A_440] : memref<16x640xi32, #tpu.memory_space<vmem_shared>> -> memref<1x640xi32, #tpu.memory_space<vmem_shared>>
    %dma_wait3A_442 = tpu.memref_squeeze %dma_wait3A_441 : memref<1x640xi32, #tpu.memory_space<vmem_shared>> -> memref<640xi32, #tpu.memory_space<vmem_shared>>
    %dma_wait3A_443 = arith.constant 0 : i32
    %dma_wait3A_444 = tpu.memref_slice %arg9[%dma_wait3A_436, %dma_wait3A_443] : memref<16x640xi32, #tpu.memory_space<vmem>> -> memref<1x640xi32, #tpu.memory_space<vmem>>
    %dma_wait3A_445 = tpu.memref_squeeze %dma_wait3A_444 : memref<1x640xi32, #tpu.memory_space<vmem>> -> memref<640xi32, #tpu.memory_space<vmem>>
    %dma_wait3A_446 = arith.constant 0 : i32
    %dma_wait3A_447 = tpu.memref_slice %arg15[%dma_wait3A_435, %dma_wait3A_446] : memref<16x640xi32, #tpu.memory_space<vmem_shared>> -> memref<1x640xi32, #tpu.memory_space<vmem_shared>>
    %dma_wait3A_448 = tpu.memref_squeeze %dma_wait3A_447 : memref<1x640xi32, #tpu.memory_space<vmem_shared>> -> memref<640xi32, #tpu.memory_space<vmem_shared>>
    tpu.wait_dma2 semaphore(%arg16 : memref<!tpu.dma_semaphore, #tpu.memory_space<semaphore_mem>>) src(%dma_wait3A_448 : memref<640xi32, #tpu.memory_space<vmem_shared>>) dst(%dma_wait3A_445 : memref<640xi32, #tpu.memory_space<vmem>>)
    %dma_wait3A_449 = arith.constant 13 : i32
    %dma_wait3A_450 = arith.constant 13 : i32
    %dma_wait3A_451 = arith.constant 0 : i32
    %dma_wait3A_452 = tpu.memref_slice %arg9[%dma_wait3A_450, %dma_wait3A_451] : memref<16x640xi32, #tpu.memory_space<vmem>> -> memref<1x640xi32, #tpu.memory_space<vmem>>
    %dma_wait3A_453 = tpu.memref_squeeze %dma_wait3A_452 : memref<1x640xi32, #tpu.memory_space<vmem>> -> memref<640xi32, #tpu.memory_space<vmem>>
    %dma_wait3A_454 = arith.constant 0 : i32
    %dma_wait3A_455 = tpu.memref_slice %arg15[%dma_wait3A_449, %dma_wait3A_454] : memref<16x640xi32, #tpu.memory_space<vmem_shared>> -> memref<1x640xi32, #tpu.memory_space<vmem_shared>>
    %dma_wait3A_456 = tpu.memref_squeeze %dma_wait3A_455 : memref<1x640xi32, #tpu.memory_space<vmem_shared>> -> memref<640xi32, #tpu.memory_space<vmem_shared>>
    %dma_wait3A_457 = arith.constant 0 : i32
    %dma_wait3A_458 = tpu.memref_slice %arg9[%dma_wait3A_450, %dma_wait3A_457] : memref<16x640xi32, #tpu.memory_space<vmem>> -> memref<1x640xi32, #tpu.memory_space<vmem>>
    %dma_wait3A_459 = tpu.memref_squeeze %dma_wait3A_458 : memref<1x640xi32, #tpu.memory_space<vmem>> -> memref<640xi32, #tpu.memory_space<vmem>>
    %dma_wait3A_460 = arith.constant 0 : i32
    %dma_wait3A_461 = tpu.memref_slice %arg15[%dma_wait3A_449, %dma_wait3A_460] : memref<16x640xi32, #tpu.memory_space<vmem_shared>> -> memref<1x640xi32, #tpu.memory_space<vmem_shared>>
    %dma_wait3A_462 = tpu.memref_squeeze %dma_wait3A_461 : memref<1x640xi32, #tpu.memory_space<vmem_shared>> -> memref<640xi32, #tpu.memory_space<vmem_shared>>
    tpu.wait_dma2 semaphore(%arg16 : memref<!tpu.dma_semaphore, #tpu.memory_space<semaphore_mem>>) src(%dma_wait3A_462 : memref<640xi32, #tpu.memory_space<vmem_shared>>) dst(%dma_wait3A_459 : memref<640xi32, #tpu.memory_space<vmem>>)
    %dma_wait3A_463 = arith.constant 14 : i32
    %dma_wait3A_464 = arith.constant 14 : i32
    %dma_wait3A_465 = arith.constant 0 : i32
    %dma_wait3A_466 = tpu.memref_slice %arg9[%dma_wait3A_464, %dma_wait3A_465] : memref<16x640xi32, #tpu.memory_space<vmem>> -> memref<1x640xi32, #tpu.memory_space<vmem>>
    %dma_wait3A_467 = tpu.memref_squeeze %dma_wait3A_466 : memref<1x640xi32, #tpu.memory_space<vmem>> -> memref<640xi32, #tpu.memory_space<vmem>>
    %dma_wait3A_468 = arith.constant 0 : i32
    %dma_wait3A_469 = tpu.memref_slice %arg15[%dma_wait3A_463, %dma_wait3A_468] : memref<16x640xi32, #tpu.memory_space<vmem_shared>> -> memref<1x640xi32, #tpu.memory_space<vmem_shared>>
    %dma_wait3A_470 = tpu.memref_squeeze %dma_wait3A_469 : memref<1x640xi32, #tpu.memory_space<vmem_shared>> -> memref<640xi32, #tpu.memory_space<vmem_shared>>
    %dma_wait3A_471 = arith.constant 0 : i32
    %dma_wait3A_472 = tpu.memref_slice %arg9[%dma_wait3A_464, %dma_wait3A_471] : memref<16x640xi32, #tpu.memory_space<vmem>> -> memref<1x640xi32, #tpu.memory_space<vmem>>
    %dma_wait3A_473 = tpu.memref_squeeze %dma_wait3A_472 : memref<1x640xi32, #tpu.memory_space<vmem>> -> memref<640xi32, #tpu.memory_space<vmem>>
    %dma_wait3A_474 = arith.constant 0 : i32
    %dma_wait3A_475 = tpu.memref_slice %arg15[%dma_wait3A_463, %dma_wait3A_474] : memref<16x640xi32, #tpu.memory_space<vmem_shared>> -> memref<1x640xi32, #tpu.memory_space<vmem_shared>>
    %dma_wait3A_476 = tpu.memref_squeeze %dma_wait3A_475 : memref<1x640xi32, #tpu.memory_space<vmem_shared>> -> memref<640xi32, #tpu.memory_space<vmem_shared>>
    tpu.wait_dma2 semaphore(%arg16 : memref<!tpu.dma_semaphore, #tpu.memory_space<semaphore_mem>>) src(%dma_wait3A_476 : memref<640xi32, #tpu.memory_space<vmem_shared>>) dst(%dma_wait3A_473 : memref<640xi32, #tpu.memory_space<vmem>>)
    %dma_wait3A_477 = arith.constant 15 : i32
    %dma_wait3A_478 = arith.constant 15 : i32
    %dma_wait3A_479 = arith.constant 0 : i32
    %dma_wait3A_480 = tpu.memref_slice %arg9[%dma_wait3A_478, %dma_wait3A_479] : memref<16x640xi32, #tpu.memory_space<vmem>> -> memref<1x640xi32, #tpu.memory_space<vmem>>
    %dma_wait3A_481 = tpu.memref_squeeze %dma_wait3A_480 : memref<1x640xi32, #tpu.memory_space<vmem>> -> memref<640xi32, #tpu.memory_space<vmem>>
    %dma_wait3A_482 = arith.constant 0 : i32
    %dma_wait3A_483 = tpu.memref_slice %arg15[%dma_wait3A_477, %dma_wait3A_482] : memref<16x640xi32, #tpu.memory_space<vmem_shared>> -> memref<1x640xi32, #tpu.memory_space<vmem_shared>>
    %dma_wait3A_484 = tpu.memref_squeeze %dma_wait3A_483 : memref<1x640xi32, #tpu.memory_space<vmem_shared>> -> memref<640xi32, #tpu.memory_space<vmem_shared>>
    %dma_wait3A_485 = arith.constant 0 : i32
    %dma_wait3A_486 = tpu.memref_slice %arg9[%dma_wait3A_478, %dma_wait3A_485] : memref<16x640xi32, #tpu.memory_space<vmem>> -> memref<1x640xi32, #tpu.memory_space<vmem>>
    %dma_wait3A_487 = tpu.memref_squeeze %dma_wait3A_486 : memref<1x640xi32, #tpu.memory_space<vmem>> -> memref<640xi32, #tpu.memory_space<vmem>>
    %dma_wait3A_488 = arith.constant 0 : i32
    %dma_wait3A_489 = tpu.memref_slice %arg15[%dma_wait3A_477, %dma_wait3A_488] : memref<16x640xi32, #tpu.memory_space<vmem_shared>> -> memref<1x640xi32, #tpu.memory_space<vmem_shared>>
    %dma_wait3A_490 = tpu.memref_squeeze %dma_wait3A_489 : memref<1x640xi32, #tpu.memory_space<vmem_shared>> -> memref<640xi32, #tpu.memory_space<vmem_shared>>
    tpu.wait_dma2 semaphore(%arg16 : memref<!tpu.dma_semaphore, #tpu.memory_space<semaphore_mem>>) src(%dma_wait3A_490 : memref<640xi32, #tpu.memory_space<vmem_shared>>) dst(%dma_wait3A_487 : memref<640xi32, #tpu.memory_space<vmem>>)
    %broadcast_in_dim3A_491 = arith.constant 1 : i32
    %broadcast_in_dim3A_492 = vector.broadcast %broadcast_in_dim3A_491 : i32 to vector<16xi32>
    %add3A_493 = arith.constant 320 : i32
    %add3A_494 = arith.addi %mul3A_4, %add3A_493 : i32
    %scan3A_495 = arith.constant 0 : i32
    %scan3A_496 = arith.constant 0 : i32
    %scan3A_497 = arith.constant 40 : i32
    %scan3A_498 = arith.addi %scan3A_496, %scan3A_497 : i32
    %scan3A_499 = arith.constant 1 : i32
    scf.for %scan3A_597 = %scan3A_496 to %scan3A_498 step %scan3A_499  : i32 {
      %mul3A_598 = arith.constant 16 : i32
      %mul3A_599 = arith.muli %scan3A_597, %mul3A_598 : i32
      %get3A = arith.constant 0 : i32
      %get3A_600 = arith.index_cast %get3A : i32 to index
      %get3A_601 = arith.index_cast %mul3A_599 : i32 to index
      %get3A_602 = tpu.vector_load %arg9[%get3A_600, %get3A_601] {strides = array<i32>} : memref<16x640xi32, #tpu.memory_space<vmem>>, vector<16xi32>,
      %ge3A = vector.broadcast %mul3A_4 : i32 to vector<16xi32>
      %ge3A_603 = arith.cmpi sge, %get3A_602, %ge3A : vector<16xi32>
      %lt3A = vector.broadcast %add3A_494 : i32 to vector<16xi32>
      %lt3A_604 = arith.cmpi slt, %get3A_602, %lt3A : vector<16xi32>
      %and3A = arith.andi %ge3A_603, %lt3A_604 : vector<16xi1>
      %sub3A = vector.broadcast %mul3A_4 : i32 to vector<16xi32>
      %sub3A_605 = arith.subi %get3A_602, %sub3A : vector<16xi32>
      %jit3A = arith.constant 0 : i32
      %broadcast_in_dim3A_606 = vector.broadcast %jit3A : i32 to vector<16xi32>
      %select_n3A = arith.select %and3A, %sub3A_605, %broadcast_in_dim3A_606 : vector<16xi1>, vector<16xi32>
      tpu.vector_store_idx %arg13[%select_n3A], %broadcast_in_dim3A_492 masked %and3A : memref<320xi32, #tpu.memory_space<vmem>>[vector<16xi32>], vector<16xi32>, vector<16xi1>
    }
    %scan3A_500 = arith.constant 40 : i32
    %scan3A_501 = arith.constant 0 : i32
    %scan3A_502 = arith.constant 0 : i32
    %scan3A_503 = arith.constant 40 : i32
    %scan3A_504 = arith.addi %scan3A_502, %scan3A_503 : i32
    %scan3A_505 = arith.constant 1 : i32
    scf.for %scan3A_597 = %scan3A_502 to %scan3A_504 step %scan3A_505  : i32 {
      %mul3A_598 = arith.constant 16 : i32
      %mul3A_599 = arith.muli %scan3A_597, %mul3A_598 : i32
      %get3A = arith.constant 1 : i32
      %get3A_600 = arith.index_cast %get3A : i32 to index
      %get3A_601 = arith.index_cast %mul3A_599 : i32 to index
      %get3A_602 = tpu.vector_load %arg9[%get3A_600, %get3A_601] {strides = array<i32>} : memref<16x640xi32, #tpu.memory_space<vmem>>, vector<16xi32>,
      %ge3A = vector.broadcast %mul3A_4 : i32 to vector<16xi32>
      %ge3A_603 = arith.cmpi sge, %get3A_602, %ge3A : vector<16xi32>
      %lt3A = vector.broadcast %add3A_494 : i32 to vector<16xi32>
      %lt3A_604 = arith.cmpi slt, %get3A_602, %lt3A : vector<16xi32>
      %and3A = arith.andi %ge3A_603, %lt3A_604 : vector<16xi1>
      %sub3A = vector.broadcast %mul3A_4 : i32 to vector<16xi32>
      %sub3A_605 = arith.subi %get3A_602, %sub3A : vector<16xi32>
      %jit3A = arith.constant 0 : i32
      %broadcast_in_dim3A_606 = vector.broadcast %jit3A : i32 to vector<16xi32>
      %select_n3A = arith.select %and3A, %sub3A_605, %broadcast_in_dim3A_606 : vector<16xi1>, vector<16xi32>
      tpu.vector_store_idx %arg13[%select_n3A], %broadcast_in_dim3A_492 masked %and3A : memref<320xi32, #tpu.memory_space<vmem>>[vector<16xi32>], vector<16xi32>, vector<16xi1>
    }
    %scan3A_506 = arith.constant 40 : i32
    %scan3A_507 = arith.constant 0 : i32
    %scan3A_508 = arith.constant 0 : i32
    %scan3A_509 = arith.constant 40 : i32
    %scan3A_510 = arith.addi %scan3A_508, %scan3A_509 : i32
    %scan3A_511 = arith.constant 1 : i32
    scf.for %scan3A_597 = %scan3A_508 to %scan3A_510 step %scan3A_511  : i32 {
      %mul3A_598 = arith.constant 16 : i32
      %mul3A_599 = arith.muli %scan3A_597, %mul3A_598 : i32
      %get3A = arith.constant 2 : i32
      %get3A_600 = arith.index_cast %get3A : i32 to index
      %get3A_601 = arith.index_cast %mul3A_599 : i32 to index
      %get3A_602 = tpu.vector_load %arg9[%get3A_600, %get3A_601] {strides = array<i32>} : memref<16x640xi32, #tpu.memory_space<vmem>>, vector<16xi32>,
      %ge3A = vector.broadcast %mul3A_4 : i32 to vector<16xi32>
      %ge3A_603 = arith.cmpi sge, %get3A_602, %ge3A : vector<16xi32>
      %lt3A = vector.broadcast %add3A_494 : i32 to vector<16xi32>
      %lt3A_604 = arith.cmpi slt, %get3A_602, %lt3A : vector<16xi32>
      %and3A = arith.andi %ge3A_603, %lt3A_604 : vector<16xi1>
      %sub3A = vector.broadcast %mul3A_4 : i32 to vector<16xi32>
      %sub3A_605 = arith.subi %get3A_602, %sub3A : vector<16xi32>
      %jit3A = arith.constant 0 : i32
      %broadcast_in_dim3A_606 = vector.broadcast %jit3A : i32 to vector<16xi32>
      %select_n3A = arith.select %and3A, %sub3A_605, %broadcast_in_dim3A_606 : vector<16xi1>, vector<16xi32>
      tpu.vector_store_idx %arg13[%select_n3A], %broadcast_in_dim3A_492 masked %and3A : memref<320xi32, #tpu.memory_space<vmem>>[vector<16xi32>], vector<16xi32>, vector<16xi1>
    }
    %scan3A_512 = arith.constant 40 : i32
    %scan3A_513 = arith.constant 0 : i32
    %scan3A_514 = arith.constant 0 : i32
    %scan3A_515 = arith.constant 40 : i32
    %scan3A_516 = arith.addi %scan3A_514, %scan3A_515 : i32
    %scan3A_517 = arith.constant 1 : i32
    scf.for %scan3A_597 = %scan3A_514 to %scan3A_516 step %scan3A_517  : i32 {
      %mul3A_598 = arith.constant 16 : i32
      %mul3A_599 = arith.muli %scan3A_597, %mul3A_598 : i32
      %get3A = arith.constant 3 : i32
      %get3A_600 = arith.index_cast %get3A : i32 to index
      %get3A_601 = arith.index_cast %mul3A_599 : i32 to index
      %get3A_602 = tpu.vector_load %arg9[%get3A_600, %get3A_601] {strides = array<i32>} : memref<16x640xi32, #tpu.memory_space<vmem>>, vector<16xi32>,
      %ge3A = vector.broadcast %mul3A_4 : i32 to vector<16xi32>
      %ge3A_603 = arith.cmpi sge, %get3A_602, %ge3A : vector<16xi32>
      %lt3A = vector.broadcast %add3A_494 : i32 to vector<16xi32>
      %lt3A_604 = arith.cmpi slt, %get3A_602, %lt3A : vector<16xi32>
      %and3A = arith.andi %ge3A_603, %lt3A_604 : vector<16xi1>
      %sub3A = vector.broadcast %mul3A_4 : i32 to vector<16xi32>
      %sub3A_605 = arith.subi %get3A_602, %sub3A : vector<16xi32>
      %jit3A = arith.constant 0 : i32
      %broadcast_in_dim3A_606 = vector.broadcast %jit3A : i32 to vector<16xi32>
      %select_n3A = arith.select %and3A, %sub3A_605, %broadcast_in_dim3A_606 : vector<16xi1>, vector<16xi32>
      tpu.vector_store_idx %arg13[%select_n3A], %broadcast_in_dim3A_492 masked %and3A : memref<320xi32, #tpu.memory_space<vmem>>[vector<16xi32>], vector<16xi32>, vector<16xi1>
    }
    %scan3A_518 = arith.constant 40 : i32
    %scan3A_519 = arith.constant 0 : i32
    %scan3A_520 = arith.constant 0 : i32
    %scan3A_521 = arith.constant 40 : i32
    %scan3A_522 = arith.addi %scan3A_520, %scan3A_521 : i32
    %scan3A_523 = arith.constant 1 : i32
    scf.for %scan3A_597 = %scan3A_520 to %scan3A_522 step %scan3A_523  : i32 {
      %mul3A_598 = arith.constant 16 : i32
      %mul3A_599 = arith.muli %scan3A_597, %mul3A_598 : i32
      %get3A = arith.constant 4 : i32
      %get3A_600 = arith.index_cast %get3A : i32 to index
      %get3A_601 = arith.index_cast %mul3A_599 : i32 to index
      %get3A_602 = tpu.vector_load %arg9[%get3A_600, %get3A_601] {strides = array<i32>} : memref<16x640xi32, #tpu.memory_space<vmem>>, vector<16xi32>,
      %ge3A = vector.broadcast %mul3A_4 : i32 to vector<16xi32>
      %ge3A_603 = arith.cmpi sge, %get3A_602, %ge3A : vector<16xi32>
      %lt3A = vector.broadcast %add3A_494 : i32 to vector<16xi32>
      %lt3A_604 = arith.cmpi slt, %get3A_602, %lt3A : vector<16xi32>
      %and3A = arith.andi %ge3A_603, %lt3A_604 : vector<16xi1>
      %sub3A = vector.broadcast %mul3A_4 : i32 to vector<16xi32>
      %sub3A_605 = arith.subi %get3A_602, %sub3A : vector<16xi32>
      %jit3A = arith.constant 0 : i32
      %broadcast_in_dim3A_606 = vector.broadcast %jit3A : i32 to vector<16xi32>
      %select_n3A = arith.select %and3A, %sub3A_605, %broadcast_in_dim3A_606 : vector<16xi1>, vector<16xi32>
      tpu.vector_store_idx %arg13[%select_n3A], %broadcast_in_dim3A_492 masked %and3A : memref<320xi32, #tpu.memory_space<vmem>>[vector<16xi32>], vector<16xi32>, vector<16xi1>
    }
    %scan3A_524 = arith.constant 40 : i32
    %scan3A_525 = arith.constant 0 : i32
    %scan3A_526 = arith.constant 0 : i32
    %scan3A_527 = arith.constant 40 : i32
    %scan3A_528 = arith.addi %scan3A_526, %scan3A_527 : i32
    %scan3A_529 = arith.constant 1 : i32
    scf.for %scan3A_597 = %scan3A_526 to %scan3A_528 step %scan3A_529  : i32 {
      %mul3A_598 = arith.constant 16 : i32
      %mul3A_599 = arith.muli %scan3A_597, %mul3A_598 : i32
      %get3A = arith.constant 5 : i32
      %get3A_600 = arith.index_cast %get3A : i32 to index
      %get3A_601 = arith.index_cast %mul3A_599 : i32 to index
      %get3A_602 = tpu.vector_load %arg9[%get3A_600, %get3A_601] {strides = array<i32>} : memref<16x640xi32, #tpu.memory_space<vmem>>, vector<16xi32>,
      %ge3A = vector.broadcast %mul3A_4 : i32 to vector<16xi32>
      %ge3A_603 = arith.cmpi sge, %get3A_602, %ge3A : vector<16xi32>
      %lt3A = vector.broadcast %add3A_494 : i32 to vector<16xi32>
      %lt3A_604 = arith.cmpi slt, %get3A_602, %lt3A : vector<16xi32>
      %and3A = arith.andi %ge3A_603, %lt3A_604 : vector<16xi1>
      %sub3A = vector.broadcast %mul3A_4 : i32 to vector<16xi32>
      %sub3A_605 = arith.subi %get3A_602, %sub3A : vector<16xi32>
      %jit3A = arith.constant 0 : i32
      %broadcast_in_dim3A_606 = vector.broadcast %jit3A : i32 to vector<16xi32>
      %select_n3A = arith.select %and3A, %sub3A_605, %broadcast_in_dim3A_606 : vector<16xi1>, vector<16xi32>
      tpu.vector_store_idx %arg13[%select_n3A], %broadcast_in_dim3A_492 masked %and3A : memref<320xi32, #tpu.memory_space<vmem>>[vector<16xi32>], vector<16xi32>, vector<16xi1>
    }
    %scan3A_530 = arith.constant 40 : i32
    %scan3A_531 = arith.constant 0 : i32
    %scan3A_532 = arith.constant 0 : i32
    %scan3A_533 = arith.constant 40 : i32
    %scan3A_534 = arith.addi %scan3A_532, %scan3A_533 : i32
    %scan3A_535 = arith.constant 1 : i32
    scf.for %scan3A_597 = %scan3A_532 to %scan3A_534 step %scan3A_535  : i32 {
      %mul3A_598 = arith.constant 16 : i32
      %mul3A_599 = arith.muli %scan3A_597, %mul3A_598 : i32
      %get3A = arith.constant 6 : i32
      %get3A_600 = arith.index_cast %get3A : i32 to index
      %get3A_601 = arith.index_cast %mul3A_599 : i32 to index
      %get3A_602 = tpu.vector_load %arg9[%get3A_600, %get3A_601] {strides = array<i32>} : memref<16x640xi32, #tpu.memory_space<vmem>>, vector<16xi32>,
      %ge3A = vector.broadcast %mul3A_4 : i32 to vector<16xi32>
      %ge3A_603 = arith.cmpi sge, %get3A_602, %ge3A : vector<16xi32>
      %lt3A = vector.broadcast %add3A_494 : i32 to vector<16xi32>
      %lt3A_604 = arith.cmpi slt, %get3A_602, %lt3A : vector<16xi32>
      %and3A = arith.andi %ge3A_603, %lt3A_604 : vector<16xi1>
      %sub3A = vector.broadcast %mul3A_4 : i32 to vector<16xi32>
      %sub3A_605 = arith.subi %get3A_602, %sub3A : vector<16xi32>
      %jit3A = arith.constant 0 : i32
      %broadcast_in_dim3A_606 = vector.broadcast %jit3A : i32 to vector<16xi32>
      %select_n3A = arith.select %and3A, %sub3A_605, %broadcast_in_dim3A_606 : vector<16xi1>, vector<16xi32>
      tpu.vector_store_idx %arg13[%select_n3A], %broadcast_in_dim3A_492 masked %and3A : memref<320xi32, #tpu.memory_space<vmem>>[vector<16xi32>], vector<16xi32>, vector<16xi1>
    }
    %scan3A_536 = arith.constant 40 : i32
    %scan3A_537 = arith.constant 0 : i32
    %scan3A_538 = arith.constant 0 : i32
    %scan3A_539 = arith.constant 40 : i32
    %scan3A_540 = arith.addi %scan3A_538, %scan3A_539 : i32
    %scan3A_541 = arith.constant 1 : i32
    scf.for %scan3A_597 = %scan3A_538 to %scan3A_540 step %scan3A_541  : i32 {
      %mul3A_598 = arith.constant 16 : i32
      %mul3A_599 = arith.muli %scan3A_597, %mul3A_598 : i32
      %get3A = arith.constant 7 : i32
      %get3A_600 = arith.index_cast %get3A : i32 to index
      %get3A_601 = arith.index_cast %mul3A_599 : i32 to index
      %get3A_602 = tpu.vector_load %arg9[%get3A_600, %get3A_601] {strides = array<i32>} : memref<16x640xi32, #tpu.memory_space<vmem>>, vector<16xi32>,
      %ge3A = vector.broadcast %mul3A_4 : i32 to vector<16xi32>
      %ge3A_603 = arith.cmpi sge, %get3A_602, %ge3A : vector<16xi32>
      %lt3A = vector.broadcast %add3A_494 : i32 to vector<16xi32>
      %lt3A_604 = arith.cmpi slt, %get3A_602, %lt3A : vector<16xi32>
      %and3A = arith.andi %ge3A_603, %lt3A_604 : vector<16xi1>
      %sub3A = vector.broadcast %mul3A_4 : i32 to vector<16xi32>
      %sub3A_605 = arith.subi %get3A_602, %sub3A : vector<16xi32>
      %jit3A = arith.constant 0 : i32
      %broadcast_in_dim3A_606 = vector.broadcast %jit3A : i32 to vector<16xi32>
      %select_n3A = arith.select %and3A, %sub3A_605, %broadcast_in_dim3A_606 : vector<16xi1>, vector<16xi32>
      tpu.vector_store_idx %arg13[%select_n3A], %broadcast_in_dim3A_492 masked %and3A : memref<320xi32, #tpu.memory_space<vmem>>[vector<16xi32>], vector<16xi32>, vector<16xi1>
    }
    %scan3A_542 = arith.constant 40 : i32
    %scan3A_543 = arith.constant 0 : i32
    %scan3A_544 = arith.constant 0 : i32
    %scan3A_545 = arith.constant 40 : i32
    %scan3A_546 = arith.addi %scan3A_544, %scan3A_545 : i32
    %scan3A_547 = arith.constant 1 : i32
    scf.for %scan3A_597 = %scan3A_544 to %scan3A_546 step %scan3A_547  : i32 {
      %mul3A_598 = arith.constant 16 : i32
      %mul3A_599 = arith.muli %scan3A_597, %mul3A_598 : i32
      %get3A = arith.constant 8 : i32
      %get3A_600 = arith.index_cast %get3A : i32 to index
      %get3A_601 = arith.index_cast %mul3A_599 : i32 to index
      %get3A_602 = tpu.vector_load %arg9[%get3A_600, %get3A_601] {strides = array<i32>} : memref<16x640xi32, #tpu.memory_space<vmem>>, vector<16xi32>,
      %ge3A = vector.broadcast %mul3A_4 : i32 to vector<16xi32>
      %ge3A_603 = arith.cmpi sge, %get3A_602, %ge3A : vector<16xi32>
      %lt3A = vector.broadcast %add3A_494 : i32 to vector<16xi32>
      %lt3A_604 = arith.cmpi slt, %get3A_602, %lt3A : vector<16xi32>
      %and3A = arith.andi %ge3A_603, %lt3A_604 : vector<16xi1>
      %sub3A = vector.broadcast %mul3A_4 : i32 to vector<16xi32>
      %sub3A_605 = arith.subi %get3A_602, %sub3A : vector<16xi32>
      %jit3A = arith.constant 0 : i32
      %broadcast_in_dim3A_606 = vector.broadcast %jit3A : i32 to vector<16xi32>
      %select_n3A = arith.select %and3A, %sub3A_605, %broadcast_in_dim3A_606 : vector<16xi1>, vector<16xi32>
      tpu.vector_store_idx %arg13[%select_n3A], %broadcast_in_dim3A_492 masked %and3A : memref<320xi32, #tpu.memory_space<vmem>>[vector<16xi32>], vector<16xi32>, vector<16xi1>
    }
    %scan3A_548 = arith.constant 40 : i32
    %scan3A_549 = arith.constant 0 : i32
    %scan3A_550 = arith.constant 0 : i32
    %scan3A_551 = arith.constant 40 : i32
    %scan3A_552 = arith.addi %scan3A_550, %scan3A_551 : i32
    %scan3A_553 = arith.constant 1 : i32
    scf.for %scan3A_597 = %scan3A_550 to %scan3A_552 step %scan3A_553  : i32 {
      %mul3A_598 = arith.constant 16 : i32
      %mul3A_599 = arith.muli %scan3A_597, %mul3A_598 : i32
      %get3A = arith.constant 9 : i32
      %get3A_600 = arith.index_cast %get3A : i32 to index
      %get3A_601 = arith.index_cast %mul3A_599 : i32 to index
      %get3A_602 = tpu.vector_load %arg9[%get3A_600, %get3A_601] {strides = array<i32>} : memref<16x640xi32, #tpu.memory_space<vmem>>, vector<16xi32>,
      %ge3A = vector.broadcast %mul3A_4 : i32 to vector<16xi32>
      %ge3A_603 = arith.cmpi sge, %get3A_602, %ge3A : vector<16xi32>
      %lt3A = vector.broadcast %add3A_494 : i32 to vector<16xi32>
      %lt3A_604 = arith.cmpi slt, %get3A_602, %lt3A : vector<16xi32>
      %and3A = arith.andi %ge3A_603, %lt3A_604 : vector<16xi1>
      %sub3A = vector.broadcast %mul3A_4 : i32 to vector<16xi32>
      %sub3A_605 = arith.subi %get3A_602, %sub3A : vector<16xi32>
      %jit3A = arith.constant 0 : i32
      %broadcast_in_dim3A_606 = vector.broadcast %jit3A : i32 to vector<16xi32>
      %select_n3A = arith.select %and3A, %sub3A_605, %broadcast_in_dim3A_606 : vector<16xi1>, vector<16xi32>
      tpu.vector_store_idx %arg13[%select_n3A], %broadcast_in_dim3A_492 masked %and3A : memref<320xi32, #tpu.memory_space<vmem>>[vector<16xi32>], vector<16xi32>, vector<16xi1>
    }
    %scan3A_554 = arith.constant 40 : i32
    %scan3A_555 = arith.constant 0 : i32
    %scan3A_556 = arith.constant 0 : i32
    %scan3A_557 = arith.constant 40 : i32
    %scan3A_558 = arith.addi %scan3A_556, %scan3A_557 : i32
    %scan3A_559 = arith.constant 1 : i32
    scf.for %scan3A_597 = %scan3A_556 to %scan3A_558 step %scan3A_559  : i32 {
      %mul3A_598 = arith.constant 16 : i32
      %mul3A_599 = arith.muli %scan3A_597, %mul3A_598 : i32
      %get3A = arith.constant 10 : i32
      %get3A_600 = arith.index_cast %get3A : i32 to index
      %get3A_601 = arith.index_cast %mul3A_599 : i32 to index
      %get3A_602 = tpu.vector_load %arg9[%get3A_600, %get3A_601] {strides = array<i32>} : memref<16x640xi32, #tpu.memory_space<vmem>>, vector<16xi32>,
      %ge3A = vector.broadcast %mul3A_4 : i32 to vector<16xi32>
      %ge3A_603 = arith.cmpi sge, %get3A_602, %ge3A : vector<16xi32>
      %lt3A = vector.broadcast %add3A_494 : i32 to vector<16xi32>
      %lt3A_604 = arith.cmpi slt, %get3A_602, %lt3A : vector<16xi32>
      %and3A = arith.andi %ge3A_603, %lt3A_604 : vector<16xi1>
      %sub3A = vector.broadcast %mul3A_4 : i32 to vector<16xi32>
      %sub3A_605 = arith.subi %get3A_602, %sub3A : vector<16xi32>
      %jit3A = arith.constant 0 : i32
      %broadcast_in_dim3A_606 = vector.broadcast %jit3A : i32 to vector<16xi32>
      %select_n3A = arith.select %and3A, %sub3A_605, %broadcast_in_dim3A_606 : vector<16xi1>, vector<16xi32>
      tpu.vector_store_idx %arg13[%select_n3A], %broadcast_in_dim3A_492 masked %and3A : memref<320xi32, #tpu.memory_space<vmem>>[vector<16xi32>], vector<16xi32>, vector<16xi1>
    }
    %scan3A_560 = arith.constant 40 : i32
    %scan3A_561 = arith.constant 0 : i32
    %scan3A_562 = arith.constant 0 : i32
    %scan3A_563 = arith.constant 40 : i32
    %scan3A_564 = arith.addi %scan3A_562, %scan3A_563 : i32
    %scan3A_565 = arith.constant 1 : i32
    scf.for %scan3A_597 = %scan3A_562 to %scan3A_564 step %scan3A_565  : i32 {
      %mul3A_598 = arith.constant 16 : i32
      %mul3A_599 = arith.muli %scan3A_597, %mul3A_598 : i32
      %get3A = arith.constant 11 : i32
      %get3A_600 = arith.index_cast %get3A : i32 to index
      %get3A_601 = arith.index_cast %mul3A_599 : i32 to index
      %get3A_602 = tpu.vector_load %arg9[%get3A_600, %get3A_601] {strides = array<i32>} : memref<16x640xi32, #tpu.memory_space<vmem>>, vector<16xi32>,
      %ge3A = vector.broadcast %mul3A_4 : i32 to vector<16xi32>
      %ge3A_603 = arith.cmpi sge, %get3A_602, %ge3A : vector<16xi32>
      %lt3A = vector.broadcast %add3A_494 : i32 to vector<16xi32>
      %lt3A_604 = arith.cmpi slt, %get3A_602, %lt3A : vector<16xi32>
      %and3A = arith.andi %ge3A_603, %lt3A_604 : vector<16xi1>
      %sub3A = vector.broadcast %mul3A_4 : i32 to vector<16xi32>
      %sub3A_605 = arith.subi %get3A_602, %sub3A : vector<16xi32>
      %jit3A = arith.constant 0 : i32
      %broadcast_in_dim3A_606 = vector.broadcast %jit3A : i32 to vector<16xi32>
      %select_n3A = arith.select %and3A, %sub3A_605, %broadcast_in_dim3A_606 : vector<16xi1>, vector<16xi32>
      tpu.vector_store_idx %arg13[%select_n3A], %broadcast_in_dim3A_492 masked %and3A : memref<320xi32, #tpu.memory_space<vmem>>[vector<16xi32>], vector<16xi32>, vector<16xi1>
    }
    %scan3A_566 = arith.constant 40 : i32
    %scan3A_567 = arith.constant 0 : i32
    %scan3A_568 = arith.constant 0 : i32
    %scan3A_569 = arith.constant 40 : i32
    %scan3A_570 = arith.addi %scan3A_568, %scan3A_569 : i32
    %scan3A_571 = arith.constant 1 : i32
    scf.for %scan3A_597 = %scan3A_568 to %scan3A_570 step %scan3A_571  : i32 {
      %mul3A_598 = arith.constant 16 : i32
      %mul3A_599 = arith.muli %scan3A_597, %mul3A_598 : i32
      %get3A = arith.constant 12 : i32
      %get3A_600 = arith.index_cast %get3A : i32 to index
      %get3A_601 = arith.index_cast %mul3A_599 : i32 to index
      %get3A_602 = tpu.vector_load %arg9[%get3A_600, %get3A_601] {strides = array<i32>} : memref<16x640xi32, #tpu.memory_space<vmem>>, vector<16xi32>,
      %ge3A = vector.broadcast %mul3A_4 : i32 to vector<16xi32>
      %ge3A_603 = arith.cmpi sge, %get3A_602, %ge3A : vector<16xi32>
      %lt3A = vector.broadcast %add3A_494 : i32 to vector<16xi32>
      %lt3A_604 = arith.cmpi slt, %get3A_602, %lt3A : vector<16xi32>
      %and3A = arith.andi %ge3A_603, %lt3A_604 : vector<16xi1>
      %sub3A = vector.broadcast %mul3A_4 : i32 to vector<16xi32>
      %sub3A_605 = arith.subi %get3A_602, %sub3A : vector<16xi32>
      %jit3A = arith.constant 0 : i32
      %broadcast_in_dim3A_606 = vector.broadcast %jit3A : i32 to vector<16xi32>
      %select_n3A = arith.select %and3A, %sub3A_605, %broadcast_in_dim3A_606 : vector<16xi1>, vector<16xi32>
      tpu.vector_store_idx %arg13[%select_n3A], %broadcast_in_dim3A_492 masked %and3A : memref<320xi32, #tpu.memory_space<vmem>>[vector<16xi32>], vector<16xi32>, vector<16xi1>
    }
    %scan3A_572 = arith.constant 40 : i32
    %scan3A_573 = arith.constant 0 : i32
    %scan3A_574 = arith.constant 0 : i32
    %scan3A_575 = arith.constant 40 : i32
    %scan3A_576 = arith.addi %scan3A_574, %scan3A_575 : i32
    %scan3A_577 = arith.constant 1 : i32
    scf.for %scan3A_597 = %scan3A_574 to %scan3A_576 step %scan3A_577  : i32 {
      %mul3A_598 = arith.constant 16 : i32
      %mul3A_599 = arith.muli %scan3A_597, %mul3A_598 : i32
      %get3A = arith.constant 13 : i32
      %get3A_600 = arith.index_cast %get3A : i32 to index
      %get3A_601 = arith.index_cast %mul3A_599 : i32 to index
      %get3A_602 = tpu.vector_load %arg9[%get3A_600, %get3A_601] {strides = array<i32>} : memref<16x640xi32, #tpu.memory_space<vmem>>, vector<16xi32>,
      %ge3A = vector.broadcast %mul3A_4 : i32 to vector<16xi32>
      %ge3A_603 = arith.cmpi sge, %get3A_602, %ge3A : vector<16xi32>
      %lt3A = vector.broadcast %add3A_494 : i32 to vector<16xi32>
      %lt3A_604 = arith.cmpi slt, %get3A_602, %lt3A : vector<16xi32>
      %and3A = arith.andi %ge3A_603, %lt3A_604 : vector<16xi1>
      %sub3A = vector.broadcast %mul3A_4 : i32 to vector<16xi32>
      %sub3A_605 = arith.subi %get3A_602, %sub3A : vector<16xi32>
      %jit3A = arith.constant 0 : i32
      %broadcast_in_dim3A_606 = vector.broadcast %jit3A : i32 to vector<16xi32>
      %select_n3A = arith.select %and3A, %sub3A_605, %broadcast_in_dim3A_606 : vector<16xi1>, vector<16xi32>
      tpu.vector_store_idx %arg13[%select_n3A], %broadcast_in_dim3A_492 masked %and3A : memref<320xi32, #tpu.memory_space<vmem>>[vector<16xi32>], vector<16xi32>, vector<16xi1>
    }
    %scan3A_578 = arith.constant 40 : i32
    %scan3A_579 = arith.constant 0 : i32
    %scan3A_580 = arith.constant 0 : i32
    %scan3A_581 = arith.constant 40 : i32
    %scan3A_582 = arith.addi %scan3A_580, %scan3A_581 : i32
    %scan3A_583 = arith.constant 1 : i32
    scf.for %scan3A_597 = %scan3A_580 to %scan3A_582 step %scan3A_583  : i32 {
      %mul3A_598 = arith.constant 16 : i32
      %mul3A_599 = arith.muli %scan3A_597, %mul3A_598 : i32
      %get3A = arith.constant 14 : i32
      %get3A_600 = arith.index_cast %get3A : i32 to index
      %get3A_601 = arith.index_cast %mul3A_599 : i32 to index
      %get3A_602 = tpu.vector_load %arg9[%get3A_600, %get3A_601] {strides = array<i32>} : memref<16x640xi32, #tpu.memory_space<vmem>>, vector<16xi32>,
      %ge3A = vector.broadcast %mul3A_4 : i32 to vector<16xi32>
      %ge3A_603 = arith.cmpi sge, %get3A_602, %ge3A : vector<16xi32>
      %lt3A = vector.broadcast %add3A_494 : i32 to vector<16xi32>
      %lt3A_604 = arith.cmpi slt, %get3A_602, %lt3A : vector<16xi32>
      %and3A = arith.andi %ge3A_603, %lt3A_604 : vector<16xi1>
      %sub3A = vector.broadcast %mul3A_4 : i32 to vector<16xi32>
      %sub3A_605 = arith.subi %get3A_602, %sub3A : vector<16xi32>
      %jit3A = arith.constant 0 : i32
      %broadcast_in_dim3A_606 = vector.broadcast %jit3A : i32 to vector<16xi32>
      %select_n3A = arith.select %and3A, %sub3A_605, %broadcast_in_dim3A_606 : vector<16xi1>, vector<16xi32>
      tpu.vector_store_idx %arg13[%select_n3A], %broadcast_in_dim3A_492 masked %and3A : memref<320xi32, #tpu.memory_space<vmem>>[vector<16xi32>], vector<16xi32>, vector<16xi1>
    }
    %scan3A_584 = arith.constant 40 : i32
    %scan3A_585 = arith.constant 0 : i32
    %scan3A_586 = arith.constant 0 : i32
    %scan3A_587 = arith.constant 40 : i32
    %scan3A_588 = arith.addi %scan3A_586, %scan3A_587 : i32
    %scan3A_589 = arith.constant 1 : i32
    scf.for %scan3A_597 = %scan3A_586 to %scan3A_588 step %scan3A_589  : i32 {
      %mul3A_598 = arith.constant 16 : i32
      %mul3A_599 = arith.muli %scan3A_597, %mul3A_598 : i32
      %get3A = arith.constant 15 : i32
      %get3A_600 = arith.index_cast %get3A : i32 to index
      %get3A_601 = arith.index_cast %mul3A_599 : i32 to index
      %get3A_602 = tpu.vector_load %arg9[%get3A_600, %get3A_601] {strides = array<i32>} : memref<16x640xi32, #tpu.memory_space<vmem>>, vector<16xi32>,
      %ge3A = vector.broadcast %mul3A_4 : i32 to vector<16xi32>
      %ge3A_603 = arith.cmpi sge, %get3A_602, %ge3A : vector<16xi32>
      %lt3A = vector.broadcast %add3A_494 : i32 to vector<16xi32>
      %lt3A_604 = arith.cmpi slt, %get3A_602, %lt3A : vector<16xi32>
      %and3A = arith.andi %ge3A_603, %lt3A_604 : vector<16xi1>
      %sub3A = vector.broadcast %mul3A_4 : i32 to vector<16xi32>
      %sub3A_605 = arith.subi %get3A_602, %sub3A : vector<16xi32>
      %jit3A = arith.constant 0 : i32
      %broadcast_in_dim3A_606 = vector.broadcast %jit3A : i32 to vector<16xi32>
      %select_n3A = arith.select %and3A, %sub3A_605, %broadcast_in_dim3A_606 : vector<16xi1>, vector<16xi32>
      tpu.vector_store_idx %arg13[%select_n3A], %broadcast_in_dim3A_492 masked %and3A : memref<320xi32, #tpu.memory_space<vmem>>[vector<16xi32>], vector<16xi32>, vector<16xi1>
    }
    %scan3A_590 = arith.constant 40 : i32
    %scan3A_591 = arith.constant 0 : i32
    %scan3A_592 = arith.constant 0 : i32
    %scan3A_593 = arith.constant 20 : i32
    %scan3A_594 = arith.addi %scan3A_592, %scan3A_593 : i32
    %scan3A_595 = arith.constant 1 : i32
    scf.for %scan3A_597 = %scan3A_592 to %scan3A_594 step %scan3A_595  : i32 {
      %mul3A_598 = arith.constant 16 : i32
      %mul3A_599 = arith.muli %scan3A_597, %mul3A_598 : i32
      %get3A = arith.index_cast %mul3A_599 : i32 to index
      %get3A_600 = tpu.vector_load %arg10[%get3A] {strides = array<i32>} : memref<320xi32, #tpu.memory_space<vmem>>, vector<16xi32>,
      %mul3A_601 = arith.constant 16 : i32
      %mul3A_602 = arith.muli %scan3A_597, %mul3A_601 : i32
      %get3A_603 = arith.index_cast %mul3A_602 : i32 to index
      %get3A_604 = tpu.vector_load %arg11[%get3A_603] {strides = array<i32>} : memref<320xi32, #tpu.memory_space<vmem>>, vector<16xi32>,
      %min3A = arith.minsi %get3A_600, %get3A_604 : vector<16xi32>
      %lt3A = arith.constant 10000 : i32
      %lt3A_605 = vector.broadcast %lt3A : i32 to vector<16xi32>
      %lt3A_606 = arith.cmpi slt, %min3A, %lt3A_605 : vector<16xi32>
      %mul3A_607 = arith.constant 16 : i32
      %mul3A_608 = arith.muli %scan3A_597, %mul3A_607 : i32
      %get3A_609 = arith.index_cast %mul3A_608 : i32 to index
      %get3A_610 = tpu.vector_load %arg12[%get3A_609] {strides = array<i32>} : memref<320xi32, #tpu.memory_space<vmem>>, vector<16xi32>,
      %ne3A = arith.constant 0 : i32
      %ne3A_611 = vector.broadcast %ne3A : i32 to vector<16xi32>
      %ne3A_612 = arith.cmpi ne, %get3A_610, %ne3A_611 : vector<16xi32>
      %mul3A_613 = arith.constant 16 : i32
      %mul3A_614 = arith.muli %scan3A_597, %mul3A_613 : i32
      %get3A_615 = arith.index_cast %mul3A_614 : i32 to index
      %get3A_616 = tpu.vector_load %arg13[%get3A_615] {strides = array<i32>} : memref<320xi32, #tpu.memory_space<vmem>>, vector<16xi32>,
      %ne3A_617 = arith.constant 0 : i32
      %ne3A_618 = vector.broadcast %ne3A_617 : i32 to vector<16xi32>
      %ne3A_619 = arith.cmpi ne, %get3A_616, %ne3A_618 : vector<16xi32>
      %or3A = arith.ori %ne3A_612, %ne3A_619 : vector<16xi1>
      %and3A = arith.andi %lt3A_606, %or3A : vector<16xi1>
      %convert_element_type3A = arith.extui %and3A : vector<16xi1> to vector<16xi32>
      %mul3A_620 = arith.constant 16 : i32
      %mul3A_621 = arith.muli %scan3A_597, %mul3A_620 : i32
      %swap3A = arith.index_cast %mul3A_621 : i32 to index
      %swap3A_622 = tpu.vector_load %arg14[%swap3A] {strides = array<i32>} : memref<320xi32, #tpu.memory_space<vmem>>, vector<16xi32>,
      tpu.vector_store %arg14[%swap3A], %convert_element_type3A {strides = array<i32>} : memref<320xi32, #tpu.memory_space<vmem>>, vector<16xi32>,
    }
    %scan3A_596 = arith.constant 20 : i32
    "tpu.region"() ({
      %run_scoped3A = tpu.sem_alloc : memref<!tpu.dma_semaphore, #tpu.memory_space<semaphore_mem>>
      %dma_start3A_597 = tpu.memref_slice %arg4[%mul3A_4] : memref<10240xi32, #tpu.memory_space<hbm>> -> memref<320xi32, #tpu.memory_space<hbm>>
      %dma_start3A_598 = tpu.memref_slice %arg4[%mul3A_4] : memref<10240xi32, #tpu.memory_space<hbm>> -> memref<320xi32, #tpu.memory_space<hbm>>
      tpu.enqueue_dma source(%arg14 : memref<320xi32, #tpu.memory_space<vmem>>) target(%dma_start3A_598 : memref<320xi32, #tpu.memory_space<hbm>>) target_semaphore(%run_scoped3A : memref<!tpu.dma_semaphore, #tpu.memory_space<semaphore_mem>>)
      %dma_wait3A_599 = tpu.memref_slice %arg4[%mul3A_4] : memref<10240xi32, #tpu.memory_space<hbm>> -> memref<320xi32, #tpu.memory_space<hbm>>
      %dma_wait3A_600 = tpu.memref_slice %arg4[%mul3A_4] : memref<10240xi32, #tpu.memory_space<hbm>> -> memref<320xi32, #tpu.memory_space<hbm>>
      tpu.wait_dma2 semaphore(%run_scoped3A : memref<!tpu.dma_semaphore, #tpu.memory_space<semaphore_mem>>) src(%arg14 : memref<320xi32, #tpu.memory_space<vmem>>) dst(%dma_wait3A_600 : memref<320xi32, #tpu.memory_space<hbm>>)
      tpu.yield
    }) : () -> ()
    return
  }
}

module attributes {stable_mosaic.version = 14 : i64} {
  func.func @_feat_body(%arg0: i32, %arg1: memref<80x128xi32, #tpu.memory_space<vmem>>, %arg2: memref<1000x128xf32, #tpu.memory_space<vmem>>, %arg3: memref<1000x128xf32, #tpu.memory_space<vmem>>, %arg4: memref<1000x128xf32, #tpu.memory_space<vmem>>) attributes {dimension_semantics = [#tpu.dimension_semantics<arbitrary>], iteration_bounds = array<i64: 10>, scalar_prefetch = 0 : i64, scratch_operands = 0 : i64, tpu.core_type = #tpu.core_type<tc>, window_params = [{pipeline_mode = #tpu.pipeline_mode<synchronous>, transform_indices = @transform_0, window_bounds = array<i64: 80, 128>}, {pipeline_mode = #tpu.pipeline_mode<synchronous>, transform_indices = @transform_1, window_bounds = array<i64: 1000, 128>}, {transform_indices = @transform_2, window_bounds = array<i64: 1000, 128>}, {transform_indices = @transform_3, window_bounds = array<i64: 1000, 128>}]} {
    %get3A = arith.constant 0 : index
    %get3A_0 = arith.constant 0 : index
    %get3A_1 = vector.load %arg1[%get3A, %get3A_0] : memref<80x128xi32, #tpu.memory_space<vmem>>, vector<80x128xi32>
    %ne3A = arith.constant 0 : i32
    %ne3A_2 = vector.broadcast %ne3A : i32 to vector<80x128xi32>
    %ne3A_3 = arith.cmpi ne, %get3A_1, %ne3A_2 : vector<80x128xi32>
    %convert_element_type3A = arith.extui %ne3A_3 : vector<80x128xi1> to vector<80x128xi32>
    %convert_element_type3A_4 = arith.sitofp %convert_element_type3A : vector<80x128xi32> to vector<80x128xf32>
    %mul3A = arith.constant 1000 : i32
    %mul3A_5 = arith.muli %arg0, %mul3A : i32
    %jit3A = arith.constant 128 : i32
    %div3A = arith.divsi %mul3A_5, %jit3A : i32
    %sign3A = arith.constant 0 : i32
    %sign3A_6 = arith.cmpi sgt, %mul3A_5, %sign3A : i32
    %sign3A_7 = arith.extui %sign3A_6 : i1 to i32
    %sign3A_8 = arith.constant 0 : i32
    %sign3A_9 = arith.cmpi slt, %mul3A_5, %sign3A_8 : i32
    %sign3A_10 = arith.extui %sign3A_9 : i1 to i32
    %sign3A_11 = arith.subi %sign3A_7, %sign3A_10 : i32
    %sign3A_12 = arith.constant 0 : i32
    %sign3A_13 = arith.cmpi sgt, %jit3A, %sign3A_12 : i32
    %sign3A_14 = arith.extui %sign3A_13 : i1 to i32
    %sign3A_15 = arith.constant 0 : i32
    %sign3A_16 = arith.cmpi slt, %jit3A, %sign3A_15 : i32
    %sign3A_17 = arith.extui %sign3A_16 : i1 to i32
    %sign3A_18 = arith.subi %sign3A_14, %sign3A_17 : i32
    %ne3A_19 = arith.cmpi ne, %sign3A_11, %sign3A_18 : i32
    %rem3A = arith.remsi %mul3A_5, %jit3A : i32
    %ne3A_20 = arith.constant 0 : i32
    %ne3A_21 = arith.cmpi ne, %rem3A, %ne3A_20 : i32
    %and3A = arith.andi %ne3A_19, %ne3A_21 : i1
    %sub3A = arith.constant 1 : i32
    %sub3A_22 = arith.subi %div3A, %sub3A : i32
    %select_n3A = arith.select %and3A, %sub3A_22, %div3A : i32
    %mul3A_23 = arith.constant 1000 : i32
    %mul3A_24 = arith.muli %arg0, %mul3A_23 : i32
    %jit3A_25 = arith.constant 128 : i32
    %eq3A = arith.constant 0 : i32
    %eq3A_26 = arith.cmpi eq, %jit3A_25, %eq3A : i32
    %jit3A_27 = arith.constant 1 : i32
    %select_n3A_28 = arith.select %eq3A_26, %jit3A_27, %jit3A_25 : i32
    %rem3A_29 = arith.remsi %mul3A_24, %select_n3A_28 : i32
    %ne3A_30 = arith.constant 0 : i32
    %ne3A_31 = arith.cmpi ne, %rem3A_29, %ne3A_30 : i32
    %lt3A = arith.constant 0 : i32
    %lt3A_32 = arith.cmpi slt, %rem3A_29, %lt3A : i32
    %lt3A_33 = arith.constant 0 : i32
    %lt3A_34 = arith.cmpi slt, %select_n3A_28, %lt3A_33 : i32
    %ne3A_35 = arith.xori %lt3A_32, %lt3A_34 : i1
    %and3A_36 = arith.andi %ne3A_35, %ne3A_31 : i1
    %add3A = arith.addi %rem3A_29, %select_n3A_28 : i32
    %select_n3A_37 = arith.select %and3A_36, %add3A, %rem3A_29 : i32
    %sub3A_38 = arith.constant 80 : i32
    %sub3A_39 = arith.subi %sub3A_38, %select_n3A : i32
    %jit3A_40 = arith.constant 80 : i32
    %eq3A_41 = arith.constant 0 : i32
    %eq3A_42 = arith.cmpi eq, %jit3A_40, %eq3A_41 : i32
    %jit3A_43 = arith.constant 1 : i32
    %select_n3A_44 = arith.select %eq3A_42, %jit3A_43, %jit3A_40 : i32
    %rem3A_45 = arith.remsi %sub3A_39, %select_n3A_44 : i32
    %ne3A_46 = arith.constant 0 : i32
    %ne3A_47 = arith.cmpi ne, %rem3A_45, %ne3A_46 : i32
    %lt3A_48 = arith.constant 0 : i32
    %lt3A_49 = arith.cmpi slt, %rem3A_45, %lt3A_48 : i32
    %lt3A_50 = arith.constant 0 : i32
    %lt3A_51 = arith.cmpi slt, %select_n3A_44, %lt3A_50 : i32
    %ne3A_52 = arith.xori %lt3A_49, %lt3A_51 : i1
    %and3A_53 = arith.andi %ne3A_52, %ne3A_47 : i1
    %add3A_54 = arith.addi %rem3A_45, %select_n3A_44 : i32
    %select_n3A_55 = arith.select %and3A_53, %add3A_54, %rem3A_45 : i32
    %roll3A = tpu.dynamic_rotate %convert_element_type3A_4 by %select_n3A_55 dim 0 : vector<80x128xf32>, i32 -> vector<80x128xf32>
    %slice3A = vector.extract_strided_slice %roll3A {offsets = [0, 0], sizes = [9, 128], strides = [1, 1]} : vector<80x128xf32> to vector<9x128xf32>
    %iota3A = tpu.iota {dimensions = array<i32: 0>} : vector<1000x9xi32>
    %iota3A_56 = tpu.iota {dimensions = array<i32: 1>} : vector<1000x9xi32>
    %add3A_57 = vector.broadcast %select_n3A_37 : i32 to vector<1000x9xi32>
    %add3A_58 = arith.addi %add3A_57, %iota3A : vector<1000x9xi32>
    %shift_right_logical3A = arith.constant 7 : i32
    %shift_right_logical3A_59 = vector.broadcast %shift_right_logical3A : i32 to vector<1000x9xi32>
    %shift_right_logical3A_60 = arith.shrui %add3A_58, %shift_right_logical3A_59 : vector<1000x9xi32>
    %eq3A_61 = arith.cmpi eq, %shift_right_logical3A_60, %iota3A_56 : vector<1000x9xi32>
    %convert_element_type3A_62 = arith.extui %eq3A_61 : vector<1000x9xi1> to vector<1000x9xi32>
    %convert_element_type3A_63 = arith.sitofp %convert_element_type3A_62 : vector<1000x9xi32> to vector<1000x9xf32>
    %dot_general3A = arith.constant dense<0.000000e+00> : vector<1000x128xf32>
    %dot_general3A_64 = tpu.matmul %convert_element_type3A_63, %slice3A, %dot_general3A {dimension_numbers = #tpu.dot_dimension_numbers<[1], [0], [0], [1], [0, 0, 1, 1], [], []>, transpose_lhs_hint = false} : vector<1000x9xf32>, vector<9x128xf32>, vector<1000x128xf32> -> vector<1000x128xf32>
    %get3A_65 = arith.constant 0 : index
    %get3A_66 = arith.constant 0 : index
    %get3A_67 = vector.load %arg2[%get3A_65, %get3A_66] : memref<1000x128xf32, #tpu.memory_space<vmem>>, vector<1000x128xf32>
    %roll3A_68 = tpu.dynamic_rotate %get3A_67 by %select_n3A_37 dim 1 : vector<1000x128xf32>, i32 -> vector<1000x128xf32>
    %mul3A_69 = arith.mulf %dot_general3A_64, %roll3A_68 : vector<1000x128xf32>
    %reduce_sum3A = arith.constant dense<0.000000e+00> : vector<1000xf32>
    %reduce_sum3A_70 = vector.multi_reduction <add>, %mul3A_69, %reduce_sum3A [1] : vector<1000x128xf32> to vector<1000xf32>
    %broadcast_in_dim3A = vector.shape_cast %reduce_sum3A_70 : vector<1000xf32> to vector<1000x1xf32>
    %gt3A = arith.constant 0.000000e+00 : f32
    %gt3A_71 = vector.broadcast %gt3A : f32 to vector<1000x1xf32>
    %gt3A_72 = arith.cmpf ogt, %broadcast_in_dim3A, %gt3A_71 : vector<1000x1xf32>
    %get3A_73 = arith.constant 0 : index
    %get3A_74 = arith.constant 0 : index
    %get3A_75 = vector.load %arg3[%get3A_73, %get3A_74] : memref<1000x128xf32, #tpu.memory_space<vmem>>, vector<1000x128xf32>
    %jit3A_76 = arith.constant 0.000000e+00 : f32
    %broadcast_in_dim3A_77 = vector.shape_cast %gt3A_72 : vector<1000x1xi1> to vector<1000x1xi1>
    %broadcast_in_dim3A_78 = vector.broadcast %broadcast_in_dim3A_77 : vector<1000x1xi1> to vector<1000x128xi1>
    %broadcast_in_dim3A_79 = vector.broadcast %jit3A_76 : f32 to vector<1000x128xf32>
    %select_n3A_80 = arith.select %broadcast_in_dim3A_78, %broadcast_in_dim3A_79, %get3A_75 : vector<1000x128xi1>, vector<1000x128xf32>
    %swap3A = arith.constant 0 : index
    %swap3A_81 = arith.constant 0 : index
    %swap3A_82 = vector.load %arg4[%swap3A, %swap3A_81] : memref<1000x128xf32, #tpu.memory_space<vmem>>, vector<1000x128xf32>
    tpu.vector_store %arg4[%swap3A, %swap3A_81], %select_n3A_80 {strides = array<i32>} : memref<1000x128xf32, #tpu.memory_space<vmem>>, vector<1000x128xf32>,
    return
  }
  func.func @transform_0(%arg0: i32) -> (i32, i32) {
    %c0_i32 = arith.constant 0 : i32
    %c0_i32_0 = arith.constant 0 : i32
    %c0_i32_1 = arith.constant 0 : i32
    return %c0_i32, %c0_i32_0 : i32, i32
  }
  func.func @transform_1(%arg0: i32) -> (i32, i32) {
    %c0_i32 = arith.constant 0 : i32
    %c0_i32_0 = arith.constant 0 : i32
    %c0_i32_1 = arith.constant 0 : i32
    return %c0_i32, %c0_i32_0 : i32, i32
  }
  func.func @transform_2(%arg0: i32) -> (i32, i32) {
    %c0_i32 = arith.constant 0 : i32
    %c0_i32_0 = arith.constant 0 : i32
    return %arg0, %c0_i32 : i32, i32
  }
  func.func @transform_3(%arg0: i32) -> (i32, i32) {
    %c0_i32 = arith.constant 0 : i32
    %c0_i32_0 = arith.constant 0 : i32
    return %arg0, %c0_i32 : i32, i32
  }
}

module attributes {stable_mosaic.version = 14 : i64} {
  func.func @_seed_body(%arg0: memref<80x128xf32, #tpu.memory_space<vmem>>, %arg1: memref<80x128xi32, #tpu.memory_space<vmem>>) attributes {dimension_semantics = [], scalar_prefetch = 0 : i64, scratch_operands = 0 : i64, tpu.core_type = #tpu.core_type<tc>} {
    %get3A = arith.constant 0 : index
    %get3A_0 = arith.constant 0 : index
    %get3A_1 = vector.load %arg0[%get3A, %get3A_0] : memref<80x128xf32, #tpu.memory_space<vmem>>, vector<80x128xf32>
    %bitcast_convert_type3A = tpu.bitcast %get3A_1 : vector<80x128xf32> -> vector<80x128xi32>
    %ge3A = arith.constant 0 : i32
    %ge3A_2 = vector.broadcast %ge3A : i32 to vector<80x128xi32>
    %ge3A_3 = arith.cmpi sge, %bitcast_convert_type3A, %ge3A_2 : vector<80x128xi32>
    %xor3A = arith.constant 2147483647 : i32
    %xor3A_4 = vector.broadcast %xor3A : i32 to vector<80x128xi32>
    %xor3A_5 = arith.xori %bitcast_convert_type3A, %xor3A_4 : vector<80x128xi32>
    %select_n3A = arith.select %ge3A_3, %bitcast_convert_type3A, %xor3A_5 : vector<80x128xi1>, vector<80x128xi32>
    %scan3A = arith.constant -2147483648 : i32
    %scan3A_6 = arith.constant 0 : i32
    %scan3A_7 = arith.constant 0 : i32
    %scan3A_8 = arith.constant 32 : i32
    %scan3A_9 = arith.addi %scan3A_7, %scan3A_8 : i32
    %scan3A_10 = arith.constant 1 : i32
    %scan3A_11 = scf.for %scan3A_44 = %scan3A_7 to %scan3A_9 step %scan3A_10 iter_args(%scan3A_45 = %scan3A_6) -> (i32)  : i32 {
      %sub3A_46 = arith.constant 31 : i32
      %sub3A_47 = arith.subi %sub3A_46, %scan3A_44 : i32
      %shift_left3A = arith.constant 1 : i32
      %shift_left3A_48 = arith.shli %shift_left3A, %sub3A_47 : i32
      %or3A_49 = arith.ori %scan3A_45, %shift_left3A_48 : i32
      %xor3A_50 = arith.xori %or3A_49, %scan3A : i32
      %ge3A_51 = vector.broadcast %xor3A_50 : i32 to vector<80x128xi32>
      %ge3A_52 = arith.cmpi sge, %select_n3A, %ge3A_51 : vector<80x128xi32>
      %convert_element_type3A_53 = arith.extui %ge3A_52 : vector<80x128xi1> to vector<80x128xi32>
      %reduce_sum3A_54 = vector.shape_cast %convert_element_type3A_53 : vector<80x128xi32> to vector<1x80x128xi32>
      %reduce_sum3A_55 = arith.constant dense<0> : vector<1xi32>
      %reduce_sum3A_56 = vector.multi_reduction <add>, %reduce_sum3A_54, %reduce_sum3A_55 [1, 2] : vector<1x80x128xi32> to vector<1xi32>
      %reduce_sum3A_57 = vector.shape_cast %reduce_sum3A_56 : vector<1xi32> to vector<1x1x1xi32>
      %reduce_sum3A_58 = vector.extract %reduce_sum3A_57[0, 0, 0] : i32 from vector<1x1x1xi32>
      %ge3A_59 = arith.constant 1000 : i32
      %ge3A_60 = arith.cmpi sge, %reduce_sum3A_58, %ge3A_59 : i32
      %select_n3A_61 = arith.select %ge3A_60, %or3A_49, %scan3A_45 : i32
      scf.yield %select_n3A_61 : i32
    }
    %scan3A_12 = arith.constant 32 : i32
    %xor3A_13 = arith.constant -2147483648 : i32
    %xor3A_14 = arith.xori %scan3A_11, %xor3A_13 : i32
    %gt3A = vector.broadcast %xor3A_14 : i32 to vector<80x128xi32>
    %gt3A_15 = arith.cmpi sgt, %select_n3A, %gt3A : vector<80x128xi32>
    %eq3A = vector.broadcast %xor3A_14 : i32 to vector<80x128xi32>
    %eq3A_16 = arith.cmpi eq, %select_n3A, %eq3A : vector<80x128xi32>
    %convert_element_type3A = arith.extui %gt3A_15 : vector<80x128xi1> to vector<80x128xi32>
    %convert_element_type3A_17 = arith.sitofp %convert_element_type3A : vector<80x128xi32> to vector<80x128xf32>
    %reduce_sum3A = vector.shape_cast %convert_element_type3A_17 : vector<80x128xf32> to vector<1x80x128xf32>
    %reduce_sum3A_18 = arith.constant dense<0.000000e+00> : vector<1xf32>
    %reduce_sum3A_19 = vector.multi_reduction <add>, %reduce_sum3A, %reduce_sum3A_18 [1, 2] : vector<1x80x128xf32> to vector<1xf32>
    %reduce_sum3A_20 = vector.shape_cast %reduce_sum3A_19 : vector<1xf32> to vector<1x1x1xf32>
    %reduce_sum3A_21 = vector.extract %reduce_sum3A_20[0, 0, 0] : f32 from vector<1x1x1xf32>
    %sub3A = arith.constant 1.000000e+03 : f32
    %sub3A_22 = arith.subf %sub3A, %reduce_sum3A_21 : f32
    %convert_element_type3A_23 = arith.extui %eq3A_16 : vector<80x128xi1> to vector<80x128xi32>
    %convert_element_type3A_24 = arith.sitofp %convert_element_type3A_23 : vector<80x128xi32> to vector<80x128xf32>
    %iota3A = tpu.iota {dimensions = array<i32: 0>} : vector<128x128xi32>
    %iota3A_25 = tpu.iota {dimensions = array<i32: 1>} : vector<128x128xi32>
    %lt3A = arith.cmpi slt, %iota3A, %iota3A_25 : vector<128x128xi32>
    %convert_element_type3A_26 = arith.extui %lt3A : vector<128x128xi1> to vector<128x128xi32>
    %convert_element_type3A_27 = arith.sitofp %convert_element_type3A_26 : vector<128x128xi32> to vector<128x128xf32>
    %dot_general3A = arith.constant dense<0.000000e+00> : vector<80x128xf32>
    %dot_general3A_28 = tpu.matmul %convert_element_type3A_24, %convert_element_type3A_27, %dot_general3A {dimension_numbers = #tpu.dot_dimension_numbers<[1], [0], [0], [1], [0, 0, 1, 1], [], []>, transpose_lhs_hint = false} : vector<80x128xf32>, vector<128x128xf32>, vector<80x128xf32> -> vector<80x128xf32>
    %reduce_sum3A_29 = arith.constant dense<0.000000e+00> : vector<80xf32>
    %reduce_sum3A_30 = vector.multi_reduction <add>, %convert_element_type3A_24, %reduce_sum3A_29 [1] : vector<80x128xf32> to vector<80xf32>
    %broadcast_in_dim3A = vector.shape_cast %reduce_sum3A_30 : vector<80xf32> to vector<80x1xf32>
    %iota3A_31 = tpu.iota {dimensions = array<i32: 0>} : vector<80x80xi32>
    %iota3A_32 = tpu.iota {dimensions = array<i32: 1>} : vector<80x80xi32>
    %lt3A_33 = arith.cmpi slt, %iota3A_32, %iota3A_31 : vector<80x80xi32>
    %convert_element_type3A_34 = arith.extui %lt3A_33 : vector<80x80xi1> to vector<80x80xi32>
    %convert_element_type3A_35 = arith.sitofp %convert_element_type3A_34 : vector<80x80xi32> to vector<80x80xf32>
    %dot_general3A_36 = arith.constant dense<0.000000e+00> : vector<80x1xf32>
    %dot_general3A_37 = tpu.matmul %convert_element_type3A_35, %broadcast_in_dim3A, %dot_general3A_36 {dimension_numbers = #tpu.dot_dimension_numbers<[1], [0], [0], [1], [0, 0, 1, 1], [], []>, transpose_lhs_hint = false} : vector<80x80xf32>, vector<80x1xf32>, vector<80x1xf32> -> vector<80x1xf32>
    %add3A = vector.broadcast %dot_general3A_37 : vector<80x1xf32> to vector<80x128xf32>
    %add3A_38 = arith.addf %add3A, %dot_general3A_28 : vector<80x128xf32>
    %lt3A_39 = vector.broadcast %sub3A_22 : f32 to vector<80x128xf32>
    %lt3A_40 = arith.cmpf olt, %add3A_38, %lt3A_39 : vector<80x128xf32>
    %and3A = arith.andi %eq3A_16, %lt3A_40 : vector<80x128xi1>
    %or3A = arith.ori %gt3A_15, %and3A : vector<80x128xi1>
    %convert_element_type3A_41 = arith.extui %or3A : vector<80x128xi1> to vector<80x128xi32>
    %swap3A = arith.constant 0 : index
    %swap3A_42 = arith.constant 0 : index
    %swap3A_43 = vector.load %arg1[%swap3A, %swap3A_42] : memref<80x128xi32, #tpu.memory_space<vmem>>, vector<80x128xi32>
    tpu.vector_store %arg1[%swap3A, %swap3A_42], %convert_element_type3A_41 {strides = array<i32>} : memref<80x128xi32, #tpu.memory_space<vmem>>, vector<80x128xi32>,
    return
  }
}

</mosaic_0001>

<sc_bundles>
// kernel: kernel.6.cloned.1.call-start
scs
__scs_entry_jumppad:
0x0: {  	(pc) =	sbr.rel $0x88, $3  }
0x1: {  	(tag) =	ssettag $0x0;
	lr =	simm.s32 $0x1  }
0x2: {  	[smem:$0x3F9E] =	sst lr;
	_ =	strace $0xD0000000  }
0x3: {  	_ = 	snop  }
0x4: {  	_ = 	snop  }
0x5: {  	_ = 	snop  }
0x6: {  	_ = 	snop  }
0x7: {  	_ = 	snop  }
__scs_overlays_trampoline_lowered:
0x8: {  	[smem:$0x3FAD] =	sst s0  }
0x9: {  	[smem:$0x3FAE] =	sst s1  }
0xa: {  	[smem:$0x3FAF] =	sst s2  }
0xb: {  	[smem:$0x3FB0] =	sst s3  }
0xc: {  	[smem:$0x3FB1] =	sst s4  }
0xd: {  	[smem:$0x3FB2] =	sst s5  }
0xe: {  	[smem:$0x3FB3] =	sst s6  }
0xf: {  	[smem:$0x3FB4] =	sst s7  }
0x10: {  	[smem:$0x3FB5] =	sst s8  }
0x11: {  	[smem:$0x3FB6] =	sst s9;
	s0 =	simm.s32 @!p0 $0x0  }
0x12: {  	s1 =	sld [smem:$0x3F9C];
	s0 =	simm.s32 @p0 $0x1  }
0x13: {  	[smem:$0x3FB7] =	sst s0;
	s0 =	simm.s32 @!p1 $0x0  }
0x14: {  	s2 =	sld [smem:$0x3F9B];
	s0 =	simm.s32 @p1 $0x1  }
0x15: {  	[smem:$0x3FB8] =	sst s0;
	s0 =	simm.s32 @!p2 $0x0  }
0x16: {  	s3 =	sld [smem:$0x3FDB];
	s0 =	simm.s32 @p2 $0x1  }
0x17: {  	s4 =	simm.s32 $0x1BF5;
	[smem:$0x3FBA] =	sst s0  }
0x18: {  	s0 =	sld [smem:$0x3F9D];
	_ =	swait.ge [sflag:s4], $0x0  }
0x19: {  	s7 =	sld [smem:$0x3F9E]  }
0x1a: {  	s8 =	sadd.s32 $0xFFFFE003, lr  }
0x1b: {  	s9 =	sadd.s32 $0xFFFFFEF7, lr;
	s5 =	simm.s32 $0xFFFFFFFF;
	p2 =	slt.u32 s8, $0xFFFFF086  }
0x1c: {  	p1 =	slt.u32 s9, $0xF7A;
	s5 =	simm.s32 @!p2 $0x0  }
0x1d: {  	s5 =	simm.s32 @p1 $0x1;
	p0 =	seq.s32 s7, s2  }
0x1e: {  	s7 =	smul.u32 @!p0 $0xF7A, s2;
	p2 =	seq.s32 @!p0 s5, $0x0  }
0x1f: {  	s9 =	smul.u32 $0xF7A, s1;
	s8 =	simm.s32 @!p0 $0x1BF5;
	p2 =	por !p2, p0  }
0x20: {  	[sflag:s8] =	ssyncset.s32 @!p0 $0xFFFFF086;
	s6 =	sadd.s32 @!p0 s3, s7;
	s7 =	simm.s32 @!p0 $0x108  }
0x21: {  	s3 =	sadd.s32 s3, s9;
	s6 =	sadd.s32 @!p0 $0x88, s6;
	s7 =	simm.s32 @p2 $0x1082  }
0x22: {  	[simem:s7], [sflag:s8] =	dma.local @!p0 [hbm:s6], $0xF7A  }
0x23: {  	s9 =	sor.u32 $0xD0000000, s2;
	s6 =	simm.s32 $0x108;
	_ =	swait.ge @!p0 [sflag:s8], $0x0  }
0x24: {  	s3 =	sadd.s32 $0x88, s3;
	s6 =	simm.s32 @!p1 $0x1082;
	[sflag:s4] =	ssyncset.s32 $0xFFFFF086  }
0x25: {  	[simem:s6], [sflag:s4] =	dma.local [hbm:s3], $0xF7A  }
0x26: {  	[smem:$0x3F9E] =	sst s1;
	(tag) =	ssettag s2;
	_ =	strace s9  }
0x27: {  	s1 =	sld [smem:$0x3FAE]  }
0x28: {  	s2 =	sld [smem:$0x3FAF]  }
0x29: {  	s4 =	sld [smem:$0x3FB1]  }
0x2a: {  	p0 =	seq.s32 s5, $0x0;
	s5 =	sld [smem:$0x3FB2]  }
0x2b: {  	s6 =	sld [smem:$0x3FB3]  }
0x2c: {  	s7 =	sld [smem:$0x3FB4]  }
0x2d: {  	s3 =	simm.s32 $0x108;
	s8 =	sld [smem:$0x3FB5]  }
0x2e: {  	s3 =	simm.s32 @!p0 $0x1082;
	s9 =	sld [smem:$0x3FB6]  }
0x2f: {  	lr =	sadd.s32 s0, s3;
	s0 =	sld [smem:$0x3FAD]  }
0x30: {  	s3 =	sld [smem:$0x3FB0]  }
0x31: {  	[smem:$0x3FB9] =	sst s10  }
0x32: {  	s10 =	sld [smem:$0x3FB7];
	_ =	sdelay $0x3  }
0x33: {  	p0 =	seq.s32 s10, $0x1;
	s10 =	sld [smem:$0x3FB9];
	_ =	sdelay $0x3  }
0x34: {  	[smem:$0x3FB9] =	sst s10  }
0x35: {  	s10 =	sld [smem:$0x3FB8];
	_ =	sdelay $0x3  }
0x36: {  	p1 =	seq.s32 s10, $0x1;
	s10 =	sld [smem:$0x3FB9];
	_ =	sdelay $0x3  }
0x37: {  	[smem:$0x3FB9] =	sst s10  }
0x38: {  	s10 =	sld [smem:$0x3FBA]  }
0x39: {  	_ = 	snop;
	(pc) =	sbr.ind lr, $3  }
0x3a: {  	_ = 	snop  }
0x3b: {  	_ = 	snop  }
0x3c: {  	p2 =	seq.s32 s10, $0x1;
	s10 =	sld [smem:$0x3FB9]  }
0x3d: {  	_ =	shalt  }
0x3e: {  	_ =	shalt  }
0x3f: {  	_ =	shalt  }
0x40: {  	_ =	shalt  }
0x41: {  	_ =	shalt  }
0x42: {  	_ =	shalt  }
0x43: {  	_ =	shalt  }
0x44: {  	_ =	shalt  }
0x45: {  	_ =	shalt  }
0x46: {  	_ =	shalt  }
0x47: {  	_ =	shalt  }
0x48: {  	_ =	shalt  }
0x49: {  	_ =	shalt  }
0x4a: {  	_ =	shalt  }
0x4b: {  	_ =	shalt  }
0x4c: {  	_ =	shalt  }
0x4d: {  	_ =	shalt  }
0x4e: {  	_ =	shalt  }
0x4f: {  	_ =	shalt  }
0x50: {  	_ =	shalt  }
0x51: {  	_ =	shalt  }
0x52: {  	_ =	shalt  }
0x53: {  	_ =	shalt  }
0x54: {  	_ =	shalt  }
0x55: {  	_ =	shalt  }
0x56: {  	_ =	shalt  }
0x57: {  	_ =	shalt  }
0x58: {  	_ =	shalt  }
0x59: {  	_ =	shalt  }
0x5a: {  	_ =	shalt  }
0x5b: {  	_ =	shalt  }
0x5c: {  	_ =	shalt  }
0x5d: {  	_ =	shalt  }
0x5e: {  	_ =	shalt  }
0x5f: {  	_ =	shalt  }
0x60: {  	_ =	shalt  }
0x61: {  	_ =	shalt  }
0x62: {  	_ =	shalt  }
0x63: {  	_ =	shalt  }
0x64: {  	_ =	shalt  }
0x65: {  	_ =	shalt  }
0x66: {  	_ =	shalt  }
0x67: {  	_ =	shalt  }
0x68: {  	_ =	shalt  }
0x69: {  	_ =	shalt  }
0x6a: {  	_ =	shalt  }
0x6b: {  	_ =	shalt  }
0x6c: {  	_ =	shalt  }
0x6d: {  	_ =	shalt  }
0x6e: {  	_ =	shalt  }
0x6f: {  	_ =	shalt  }
0x70: {  	_ =	shalt  }
0x71: {  	_ =	shalt  }
0x72: {  	_ =	shalt  }
0x73: {  	_ =	shalt  }
0x74: {  	_ =	shalt  }
0x75: {  	_ =	shalt  }
0x76: {  	_ =	shalt  }
0x77: {  	_ =	shalt  }
0x78: {  	_ =	shalt  }
0x79: {  	_ =	shalt  }
0x7a: {  	_ =	shalt  }
0x7b: {  	_ =	shalt  }
0x7c: {  	_ =	shalt  }
0x7d: {  	_ =	shalt  }
0x7e: {  	_ =	shalt  }
0x7f: {  	_ =	shalt  }
0x80: {  	_ =	shalt  }
0x81: {  	_ =	shalt  }
0x82: {  	_ =	shalt  }
0x83: {  	_ =	shalt  }
0x84: {  	_ =	shalt  }
0x85: {  	_ =	shalt  }
0x86: {  	_ =	shalt  }
0x87: {  	_ =	shalt  }
.Lfunc_end0:
.L_simem_size_0:
called_computation_lowered:
.L_overlay_start_0:
0x88: {  	s2 =	sld [smem:$0x3FD9]  }
0x89: {  	s3 =	sld [smem:$0x3FFE];
	_ =	sdelay $0x1  }
0x8a: {  	s1 =	srdreg.scid  }
0x8b: {  	s0 =	sand.u32 $0x1, s1  }
0x8c: {  	s14 =	sshll.u32 s0, $0xA;
	s2 =	sadd.s32 s3, s2  }
0x8d: {  	s2 =	sadd.s32 s2, s14  }
0x8e: {  	[smem:$0x3FC5] =	sst s2  }
0x8f: {  	_ = 	snop  }
0x90: {  	s2 =	sld [smem:$0x3FD0];
	_ =	sdelay $0x2  }
0x91: {  	s15 =	simm.s32 $0xA;
	s4 =	simm.s32 $0x10  }
0x92: {  	[smem:s4], [sflag:s15] =	dma.local [hbm:s2], $0x1  }
0x93: {  	_ =	swait.eq [sflag:s15], $0x1  }
0x94: {  	[sflag:s15] =	ssyncset.done $0x0  }
0x95: {  	[sflag:s15] =	ssyncadd.s32 $0xFFFFFFFF  }
0x96: {  	s16 =	sld [smem:$0x10];
	(tm) =	ssettm $0x1  }
0x97: {  	s17 =	sld [smem:$0x3FFB];
	_ =	sdelay $0x3  }
0x98: {  	_ =	strace s17  }
0x99: {  	s3 =	sld [smem:$0x3FFC];
	_ =	sdelay $0x3  }
0x9a: {  	_ =	strace s3  }
0x9b: {  	s3 =	sld [smem:$0x3FFD];
	_ =	sdelay $0x3  }
0x9c: {  	_ =	strace s3  }
0x9d: {  	_ =	strace $0x8FFFFFFF  }
0x9e: {  	s18 =	sld [smem:$0x3FDB];
	_ =	sdelay $0x1  }
0x9f: {  	s19 =	simm.s32 $_scs_section_size  }
0xa0: {  	s5 =	simm.s32 $_size__tile_overlayer_lowered;
	s6 =	simm.s32 $_tile_overlayer_lowered  }
0xa1: {  	s22 =	simm.s32 $0x1BFF;
	s21 =	sshll.u32 s6, $0x1;
	s3 =	sadd.s32 s19, s18  }
0xa2: {  	s7 =	simm.s32 $0x0;
	s20 =	sshll.u32 s5, $0x1;
	s5 =	sadd.s32 s21, s3  }
0xa3: {  	[timem:s7], [sflag:s22] =	dma.local [hbm:s5], s20  }
0xa4: {  	_ =	swait.ge [sflag:s22], s20  }
0xa5: {  	s4 =	ssub.s32 $0x0, s20;
	[sflag:s22] =	ssyncset.done $0x0  }
0xa6: {  	[sflag:s22] =	ssyncadd.s32 s4;
	_ =	sdelay $0x1  }
0xa7: {  	s23 =	simm.s32 $0x1B8B  }
0xa8: {  	_ =	swait.ge [sflag:s23], $0x1  }
0xa9: {  	[sflag:s23] =	ssyncset.done $0x0  }
0xaa: {  	s25 =	simm.s32 $0x1B8E;
	s24 =	sld [smem:$0x3FFE];
	[sflag:s23] =	ssyncadd.s32 $0xFFFFFFFF  }
0xab: {  	s26 =	simm.s32 $execute0_lowered;
	[smem:$0x3FD2] =	sst s25  }
0xac: {  	s5 =	sshll.u32 s26, $0x1;
	_ =	strace $0x80000046;
	[dreg:$0x1] =	wrdreg $0xFFFFFFFF  }
0xad: {  	s28 =	simm.s32 $_size_execute0_lowered;
	s3 =	sadd.s32 s3, s5;
	[dreg:$0x0] =	wrdreg $0x0  }
0xae: {  	s5 =	sshll.u32 s28, $0x1;
	[dreg:$0x2] =	wrdreg s3  }
0xaf: {  	[dreg:$0x3] =	wrdreg s5  }
0xb0: {  	[dreg:$0x4] =	wrdreg $0xC0  }
0xb1: {  	_ =	task [dreg:s7], $0x5FFFF  }
0xb2: {  	[dreg:$0x1] =	wrdreg $0xFFFFFFFF  }
0xb3: {  	[dreg:$0x0] =	wrdreg $0x60  }
0xb4: {  	[dreg:$0x2] =	wrdreg s16  }
0xb5: {  	[dreg:$0x3] =	wrdreg s24  }
0xb6: {  	[dreg:$0x4] =	wrdreg $0xC6800  }
0xb7: {  	[dreg:$0x5] =	wrdreg $0x9  }
0xb8: {  	_ =	task.clear_ibuf [dreg:s7], $0x6FFFF;
	_ =	strace $0x90000046  }
0xb9: {  	s29 =	simm.s32 $0x9;
	_ =	strace $0x80000048  }
0xba: {  	_ =	swait.ge [sflag:s29], $0x1  }
0xbb: {  	[sflag:s29] =	ssyncadd.s32 $0xFFFFFFFF  }
0xbc: {  	_ =	strace $0x90000048  }
0xbd: {  	_ =	sfence  }
0xbe: {  	s30 =	sld [smem:$0x0];
	_ =	sdelay $0x2  }
0xbf: {  	s31 =	sshll.u32 s1, $0xD;
	s1 =	sshrl.u32 s1, $0x2  }
0xc0: {  	s3 =	sand.u32 $0x4000, s31;
	s1 =	sadd.s32 s1, s30  }
0xc1: {  	s0 =	sor.u32 s3, s0;
	s1 =	sshll.u32 s1, $0x11  }
0xc2: {  	s0 =	sor.u32 s1, s0  }
0xc3: {  	s0 =	sadd.s32 $0x8F2B, s0  }
0xc4: {  	[sflag:s0] =	ssyncadd.remote.s32 $0x1  }
0xc5: {  	_ =	sfence.sel $0xFFFF  }
0xc6: {  	[dreg:$0x0] =	wrdreg $0xFFFFFFFF;
	(pc) =	sbr.abs _section_cstart, $3  }
0xc7: {  	[dreg:$0x1] =	wrdreg $0xFFFFFFFF  }
0xc8: {  	_ =	task.clear_ibuf [dreg:s7], $0x2FFFF;
	_ =	strace $0x9FFFFFFF  }
0xc9: {  	(tm) =	ssettm $0x7FFFFFFF  }
tec
execute0_lowered:
.L_overlay_start_1:
0x0: {  	(tag) =	ssettag $0x1  }
0x1: {  	s0 =	rddreg [dreg:$0x0]  }
0x2: {  	s1 =	srdreg.scid;
	s8 =	stileid.u32  }
0x3: {  	s3 =	rddreg [dreg:$0x1];
	s1 =	sand.u32 $0x1, s1;
	s6 =	smul.u32 $0x280, s8  }
0x4: {  	s5 =	rddreg [dreg:$0x2];
	s4 =	smul.u32 $0x2800, s1;
	s2 =	sshll.u32 s1, $0x4  }
0x5: {  	s21 =	smul.u32 $0xA000, s8;
	s1 =	ssub.s32 $0x2, s1;
	s7 =	sor.u32 s8, s2  }
0x6: {  	s2 =	simm.s32 $0x0;
	s22 =	sshrl.u32 s1, $0x1;
	s4 =	sadd.s32 s6, s4  }
0x7: {  	s20 =	smul.u32 $0x2710, s7;
	[smem:$0x7FF] =	sst s2;
	s7 =	sshrl.u32 s21, $0x2  }
0x8: {  	s1 =	ssub.s32 s1, s22;
	s4 =	sshrl.u32 s4, $0x3;
	_ =	strace $0x80000047  }
0x9: {  	s21 =	smax.u32 s1, $0x1;
	s3 =	sadd.s32 s4, s3;
	s6 =	sshrl.u32 s20, $0x3  }
0xa: {  	s4 =	sadd.s32 s7, s5;
	[dreg:$0x18] =	wrdreg s21;
	s0 =	sadd.s32 s0, s6  }
0xb: {  	s23 =	sadd.s32 $0x80, s4;
	[dreg:$0x4] =	wrdreg s0  }
0xc: {  	s24 =	sadd.s32 $0x100, s4;
	[dreg:$0x6] =	wrdreg s23  }
0xd: {  	s25 =	sadd.s32 $0x180, s4;
	[dreg:$0x7] =	wrdreg s24  }
0xe: {  	s26 =	sadd.s32 $0x200, s4;
	[dreg:$0x8] =	wrdreg s25  }
0xf: {  	s29 =	sadd.s32 $0x280, s4;
	[dreg:$0x9] =	wrdreg s26  }
0x10: {  	s30 =	sadd.s32 $0x300, s4;
	[dreg:$0xa] =	wrdreg s29  }
0x11: {  	s7 =	sadd.s32 $0x380, s4;
	[dreg:$0xb] =	wrdreg s30  }
0x12: {  	s9 =	sadd.s32 $0x1400, s4;
	[dreg:$0xc] =	wrdreg s7  }
0x13: {  	s10 =	sadd.s32 $0x1480, s4;
	[dreg:$0xd] =	wrdreg s9  }
0x14: {  	s11 =	sadd.s32 $0x1500, s4;
	[dreg:$0xe] =	wrdreg s10  }
0x15: {  	s28 =	sshrl.u32 s8, $0x3;
	s13 =	sadd.s32 $0x1600, s4;
	[dreg:$0xf] =	wrdreg s11  }
0x16: {  	s12 =	sshll.u32 s8, $0x7;
	s0 =	sadd.s32 $0x9C40, s0;
	[dreg:$0x11] =	wrdreg s13  }
0x17: {  	s14 =	sadd.s32 $0x1680, s4;
	[dreg:$0x5] =	wrdreg s0;
	s0 =	smul.u32 $0x5000, s28  }
0x18: {  	s6 =	sand.u32 $0x380, s12;
	s15 =	sadd.s32 $0x1700, s4;
	[dreg:$0x12] =	wrdreg s14  }
0x19: {  	s16 =	sadd.s32 $0x1780, s4;
	[dreg:$0x13] =	wrdreg s15;
	s0 =	sshrl.u32 s0, $0x2  }
0x1a: {  	s20 =	sadd.s32 $0x1600, s3;
	[dreg:$0x14] =	wrdreg s16;
	s0 =	sadd.s32 s0, s5  }
0x1b: {  	s7 =	sadd.s32 $0x1580, s4;
	[dreg:$0x17] =	wrdreg s20;
	s19 =	sadd.s32 s6, s0  }
0x1c: {  	[dreg:$0x10] =	wrdreg s7;
	s17 =	sadd.s32 $0x2800, s19  }
0x1d: {  	s18 =	sadd.s32 $0x5000, s19;
	[dreg:$0x15] =	wrdreg s17  }
0x1e: {  	s22 =	sadd.s32 $0x7800, s19;
	[dreg:$0x16] =	wrdreg s18  }
0x1f: {  	s23 =	sadd.s32 $0xA000, s19;
	[dreg:$0x19] =	wrdreg s22  }
0x20: {  	s24 =	sadd.s32 $0xC800, s19;
	[dreg:$0x1a] =	wrdreg s23  }
0x21: {  	s25 =	sadd.s32 $0xF000, s19;
	[dreg:$0x1b] =	wrdreg s24  }
0x22: {  	s26 =	sadd.s32 $0x11800, s19;
	[dreg:$0x1c] =	wrdreg s25  }
0x23: {  	s28 =	sadd.s32 $0x14000, s19;
	[dreg:$0x1d] =	wrdreg s26  }
0x24: {  	s29 =	sadd.s32 $0x16800, s19;
	[dreg:$0x1e] =	wrdreg s28  }
0x25: {  	s30 =	sadd.s32 $0x19000, s19;
	[dreg:$0x1f] =	wrdreg s29  }
0x26: {  	s1 =	sadd.s32 $0x1B800, s19;
	[smem:$0x7C9] =	sst s30  }
0x27: {  	s3 =	sadd.s32 $0x1E000, s19;
	[smem:$0x7CA] =	sst s1  }
0x28: {  	s5 =	sadd.s32 $0x20800, s19;
	[smem:$0x7CB] =	sst s3  }
0x29: {  	s6 =	sadd.s32 $0x23000, s19;
	[smem:$0x7CC] =	sst s5  }
0x2a: {  	s7 =	sadd.s32 $0x25800, s19;
	[smem:$0x7CD] =	sst s6  }
0x2b: {  	s8 =	sadd.s32 $0x400, s19;
	[smem:$0x7CE] =	sst s7  }
0x2c: {  	s9 =	sadd.s32 $0x800, s19;
	[smem:$0x7CF] =	sst s8  }
0x2d: {  	s10 =	sadd.s32 $0xC00, s19;
	[smem:$0x7D0] =	sst s9  }
0x2e: {  	s11 =	sadd.s32 $0x1000, s19;
	[smem:$0x7D1] =	sst s10  }
0x2f: {  	s12 =	sadd.s32 $0x2C00, s19;
	[smem:$0x7D2] =	sst s11  }
0x30: {  	s13 =	sadd.s32 $0x3000, s19;
	[smem:$0x7D3] =	sst s12  }
0x31: {  	s14 =	sadd.s32 $0x3400, s19;
	[smem:$0x7D4] =	sst s13  }
0x32: {  	s15 =	sadd.s32 $0x3800, s19;
	[smem:$0x7D5] =	sst s14  }
0x33: {  	s16 =	sadd.s32 $0x5400, s19;
	[smem:$0x7D6] =	sst s15  }
0x34: {  	s20 =	sadd.s32 $0x6000, s19;
	[smem:$0x7D7] =	sst s16  }
0x35: {  	s21 =	sadd.s32 $0x7C00, s19;
	[smem:$0x7DA] =	sst s20  }
0x36: {  	s17 =	sadd.s32 $0x5800, s19;
	[smem:$0x7DB] =	sst s21  }
0x37: {  	s18 =	sadd.s32 $0x5C00, s19;
	[smem:$0x7D8] =	sst s17  }
0x38: {  	s22 =	sadd.s32 $0x8000, s19;
	[smem:$0x7D9] =	sst s18  }
0x39: {  	s23 =	sadd.s32 $0x8400, s19;
	[smem:$0x7DC] =	sst s22  }
0x3a: {  	s24 =	sadd.s32 $0x8800, s19;
	[smem:$0x7DD] =	sst s23  }
0x3b: {  	s25 =	sadd.s32 $0xA400, s19;
	[smem:$0x7DE] =	sst s24  }
0x3c: {  	s26 =	sadd.s32 $0xA800, s19;
	[smem:$0x7DF] =	sst s25  }
0x3d: {  	s28 =	sadd.s32 $0xAC00, s19;
	[smem:$0x7E0] =	sst s26  }
0x3e: {  	s29 =	sadd.s32 $0xB000, s19;
	[smem:$0x7E1] =	sst s28  }
0x3f: {  	s30 =	sadd.s32 $0xCC00, s19;
	[smem:$0x7E2] =	sst s29  }
0x40: {  	s1 =	sadd.s32 $0xD000, s19;
	[smem:$0x7E3] =	sst s30  }
0x41: {  	s3 =	sadd.s32 $0xD400, s19;
	[smem:$0x7E4] =	sst s1  }
0x42: {  	s5 =	sadd.s32 $0xD800, s19;
	[smem:$0x7E5] =	sst s3  }
0x43: {  	s6 =	sadd.s32 $0xF400, s19;
	[smem:$0x7E6] =	sst s5  }
0x44: {  	s7 =	sadd.s32 $0xF800, s19;
	[smem:$0x7E7] =	sst s6  }
0x45: {  	s8 =	sadd.s32 $0xFC00, s19;
	[smem:$0x7E8] =	sst s7  }
0x46: {  	s9 =	sadd.s32 $0x10000, s19;
	[smem:$0x7E9] =	sst s8  }
0x47: {  	s10 =	sadd.s32 $0x11C00, s19;
	[smem:$0x7EA] =	sst s9  }
0x48: {  	s11 =	sadd.s32 $0x12000, s19;
	[smem:$0x7EB] =	sst s10  }
0x49: {  	s12 =	sadd.s32 $0x12400, s19;
	[smem:$0x7EC] =	sst s11  }
0x4a: {  	s13 =	sadd.s32 $0x12800, s19;
	[smem:$0x7ED] =	sst s12  }
0x4b: {  	s14 =	sadd.s32 $0x14400, s19;
	[smem:$0x7EE] =	sst s13  }
0x4c: {  	s15 =	sadd.s32 $0x14800, s19;
	[smem:$0x7EF] =	sst s14  }
0x4d: {  	s16 =	sadd.s32 $0x14C00, s19;
	[smem:$0x7F0] =	sst s15  }
0x4e: {  	s31 =	sadd.s32 $0x1C800, s19;
	s20 =	sadd.s32 $0x17000, s19;
	[smem:$0x7F1] =	sst s16  }
0x4f: {  	s0 =	sadd.s32 $0x1E800, s19;
	s21 =	sadd.s32 $0x17400, s19;
	[smem:$0x7F4] =	sst s20  }
0x50: {  	s17 =	sadd.s32 $0x15000, s19;
	s18 =	sadd.s32 $0x16C00, s19;
	[smem:$0x7F5] =	sst s21  }
0x51: {  	s22 =	sadd.s32 $0x17800, s19;
	s23 =	sadd.s32 $0x19400, s19;
	s24 =	sadd.s32 $0x19800, s19  }
0x52: {  	s25 =	sadd.s32 $0x19C00, s19;
	s26 =	sadd.s32 $0x1A000, s19;
	s28 =	sadd.s32 $0x1BC00, s19  }
0x53: {  	s29 =	sadd.s32 $0x1C000, s19;
	s30 =	sadd.s32 $0x1C400, s19;
	[smem:$0x7F2] =	sst s17  }
0x54: {  	s1 =	sadd.s32 $0x1E400, s19;
	s5 =	sadd.s32 $0x1EC00, s19;
	[smem:$0x7F3] =	sst s18  }
0x55: {  	s6 =	sadd.s32 $0x1F000, s19;
	s7 =	sadd.s32 $0x20C00, s19;
	[smem:$0x7F6] =	sst s22  }
0x56: {  	s8 =	sadd.s32 $0x21000, s19;
	s9 =	sadd.s32 $0x21400, s19;
	[smem:$0x7F7] =	sst s23  }
0x57: {  	v0 =	vimm.s32 $0xEDCBA987;
	s10 =	sadd.s32 $0x21800, s19;
	s11 =	sadd.s32 $0x23400, s19;
	[smem:$0x7F8] =	sst s24  }
0x58: {  	v1 =	vimm.s32 $0x65432100;
	v0 =	vunpack.c.l.s4.s8 v0;
	s12 =	sadd.s32 $0x23800, s19;
	s13 =	sadd.s32 $0x23C00, s19;
	[smem:$0x7F9] =	sst s25  }
0x59: {  	v1 =	vunpack.c.l.s4.s8 v1;
	s14 =	sadd.s32 $0x24000, s19;
	s15 =	sadd.s32 $0x25C00, s19;
	[smem:$0x7FA] =	sst s26  }
0x5a: {  	v0 =	vunpack.c.0.s8.s32 v0;
	s16 =	sadd.s32 $0x26000, s19;
	s20 =	simm.s32 $0x1;
	[smem:$0x7FB] =	sst s28  }
0x5b: {  	v1 =	vunpack.c.0.s8.s32 v1;
	s3 =	simm.s32 $0x2800;
	s21 =	simm.s32 $0x80;
	[smem:$0x7FC] =	sst s29  }
0x5c: {  	v2 =	vand.u32 $0xF, v0;
	[smem:$0x7FD] =	sst s30;
	s17 =	sadd.s32 $0x26400, s19;
	s18 =	sadd.s32 $0x26800, s19  }
0x5d: {  	vm0 =	vmmov $0x1;
	v0 =	vimm.s32 $0x2710;
	v1 =	vcombine.low v1, v2;
	s22 =	simm.s32 $0x400;
	s23 =	simm.s32 $0x2;
	s24 =	simm.s32 $0x0  }
.LBB2_1:
0x5e: {  	s25 =	rddreg [dreg:$0x4]  }
0x5f: {  	s26 =	simm.s32 $0x5000;
	s29 =	rddreg [dreg:$0x5]  }
0x60: {  	[tilespmem:s26], [sflag:$0x1] =	stream.linear.gather [hbm4b:s25+s2], $0x2710, $0x38;
	[tilespmem:$0xEE80] =	vst v63  }
0x61: {  	s30 =	simm.s32 $0x7710;
	s25 =	simm.s32 $0x0;
	s26 =	simm.s32 $0x100  }
0x62: {  	[tilespmem:s30], [sflag:$0x1] =	stream.linear.gather [hbm4b:s29+s2], $0x2710, $0x38;
	[tilespmem:$0xEE80] =	vst v63  }
.LBB2_2:
0x63: {  	p0 =	sne.s32 s26, $0x9F00;
	[tilespmem:s25+$0x2830] =	vst v0  }
0x64: {  	[tilespmem:s25+$0x0] =	vst v0  }
0x65: {  	[tilespmem:s25+$0x2800] =	vst v0  }
.Ltmp0:
0x66: {  	[tilespmem:s25+$0x10] =	vst v0;
	(pc) =	sbr.rel @p0 .LBB2_2-.Ltmp0, $4  }
0x67: {  	[tilespmem:s25+$0x2810] =	vst v0  }
0x68: {  	[tilespmem:s25+$0x20] =	vst v0  }
0x69: {  	[tilespmem:s25+$0x2820] =	vst v0  }
0x6a: {  	[tilespmem:s25+$0x30] =	vst v0;
	s25 =	sshra.s32 s26, $0x2;
	s26 =	sadd.s32 $0x100, s26  }
0x6b: {  	[tilespmem:s25+$0x2830] =	vst v0  }
0x6c: {  	[tilespmem:s25+$0x0] =	vst v0  }
0x6d: {  	[tilespmem:s25+$0x2800] =	vst v0  }
0x6e: {  	[tilespmem:s25+$0x10] =	vst v0  }
0x6f: {  	[tilespmem:s25+$0x2810] =	vst v0  }
0x70: {  	[tilespmem:s25+$0x20] =	vst v0  }
0x71: {  	[tilespmem:s25+$0x2820] =	vst v0  }
0x72: {  	[tilespmem:s25+$0x30] =	vst v0  }
0x73: {  	_ =	swait.ge [sflag:s20], $0x2710  }
0x74: {  	[sflag:s20] =	ssyncset.done $0x0  }
0x75: {  	[sflag:s20] =	ssyncadd.s32 $0xFFFFD8F0  }
0x76: {  	_ =	swait.ge [sflag:s20], $0x2710  }
0x77: {  	[sflag:s20] =	ssyncset.done $0x0  }
0x78: {  	s25 =	simm.s32 $0x0;
	[sflag:s20] =	ssyncadd.s32 $0xFFFFD8F0  }
.LBB2_4:
0x79: {  	s26 =	sshra.s32 s25, $0x2  }
0x7a: {  	v2 =	vld [tilespmem:s26+$0x5000]  }
0x7b: {  	v3 =	vld [tilespmem:s26+$0x7710];
	_ =	sdelay $0x3  }
0x7c: {  	v2 =	vshll.u32 v2, $0xF  }
0x7d: {  	v2 =	vor.u32 v3, v2  }
0x7e: {  	v3 =	vxor.u32 $0x80000000, v2  }
0x7f: {  	(xrf1) =	vsort.ascd.msk.u32 $0xffff, v3, v2;
	_ =	sdelay $0xd  }
0x80: {  	v2, _, _ =	vpop (xrf1)  }
0x81: {  	v3 =	vshrl.u32 v2, $0xF  }
0x82: {  	v4 =	vxor.u32 $0x10000, v3  }
0x83: {  	v3 =	vand.u32 $0x7F, v3;
	v5 =	vand.u32 $0x1FF80, v4  }
0x84: {  	v3 =	vor.u32 v3, v5;
	_ =	sdelay $0x2  }
0x85: {  	v58 =	vperm.xlane v4, v1;
	_ =	sdelay $0x1  }
0x86: {  	vm1 =	vne.s32 v4, v58;
	v59 =	vld.idx.msk [tilespmem:v3+s2+$0x0], $0xffff  }
0x87: {  	vm1 =	vmor vm1, vm0;
	_ =	sdelay $0x2  }
0x88: {  	v2 =	vand.u32 $0x7FFF, v2  }
0x89: {  	vm2 =	vlt.s32 v59, v2  }
0x8a: {  	v2 =	vsel vm2, v59, v2  }
0x8b: {  	[tilespmem:v3+s2+$0x0] =	vst.idx.msk vm1, v2  }
0x8c: {  	v2 =	vld [tilespmem:s26+$0x5010]  }
0x8d: {  	v3 =	vld [tilespmem:s26+$0x7720];
	_ =	sdelay $0x3  }
0x8e: {  	v2 =	vshll.u32 v2, $0xF  }
0x8f: {  	v2 =	vor.u32 v3, v2  }
0x90: {  	v3 =	vxor.u32 $0x80000000, v2  }
0x91: {  	(xrf1) =	vsort.ascd.msk.u32 $0xffff, v3, v2;
	_ =	sdelay $0xd  }
0x92: {  	v2, _, _ =	vpop (xrf1)  }
0x93: {  	v3 =	vshrl.u32 v2, $0xF  }
0x94: {  	v60 =	vxor.u32 $0x10000, v3  }
0x95: {  	v3 =	vand.u32 $0x7F, v3;
	v61 =	vand.u32 $0x1FF80, v60  }
0x96: {  	v3 =	vor.u32 v3, v61;
	_ =	sdelay $0x2  }
0x97: {  	v62 =	vperm.xlane v60, v1;
	_ =	sdelay $0x1  }
0x98: {  	vm1 =	vne.s32 v60, v62;
	v63 =	vld.idx.msk [tilespmem:v3+s3+$0x0], $0xffff  }
0x99: {  	vm1 =	vmor vm1, vm0  }
0x9a: {  	p0 =	sne.s32 s25, $0x9B80  }
.Ltmp1:
0x9b: {  	_ = 	snop;
	(pc) =	sbr.rel @p0 .LBB2_4-.Ltmp1, $4  }
0x9c: {  	v2 =	vand.u32 $0x7FFF, v2  }
0x9d: {  	vm2 =	vlt.s32 v63, v2  }
0x9e: {  	v2 =	vsel vm2, v63, v2  }
0x9f: {  	s25 =	sadd.s32 $0x80, s25;
	[tilespmem:v3+s3+$0x0] =	vst.idx.msk vm1, v2  }
0xa0: {  	v2 =	vld [tilespmem:$0x7700]  }
0xa1: {  	v3 =	vld [tilespmem:$0x9E10];
	_ =	sdelay $0x3  }
0xa2: {  	v2 =	vshll.u32 v2, $0xF  }
0xa3: {  	v2 =	vor.u32 v3, v2  }
0xa4: {  	v3 =	vxor.u32 $0x80000000, v2  }
0xa5: {  	(xrf1) =	vsort.ascd.msk.u32 $0xffff, v3, v2;
	_ =	sdelay $0xd  }
0xa6: {  	v2, _, _ =	vpop (xrf1)  }
0xa7: {  	v3 =	vshrl.u32 v2, $0xF  }
0xa8: {  	v4 =	vxor.u32 $0x10000, v3  }
0xa9: {  	v3 =	vand.u32 $0x7F, v3;
	v5 =	vand.u32 $0x1FF80, v4  }
0xaa: {  	v3 =	vor.u32 v3, v5;
	_ =	sdelay $0x2  }
0xab: {  	v5 =	vperm.xlane v4, v1  }
0xac: {  	s25 =	simm.s32 $0x0  }
0xad: {  	vm1 =	vne.s32 v4, v5;
	v4 =	vld.idx.msk [tilespmem:v3+s25+$0x0], $0xffff  }
0xae: {  	vm1 =	vmor vm1, vm0;
	_ =	sdelay $0x2  }
0xaf: {  	v2 =	vand.u32 $0x7FFF, v2  }
0xb0: {  	vm2 =	vlt.s32 v4, v2  }
0xb1: {  	v2 =	vsel vm2, v4, v2  }
0xb2: {  	[tilespmem:v3+s25+$0x0] =	vst.idx.msk vm1, v2;
	s25 =	simm.s32 $0x0  }
0xb3: {  	v3 =	vld [tilespmem:s25+$0x2800]  }
0xb4: {  	v2 =	vld [tilespmem:s25+$0x2810]  }
0xb5: {  	s26 =	simm.s32 $0x80;
	v4 =	vld [tilespmem:s25+$0x0]  }
.LBB2_6:
0xb6: {  	p0 =	sne.s32 s26, $0x9F80;
	v5 =	vld [tilespmem:s25+$0x10];
	_ =	sdelay $0x2  }
.Ltmp2:
0xb7: {  	(pc) =	sbr.rel @p0 .LBB2_6-.Ltmp2, $4  }
0xb8: {  	s28 =	sshra.s32 s26, $0x2;
	vm1 =	vlt.s32 v4, v3  }
0xb9: {  	v4 =	vsel vm1, v4, v3;
	v3 =	vld [tilespmem:s28+$0x2800];
	vm1 =	vlt.s32 v5, v2  }
0xba: {  	[tilespmem:s25+$0x0] =	vst v4;
	v5 =	vsel vm1, v5, v2;
	v2 =	vld [tilespmem:s28+$0x2810]  }
0xbb: {  	s26 =	sadd.s32 $0x80, s26;
	v4 =	vld [tilespmem:s28+$0x0];
	[tilespmem:s25+$0x10] =	vst v5;
	s25 =	smov.u32 s28  }
0xbc: {  	v5 =	vld [tilespmem:s25+$0x10];
	_ =	sdelay $0x3  }
0xbd: {  	vm1 =	vlt.s32 v4, v3  }
0xbe: {  	v3 =	vsel vm1, v4, v3;
	vm1 =	vlt.s32 v5, v2  }
0xbf: {  	[tilespmem:s25+$0x0] =	vst v3;
	v2 =	vsel vm1, v5, v2  }
0xc0: {  	[tilespmem:s25+$0x10] =	vst v2;
	s25 =	simm.s32 $0x0  }
0xc1: {  	[spmem:s4] =	stream.strided.scatter [tilespmem:s25], [sflag:$0x1], $0x280, s22, s21, $0x38;
	[tilespmem:$0xEE80] =	vst v63  }
0xc2: {  	s26 =	rddreg [dreg:$0x6];
	s28 =	simm.s32 $0x280  }
0xc3: {  	[spmem:s26] =	stream.strided.scatter [tilespmem:s28], [sflag:$0x1], $0x280, s22, s21, $0x38;
	[tilespmem:$0xEE80] =	vst v63  }
0xc4: {  	s30 =	rddreg [dreg:$0x7];
	s28 =	simm.s32 $0x500  }
0xc5: {  	[spmem:s30] =	stream.strided.scatter [tilespmem:s28], [sflag:$0x1], $0x280, s22, s21, $0x38;
	[tilespmem:$0xEE80] =	vst v63  }
0xc6: {  	s30 =	rddreg [dreg:$0x8];
	s28 =	simm.s32 $0x780  }
0xc7: {  	[spmem:s30] =	stream.strided.scatter [tilespmem:s28], [sflag:$0x1], $0x280, s22, s21, $0x38;
	[tilespmem:$0xEE80] =	vst v63  }
0xc8: {  	s30 =	rddreg [dreg:$0x9];
	s28 =	simm.s32 $0xA00  }
0xc9: {  	[spmem:s30] =	stream.strided.scatter [tilespmem:s28], [sflag:$0x1], $0x280, s22, s21, $0x38;
	[tilespmem:$0xEE80] =	vst v63  }
0xca: {  	s30 =	rddreg [dreg:$0xa];
	s28 =	simm.s32 $0xC80  }
0xcb: {  	[spmem:s30] =	stream.strided.scatter [tilespmem:s28], [sflag:$0x1], $0x280, s22, s21, $0x38;
	[tilespmem:$0xEE80] =	vst v63  }
0xcc: {  	s30 =	rddreg [dreg:$0xb];
	s28 =	simm.s32 $0xF00  }
0xcd: {  	[spmem:s30] =	stream.strided.scatter [tilespmem:s28], [sflag:$0x1], $0x280, s22, s21, $0x38;
	[tilespmem:$0xEE80] =	vst v63  }
0xce: {  	s30 =	rddreg [dreg:$0xc];
	s28 =	simm.s32 $0x1180  }
0xcf: {  	[spmem:s30] =	stream.strided.scatter [tilespmem:s28], [sflag:$0x1], $0x280, s22, s21, $0x38;
	[tilespmem:$0xEE80] =	vst v63  }
0xd0: {  	s30 =	rddreg [dreg:$0xd];
	s28 =	simm.s32 $0x1400  }
0xd1: {  	[spmem:s30] =	stream.strided.scatter [tilespmem:s28], [sflag:$0x1], $0x280, s22, s21, $0x38;
	[tilespmem:$0xEE80] =	vst v63  }
0xd2: {  	s30 =	rddreg [dreg:$0xe];
	s28 =	simm.s32 $0x1680  }
0xd3: {  	[spmem:s30] =	stream.strided.scatter [tilespmem:s28], [sflag:$0x1], $0x280, s22, s21, $0x38;
	[tilespmem:$0xEE80] =	vst v63  }
0xd4: {  	s30 =	rddreg [dreg:$0xf];
	s28 =	simm.s32 $0x1900  }
0xd5: {  	[spmem:s30] =	stream.strided.scatter [tilespmem:s28], [sflag:$0x1], $0x280, s22, s21, $0x38;
	[tilespmem:$0xEE80] =	vst v63  }
0xd6: {  	s30 =	rddreg [dreg:$0x10];
	s28 =	simm.s32 $0x1B80  }
0xd7: {  	[spmem:s30] =	stream.strided.scatter [tilespmem:s28], [sflag:$0x1], $0x280, s22, s21, $0x38;
	[tilespmem:$0xEE80] =	vst v63  }
0xd8: {  	s30 =	rddreg [dreg:$0x11];
	s28 =	simm.s32 $0x1E00  }
0xd9: {  	[spmem:s30] =	stream.strided.scatter [tilespmem:s28], [sflag:$0x1], $0x280, s22, s21, $0x38;
	[tilespmem:$0xEE80] =	vst v63  }
0xda: {  	s30 =	rddreg [dreg:$0x12];
	s28 =	simm.s32 $0x2080  }
0xdb: {  	[spmem:s30] =	stream.strided.scatter [tilespmem:s28], [sflag:$0x1], $0x280, s22, s21, $0x38;
	[tilespmem:$0xEE80] =	vst v63  }
0xdc: {  	s30 =	rddreg [dreg:$0x13];
	s28 =	simm.s32 $0x2300  }
0xdd: {  	[spmem:s30] =	stream.strided.scatter [tilespmem:s28], [sflag:$0x1], $0x280, s22, s21, $0x38;
	[tilespmem:$0xEE80] =	vst v63  }
0xde: {  	s30 =	rddreg [dreg:$0x14];
	s28 =	simm.s32 $0x2580  }
0xdf: {  	[spmem:s30] =	stream.strided.scatter [tilespmem:s28], [sflag:$0x1], $0x280, s22, s21, $0x38;
	[tilespmem:$0xEE80] =	vst v63  }
0xe0: {  	_ =	swait.ge [sflag:s20], $0x280  }
0xe1: {  	[sflag:s20] =	ssyncset.done $0x0  }
0xe2: {  	[sflag:s20] =	ssyncadd.s32 $0xFFFFFD80  }
0xe3: {  	_ =	swait.ge [sflag:s20], $0x280  }
0xe4: {  	[sflag:s20] =	ssyncset.done $0x0  }
0xe5: {  	[sflag:s20] =	ssyncadd.s32 $0xFFFFFD80  }
0xe6: {  	_ =	swait.ge [sflag:s20], $0x280  }
0xe7: {  	[sflag:s20] =	ssyncset.done $0x0  }
0xe8: {  	[sflag:s20] =	ssyncadd.s32 $0xFFFFFD80  }
0xe9: {  	_ =	swait.ge [sflag:s20], $0x280  }
0xea: {  	[sflag:s20] =	ssyncset.done $0x0  }
0xeb: {  	[sflag:s20] =	ssyncadd.s32 $0xFFFFFD80  }
0xec: {  	_ =	swait.ge [sflag:s20], $0x280  }
0xed: {  	[sflag:s20] =	ssyncset.done $0x0  }
0xee: {  	[sflag:s20] =	ssyncadd.s32 $0xFFFFFD80  }
0xef: {  	_ =	swait.ge [sflag:s20], $0x280  }
0xf0: {  	[sflag:s20] =	ssyncset.done $0x0  }
0xf1: {  	[sflag:s20] =	ssyncadd.s32 $0xFFFFFD80  }
0xf2: {  	_ =	swait.ge [sflag:s20], $0x280  }
0xf3: {  	[sflag:s20] =	ssyncset.done $0x0  }
0xf4: {  	[sflag:s20] =	ssyncadd.s32 $0xFFFFFD80  }
0xf5: {  	_ =	swait.ge [sflag:s20], $0x280  }
0xf6: {  	[sflag:s20] =	ssyncset.done $0x0  }
0xf7: {  	[sflag:s20] =	ssyncadd.s32 $0xFFFFFD80  }
0xf8: {  	_ =	swait.ge [sflag:s20], $0x280  }
0xf9: {  	[sflag:s20] =	ssyncset.done $0x0  }
0xfa: {  	[sflag:s20] =	ssyncadd.s32 $0xFFFFFD80  }
0xfb: {  	_ =	swait.ge [sflag:s20], $0x280  }
0xfc: {  	[sflag:s20] =	ssyncset.done $0x0  }
0xfd: {  	[sflag:s20] =	ssyncadd.s32 $0xFFFFFD80  }
0xfe: {  	_ =	swait.ge [sflag:s20], $0x280  }
0xff: {  	[sflag:s20] =	ssyncset.done $0x0  }
0x100: {  	[sflag:s20] =	ssyncadd.s32 $0xFFFFFD80  }
0x101: {  	_ =	swait.ge [sflag:s20], $0x280  }
0x102: {  	[sflag:s20] =	ssyncset.done $0x0  }
0x103: {  	[sflag:s20] =	ssyncadd.s32 $0xFFFFFD80  }
0x104: {  	_ =	swait.ge [sflag:s20], $0x280  }
0x105: {  	[sflag:s20] =	ssyncset.done $0x0  }
0x106: {  	[sflag:s20] =	ssyncadd.s32 $0xFFFFFD80  }
0x107: {  	_ =	swait.ge [sflag:s20], $0x280  }
0x108: {  	[sflag:s20] =	ssyncset.done $0x0  }
0x109: {  	[sflag:s20] =	ssyncadd.s32 $0xFFFFFD80  }
0x10a: {  	_ =	swait.ge [sflag:s20], $0x280  }
0x10b: {  	[sflag:s20] =	ssyncset.done $0x0  }
0x10c: {  	[sflag:s20] =	ssyncadd.s32 $0xFFFFFD80  }
0x10d: {  	_ =	swait.ge [sflag:s20], $0x280  }
0x10e: {  	[sflag:s20] =	ssyncset.done $0x0  }
0x10f: {  	[sflag:s20] =	ssyncadd.s32 $0xFFFFFD80  }
0x110: {  	s30 =	simm.s32 $0x9E80;
	[bflag:$0x0] =	sbarrier.arrive $0xFFFF  }
0x111: {  	[tilespmem:s30], [sflag:$0x1] =	stream.linear.gather [spmem:s19], $0x80, $0x38;
	[tilespmem:$0xEE80] =	vst v63  }
0x112: {  	s30 =	sld [smem:$0x7CF];
	_ =	sdelay $0x1  }
0x113: {  	s28 =	simm.s32 $0xA280  }
0x114: {  	[tilespmem:s28], [sflag:$0x1] =	stream.linear.gather [spmem:s30], $0x80, $0x38;
	[tilespmem:$0xEE80] =	vst v63  }
0x115: {  	s30 =	sld [smem:$0x7D0];
	_ =	sdelay $0x1  }
0x116: {  	s28 =	simm.s32 $0xA680  }
0x117: {  	[tilespmem:s28], [sflag:$0x1] =	stream.linear.gather [spmem:s30], $0x80, $0x38;
	[tilespmem:$0xEE80] =	vst v63  }
0x118: {  	s30 =	sld [smem:$0x7D1];
	_ =	sdelay $0x1  }
0x119: {  	s28 =	simm.s32 $0xAA80  }
0x11a: {  	[tilespmem:s28], [sflag:$0x1] =	stream.linear.gather [spmem:s30], $0x80, $0x38;
	[tilespmem:$0xEE80] =	vst v63  }
0x11b: {  	s30 =	sld [smem:$0x7D2];
	_ =	sdelay $0x1  }
0x11c: {  	s28 =	simm.s32 $0xAE80  }
0x11d: {  	[tilespmem:s28], [sflag:$0x1] =	stream.linear.gather [spmem:s30], $0x80, $0x38;
	[tilespmem:$0xEE80] =	vst v63  }
0x11e: {  	s30 =	rddreg [dreg:$0x15];
	s28 =	simm.s32 $0x9F00  }
0x11f: {  	[tilespmem:s28], [sflag:$0x1] =	stream.linear.gather [spmem:s30], $0x80, $0x38;
	[tilespmem:$0xEE80] =	vst v63  }
0x120: {  	s30 =	sld [smem:$0x7D3];
	_ =	sdelay $0x1  }
0x121: {  	s28 =	simm.s32 $0xA300  }
0x122: {  	[tilespmem:s28], [sflag:$0x1] =	stream.linear.gather [spmem:s30], $0x80, $0x38;
	[tilespmem:$0xEE80] =	vst v63  }
0x123: {  	s30 =	sld [smem:$0x7D4];
	_ =	sdelay $0x1  }
0x124: {  	s28 =	simm.s32 $0xA700  }
0x125: {  	[tilespmem:s28], [sflag:$0x1] =	stream.linear.gather [spmem:s30], $0x80, $0x38;
	[tilespmem:$0xEE80] =	vst v63  }
0x126: {  	s30 =	sld [smem:$0x7D5];
	_ =	sdelay $0x1  }
0x127: {  	s28 =	simm.s32 $0xAB00  }
0x128: {  	[tilespmem:s28], [sflag:$0x1] =	stream.linear.gather [spmem:s30], $0x80, $0x38;
	[tilespmem:$0xEE80] =	vst v63  }
0x129: {  	s30 =	sld [smem:$0x7D6];
	_ =	sdelay $0x1  }
0x12a: {  	s28 =	simm.s32 $0xAF00  }
0x12b: {  	[tilespmem:s28], [sflag:$0x1] =	stream.linear.gather [spmem:s30], $0x80, $0x38;
	[tilespmem:$0xEE80] =	vst v63  }
0x12c: {  	s30 =	rddreg [dreg:$0x16];
	s28 =	simm.s32 $0x9F80  }
0x12d: {  	[tilespmem:s28], [sflag:$0x1] =	stream.linear.gather [spmem:s30], $0x80, $0x38;
	[tilespmem:$0xEE80] =	vst v63  }
0x12e: {  	s30 =	sld [smem:$0x7D7];
	_ =	sdelay $0x1  }
0x12f: {  	s28 =	simm.s32 $0xA380  }
0x130: {  	[tilespmem:s28], [sflag:$0x1] =	stream.linear.gather [spmem:s30], $0x80, $0x38;
	[tilespmem:$0xEE80] =	vst v63  }
0x131: {  	s30 =	sld [smem:$0x7D8];
	_ =	sdelay $0x1  }
0x132: {  	s28 =	simm.s32 $0xA780  }
0x133: {  	[tilespmem:s28], [sflag:$0x1] =	stream.linear.gather [spmem:s30], $0x80, $0x38;
	[tilespmem:$0xEE80] =	vst v63  }
0x134: {  	s30 =	sld [smem:$0x7D9];
	_ =	sdelay $0x1  }
0x135: {  	s28 =	simm.s32 $0xAB80  }
0x136: {  	[tilespmem:s28], [sflag:$0x1] =	stream.linear.gather [spmem:s30], $0x80, $0x38;
	[tilespmem:$0xEE80] =	vst v63  }
0x137: {  	s30 =	sld [smem:$0x7DA];
	_ =	sdelay $0x1  }
0x138: {  	s28 =	simm.s32 $0xAF80  }
0x139: {  	[tilespmem:s28], [sflag:$0x1] =	stream.linear.gather [spmem:s30], $0x80, $0x38;
	[tilespmem:$0xEE80] =	vst v63  }
0x13a: {  	s30 =	rddreg [dreg:$0x19];
	s28 =	simm.s32 $0xA000  }
0x13b: {  	[tilespmem:s28], [sflag:$0x1] =	stream.linear.gather [spmem:s30], $0x80, $0x38;
	[tilespmem:$0xEE80] =	vst v63  }
0x13c: {  	s30 =	sld [smem:$0x7DB];
	_ =	sdelay $0x1  }
0x13d: {  	s28 =	simm.s32 $0xA400  }
0x13e: {  	[tilespmem:s28], [sflag:$0x1] =	stream.linear.gather [spmem:s30], $0x80, $0x38;
	[tilespmem:$0xEE80] =	vst v63  }
0x13f: {  	s30 =	sld [smem:$0x7DC];
	_ =	sdelay $0x1  }
0x140: {  	s28 =	simm.s32 $0xA800  }
0x141: {  	[tilespmem:s28], [sflag:$0x1] =	stream.linear.gather [spmem:s30], $0x80, $0x38;
	[tilespmem:$0xEE80] =	vst v63  }
0x142: {  	s30 =	sld [smem:$0x7DD];
	_ =	sdelay $0x1  }
0x143: {  	s28 =	simm.s32 $0xAC00  }
0x144: {  	[tilespmem:s28], [sflag:$0x1] =	stream.linear.gather [spmem:s30], $0x80, $0x38;
	[tilespmem:$0xEE80] =	vst v63  }
0x145: {  	s30 =	sld [smem:$0x7DE];
	_ =	sdelay $0x1  }
0x146: {  	s28 =	simm.s32 $0xB000  }
0x147: {  	[tilespmem:s28], [sflag:$0x1] =	stream.linear.gather [spmem:s30], $0x80, $0x38;
	[tilespmem:$0xEE80] =	vst v63  }
0x148: {  	s30 =	rddreg [dreg:$0x1a];
	s28 =	simm.s32 $0xA080  }
0x149: {  	[tilespmem:s28], [sflag:$0x1] =	stream.linear.gather [spmem:s30], $0x80, $0x38;
	[tilespmem:$0xEE80] =	vst v63  }
0x14a: {  	s30 =	sld [smem:$0x7DF];
	_ =	sdelay $0x1  }
0x14b: {  	s28 =	simm.s32 $0xA480  }
0x14c: {  	[tilespmem:s28], [sflag:$0x1] =	stream.linear.gather [spmem:s30], $0x80, $0x38;
	[tilespmem:$0xEE80] =	vst v63  }
0x14d: {  	s30 =	sld [smem:$0x7E0];
	_ =	sdelay $0x1  }
0x14e: {  	s28 =	simm.s32 $0xA880  }
0x14f: {  	[tilespmem:s28], [sflag:$0x1] =	stream.linear.gather [spmem:s30], $0x80, $0x38;
	[tilespmem:$0xEE80] =	vst v63  }
0x150: {  	s30 =	sld [smem:$0x7E1];
	_ =	sdelay $0x1  }
0x151: {  	s28 =	simm.s32 $0xAC80  }
0x152: {  	[tilespmem:s28], [sflag:$0x1] =	stream.linear.gather [spmem:s30], $0x80, $0x38;
	[tilespmem:$0xEE80] =	vst v63  }
0x153: {  	s30 =	sld [smem:$0x7E2];
	_ =	sdelay $0x1  }
0x154: {  	s28 =	simm.s32 $0xB080  }
0x155: {  	[tilespmem:s28], [sflag:$0x1] =	stream.linear.gather [spmem:s30], $0x80, $0x38;
	[tilespmem:$0xEE80] =	vst v63  }
0x156: {  	s30 =	rddreg [dreg:$0x1b];
	s28 =	simm.s32 $0xA100  }
0x157: {  	[tilespmem:s28], [sflag:$0x1] =	stream.linear.gather [spmem:s30], $0x80, $0x38;
	[tilespmem:$0xEE80] =	vst v63  }
0x158: {  	s30 =	sld [smem:$0x7E3];
	_ =	sdelay $0x1  }
0x159: {  	s28 =	simm.s32 $0xA500  }
0x15a: {  	[tilespmem:s28], [sflag:$0x1] =	stream.linear.gather [spmem:s30], $0x80, $0x38;
	[tilespmem:$0xEE80] =	vst v63  }
0x15b: {  	s30 =	sld [smem:$0x7E4];
	_ =	sdelay $0x1  }
0x15c: {  	s28 =	simm.s32 $0xA900  }
0x15d: {  	[tilespmem:s28], [sflag:$0x1] =	stream.linear.gather [spmem:s30], $0x80, $0x38;
	[tilespmem:$0xEE80] =	vst v63  }
0x15e: {  	s30 =	sld [smem:$0x7E5];
	_ =	sdelay $0x1  }
0x15f: {  	s28 =	simm.s32 $0xAD00  }
0x160: {  	[tilespmem:s28], [sflag:$0x1] =	stream.linear.gather [spmem:s30], $0x80, $0x38;
	[tilespmem:$0xEE80] =	vst v63  }
0x161: {  	s30 =	sld [smem:$0x7E6];
	_ =	sdelay $0x1  }
0x162: {  	s28 =	simm.s32 $0xB100  }
0x163: {  	[tilespmem:s28], [sflag:$0x1] =	stream.linear.gather [spmem:s30], $0x80, $0x38;
	[tilespmem:$0xEE80] =	vst v63  }
0x164: {  	s30 =	rddreg [dreg:$0x1c];
	s28 =	simm.s32 $0xA180  }
0x165: {  	[tilespmem:s28], [sflag:$0x1] =	stream.linear.gather [spmem:s30], $0x80, $0x38;
	[tilespmem:$0xEE80] =	vst v63  }
0x166: {  	s30 =	sld [smem:$0x7E7];
	_ =	sdelay $0x1  }
0x167: {  	s28 =	simm.s32 $0xA580  }
0x168: {  	[tilespmem:s28], [sflag:$0x1] =	stream.linear.gather [spmem:s30], $0x80, $0x38;
	[tilespmem:$0xEE80] =	vst v63  }
0x169: {  	s30 =	sld [smem:$0x7E8];
	_ =	sdelay $0x1  }
0x16a: {  	s28 =	simm.s32 $0xA980  }
0x16b: {  	[tilespmem:s28], [sflag:$0x1] =	stream.linear.gather [spmem:s30], $0x80, $0x38;
	[tilespmem:$0xEE80] =	vst v63  }
0x16c: {  	s30 =	sld [smem:$0x7E9];
	_ =	sdelay $0x1  }
0x16d: {  	s28 =	simm.s32 $0xAD80  }
0x16e: {  	[tilespmem:s28], [sflag:$0x1] =	stream.linear.gather [spmem:s30], $0x80, $0x38;
	[tilespmem:$0xEE80] =	vst v63  }
0x16f: {  	s30 =	sld [smem:$0x7EA];
	_ =	sdelay $0x1  }
0x170: {  	s28 =	simm.s32 $0xB180  }
0x171: {  	[tilespmem:s28], [sflag:$0x1] =	stream.linear.gather [spmem:s30], $0x80, $0x38;
	[tilespmem:$0xEE80] =	vst v63  }
0x172: {  	s30 =	rddreg [dreg:$0x1d];
	s28 =	simm.s32 $0xA200  }
0x173: {  	[tilespmem:s28], [sflag:$0x1] =	stream.linear.gather [spmem:s30], $0x80, $0x38;
	[tilespmem:$0xEE80] =	vst v63  }
0x174: {  	s30 =	sld [smem:$0x7EB];
	_ =	sdelay $0x1  }
0x175: {  	s28 =	simm.s32 $0xA600  }
0x176: {  	[tilespmem:s28], [sflag:$0x1] =	stream.linear.gather [spmem:s30], $0x80, $0x38;
	[tilespmem:$0xEE80] =	vst v63  }
0x177: {  	s30 =	sld [smem:$0x7EC];
	_ =	sdelay $0x1  }
0x178: {  	s28 =	simm.s32 $0xAA00  }
0x179: {  	[tilespmem:s28], [sflag:$0x1] =	stream.linear.gather [spmem:s30], $0x80, $0x38;
	[tilespmem:$0xEE80] =	vst v63  }
0x17a: {  	s30 =	sld [smem:$0x7ED];
	_ =	sdelay $0x1  }
0x17b: {  	s28 =	simm.s32 $0xAE00  }
0x17c: {  	[tilespmem:s28], [sflag:$0x1] =	stream.linear.gather [spmem:s30], $0x80, $0x38;
	[tilespmem:$0xEE80] =	vst v63  }
0x17d: {  	s30 =	sld [smem:$0x7EE];
	_ =	sdelay $0x1  }
0x17e: {  	s28 =	simm.s32 $0xB200  }
0x17f: {  	[tilespmem:s28], [sflag:$0x1] =	stream.linear.gather [spmem:s30], $0x80, $0x38;
	[tilespmem:$0xEE80] =	vst v63  }
0x180: {  	s30 =	rddreg [dreg:$0x1e];
	s28 =	simm.s32 $0xB280  }
0x181: {  	[tilespmem:s28], [sflag:$0x1] =	stream.linear.gather [spmem:s30], $0x80, $0x38;
	[tilespmem:$0xEE80] =	vst v63  }
0x182: {  	s30 =	sld [smem:$0x7EF];
	_ =	sdelay $0x1  }
0x183: {  	s28 =	simm.s32 $0xB680  }
0x184: {  	[tilespmem:s28], [sflag:$0x1] =	stream.linear.gather [spmem:s30], $0x80, $0x38;
	[tilespmem:$0xEE80] =	vst v63  }
0x185: {  	s30 =	sld [smem:$0x7F0];
	_ =	sdelay $0x1  }
0x186: {  	s28 =	simm.s32 $0xBA80  }
0x187: {  	[tilespmem:s28], [sflag:$0x1] =	stream.linear.gather [spmem:s30], $0x80, $0x38;
	[tilespmem:$0xEE80] =	vst v63  }
0x188: {  	s30 =	sld [smem:$0x7F1];
	_ =	sdelay $0x1  }
0x189: {  	s28 =	simm.s32 $0xBE80  }
0x18a: {  	[tilespmem:s28], [sflag:$0x1] =	stream.linear.gather [spmem:s30], $0x80, $0x38;
	[tilespmem:$0xEE80] =	vst v63  }
0x18b: {  	s30 =	sld [smem:$0x7F2];
	_ =	sdelay $0x1  }
0x18c: {  	s28 =	simm.s32 $0xC280  }
0x18d: {  	[tilespmem:s28], [sflag:$0x1] =	stream.linear.gather [spmem:s30], $0x80, $0x38;
	[tilespmem:$0xEE80] =	vst v63  }
0x18e: {  	s30 =	rddreg [dreg:$0x1f];
	s28 =	simm.s32 $0xB300  }
0x18f: {  	[tilespmem:s28], [sflag:$0x1] =	stream.linear.gather [spmem:s30], $0x80, $0x38;
	[tilespmem:$0xEE80] =	vst v63  }
0x190: {  	s30 =	sld [smem:$0x7F3];
	_ =	sdelay $0x1  }
0x191: {  	s28 =	simm.s32 $0xB700  }
0x192: {  	[tilespmem:s28], [sflag:$0x1] =	stream.linear.gather [spmem:s30], $0x80, $0x38;
	[tilespmem:$0xEE80] =	vst v63  }
0x193: {  	s30 =	sld [smem:$0x7F4];
	_ =	sdelay $0x1  }
0x194: {  	s28 =	simm.s32 $0xBB00  }
0x195: {  	[tilespmem:s28], [sflag:$0x1] =	stream.linear.gather [spmem:s30], $0x80, $0x38;
	[tilespmem:$0xEE80] =	vst v63  }
0x196: {  	s30 =	sld [smem:$0x7F5];
	_ =	sdelay $0x1  }
0x197: {  	s28 =	simm.s32 $0xBF00  }
0x198: {  	[tilespmem:s28], [sflag:$0x1] =	stream.linear.gather [spmem:s30], $0x80, $0x38;
	[tilespmem:$0xEE80] =	vst v63  }
0x199: {  	s30 =	sld [smem:$0x7F6];
	_ =	sdelay $0x1  }
0x19a: {  	s28 =	simm.s32 $0xC300  }
0x19b: {  	[tilespmem:s28], [sflag:$0x1] =	stream.linear.gather [spmem:s30], $0x80, $0x38;
	[tilespmem:$0xEE80] =	vst v63  }
0x19c: {  	s30 =	sld [smem:$0x7C9];
	_ =	sdelay $0x1  }
0x19d: {  	s28 =	simm.s32 $0xB380  }
0x19e: {  	[tilespmem:s28], [sflag:$0x1] =	stream.linear.gather [spmem:s30], $0x80, $0x38;
	[tilespmem:$0xEE80] =	vst v63  }
0x19f: {  	s30 =	sld [smem:$0x7F7];
	_ =	sdelay $0x1  }
0x1a0: {  	s28 =	simm.s32 $0xB780  }
0x1a1: {  	[tilespmem:s28], [sflag:$0x1] =	stream.linear.gather [spmem:s30], $0x80, $0x38;
	[tilespmem:$0xEE80] =	vst v63  }
0x1a2: {  	s30 =	sld [smem:$0x7F8];
	_ =	sdelay $0x1  }
0x1a3: {  	s28 =	simm.s32 $0xBB80  }
0x1a4: {  	[tilespmem:s28], [sflag:$0x1] =	stream.linear.gather [spmem:s30], $0x80, $0x38;
	[tilespmem:$0xEE80] =	vst v63  }
0x1a5: {  	s30 =	sld [smem:$0x7F9];
	_ =	sdelay $0x1  }
0x1a6: {  	s28 =	simm.s32 $0xBF80  }
0x1a7: {  	[tilespmem:s28], [sflag:$0x1] =	stream.linear.gather [spmem:s30], $0x80, $0x38;
	[tilespmem:$0xEE80] =	vst v63  }
0x1a8: {  	s30 =	sld [smem:$0x7FA];
	_ =	sdelay $0x1  }
0x1a9: {  	s28 =	simm.s32 $0xC380  }
0x1aa: {  	[tilespmem:s28], [sflag:$0x1] =	stream.linear.gather [spmem:s30], $0x80, $0x38;
	[tilespmem:$0xEE80] =	vst v63  }
0x1ab: {  	s30 =	sld [smem:$0x7CA];
	_ =	sdelay $0x1  }
0x1ac: {  	s28 =	simm.s32 $0xB400  }
0x1ad: {  	[tilespmem:s28], [sflag:$0x1] =	stream.linear.gather [spmem:s30], $0x80, $0x38;
	[tilespmem:$0xEE80] =	vst v63  }
0x1ae: {  	s30 =	sld [smem:$0x7FB];
	_ =	sdelay $0x1  }
0x1af: {  	s28 =	simm.s32 $0xB800  }
0x1b0: {  	[tilespmem:s28], [sflag:$0x1] =	stream.linear.gather [spmem:s30], $0x80, $0x38;
	[tilespmem:$0xEE80] =	vst v63  }
0x1b1: {  	s30 =	sld [smem:$0x7FC];
	_ =	sdelay $0x1  }
0x1b2: {  	s28 =	simm.s32 $0xBC00  }
0x1b3: {  	[tilespmem:s28], [sflag:$0x1] =	stream.linear.gather [spmem:s30], $0x80, $0x38;
	[tilespmem:$0xEE80] =	vst v63  }
0x1b4: {  	s30 =	sld [smem:$0x7FD];
	_ =	sdelay $0x1  }
0x1b5: {  	s28 =	simm.s32 $0xC000  }
0x1b6: {  	[tilespmem:s28], [sflag:$0x1] =	stream.linear.gather [spmem:s30], $0x80, $0x38;
	[tilespmem:$0xEE80] =	vst v63  }
0x1b7: {  	s30 =	simm.s32 $0xC400  }
0x1b8: {  	[tilespmem:s30], [sflag:$0x1] =	stream.linear.gather [spmem:s31], $0x80, $0x38;
	[tilespmem:$0xEE80] =	vst v63  }
0x1b9: {  	s30 =	sld [smem:$0x7CB];
	_ =	sdelay $0x1  }
0x1ba: {  	s28 =	simm.s32 $0xB480  }
0x1bb: {  	[tilespmem:s28], [sflag:$0x1] =	stream.linear.gather [spmem:s30], $0x80, $0x38;
	[tilespmem:$0xEE80] =	vst v63  }
0x1bc: {  	s30 =	simm.s32 $0xB880  }
0x1bd: {  	[tilespmem:s30], [sflag:$0x1] =	stream.linear.gather [spmem:s1], $0x80, $0x38;
	[tilespmem:$0xEE80] =	vst v63  }
0x1be: {  	s30 =	simm.s32 $0xBC80  }
0x1bf: {  	[tilespmem:s30], [sflag:$0x1] =	stream.linear.gather [spmem:s0], $0x80, $0x38;
	[tilespmem:$0xEE80] =	vst v63  }
0x1c0: {  	s30 =	simm.s32 $0xC080  }
0x1c1: {  	[tilespmem:s30], [sflag:$0x1] =	stream.linear.gather [spmem:s5], $0x80, $0x38;
	[tilespmem:$0xEE80] =	vst v63  }
0x1c2: {  	s30 =	simm.s32 $0xC480  }
0x1c3: {  	[tilespmem:s30], [sflag:$0x1] =	stream.linear.gather [spmem:s6], $0x80, $0x38;
	[tilespmem:$0xEE80] =	vst v63  }
0x1c4: {  	s30 =	sld [smem:$0x7CC];
	_ =	sdelay $0x1  }
0x1c5: {  	s28 =	simm.s32 $0xB500  }
0x1c6: {  	[tilespmem:s28], [sflag:$0x1] =	stream.linear.gather [spmem:s30], $0x80, $0x38;
	[tilespmem:$0xEE80] =	vst v63  }
0x1c7: {  	s30 =	simm.s32 $0xB900  }
0x1c8: {  	[tilespmem:s30], [sflag:$0x1] =	stream.linear.gather [spmem:s7], $0x80, $0x38;
	[tilespmem:$0xEE80] =	vst v63  }
0x1c9: {  	s30 =	simm.s32 $0xBD00  }
0x1ca: {  	[tilespmem:s30], [sflag:$0x1] =	stream.linear.gather [spmem:s8], $0x80, $0x38;
	[tilespmem:$0xEE80] =	vst v63  }
0x1cb: {  	s30 =	simm.s32 $0xC100  }
0x1cc: {  	[tilespmem:s30], [sflag:$0x1] =	stream.linear.gather [spmem:s9], $0x80, $0x38;
	[tilespmem:$0xEE80] =	vst v63  }
0x1cd: {  	s30 =	simm.s32 $0xC500  }
0x1ce: {  	[tilespmem:s30], [sflag:$0x1] =	stream.linear.gather [spmem:s10], $0x80, $0x38;
	[tilespmem:$0xEE80] =	vst v63  }
0x1cf: {  	s30 =	sld [smem:$0x7CD];
	_ =	sdelay $0x1  }
0x1d0: {  	s28 =	simm.s32 $0xB580  }
0x1d1: {  	[tilespmem:s28], [sflag:$0x1] =	stream.linear.gather [spmem:s30], $0x80, $0x38;
	[tilespmem:$0xEE80] =	vst v63  }
0x1d2: {  	s30 =	simm.s32 $0xB980  }
0x1d3: {  	[tilespmem:s30], [sflag:$0x1] =	stream.linear.gather [spmem:s11], $0x80, $0x38;
	[tilespmem:$0xEE80] =	vst v63  }
0x1d4: {  	s30 =	simm.s32 $0xBD80  }
0x1d5: {  	[tilespmem:s30], [sflag:$0x1] =	stream.linear.gather [spmem:s12], $0x80, $0x38;
	[tilespmem:$0xEE80] =	vst v63  }
0x1d6: {  	s30 =	simm.s32 $0xC180  }
0x1d7: {  	[tilespmem:s30], [sflag:$0x1] =	stream.linear.gather [spmem:s13], $0x80, $0x38;
	[tilespmem:$0xEE80] =	vst v63  }
0x1d8: {  	s30 =	simm.s32 $0xC580  }
0x1d9: {  	[tilespmem:s30], [sflag:$0x1] =	stream.linear.gather [spmem:s14], $0x80, $0x38;
	[tilespmem:$0xEE80] =	vst v63  }
0x1da: {  	s30 =	sld [smem:$0x7CE];
	_ =	sdelay $0x1  }
0x1db: {  	s28 =	simm.s32 $0xB600  }
0x1dc: {  	[tilespmem:s28], [sflag:$0x1] =	stream.linear.gather [spmem:s30], $0x80, $0x38;
	[tilespmem:$0xEE80] =	vst v63  }
0x1dd: {  	s30 =	simm.s32 $0xBA00  }
0x1de: {  	[tilespmem:s30], [sflag:$0x1] =	stream.linear.gather [spmem:s15], $0x80, $0x38;
	[tilespmem:$0xEE80] =	vst v63  }
0x1df: {  	s30 =	simm.s32 $0xBE00  }
0x1e0: {  	[tilespmem:s30], [sflag:$0x1] =	stream.linear.gather [spmem:s16], $0x80, $0x38;
	[tilespmem:$0xEE80] =	vst v63  }
0x1e1: {  	s30 =	simm.s32 $0xC200  }
0x1e2: {  	[tilespmem:s30], [sflag:$0x1] =	stream.linear.gather [spmem:s17], $0x80, $0x38;
	[tilespmem:$0xEE80] =	vst v63  }
0x1e3: {  	s30 =	simm.s32 $0xC600  }
0x1e4: {  	[tilespmem:s30], [sflag:$0x1] =	stream.linear.gather [spmem:s18], $0x80, $0x38;
	[tilespmem:$0xEE80] =	vst v63  }
0x1e5: {  	_ =	swait.ge [sflag:s20], $0x280  }
0x1e6: {  	[sflag:s20] =	ssyncset.done $0x0  }
0x1e7: {  	[sflag:s20] =	ssyncadd.s32 $0xFFFFFD80  }
0x1e8: {  	_ =	swait.ge [sflag:s20], $0x280  }
0x1e9: {  	[sflag:s20] =	ssyncset.done $0x0  }
0x1ea: {  	[sflag:s20] =	ssyncadd.s32 $0xFFFFFD80  }
0x1eb: {  	_ =	swait.ge [sflag:s20], $0x280  }
0x1ec: {  	[sflag:s20] =	ssyncset.done $0x0  }
0x1ed: {  	[sflag:s20] =	ssyncadd.s32 $0xFFFFFD80  }
0x1ee: {  	_ =	swait.ge [sflag:s20], $0x280  }
0x1ef: {  	[sflag:s20] =	ssyncset.done $0x0  }
0x1f0: {  	[sflag:s20] =	ssyncadd.s32 $0xFFFFFD80  }
0x1f1: {  	_ =	swait.ge [sflag:s20], $0x280  }
0x1f2: {  	[sflag:s20] =	ssyncset.done $0x0  }
0x1f3: {  	[sflag:s20] =	ssyncadd.s32 $0xFFFFFD80  }
0x1f4: {  	_ =	swait.ge [sflag:s20], $0x280  }
0x1f5: {  	[sflag:s20] =	ssyncset.done $0x0  }
0x1f6: {  	[sflag:s20] =	ssyncadd.s32 $0xFFFFFD80  }
0x1f7: {  	_ =	swait.ge [sflag:s20], $0x280  }
0x1f8: {  	[sflag:s20] =	ssyncset.done $0x0  }
0x1f9: {  	[sflag:s20] =	ssyncadd.s32 $0xFFFFFD80  }
0x1fa: {  	_ =	swait.ge [sflag:s20], $0x280  }
0x1fb: {  	[sflag:s20] =	ssyncset.done $0x0  }
0x1fc: {  	[sflag:s20] =	ssyncadd.s32 $0xFFFFFD80  }
0x1fd: {  	_ =	swait.ge [sflag:s20], $0x280  }
0x1fe: {  	[sflag:s20] =	ssyncset.done $0x0  }
0x1ff: {  	[sflag:s20] =	ssyncadd.s32 $0xFFFFFD80  }
0x200: {  	_ =	swait.ge [sflag:s20], $0x280  }
0x201: {  	[sflag:s20] =	ssyncset.done $0x0  }
0x202: {  	[sflag:s20] =	ssyncadd.s32 $0xFFFFFD80  }
0x203: {  	_ =	swait.ge [sflag:s20], $0x280  }
0x204: {  	[sflag:s20] =	ssyncset.done $0x0  }
0x205: {  	[sflag:s20] =	ssyncadd.s32 $0xFFFFFD80  }
0x206: {  	_ =	swait.ge [sflag:s20], $0x280  }
0x207: {  	[sflag:s20] =	ssyncset.done $0x0  }
0x208: {  	[sflag:s20] =	ssyncadd.s32 $0xFFFFFD80  }
0x209: {  	_ =	swait.ge [sflag:s20], $0x280  }
0x20a: {  	[sflag:s20] =	ssyncset.done $0x0  }
0x20b: {  	[sflag:s20] =	ssyncadd.s32 $0xFFFFFD80  }
0x20c: {  	_ =	swait.ge [sflag:s20], $0x280  }
0x20d: {  	[sflag:s20] =	ssyncset.done $0x0  }
0x20e: {  	[sflag:s20] =	ssyncadd.s32 $0xFFFFFD80  }
0x20f: {  	_ =	swait.ge [sflag:s20], $0x280  }
0x210: {  	[sflag:s20] =	ssyncset.done $0x0  }
0x211: {  	[sflag:s20] =	ssyncadd.s32 $0xFFFFFD80  }
0x212: {  	_ =	swait.ge [sflag:s20], $0x280  }
0x213: {  	s28 =	sand.u32 $0x1C00, s25;
	s30 =	sand.u32 $0x70, s25;
	[sflag:s20] =	ssyncset.done $0x0  }
0x214: {  	s26 =	sor.u32 s30, s28;
	[sflag:s20] =	ssyncadd.s32 $0xFFFFFD80  }
0x215: {  	v2 =	vld [tilespmem:s26+$0x9F00]  }
0x216: {  	v3 =	vld [tilespmem:s26+$0x9E80];
	_ =	sdelay $0x1  }
0x217: {  	v54 =	vld [tilespmem:s26+$0x9F80];
	_ =	sdelay $0x1  }
0x218: {  	v55 =	vld [tilespmem:s26+$0xA000]  }
0x219: {  	vm1 =	vlt.s32 v3, v2  }
0x21a: {  	v2 =	vsel vm1, v3, v2;
	v3 =	vld [tilespmem:s26+$0xA080]  }
0x21b: {  	vm1 =	vlt.s32 v2, v54  }
0x21c: {  	v56 =	vld [tilespmem:s26+$0xA100];
	v2 =	vsel vm1, v2, v54  }
0x21d: {  	vm1 =	vlt.s32 v2, v55  }
0x21e: {  	v57 =	vld [tilespmem:s26+$0xA180];
	v2 =	vsel vm1, v2, v55  }
0x21f: {  	vm1 =	vlt.s32 v2, v3  }
0x220: {  	v2 =	vsel vm1, v2, v3;
	v3 =	vld [tilespmem:s26+$0xA200]  }
0x221: {  	vm1 =	vlt.s32 v2, v56  }
0x222: {  	v58 =	vld [tilespmem:s26+$0xB280];
	v2 =	vsel vm1, v2, v56  }
0x223: {  	vm1 =	vlt.s32 v2, v57  }
0x224: {  	v59 =	vld [tilespmem:s26+$0xB300];
	v2 =	vsel vm1, v2, v57  }
0x225: {  	vm1 =	vlt.s32 v2, v3  }
0x226: {  	v2 =	vsel vm1, v2, v3;
	v3 =	vld [tilespmem:s26+$0xB380]  }
0x227: {  	vm1 =	vlt.s32 v2, v58  }
0x228: {  	v60 =	vld [tilespmem:s26+$0xB400];
	v2 =	vsel vm1, v2, v58  }
0x229: {  	vm1 =	vlt.s32 v2, v59  }
0x22a: {  	v61 =	vld [tilespmem:s26+$0xB480];
	v2 =	vsel vm1, v2, v59  }
0x22b: {  	vm1 =	vlt.s32 v2, v3  }
0x22c: {  	v2 =	vsel vm1, v2, v3;
	v3 =	vld [tilespmem:s26+$0xB500]  }
0x22d: {  	vm1 =	vlt.s32 v2, v60  }
0x22e: {  	v62 =	vld [tilespmem:s26+$0xB580];
	v2 =	vsel vm1, v2, v60  }
0x22f: {  	vm1 =	vlt.s32 v2, v61  }
0x230: {  	v63 =	vld [tilespmem:s26+$0xB600];
	v2 =	vsel vm1, v2, v61  }
0x231: {  	vm1 =	vlt.s32 v2, v3  }
0x232: {  	v2 =	vsel vm1, v2, v3  }
0x233: {  	vm1 =	vlt.s32 v2, v62  }
0x234: {  	v2 =	vsel vm1, v2, v62  }
0x235: {  	s30 =	simm.s32 $0x10;
	s28 =	simm.s32 $0x80;
	vm1 =	vlt.s32 v2, v63  }
0x236: {  	s29 =	sand.u32 $0x1C00, s28;
	s26 =	sand.u32 $0x70, s30;
	v2 =	vsel vm1, v2, v63  }
0x237: {  	s26 =	sor.u32 s26, s29;
	s29 =	simm.s32 $0x20;
	[tilespmem:s25+$0x0] =	vst v2  }
.LBB2_8:
0x238: {  	p0 =	sne.s32 s29, $0x270;
	v2 =	vld [tilespmem:s26+$0x9F00]  }
0x239: {  	v3 =	vld [tilespmem:s26+$0x9E80];
	_ =	sdelay $0x1  }
0x23a: {  	v4 =	vld [tilespmem:s26+$0x9F80];
	_ =	sdelay $0x1  }
0x23b: {  	v5 =	vld [tilespmem:s26+$0xA000]  }
0x23c: {  	vm1 =	vlt.s32 v3, v2  }
0x23d: {  	v2 =	vsel vm1, v3, v2;
	v3 =	vld [tilespmem:s26+$0xA080]  }
0x23e: {  	vm1 =	vlt.s32 v2, v4  }
0x23f: {  	v2 =	vsel vm1, v2, v4;
	v4 =	vld [tilespmem:s26+$0xA100]  }
0x240: {  	vm1 =	vlt.s32 v2, v5  }
0x241: {  	v2 =	vsel vm1, v2, v5;
	v5 =	vld [tilespmem:s26+$0xA180]  }
0x242: {  	vm1 =	vlt.s32 v2, v3  }
0x243: {  	v2 =	vsel vm1, v2, v3;
	v3 =	vld [tilespmem:s26+$0xA200]  }
0x244: {  	vm1 =	vlt.s32 v2, v4  }
0x245: {  	v2 =	vsel vm1, v2, v4;
	v4 =	vld [tilespmem:s26+$0xB280]  }
0x246: {  	vm1 =	vlt.s32 v2, v5  }
0x247: {  	v2 =	vsel vm1, v2, v5;
	v5 =	vld [tilespmem:s26+$0xB300]  }
0x248: {  	vm1 =	vlt.s32 v2, v3  }
0x249: {  	v2 =	vsel vm1, v2, v3;
	v3 =	vld [tilespmem:s26+$0xB380]  }
0x24a: {  	vm1 =	vlt.s32 v2, v4  }
0x24b: {  	v2 =	vsel vm1, v2, v4;
	v4 =	vld [tilespmem:s26+$0xB400]  }
0x24c: {  	vm1 =	vlt.s32 v2, v5  }
0x24d: {  	v2 =	vsel vm1, v2, v5;
	v5 =	vld [tilespmem:s26+$0xB480]  }
0x24e: {  	vm1 =	vlt.s32 v2, v3  }
0x24f: {  	v2 =	vsel vm1, v2, v3;
	v3 =	vld [tilespmem:s26+$0xB500]  }
0x250: {  	vm1 =	vlt.s32 v2, v4  }
0x251: {  	v2 =	vsel vm1, v2, v4;
	v4 =	vld [tilespmem:s26+$0xB580]  }
0x252: {  	vm1 =	vlt.s32 v2, v5  }
0x253: {  	v2 =	vsel vm1, v2, v5;
	v5 =	vld [tilespmem:s26+$0xB600]  }
0x254: {  	vm1 =	vlt.s32 v2, v3  }
0x255: {  	v2 =	vsel vm1, v2, v3  }
.Ltmp3:
0x256: {  	vm1 =	vlt.s32 v2, v4;
	(pc) =	sbr.rel @p0 .LBB2_8-.Ltmp3, $4  }
0x257: {  	v2 =	vsel vm1, v2, v4  }
0x258: {  	s28 =	sadd.s32 $0x80, s28;
	vm1 =	vlt.s32 v2, v5  }
0x259: {  	s25 =	sadd.s32 $0x10, s25;
	s30 =	sand.u32 $0x1C00, s28;
	s26 =	sand.u32 $0x70, s29;
	v2 =	vsel vm1, v2, v5  }
0x25a: {  	s29 =	sadd.s32 $0x10, s29;
	s26 =	sor.u32 s26, s30;
	[tilespmem:s25+$0x0] =	vst v2  }
0x25b: {  	v2 =	vld [tilespmem:s26+$0x9F00]  }
0x25c: {  	v3 =	vld [tilespmem:s26+$0x9E80];
	_ =	sdelay $0x1  }
0x25d: {  	v4 =	vld [tilespmem:s26+$0x9F80];
	_ =	sdelay $0x1  }
0x25e: {  	v5 =	vld [tilespmem:s26+$0xA000]  }
0x25f: {  	vm1 =	vlt.s32 v3, v2  }
0x260: {  	v2 =	vsel vm1, v3, v2;
	v3 =	vld [tilespmem:s26+$0xA080]  }
0x261: {  	vm1 =	vlt.s32 v2, v4  }
0x262: {  	v56 =	vld [tilespmem:s26+$0xA100];
	v2 =	vsel vm1, v2, v4  }
0x263: {  	vm1 =	vlt.s32 v2, v5  }
0x264: {  	v57 =	vld [tilespmem:s26+$0xA180];
	v2 =	vsel vm1, v2, v5  }
0x265: {  	vm1 =	vlt.s32 v2, v3  }
0x266: {  	v2 =	vsel vm1, v2, v3;
	v3 =	vld [tilespmem:s26+$0xA200]  }
0x267: {  	vm1 =	vlt.s32 v2, v56  }
0x268: {  	v58 =	vld [tilespmem:s26+$0xB280];
	v2 =	vsel vm1, v2, v56  }
0x269: {  	vm1 =	vlt.s32 v2, v57  }
0x26a: {  	v59 =	vld [tilespmem:s26+$0xB300];
	v2 =	vsel vm1, v2, v57  }
0x26b: {  	vm1 =	vlt.s32 v2, v3  }
0x26c: {  	v2 =	vsel vm1, v2, v3;
	v3 =	vld [tilespmem:s26+$0xB380]  }
0x26d: {  	vm1 =	vlt.s32 v2, v58  }
0x26e: {  	v60 =	vld [tilespmem:s26+$0xB400];
	v2 =	vsel vm1, v2, v58  }
0x26f: {  	vm1 =	vlt.s32 v2, v59  }
0x270: {  	v61 =	vld [tilespmem:s26+$0xB480];
	v2 =	vsel vm1, v2, v59  }
0x271: {  	vm1 =	vlt.s32 v2, v3  }
0x272: {  	v2 =	vsel vm1, v2, v3;
	v3 =	vld [tilespmem:s26+$0xB500]  }
0x273: {  	vm1 =	vlt.s32 v2, v60  }
0x274: {  	v62 =	vld [tilespmem:s26+$0xB580];
	v2 =	vsel vm1, v2, v60  }
0x275: {  	vm1 =	vlt.s32 v2, v61  }
0x276: {  	v63 =	vld [tilespmem:s26+$0xB600];
	v2 =	vsel vm1, v2, v61  }
0x277: {  	vm1 =	vlt.s32 v2, v3  }
0x278: {  	v2 =	vsel vm1, v2, v3  }
0x279: {  	vm1 =	vlt.s32 v2, v62  }
0x27a: {  	v2 =	vsel vm1, v2, v62  }
0x27b: {  	vm1 =	vlt.s32 v2, v63  }
0x27c: {  	s25 =	sadd.s32 $0x10, s25;
	v2 =	vsel vm1, v2, v63  }
0x27d: {  	s29 =	rddreg [dreg:$0x17];
	[tilespmem:s25+$0x0] =	vst v2  }
0x27e: {  	[hbm4b:s29+s2] =	stream.linear.scatter [tilespmem:s2], [sflag:$0x2], $0x280, $0x38;
	[tilespmem:$0xEE80] =	vst v63  }
0x27f: {  	_ =	swait.ge [sflag:s23], $0x280  }
0x280: {  	s24 =	sadd.s32 $0x1, s24;
	s30 =	rddreg [dreg:$0x18]  }
0x281: {  	p0 =	sne.s32 s24, s30  }
.Ltmp4:
0x282: {  	_ = 	snop;
	(pc) =	sbr.rel @p0 .LBB2_1-.Ltmp4, $3  }
0x283: {  	_ =	sdelay $0x1  }
0x284: {  	[sflag:s23] =	ssyncset.done $0x0  }
0x285: {  	[sflag:s23] =	ssyncadd.s32 $0xFFFFFD80  }
0x286: {  	_ =	sfence.sel $0x180000  }
0x287: {  	[bflag:$0x0] =	sbarrier.arrive $0xFFFF  }
0x288: {  	_ =	strace $0x90000047  }
0x289: {  	s0 =	stileid.u32;
	[bflag:$0x2] =	sbarrier.arrive $0xFFFF  }
0x28a: {  	p0 =	sne.s32 s0, $0x0;
	s0 =	rddreg [dreg:$0x3]  }
0x28b: {  	s0 =	sadd.s32 @!p0 $0x100000, s0  }
0x28c: {  	[sflag:s0] =	ssyncadd.tile.s32 @!p0 $0x1;
	_ =	shalt  }
.Lfunc_end2:
_tile_overlayer_lowered:
.L_overlay_start_2:
0x28d: {  	(tag) =	ssettag $0x2  }
0x28e: {  	s0 =	rddreg [dreg:$0x0];
	s2 =	stileid.u32  }
0x28f: {  	s1 =	rddreg [dreg:$0x1];
	p0 =	sne.s32 s2, $0x0  }
0x290: {  	s3 =	rddreg [dreg:$0x2];
	[bflag:$0x3] =	sbarrier.arrive $0xFFFF;
	s2 =	simm.s32 @!p0 $0x1C02  }
0x291: {  	[timem:s3], [sflag:s2] =	dma.local @!p0 [hbm:s0], s1  }
0x292: {  	s0 =	simm.s32 @!p0 $0x2  }
0x293: {  	_ =	swait.ge @!p0 [sflag:s0], s1  }
0x294: {  	s1 =	ssub.s32 @!p0 $0x0, s1;
	[sflag:s0] =	ssyncset.done @!p0 $0x0  }
0x295: {  	[sflag:s0] =	ssyncadd.s32 @!p0 s1  }
0x296: {  	[bflag:$0x3] =	sbarrier.arrive $0xFFFF  }
0x297: {  	_ =	shalt  }

// kernel: kernel.9.cloned.1.call-start
scs
__scs_entry_jumppad:
0x0: {  	(pc) =	sbr.rel $0x88, $3  }
0x1: {  	(tag) =	ssettag $0x0;
	lr =	simm.s32 $0x1  }
0x2: {  	[smem:$0x3F9E] =	sst lr;
	_ =	strace $0xD0000000  }
0x3: {  	_ = 	snop  }
0x4: {  	_ = 	snop  }
0x5: {  	_ = 	snop  }
0x6: {  	_ = 	snop  }
0x7: {  	_ = 	snop  }
__scs_overlays_trampoline_lowered:
0x8: {  	[smem:$0x3FAD] =	sst s0  }
0x9: {  	[smem:$0x3FAE] =	sst s1  }
0xa: {  	[smem:$0x3FAF] =	sst s2  }
0xb: {  	[smem:$0x3FB0] =	sst s3  }
0xc: {  	[smem:$0x3FB1] =	sst s4  }
0xd: {  	[smem:$0x3FB2] =	sst s5  }
0xe: {  	[smem:$0x3FB3] =	sst s6  }
0xf: {  	[smem:$0x3FB4] =	sst s7  }
0x10: {  	[smem:$0x3FB5] =	sst s8  }
0x11: {  	[smem:$0x3FB6] =	sst s9;
	s0 =	simm.s32 @!p0 $0x0  }
0x12: {  	s1 =	sld [smem:$0x3F9C];
	s0 =	simm.s32 @p0 $0x1  }
0x13: {  	[smem:$0x3FB7] =	sst s0;
	s0 =	simm.s32 @!p1 $0x0  }
0x14: {  	s2 =	sld [smem:$0x3F9B];
	s0 =	simm.s32 @p1 $0x1  }
0x15: {  	[smem:$0x3FB8] =	sst s0;
	s0 =	simm.s32 @!p2 $0x0  }
0x16: {  	s3 =	sld [smem:$0x3FDB];
	s0 =	simm.s32 @p2 $0x1  }
0x17: {  	s4 =	simm.s32 $0x1BF5;
	[smem:$0x3FBA] =	sst s0  }
0x18: {  	s0 =	sld [smem:$0x3F9D];
	_ =	swait.ge [sflag:s4], $0x0  }
0x19: {  	s7 =	sld [smem:$0x3F9E]  }
0x1a: {  	s8 =	sadd.s32 $0xFFFFE003, lr  }
0x1b: {  	s9 =	sadd.s32 $0xFFFFFEF7, lr;
	s5 =	simm.s32 $0xFFFFFFFF;
	p2 =	slt.u32 s8, $0xFFFFF086  }
0x1c: {  	p1 =	slt.u32 s9, $0xF7A;
	s5 =	simm.s32 @!p2 $0x0  }
0x1d: {  	s5 =	simm.s32 @p1 $0x1;
	p0 =	seq.s32 s7, s2  }
0x1e: {  	s7 =	smul.u32 @!p0 $0xF7A, s2;
	p2 =	seq.s32 @!p0 s5, $0x0  }
0x1f: {  	s9 =	smul.u32 $0xF7A, s1;
	s8 =	simm.s32 @!p0 $0x1BF5;
	p2 =	por !p2, p0  }
0x20: {  	[sflag:s8] =	ssyncset.s32 @!p0 $0xFFFFF086;
	s6 =	sadd.s32 @!p0 s3, s7;
	s7 =	simm.s32 @!p0 $0x108  }
0x21: {  	s3 =	sadd.s32 s3, s9;
	s6 =	sadd.s32 @!p0 $0x88, s6;
	s7 =	simm.s32 @p2 $0x1082  }
0x22: {  	[simem:s7], [sflag:s8] =	dma.local @!p0 [hbm:s6], $0xF7A  }
0x23: {  	s9 =	sor.u32 $0xD0000000, s2;
	s6 =	simm.s32 $0x108;
	_ =	swait.ge @!p0 [sflag:s8], $0x0  }
0x24: {  	s3 =	sadd.s32 $0x88, s3;
	s6 =	simm.s32 @!p1 $0x1082;
	[sflag:s4] =	ssyncset.s32 $0xFFFFF086  }
0x25: {  	[simem:s6], [sflag:s4] =	dma.local [hbm:s3], $0xF7A  }
0x26: {  	[smem:$0x3F9E] =	sst s1;
	(tag) =	ssettag s2;
	_ =	strace s9  }
0x27: {  	s1 =	sld [smem:$0x3FAE]  }
0x28: {  	s2 =	sld [smem:$0x3FAF]  }
0x29: {  	s4 =	sld [smem:$0x3FB1]  }
0x2a: {  	p0 =	seq.s32 s5, $0x0;
	s5 =	sld [smem:$0x3FB2]  }
0x2b: {  	s6 =	sld [smem:$0x3FB3]  }
0x2c: {  	s7 =	sld [smem:$0x3FB4]  }
0x2d: {  	s3 =	simm.s32 $0x108;
	s8 =	sld [smem:$0x3FB5]  }
0x2e: {  	s3 =	simm.s32 @!p0 $0x1082;
	s9 =	sld [smem:$0x3FB6]  }
0x2f: {  	lr =	sadd.s32 s0, s3;
	s0 =	sld [smem:$0x3FAD]  }
0x30: {  	s3 =	sld [smem:$0x3FB0]  }
0x31: {  	[smem:$0x3FB9] =	sst s10  }
0x32: {  	s10 =	sld [smem:$0x3FB7];
	_ =	sdelay $0x3  }
0x33: {  	p0 =	seq.s32 s10, $0x1;
	s10 =	sld [smem:$0x3FB9];
	_ =	sdelay $0x3  }
0x34: {  	[smem:$0x3FB9] =	sst s10  }
0x35: {  	s10 =	sld [smem:$0x3FB8];
	_ =	sdelay $0x3  }
0x36: {  	p1 =	seq.s32 s10, $0x1;
	s10 =	sld [smem:$0x3FB9];
	_ =	sdelay $0x3  }
0x37: {  	[smem:$0x3FB9] =	sst s10  }
0x38: {  	s10 =	sld [smem:$0x3FBA]  }
0x39: {  	_ = 	snop;
	(pc) =	sbr.ind lr, $3  }
0x3a: {  	_ = 	snop  }
0x3b: {  	_ = 	snop  }
0x3c: {  	p2 =	seq.s32 s10, $0x1;
	s10 =	sld [smem:$0x3FB9]  }
0x3d: {  	_ =	shalt  }
0x3e: {  	_ =	shalt  }
0x3f: {  	_ =	shalt  }
0x40: {  	_ =	shalt  }
0x41: {  	_ =	shalt  }
0x42: {  	_ =	shalt  }
0x43: {  	_ =	shalt  }
0x44: {  	_ =	shalt  }
0x45: {  	_ =	shalt  }
0x46: {  	_ =	shalt  }
0x47: {  	_ =	shalt  }
0x48: {  	_ =	shalt  }
0x49: {  	_ =	shalt  }
0x4a: {  	_ =	shalt  }
0x4b: {  	_ =	shalt  }
0x4c: {  	_ =	shalt  }
0x4d: {  	_ =	shalt  }
0x4e: {  	_ =	shalt  }
0x4f: {  	_ =	shalt  }
0x50: {  	_ =	shalt  }
0x51: {  	_ =	shalt  }
0x52: {  	_ =	shalt  }
0x53: {  	_ =	shalt  }
0x54: {  	_ =	shalt  }
0x55: {  	_ =	shalt  }
0x56: {  	_ =	shalt  }
0x57: {  	_ =	shalt  }
0x58: {  	_ =	shalt  }
0x59: {  	_ =	shalt  }
0x5a: {  	_ =	shalt  }
0x5b: {  	_ =	shalt  }
0x5c: {  	_ =	shalt  }
0x5d: {  	_ =	shalt  }
0x5e: {  	_ =	shalt  }
0x5f: {  	_ =	shalt  }
0x60: {  	_ =	shalt  }
0x61: {  	_ =	shalt  }
0x62: {  	_ =	shalt  }
0x63: {  	_ =	shalt  }
0x64: {  	_ =	shalt  }
0x65: {  	_ =	shalt  }
0x66: {  	_ =	shalt  }
0x67: {  	_ =	shalt  }
0x68: {  	_ =	shalt  }
0x69: {  	_ =	shalt  }
0x6a: {  	_ =	shalt  }
0x6b: {  	_ =	shalt  }
0x6c: {  	_ =	shalt  }
0x6d: {  	_ =	shalt  }
0x6e: {  	_ =	shalt  }
0x6f: {  	_ =	shalt  }
0x70: {  	_ =	shalt  }
0x71: {  	_ =	shalt  }
0x72: {  	_ =	shalt  }
0x73: {  	_ =	shalt  }
0x74: {  	_ =	shalt  }
0x75: {  	_ =	shalt  }
0x76: {  	_ =	shalt  }
0x77: {  	_ =	shalt  }
0x78: {  	_ =	shalt  }
0x79: {  	_ =	shalt  }
0x7a: {  	_ =	shalt  }
0x7b: {  	_ =	shalt  }
0x7c: {  	_ =	shalt  }
0x7d: {  	_ =	shalt  }
0x7e: {  	_ =	shalt  }
0x7f: {  	_ =	shalt  }
0x80: {  	_ =	shalt  }
0x81: {  	_ =	shalt  }
0x82: {  	_ =	shalt  }
0x83: {  	_ =	shalt  }
0x84: {  	_ =	shalt  }
0x85: {  	_ =	shalt  }
0x86: {  	_ =	shalt  }
0x87: {  	_ =	shalt  }
.Lfunc_end0:
.L_simem_size_0:
called_computation.1_lowered:
.L_overlay_start_0:
0x88: {  	s2 =	sld [smem:$0x3FD9]  }
0x89: {  	s3 =	sld [smem:$0x3FFE];
	_ =	sdelay $0x1  }
0x8a: {  	s1 =	srdreg.scid  }
0x8b: {  	s0 =	sand.u32 $0x1, s1  }
0x8c: {  	s14 =	sshll.u32 s0, $0xA;
	s2 =	sadd.s32 s3, s2  }
0x8d: {  	s2 =	sadd.s32 s2, s14  }
0x8e: {  	[smem:$0x3FC5] =	sst s2  }
0x8f: {  	_ = 	snop  }
0x90: {  	s2 =	sld [smem:$0x3FD0];
	_ =	sdelay $0x2  }
0x91: {  	s15 =	simm.s32 $0xA;
	s4 =	simm.s32 $0x10  }
0x92: {  	[smem:s4], [sflag:s15] =	dma.local [hbm:s2], $0x1  }
0x93: {  	_ =	swait.eq [sflag:s15], $0x1  }
0x94: {  	[sflag:s15] =	ssyncset.done $0x0  }
0x95: {  	[sflag:s15] =	ssyncadd.s32 $0xFFFFFFFF  }
0x96: {  	s16 =	sld [smem:$0x10];
	(tm) =	ssettm $0x1  }
0x97: {  	s17 =	sld [smem:$0x3FFB];
	_ =	sdelay $0x3  }
0x98: {  	_ =	strace s17  }
0x99: {  	s3 =	sld [smem:$0x3FFC];
	_ =	sdelay $0x3  }
0x9a: {  	_ =	strace s3  }
0x9b: {  	s3 =	sld [smem:$0x3FFD];
	_ =	sdelay $0x3  }
0x9c: {  	_ =	strace s3  }
0x9d: {  	_ =	strace $0x8FFFFFFF  }
0x9e: {  	s18 =	sld [smem:$0x3FDB];
	_ =	sdelay $0x1  }
0x9f: {  	s19 =	simm.s32 $_scs_section_size  }
0xa0: {  	s5 =	simm.s32 $_size__tile_overlayer_lowered;
	s6 =	simm.s32 $_tile_overlayer_lowered  }
0xa1: {  	s22 =	simm.s32 $0x1BFF;
	s21 =	sshll.u32 s6, $0x1;
	s3 =	sadd.s32 s19, s18  }
0xa2: {  	s7 =	simm.s32 $0x0;
	s20 =	sshll.u32 s5, $0x1;
	s5 =	sadd.s32 s21, s3  }
0xa3: {  	[timem:s7], [sflag:s22] =	dma.local [hbm:s5], s20  }
0xa4: {  	_ =	swait.ge [sflag:s22], s20  }
0xa5: {  	s4 =	ssub.s32 $0x0, s20;
	[sflag:s22] =	ssyncset.done $0x0  }
0xa6: {  	[sflag:s22] =	ssyncadd.s32 s4;
	_ =	sdelay $0x1  }
0xa7: {  	s23 =	simm.s32 $0x1B8B  }
0xa8: {  	_ =	swait.ge [sflag:s23], $0x1  }
0xa9: {  	[sflag:s23] =	ssyncset.done $0x0  }
0xaa: {  	s25 =	simm.s32 $0x1B8E;
	s24 =	sld [smem:$0x3FFE];
	[sflag:s23] =	ssyncadd.s32 $0xFFFFFFFF  }
0xab: {  	s26 =	simm.s32 $execute0_lowered;
	[smem:$0x3FD2] =	sst s25  }
0xac: {  	s5 =	sshll.u32 s26, $0x1;
	_ =	strace $0x80000049;
	[dreg:$0x1] =	wrdreg $0xFFFFFFFF  }
0xad: {  	s28 =	simm.s32 $_size_execute0_lowered;
	s3 =	sadd.s32 s3, s5;
	[dreg:$0x0] =	wrdreg $0x0  }
0xae: {  	s5 =	sshll.u32 s28, $0x1;
	[dreg:$0x2] =	wrdreg s3  }
0xaf: {  	[dreg:$0x3] =	wrdreg s5  }
0xb0: {  	[dreg:$0x4] =	wrdreg $0xC0  }
0xb1: {  	_ =	task [dreg:s7], $0x5FFFF  }
0xb2: {  	[dreg:$0x1] =	wrdreg $0xFFFFFFFF  }
0xb3: {  	[dreg:$0x0] =	wrdreg $0x60  }
0xb4: {  	[dreg:$0x2] =	wrdreg s24  }
0xb5: {  	[dreg:$0x3] =	wrdreg s16  }
0xb6: {  	[dreg:$0x4] =	wrdreg $0x39800  }
0xb7: {  	[dreg:$0x5] =	wrdreg $0x9  }
0xb8: {  	_ =	task.clear_ibuf [dreg:s7], $0x6FFFF;
	_ =	strace $0x90000049  }
0xb9: {  	s29 =	simm.s32 $0x9;
	_ =	strace $0x8000004B  }
0xba: {  	_ =	swait.ge [sflag:s29], $0x1  }
0xbb: {  	[sflag:s29] =	ssyncadd.s32 $0xFFFFFFFF  }
0xbc: {  	_ =	strace $0x9000004B  }
0xbd: {  	_ =	sfence  }
0xbe: {  	s30 =	sld [smem:$0x0];
	_ =	sdelay $0x2  }
0xbf: {  	s31 =	sshll.u32 s1, $0xD;
	s1 =	sshrl.u32 s1, $0x2  }
0xc0: {  	s3 =	sand.u32 $0x4000, s31;
	s1 =	sadd.s32 s1, s30  }
0xc1: {  	s0 =	sor.u32 s3, s0;
	s1 =	sshll.u32 s1, $0x11  }
0xc2: {  	s0 =	sor.u32 s1, s0  }
0xc3: {  	s0 =	sadd.s32 $0x8F2B, s0  }
0xc4: {  	[sflag:s0] =	ssyncadd.remote.s32 $0x1  }
0xc5: {  	_ =	sfence.sel $0xFFFF  }
0xc6: {  	[dreg:$0x0] =	wrdreg $0xFFFFFFFF;
	(pc) =	sbr.abs _section_cstart, $3  }
0xc7: {  	[dreg:$0x1] =	wrdreg $0xFFFFFFFF  }
0xc8: {  	_ =	task.clear_ibuf [dreg:s7], $0x2FFFF;
	_ =	strace $0x9FFFFFFF  }
0xc9: {  	(tm) =	ssettm $0x7FFFFFFF  }
tec
execute0_lowered:
.L_overlay_start_1:
0x0: {  	(tag) =	ssettag $0x1  }
0x1: {  	s0 =	rddreg [dreg:$0x0]  }
0x2: {  	s3 =	rddreg [dreg:$0x1]  }
0x3: {  	s1 =	rddreg [dreg:$0x2];
	s2 =	simm.s32 $0x0  }
0x4: {  	[smem:$0x7FF] =	sst s2;
	s11 =	sadd.s32 $0x180, s1  }
0x5: {  	s12 =	sadd.s32 $0x200, s1;
	_ =	strace $0x8000004A;
	[dreg:$0xd] =	wrdreg s11  }
0x6: {  	s13 =	sadd.s32 $0x280, s1;
	[dreg:$0xe] =	wrdreg s12  }
0x7: {  	s14 =	sadd.s32 $0x300, s1;
	[dreg:$0xf] =	wrdreg s13  }
0x8: {  	s15 =	sadd.s32 $0x380, s1;
	[dreg:$0x10] =	wrdreg s14  }
0x9: {  	s16 =	sadd.s32 $0x1400, s1;
	[dreg:$0x11] =	wrdreg s15  }
0xa: {  	s17 =	sadd.s32 $0x1480, s1;
	[dreg:$0x12] =	wrdreg s16  }
0xb: {  	s18 =	sadd.s32 $0x1500, s1;
	[dreg:$0x13] =	wrdreg s17  }
0xc: {  	s19 =	sadd.s32 $0x1580, s1;
	[dreg:$0x14] =	wrdreg s18  }
0xd: {  	s4 =	srdreg.scid;
	[dreg:$0x15] =	wrdreg s19;
	s12 =	sadd.s32 $0x500, s1  }
0xe: {  	s9 =	stileid.u32;
	s13 =	sadd.s32 $0x900, s1;
	[smem:$0x7D9] =	sst s12  }
0xf: {  	s4 =	sand.u32 $0x1, s4;
	s14 =	sadd.s32 $0xD00, s1;
	[smem:$0x7DA] =	sst s13  }
0x10: {  	s7 =	smul.u32 $0x280, s9;
	s15 =	sadd.s32 $0x1100, s1;
	[smem:$0x7DB] =	sst s14  }
0x11: {  	s22 =	sshrl.u32 s9, $0x3;
	s16 =	sadd.s32 $0x580, s1;
	[smem:$0x7DC] =	sst s15  }
0x12: {  	s26 =	sshll.u32 s9, $0x7;
	s17 =	sadd.s32 $0x980, s1;
	[smem:$0x7DD] =	sst s16  }
0x13: {  	s6 =	ssub.s32 $0x2, s4;
	s18 =	sadd.s32 $0xD80, s1;
	[smem:$0x7DE] =	sst s17  }
0x14: {  	s4 =	sshll.u32 s4, $0x4;
	s19 =	sadd.s32 $0x1180, s1;
	[smem:$0x7DF] =	sst s18  }
0x15: {  	s4 =	sor.u32 s9, s4;
	s9 =	sadd.s32 $0x100, s1;
	[smem:$0x7E0] =	sst s19  }
0x16: {  	s12 =	sadd.s32 $0xF80, s1;
	[dreg:$0xc] =	wrdreg s9  }
0x17: {  	s13 =	sadd.s32 $0x1380, s1;
	[smem:$0x7EF] =	sst s12  }
0x18: {  	s14 =	sadd.s32 $0x1800, s1;
	[smem:$0x7F0] =	sst s13  }
0x19: {  	s15 =	sadd.s32 $0x1C00, s1;
	[smem:$0x7F1] =	sst s14  }
0x1a: {  	s16 =	sadd.s32 $0x2000, s1;
	[smem:$0x7F2] =	sst s15  }
0x1b: {  	s17 =	sadd.s32 $0x2400, s1;
	[smem:$0x7F3] =	sst s16  }
0x1c: {  	s5 =	sadd.s32 $0x1600, s0;
	s18 =	sadd.s32 $0x1880, s1;
	[smem:$0x7F4] =	sst s17  }
0x1d: {  	s21 =	sshrl.u32 s7, $0x3;
	s19 =	sadd.s32 $0x1C80, s1;
	[smem:$0x7F5] =	sst s18  }
0x1e: {  	s0 =	sadd.s32 $0x2000, s0;
	s23 =	sadd.s32 s5, s21;
	[smem:$0x7F6] =	sst s19  }
0x1f: {  	s10 =	smul.u32 $0x140, s4;
	s4 =	sadd.s32 s0, s21;
	[dreg:$0x4] =	wrdreg s23  }
0x20: {  	s21 =	sadd.s32 $0x1600, s1;
	[dreg:$0x6] =	wrdreg s4  }
0x21: {  	s8 =	sshrl.u32 s6, $0x1;
	s9 =	sadd.s32 $0x1080, s1;
	[dreg:$0x17] =	wrdreg s21  }
0x22: {  	s6 =	ssub.s32 s6, s8;
	s8 =	sadd.s32 $0x500, s23;
	[smem:$0x7D8] =	sst s9  }
0x23: {  	s7 =	smul.u32 $0x5000, s22;
	s22 =	smax.u32 s6, $0x1;
	[dreg:$0x5] =	wrdreg s8  }
0x24: {  	s23 =	sadd.s32 $0x1680, s1;
	[dreg:$0x18] =	wrdreg s22  }
0x25: {  	s4 =	sadd.s32 $0xC00, s1;
	[dreg:$0x19] =	wrdreg s23  }
0x26: {  	s6 =	sadd.s32 $0x480, s1;
	[dreg:$0x1e] =	wrdreg s4  }
0x27: {  	s21 =	sadd.s32 $0xA00, s1;
	[smem:$0x7D5] =	sst s6  }
0x28: {  	s9 =	sadd.s32 $0xB80, s1;
	[smem:$0x7E2] =	sst s21  }
0x29: {  	s22 =	sadd.s32 $0xE00, s1;
	[smem:$0x7EE] =	sst s9  }
0x2a: {  	s23 =	sadd.s32 $0x1200, s1;
	[smem:$0x7E3] =	sst s22  }
0x2b: {  	s4 =	sadd.s32 $0x700, s1;
	[smem:$0x7E4] =	sst s23  }
0x2c: {  	s6 =	sadd.s32 $0xF00, s1;
	[smem:$0x7E9] =	sst s4  }
0x2d: {  	s24 =	sshrl.u32 s10, $0x3;
	s21 =	sadd.s32 $0x2480, s1;
	[smem:$0x7EB] =	sst s6  }
0x2e: {  	s25 =	sadd.s32 s5, s24;
	[smem:$0x7F8] =	sst s21  }
0x2f: {  	s0 =	sadd.s32 s0, s24;
	[dreg:$0x7] =	wrdreg s25  }
0x30: {  	s28 =	sadd.s32 $0x2680, s1;
	s20 =	sadd.s32 s3, s24;
	[dreg:$0x9] =	wrdreg s0  }
0x31: {  	s29 =	sadd.s32 $0x1B00, s1;
	s24 =	sadd.s32 $0x1700, s1;
	[dreg:$0x16] =	wrdreg s20  }
0x32: {  	s5 =	sand.u32 $0x380, s26;
	s26 =	sadd.s32 $0x400, s1;
	[dreg:$0x1a] =	wrdreg s24  }
0x33: {  	s30 =	sadd.s32 $0x1F00, s1;
	s3 =	sadd.s32 $0x800, s1;
	[dreg:$0x1c] =	wrdreg s26  }
0x34: {  	s31 =	sadd.s32 $0x2300, s1;
	s22 =	sadd.s32 $0x1900, s1;
	[dreg:$0x1d] =	wrdreg s3  }
0x35: {  	s7 =	sshrl.u32 s7, $0x2;
	s23 =	sadd.s32 $0x1D00, s1;
	[smem:$0x7F9] =	sst s22  }
0x36: {  	s7 =	sadd.s32 s7, s1;
	s8 =	sadd.s32 $0x500, s25;
	[smem:$0x7FA] =	sst s23  }
0x37: {  	s17 =	sadd.s32 $0x1D80, s1;
	s7 =	sadd.s32 s5, s7;
	[dreg:$0x8] =	wrdreg s8  }
0x38: {  	s18 =	sadd.s32 $0x2180, s1;
	s25 =	sadd.s32 $0x1780, s1;
	[dreg:$0xa] =	wrdreg s7  }
0x39: {  	s19 =	sadd.s32 $0x2580, s1;
	s5 =	sadd.s32 $0x1000, s1;
	[dreg:$0x1b] =	wrdreg s25  }
0x3a: {  	s11 =	sadd.s32 $0x140, s10;
	s20 =	sadd.s32 $0x600, s1;
	[dreg:$0x1f] =	wrdreg s5  }
0x3b: {  	s9 =	simm.s32 $0x1;
	s24 =	sadd.s32 $0x680, s1;
	[smem:$0x7E1] =	sst s20  }
0x3c: {  	v0 =	vmov s10;
	s10 =	simm.s32 $0x3680;
	s26 =	sadd.s32 $0xE80, s1;
	[smem:$0x7E5] =	sst s24  }
0x3d: {  	s21 =	sadd.s32 $0x1E00, s1;
	s3 =	sadd.s32 $0x1280, s1;
	[smem:$0x7E7] =	sst s26  }
0x3e: {  	s6 =	sadd.s32 $0x2380, s1;
	s8 =	sadd.s32 $0x80, s1;
	[smem:$0x7E8] =	sst s3  }
0x3f: {  	s4 =	simm.s32 $0x2;
	s7 =	sadd.s32 $0x880, s1;
	[dreg:$0xb] =	wrdreg s8  }
0x40: {  	v1 =	vmov s11;
	s11 =	simm.s32 $0x0;
	s25 =	sadd.s32 $0xA80, s1;
	[smem:$0x7D6] =	sst s7  }
0x41: {  	s22 =	sadd.s32 $0x2200, s1;
	s5 =	sadd.s32 $0xB00, s1;
	[smem:$0x7E6] =	sst s25  }
0x42: {  	s23 =	sadd.s32 $0x2600, s1;
	s20 =	sadd.s32 $0x2080, s1;
	[smem:$0x7EA] =	sst s5  }
0x43: {  	s0 =	sadd.s32 $0x2700, s1;
	s24 =	sadd.s32 $0x2100, s1;
	[smem:$0x7F7] =	sst s20  }
0x44: {  	s26 =	sadd.s32 $0x1980, s1;
	s3 =	sadd.s32 $0x1B80, s1;
	[smem:$0x7FB] =	sst s24  }
0x45: {  	s8 =	sadd.s32 $0xC80, s1;
	s7 =	sadd.s32 $0x1300, s1;
	[smem:$0x7FD] =	sst s26  }
0x46: {  	s25 =	sadd.s32 $0x2500, s1;
	s20 =	sadd.s32 $0x1A00, s1;
	[smem:$0x7D7] =	sst s8  }
0x47: {  	s24 =	sadd.s32 $0x1A80, s1;
	s26 =	sadd.s32 $0x2280, s1;
	[smem:$0x7EC] =	sst s7  }
0x48: {  	s5 =	sadd.s32 $0x1F80, s1;
	s8 =	sadd.s32 $0x780, s1;
	[smem:$0x7FC] =	sst s25  }
0x49: {  	v2 =	vimm.s32 $0x0;
	v3 =	vimm.s32 $0x1;
	s25 =	sadd.s32 $0x1E80, s1;
	[smem:$0x7ED] =	sst s8;
	s8 =	sadd.s32 $0x2780, s1  }
.LBB2_1:
0x4a: {  	s7 =	rddreg [dreg:$0x4]  }
0x4b: {  	[tilespmem:s2], [sflag:$0x1] =	stream.linear.gather [hbm4b:s7+s2], $0x280, $0x38;
	[tilespmem:$0x3C00] =	vst v63  }
0x4c: {  	s16 =	rddreg [dreg:$0x5];
	s12 =	simm.s32 $0x280  }
0x4d: {  	[tilespmem:s12], [sflag:$0x1] =	stream.linear.gather [hbm4b:s16+s2], $0x280, $0x38;
	[tilespmem:$0x3C00] =	vst v63  }
0x4e: {  	s13 =	rddreg [dreg:$0x6];
	s14 =	simm.s32 $0x500  }
0x4f: {  	[tilespmem:s14], [sflag:$0x1] =	stream.linear.gather [hbm4b:s13+s2], $0x280, $0x38;
	[tilespmem:$0x3C00] =	vst v63  }
0x50: {  	s15 =	rddreg [dreg:$0x7];
	s16 =	simm.s32 $0x3200  }
0x51: {  	[tilespmem:s16], [sflag:$0x1] =	stream.linear.gather [hbm4b:s15+s2], $0x140, $0x38;
	[tilespmem:$0x3C00] =	vst v63  }
0x52: {  	s13 =	rddreg [dreg:$0x8];
	s14 =	simm.s32 $0x3380  }
0x53: {  	[tilespmem:s14], [sflag:$0x1] =	stream.linear.gather [hbm4b:s13+s2], $0x140, $0x38;
	[tilespmem:$0x3C00] =	vst v63  }
0x54: {  	s15 =	rddreg [dreg:$0x9];
	s16 =	simm.s32 $0x3500  }
0x55: {  	[tilespmem:s16], [sflag:$0x1] =	stream.linear.gather [hbm4b:s15+s2], $0x140, $0x38;
	[tilespmem:$0x3C00] =	vst v63  }
0x56: {  	[tilespmem:$0x3680] =	vst v2  }
0x57: {  	[tilespmem:$0x3690] =	vst v2  }
0x58: {  	[tilespmem:$0x36A0] =	vst v2  }
0x59: {  	[tilespmem:$0x36B0] =	vst v2  }
0x5a: {  	[tilespmem:$0x36C0] =	vst v2  }
0x5b: {  	[tilespmem:$0x36D0] =	vst v2  }
0x5c: {  	[tilespmem:$0x36E0] =	vst v2  }
0x5d: {  	[tilespmem:$0x36F0] =	vst v2  }
0x5e: {  	[tilespmem:$0x3700] =	vst v2  }
0x5f: {  	[tilespmem:$0x3710] =	vst v2  }
0x60: {  	[tilespmem:$0x3720] =	vst v2  }
0x61: {  	[tilespmem:$0x3730] =	vst v2  }
0x62: {  	[tilespmem:$0x3740] =	vst v2  }
0x63: {  	[tilespmem:$0x3750] =	vst v2  }
0x64: {  	[tilespmem:$0x3760] =	vst v2  }
0x65: {  	[tilespmem:$0x3770] =	vst v2  }
0x66: {  	[tilespmem:$0x3780] =	vst v2  }
0x67: {  	[tilespmem:$0x3790] =	vst v2  }
0x68: {  	[tilespmem:$0x37A0] =	vst v2  }
0x69: {  	[tilespmem:$0x37B0] =	vst v2  }
0x6a: {  	_ =	swait.ge [sflag:s9], $0x280  }
0x6b: {  	[sflag:s9] =	ssyncset.done $0x0  }
0x6c: {  	[sflag:s9] =	ssyncadd.s32 $0xFFFFFD80  }
0x6d: {  	_ =	swait.ge [sflag:s9], $0x280  }
0x6e: {  	[sflag:s9] =	ssyncset.done $0x0  }
0x6f: {  	[sflag:s9] =	ssyncadd.s32 $0xFFFFFD80  }
0x70: {  	_ =	swait.ge [sflag:s9], $0x280  }
0x71: {  	[sflag:s9] =	ssyncset.done $0x0  }
0x72: {  	[sflag:s9] =	ssyncadd.s32 $0xFFFFFD80  }
0x73: {  	_ =	swait.ge [sflag:s9], $0x140  }
0x74: {  	[sflag:s9] =	ssyncset.done $0x0  }
0x75: {  	[sflag:s9] =	ssyncadd.s32 $0xFFFFFEC0  }
0x76: {  	_ =	swait.ge [sflag:s9], $0x140  }
0x77: {  	[sflag:s9] =	ssyncset.done $0x0  }
0x78: {  	[sflag:s9] =	ssyncadd.s32 $0xFFFFFEC0  }
0x79: {  	_ =	swait.ge [sflag:s9], $0x140  }
0x7a: {  	[sflag:s9] =	ssyncset.done $0x0  }
0x7b: {  	s12 =	simm.s32 $0x0;
	[sflag:s9] =	ssyncadd.s32 $0xFFFFFEC0  }
0x7c: {  	v4 =	vld [tilespmem:s12+$0x10]  }
0x7d: {  	v7 =	vld [tilespmem:s12+$0x290]  }
0x7e: {  	v9 =	vld [tilespmem:s12+$0x0]  }
0x7f: {  	v8 =	vld [tilespmem:s12+$0x510]  }
0x80: {  	v10 =	vld [tilespmem:s12+$0x280]  }
0x81: {  	s13 =	simm.s32 $0x20;
	v11 =	vld [tilespmem:s12+$0x500]  }
0x82: {  	v5 =	vld [tilespmem:s13+$0x10];
	vm0 =	vlt.s32 v4, v7  }
0x83: {  	v6 =	vld [tilespmem:s13+$0x290];
	v12 =	vsel vm0, v4, v7  }
0x84: {  	v4 =	vld [tilespmem:s13+$0x0];
	vm0 =	vne.s32 v8, $0x0;
	vm1 =	vlt.s32 v12, $0x2710  }
0x85: {  	vm2 =	vlt.s32 v9, v10;
	v8 =	vld [tilespmem:s13+$0x510];
	vm1 =	vmand vm0, vm1  }
0x86: {  	s14 =	simm.s32 $0x100;
	v7 =	vld [tilespmem:s13+$0x280];
	v9 =	vsel vm2, v9, v10;
	vm0 =	vne.s32 v11, $0x0;
	v10 =	vnsel vm1, $0xFFFFFFFF, v12  }
.LBB2_2:
0x87: {  	s7 =	sshra.s32 s14, $0x2;
	v11 =	vld [tilespmem:s13+$0x500];
	vm1 =	vlt.s32 v9, $0x2710;
	[tilespmem:s12+$0x790] =	vst v10;
	v10 =	vmov v5;
	p0 =	sne.s32 s14, $0x980  }
.Ltmp0:
0x88: {  	s14 =	sadd.s32 $0x80, s14;
	v5 =	vld [tilespmem:s7+$0x10];
	vm2 =	vlt.s32 v10, v6;
	vm0 =	vmand vm0, vm1;
	(pc) =	sbr.rel @p0 .LBB2_2-.Ltmp0, $4  }
0x89: {  	v10 =	vsel vm2, v10, v6;
	v6 =	vld [tilespmem:s7+$0x290];
	v9 =	vnsel vm0, $0xFFFFFFFF, v9;
	v12 =	vmov v4  }
0x8a: {  	v4 =	vld [tilespmem:s7+$0x0];
	vm0 =	vne.s32 v8, $0x0;
	vm1 =	vlt.s32 v10, $0x2710;
	[tilespmem:s12+$0x780] =	vst v9;
	s12 =	smov.u32 s13;
	s13 =	smov.u32 s7  }
0x8b: {  	v8 =	vld [tilespmem:s13+$0x510];
	vm2 =	vlt.s32 v12, v7;
	vm1 =	vmand vm0, vm1  }
0x8c: {  	v9 =	vsel vm2, v12, v7;
	v7 =	vld [tilespmem:s13+$0x280];
	vm0 =	vne.s32 v11, $0x0;
	v10 =	vnsel vm1, $0xFFFFFFFF, v10  }
0x8d: {  	_ = 	snop  }
0x8e: {  	v11 =	vld [tilespmem:s13+$0x500]  }
0x8f: {  	vm1 =	vlt.s32 v9, $0x2710  }
0x90: {  	vm0 =	vmand vm0, vm1;
	vm1 =	vlt.s32 v5, v6  }
0x91: {  	v5 =	vsel vm1, v5, v6;
	v6 =	vnsel vm0, $0xFFFFFFFF, v9;
	vm0 =	vlt.s32 v4, v7  }
0x92: {  	vm1 =	vne.s32 v8, $0x0;
	vm2 =	vlt.s32 v5, $0x2710;
	v4 =	vsel vm0, v4, v7  }
0x93: {  	[tilespmem:s12+$0x790] =	vst v10;
	vm0 =	vmand vm1, vm2;
	vm1 =	vne.s32 v11, $0x0;
	vm2 =	vlt.s32 v4, $0x2710  }
0x94: {  	[tilespmem:s12+$0x780] =	vst v6;
	v5 =	vnsel vm0, $0xFFFFFFFF, v5;
	vm0 =	vmand vm1, vm2  }
0x95: {  	s7 =	rddreg [dreg:$0xa];
	[tilespmem:s13+$0x790] =	vst v5;
	v4 =	vnsel vm0, $0xFFFFFFFF, v4  }
0x96: {  	s15 =	simm.s32 $0x80;
	s16 =	simm.s32 $0x400;
	s14 =	simm.s32 $0x780;
	[tilespmem:s13+$0x780] =	vst v4  }
0x97: {  	[spmem:s7] =	stream.strided.scatter [tilespmem:s14], [sflag:$0x2], $0x280, s16, s15, $0x38;
	[tilespmem:$0x3C00] =	vst v63  }
0x98: {  	_ =	swait.ge [sflag:s4], $0x280  }
0x99: {  	[sflag:s4] =	ssyncset.done $0x0  }
0x9a: {  	[sflag:s4] =	ssyncadd.s32 $0xFFFFFD80  }
0x9b: {  	s12 =	simm.s32 $0xA00;
	[bflag:$0x0] =	sbarrier.arrive $0xFFFF  }
0x9c: {  	[tilespmem:s12], [sflag:$0x1] =	stream.linear.gather [spmem:s1], $0x80, $0x38;
	[tilespmem:$0x3C00] =	vst v63  }
0x9d: {  	s13 =	rddreg [dreg:$0x1c]  }
0x9e: {  	s14 =	simm.s32 $0xE00;
	s15 =	rddreg [dreg:$0x1d]  }
0x9f: {  	[tilespmem:s14], [sflag:$0x1] =	stream.linear.gather [spmem:s13], $0x80, $0x38;
	[tilespmem:$0x3C00] =	vst v63  }
0xa0: {  	s16 =	simm.s32 $0x1200;
	s13 =	rddreg [dreg:$0x1e]  }
0xa1: {  	[tilespmem:s16], [sflag:$0x1] =	stream.linear.gather [spmem:s15], $0x80, $0x38;
	[tilespmem:$0x3C00] =	vst v63  }
0xa2: {  	s14 =	simm.s32 $0x1600;
	s15 =	rddreg [dreg:$0x1f]  }
0xa3: {  	[tilespmem:s14], [sflag:$0x1] =	stream.linear.gather [spmem:s13], $0x80, $0x38;
	[tilespmem:$0x3C00] =	vst v63  }
0xa4: {  	s16 =	simm.s32 $0x1A00;
	s13 =	rddreg [dreg:$0xb]  }
0xa5: {  	[tilespmem:s16], [sflag:$0x1] =	stream.linear.gather [spmem:s15], $0x80, $0x38;
	[tilespmem:$0x3C00] =	vst v63  }
0xa6: {  	s14 =	simm.s32 $0xA80;
	s15 =	sld [smem:$0x7D5]  }
0xa7: {  	[tilespmem:s14], [sflag:$0x1] =	stream.linear.gather [spmem:s13], $0x80, $0x38;
	[tilespmem:$0x3C00] =	vst v63  }
0xa8: {  	s16 =	simm.s32 $0xE80;
	s13 =	sld [smem:$0x7D6]  }
0xa9: {  	[tilespmem:s16], [sflag:$0x1] =	stream.linear.gather [spmem:s15], $0x80, $0x38;
	[tilespmem:$0x3C00] =	vst v63  }
0xaa: {  	s14 =	simm.s32 $0x1280;
	s15 =	sld [smem:$0x7D7]  }
0xab: {  	[tilespmem:s14], [sflag:$0x1] =	stream.linear.gather [spmem:s13], $0x80, $0x38;
	[tilespmem:$0x3C00] =	vst v63  }
0xac: {  	s16 =	simm.s32 $0x1680;
	s13 =	sld [smem:$0x7D8]  }
0xad: {  	[tilespmem:s16], [sflag:$0x1] =	stream.linear.gather [spmem:s15], $0x80, $0x38;
	[tilespmem:$0x3C00] =	vst v63  }
0xae: {  	s14 =	simm.s32 $0x1A80;
	s15 =	rddreg [dreg:$0xc]  }
0xaf: {  	[tilespmem:s14], [sflag:$0x1] =	stream.linear.gather [spmem:s13], $0x80, $0x38;
	[tilespmem:$0x3C00] =	vst v63  }
0xb0: {  	s16 =	simm.s32 $0xB00;
	s13 =	sld [smem:$0x7D9]  }
0xb1: {  	[tilespmem:s16], [sflag:$0x1] =	stream.linear.gather [spmem:s15], $0x80, $0x38;
	[tilespmem:$0x3C00] =	vst v63  }
0xb2: {  	s14 =	simm.s32 $0xF00;
	s15 =	sld [smem:$0x7DA]  }
0xb3: {  	[tilespmem:s14], [sflag:$0x1] =	stream.linear.gather [spmem:s13], $0x80, $0x38;
	[tilespmem:$0x3C00] =	vst v63  }
0xb4: {  	s16 =	simm.s32 $0x1300;
	s13 =	sld [smem:$0x7DB]  }
0xb5: {  	[tilespmem:s16], [sflag:$0x1] =	stream.linear.gather [spmem:s15], $0x80, $0x38;
	[tilespmem:$0x3C00] =	vst v63  }
0xb6: {  	s14 =	simm.s32 $0x1700;
	s15 =	sld [smem:$0x7DC]  }
0xb7: {  	[tilespmem:s14], [sflag:$0x1] =	stream.linear.gather [spmem:s13], $0x80, $0x38;
	[tilespmem:$0x3C00] =	vst v63  }
0xb8: {  	s16 =	simm.s32 $0x1B00;
	s13 =	rddreg [dreg:$0xd]  }
0xb9: {  	[tilespmem:s16], [sflag:$0x1] =	stream.linear.gather [spmem:s15], $0x80, $0x38;
	[tilespmem:$0x3C00] =	vst v63  }
0xba: {  	s14 =	simm.s32 $0xB80;
	s15 =	sld [smem:$0x7DD]  }
0xbb: {  	[tilespmem:s14], [sflag:$0x1] =	stream.linear.gather [spmem:s13], $0x80, $0x38;
	[tilespmem:$0x3C00] =	vst v63  }
0xbc: {  	s16 =	simm.s32 $0xF80;
	s13 =	sld [smem:$0x7DE]  }
0xbd: {  	[tilespmem:s16], [sflag:$0x1] =	stream.linear.gather [spmem:s15], $0x80, $0x38;
	[tilespmem:$0x3C00] =	vst v63  }
0xbe: {  	s14 =	simm.s32 $0x1380;
	s15 =	sld [smem:$0x7DF]  }
0xbf: {  	[tilespmem:s14], [sflag:$0x1] =	stream.linear.gather [spmem:s13], $0x80, $0x38;
	[tilespmem:$0x3C00] =	vst v63  }
0xc0: {  	s16 =	simm.s32 $0x1780;
	s13 =	sld [smem:$0x7E0]  }
0xc1: {  	[tilespmem:s16], [sflag:$0x1] =	stream.linear.gather [spmem:s15], $0x80, $0x38;
	[tilespmem:$0x3C00] =	vst v63  }
0xc2: {  	s14 =	simm.s32 $0x1B80;
	s15 =	rddreg [dreg:$0xe]  }
0xc3: {  	[tilespmem:s14], [sflag:$0x1] =	stream.linear.gather [spmem:s13], $0x80, $0x38;
	[tilespmem:$0x3C00] =	vst v63  }
0xc4: {  	s16 =	simm.s32 $0xC00;
	s13 =	sld [smem:$0x7E1]  }
0xc5: {  	[tilespmem:s16], [sflag:$0x1] =	stream.linear.gather [spmem:s15], $0x80, $0x38;
	[tilespmem:$0x3C00] =	vst v63  }
0xc6: {  	s14 =	simm.s32 $0x1000;
	s15 =	sld [smem:$0x7E2]  }
0xc7: {  	[tilespmem:s14], [sflag:$0x1] =	stream.linear.gather [spmem:s13], $0x80, $0x38;
	[tilespmem:$0x3C00] =	vst v63  }
0xc8: {  	s16 =	simm.s32 $0x1400;
	s13 =	sld [smem:$0x7E3]  }
0xc9: {  	[tilespmem:s16], [sflag:$0x1] =	stream.linear.gather [spmem:s15], $0x80, $0x38;
	[tilespmem:$0x3C00] =	vst v63  }
0xca: {  	s14 =	simm.s32 $0x1800;
	s15 =	sld [smem:$0x7E4]  }
0xcb: {  	[tilespmem:s14], [sflag:$0x1] =	stream.linear.gather [spmem:s13], $0x80, $0x38;
	[tilespmem:$0x3C00] =	vst v63  }
0xcc: {  	s16 =	simm.s32 $0x1C00;
	s13 =	rddreg [dreg:$0xf]  }
0xcd: {  	[tilespmem:s16], [sflag:$0x1] =	stream.linear.gather [spmem:s15], $0x80, $0x38;
	[tilespmem:$0x3C00] =	vst v63  }
0xce: {  	s14 =	simm.s32 $0xC80;
	s15 =	sld [smem:$0x7E5]  }
0xcf: {  	[tilespmem:s14], [sflag:$0x1] =	stream.linear.gather [spmem:s13], $0x80, $0x38;
	[tilespmem:$0x3C00] =	vst v63  }
0xd0: {  	s16 =	simm.s32 $0x1080;
	s13 =	sld [smem:$0x7E6]  }
0xd1: {  	[tilespmem:s16], [sflag:$0x1] =	stream.linear.gather [spmem:s15], $0x80, $0x38;
	[tilespmem:$0x3C00] =	vst v63  }
0xd2: {  	s14 =	simm.s32 $0x1480;
	s15 =	sld [smem:$0x7E7]  }
0xd3: {  	[tilespmem:s14], [sflag:$0x1] =	stream.linear.gather [spmem:s13], $0x80, $0x38;
	[tilespmem:$0x3C00] =	vst v63  }
0xd4: {  	s16 =	simm.s32 $0x1880;
	s13 =	sld [smem:$0x7E8]  }
0xd5: {  	[tilespmem:s16], [sflag:$0x1] =	stream.linear.gather [spmem:s15], $0x80, $0x38;
	[tilespmem:$0x3C00] =	vst v63  }
0xd6: {  	s14 =	simm.s32 $0x1C80;
	s15 =	rddreg [dreg:$0x10]  }
0xd7: {  	[tilespmem:s14], [sflag:$0x1] =	stream.linear.gather [spmem:s13], $0x80, $0x38;
	[tilespmem:$0x3C00] =	vst v63  }
0xd8: {  	s16 =	simm.s32 $0xD00;
	s13 =	sld [smem:$0x7E9]  }
0xd9: {  	[tilespmem:s16], [sflag:$0x1] =	stream.linear.gather [spmem:s15], $0x80, $0x38;
	[tilespmem:$0x3C00] =	vst v63  }
0xda: {  	s14 =	simm.s32 $0x1100;
	s15 =	sld [smem:$0x7EA]  }
0xdb: {  	[tilespmem:s14], [sflag:$0x1] =	stream.linear.gather [spmem:s13], $0x80, $0x38;
	[tilespmem:$0x3C00] =	vst v63  }
0xdc: {  	s16 =	simm.s32 $0x1500;
	s13 =	sld [smem:$0x7EB]  }
0xdd: {  	[tilespmem:s16], [sflag:$0x1] =	stream.linear.gather [spmem:s15], $0x80, $0x38;
	[tilespmem:$0x3C00] =	vst v63  }
0xde: {  	s14 =	simm.s32 $0x1900;
	s15 =	sld [smem:$0x7EC]  }
0xdf: {  	[tilespmem:s14], [sflag:$0x1] =	stream.linear.gather [spmem:s13], $0x80, $0x38;
	[tilespmem:$0x3C00] =	vst v63  }
0xe0: {  	s16 =	simm.s32 $0x1D00;
	s13 =	rddreg [dreg:$0x11]  }
0xe1: {  	[tilespmem:s16], [sflag:$0x1] =	stream.linear.gather [spmem:s15], $0x80, $0x38;
	[tilespmem:$0x3C00] =	vst v63  }
0xe2: {  	s14 =	simm.s32 $0xD80;
	s15 =	sld [smem:$0x7ED]  }
0xe3: {  	[tilespmem:s14], [sflag:$0x1] =	stream.linear.gather [spmem:s13], $0x80, $0x38;
	[tilespmem:$0x3C00] =	vst v63  }
0xe4: {  	s16 =	simm.s32 $0x1180;
	s13 =	sld [smem:$0x7EE]  }
0xe5: {  	[tilespmem:s16], [sflag:$0x1] =	stream.linear.gather [spmem:s15], $0x80, $0x38;
	[tilespmem:$0x3C00] =	vst v63  }
0xe6: {  	s14 =	simm.s32 $0x1580;
	s15 =	sld [smem:$0x7EF]  }
0xe7: {  	[tilespmem:s14], [sflag:$0x1] =	stream.linear.gather [spmem:s13], $0x80, $0x38;
	[tilespmem:$0x3C00] =	vst v63  }
0xe8: {  	s16 =	simm.s32 $0x1980;
	s13 =	sld [smem:$0x7F0]  }
0xe9: {  	[tilespmem:s16], [sflag:$0x1] =	stream.linear.gather [spmem:s15], $0x80, $0x38;
	[tilespmem:$0x3C00] =	vst v63  }
0xea: {  	s14 =	simm.s32 $0x1D80;
	s15 =	rddreg [dreg:$0x12]  }
0xeb: {  	[tilespmem:s14], [sflag:$0x1] =	stream.linear.gather [spmem:s13], $0x80, $0x38;
	[tilespmem:$0x3C00] =	vst v63  }
0xec: {  	s16 =	simm.s32 $0x1E00;
	s13 =	sld [smem:$0x7F1]  }
0xed: {  	[tilespmem:s16], [sflag:$0x1] =	stream.linear.gather [spmem:s15], $0x80, $0x38;
	[tilespmem:$0x3C00] =	vst v63  }
0xee: {  	s14 =	simm.s32 $0x2200;
	s15 =	sld [smem:$0x7F2]  }
0xef: {  	[tilespmem:s14], [sflag:$0x1] =	stream.linear.gather [spmem:s13], $0x80, $0x38;
	[tilespmem:$0x3C00] =	vst v63  }
0xf0: {  	s16 =	simm.s32 $0x2600;
	s13 =	sld [smem:$0x7F3]  }
0xf1: {  	[tilespmem:s16], [sflag:$0x1] =	stream.linear.gather [spmem:s15], $0x80, $0x38;
	[tilespmem:$0x3C00] =	vst v63  }
0xf2: {  	s14 =	simm.s32 $0x2A00;
	s15 =	sld [smem:$0x7F4]  }
0xf3: {  	[tilespmem:s14], [sflag:$0x1] =	stream.linear.gather [spmem:s13], $0x80, $0x38;
	[tilespmem:$0x3C00] =	vst v63  }
0xf4: {  	s16 =	simm.s32 $0x2E00;
	s13 =	rddreg [dreg:$0x13]  }
0xf5: {  	[tilespmem:s16], [sflag:$0x1] =	stream.linear.gather [spmem:s15], $0x80, $0x38;
	[tilespmem:$0x3C00] =	vst v63  }
0xf6: {  	s14 =	simm.s32 $0x1E80;
	s15 =	sld [smem:$0x7F5]  }
0xf7: {  	[tilespmem:s14], [sflag:$0x1] =	stream.linear.gather [spmem:s13], $0x80, $0x38;
	[tilespmem:$0x3C00] =	vst v63  }
0xf8: {  	s16 =	simm.s32 $0x2280;
	s13 =	sld [smem:$0x7F6]  }
0xf9: {  	[tilespmem:s16], [sflag:$0x1] =	stream.linear.gather [spmem:s15], $0x80, $0x38;
	[tilespmem:$0x3C00] =	vst v63  }
0xfa: {  	s14 =	simm.s32 $0x2680;
	s15 =	sld [smem:$0x7F7]  }
0xfb: {  	[tilespmem:s14], [sflag:$0x1] =	stream.linear.gather [spmem:s13], $0x80, $0x38;
	[tilespmem:$0x3C00] =	vst v63  }
0xfc: {  	s16 =	simm.s32 $0x2A80;
	s13 =	sld [smem:$0x7F8]  }
0xfd: {  	[tilespmem:s16], [sflag:$0x1] =	stream.linear.gather [spmem:s15], $0x80, $0x38;
	[tilespmem:$0x3C00] =	vst v63  }
0xfe: {  	s14 =	simm.s32 $0x2E80;
	s15 =	rddreg [dreg:$0x14]  }
0xff: {  	[tilespmem:s14], [sflag:$0x1] =	stream.linear.gather [spmem:s13], $0x80, $0x38;
	[tilespmem:$0x3C00] =	vst v63  }
0x100: {  	s16 =	simm.s32 $0x1F00;
	s13 =	sld [smem:$0x7F9]  }
0x101: {  	[tilespmem:s16], [sflag:$0x1] =	stream.linear.gather [spmem:s15], $0x80, $0x38;
	[tilespmem:$0x3C00] =	vst v63  }
0x102: {  	s14 =	simm.s32 $0x2300;
	s15 =	sld [smem:$0x7FA]  }
0x103: {  	[tilespmem:s14], [sflag:$0x1] =	stream.linear.gather [spmem:s13], $0x80, $0x38;
	[tilespmem:$0x3C00] =	vst v63  }
0x104: {  	s16 =	simm.s32 $0x2700;
	s13 =	sld [smem:$0x7FB]  }
0x105: {  	[tilespmem:s16], [sflag:$0x1] =	stream.linear.gather [spmem:s15], $0x80, $0x38;
	[tilespmem:$0x3C00] =	vst v63  }
0x106: {  	s14 =	simm.s32 $0x2B00;
	s15 =	sld [smem:$0x7FC]  }
0x107: {  	[tilespmem:s14], [sflag:$0x1] =	stream.linear.gather [spmem:s13], $0x80, $0x38;
	[tilespmem:$0x3C00] =	vst v63  }
0x108: {  	s16 =	simm.s32 $0x2F00;
	s13 =	rddreg [dreg:$0x15]  }
0x109: {  	[tilespmem:s16], [sflag:$0x1] =	stream.linear.gather [spmem:s15], $0x80, $0x38;
	[tilespmem:$0x3C00] =	vst v63  }
0x10a: {  	s14 =	simm.s32 $0x1F80;
	s15 =	sld [smem:$0x7FD]  }
0x10b: {  	[tilespmem:s14], [sflag:$0x1] =	stream.linear.gather [spmem:s13], $0x80, $0x38;
	[tilespmem:$0x3C00] =	vst v63  }
0x10c: {  	s16 =	simm.s32 $0x2380  }
0x10d: {  	[tilespmem:s16], [sflag:$0x1] =	stream.linear.gather [spmem:s15], $0x80, $0x38;
	[tilespmem:$0x3C00] =	vst v63  }
0x10e: {  	s12 =	simm.s32 $0x2780  }
0x10f: {  	[tilespmem:s12], [sflag:$0x1] =	stream.linear.gather [spmem:s17], $0x80, $0x38;
	[tilespmem:$0x3C00] =	vst v63  }
0x110: {  	s13 =	simm.s32 $0x2B80  }
0x111: {  	[tilespmem:s13], [sflag:$0x1] =	stream.linear.gather [spmem:s18], $0x80, $0x38;
	[tilespmem:$0x3C00] =	vst v63  }
0x112: {  	s14 =	simm.s32 $0x2F80  }
0x113: {  	[tilespmem:s14], [sflag:$0x1] =	stream.linear.gather [spmem:s19], $0x80, $0x38;
	[tilespmem:$0x3C00] =	vst v63  }
0x114: {  	s15 =	rddreg [dreg:$0x17];
	s16 =	simm.s32 $0x2000  }
0x115: {  	[tilespmem:s16], [sflag:$0x1] =	stream.linear.gather [spmem:s15], $0x80, $0x38;
	[tilespmem:$0x3C00] =	vst v63  }
0x116: {  	s13 =	simm.s32 $0x2400  }
0x117: {  	[tilespmem:s13], [sflag:$0x1] =	stream.linear.gather [spmem:s20], $0x80, $0x38;
	[tilespmem:$0x3C00] =	vst v63  }
0x118: {  	s14 =	simm.s32 $0x2800  }
0x119: {  	[tilespmem:s14], [sflag:$0x1] =	stream.linear.gather [spmem:s21], $0x80, $0x38;
	[tilespmem:$0x3C00] =	vst v63  }
0x11a: {  	s15 =	simm.s32 $0x2C00  }
0x11b: {  	[tilespmem:s15], [sflag:$0x1] =	stream.linear.gather [spmem:s22], $0x80, $0x38;
	[tilespmem:$0x3C00] =	vst v63  }
0x11c: {  	s16 =	simm.s32 $0x3000  }
0x11d: {  	[tilespmem:s16], [sflag:$0x1] =	stream.linear.gather [spmem:s23], $0x80, $0x38;
	[tilespmem:$0x3C00] =	vst v63  }
0x11e: {  	s12 =	rddreg [dreg:$0x19];
	s13 =	simm.s32 $0x2080  }
0x11f: {  	[tilespmem:s13], [sflag:$0x1] =	stream.linear.gather [spmem:s12], $0x80, $0x38;
	[tilespmem:$0x3C00] =	vst v63  }
0x120: {  	s14 =	simm.s32 $0x2480  }
0x121: {  	[tilespmem:s14], [sflag:$0x1] =	stream.linear.gather [spmem:s24], $0x80, $0x38;
	[tilespmem:$0x3C00] =	vst v63  }
0x122: {  	s15 =	simm.s32 $0x2880  }
0x123: {  	[tilespmem:s15], [sflag:$0x1] =	stream.linear.gather [spmem:s25], $0x80, $0x38;
	[tilespmem:$0x3C00] =	vst v63  }
0x124: {  	s16 =	simm.s32 $0x2C80  }
0x125: {  	[tilespmem:s16], [sflag:$0x1] =	stream.linear.gather [spmem:s26], $0x80, $0x38;
	[tilespmem:$0x3C00] =	vst v63  }
0x126: {  	s12 =	simm.s32 $0x3080  }
0x127: {  	[tilespmem:s12], [sflag:$0x1] =	stream.linear.gather [spmem:s28], $0x80, $0x38;
	[tilespmem:$0x3C00] =	vst v63  }
0x128: {  	s13 =	rddreg [dreg:$0x1a];
	s14 =	simm.s32 $0x2100  }
0x129: {  	[tilespmem:s14], [sflag:$0x1] =	stream.linear.gather [spmem:s13], $0x80, $0x38;
	[tilespmem:$0x3C00] =	vst v63  }
0x12a: {  	s15 =	simm.s32 $0x2500  }
0x12b: {  	[tilespmem:s15], [sflag:$0x1] =	stream.linear.gather [spmem:s29], $0x80, $0x38;
	[tilespmem:$0x3C00] =	vst v63  }
0x12c: {  	s16 =	simm.s32 $0x2900  }
0x12d: {  	[tilespmem:s16], [sflag:$0x1] =	stream.linear.gather [spmem:s30], $0x80, $0x38;
	[tilespmem:$0x3C00] =	vst v63  }
0x12e: {  	s12 =	simm.s32 $0x2D00  }
0x12f: {  	[tilespmem:s12], [sflag:$0x1] =	stream.linear.gather [spmem:s31], $0x80, $0x38;
	[tilespmem:$0x3C00] =	vst v63  }
0x130: {  	s13 =	simm.s32 $0x3100  }
0x131: {  	[tilespmem:s13], [sflag:$0x1] =	stream.linear.gather [spmem:s0], $0x80, $0x38;
	[tilespmem:$0x3C00] =	vst v63  }
0x132: {  	s14 =	rddreg [dreg:$0x1b];
	s15 =	simm.s32 $0x2180  }
0x133: {  	[tilespmem:s15], [sflag:$0x1] =	stream.linear.gather [spmem:s14], $0x80, $0x38;
	[tilespmem:$0x3C00] =	vst v63  }
0x134: {  	s16 =	simm.s32 $0x2580  }
0x135: {  	[tilespmem:s16], [sflag:$0x1] =	stream.linear.gather [spmem:s3], $0x80, $0x38;
	[tilespmem:$0x3C00] =	vst v63  }
0x136: {  	s12 =	simm.s32 $0x2980  }
0x137: {  	[tilespmem:s12], [sflag:$0x1] =	stream.linear.gather [spmem:s5], $0x80, $0x38;
	[tilespmem:$0x3C00] =	vst v63  }
0x138: {  	s13 =	simm.s32 $0x2D80  }
0x139: {  	[tilespmem:s13], [sflag:$0x1] =	stream.linear.gather [spmem:s6], $0x80, $0x38;
	[tilespmem:$0x3C00] =	vst v63  }
0x13a: {  	s14 =	simm.s32 $0x3180  }
0x13b: {  	[tilespmem:s14], [sflag:$0x1] =	stream.linear.gather [spmem:s8], $0x80, $0x38;
	[tilespmem:$0x3C00] =	vst v63  }
0x13c: {  	_ =	swait.ge [sflag:s9], $0x280  }
0x13d: {  	[sflag:s9] =	ssyncset.done $0x0  }
0x13e: {  	[sflag:s9] =	ssyncadd.s32 $0xFFFFFD80  }
0x13f: {  	_ =	swait.ge [sflag:s9], $0x280  }
0x140: {  	[sflag:s9] =	ssyncset.done $0x0  }
0x141: {  	[sflag:s9] =	ssyncadd.s32 $0xFFFFFD80  }
0x142: {  	_ =	swait.ge [sflag:s9], $0x280  }
0x143: {  	[sflag:s9] =	ssyncset.done $0x0  }
0x144: {  	[sflag:s9] =	ssyncadd.s32 $0xFFFFFD80  }
0x145: {  	_ =	swait.ge [sflag:s9], $0x280  }
0x146: {  	[sflag:s9] =	ssyncset.done $0x0  }
0x147: {  	[sflag:s9] =	ssyncadd.s32 $0xFFFFFD80  }
0x148: {  	_ =	swait.ge [sflag:s9], $0x280  }
0x149: {  	[sflag:s9] =	ssyncset.done $0x0  }
0x14a: {  	[sflag:s9] =	ssyncadd.s32 $0xFFFFFD80  }
0x14b: {  	_ =	swait.ge [sflag:s9], $0x280  }
0x14c: {  	[sflag:s9] =	ssyncset.done $0x0  }
0x14d: {  	[sflag:s9] =	ssyncadd.s32 $0xFFFFFD80  }
0x14e: {  	_ =	swait.ge [sflag:s9], $0x280  }
0x14f: {  	[sflag:s9] =	ssyncset.done $0x0  }
0x150: {  	[sflag:s9] =	ssyncadd.s32 $0xFFFFFD80  }
0x151: {  	_ =	swait.ge [sflag:s9], $0x280  }
0x152: {  	[sflag:s9] =	ssyncset.done $0x0  }
0x153: {  	[sflag:s9] =	ssyncadd.s32 $0xFFFFFD80  }
0x154: {  	_ =	swait.ge [sflag:s9], $0x280  }
0x155: {  	[sflag:s9] =	ssyncset.done $0x0  }
0x156: {  	[sflag:s9] =	ssyncadd.s32 $0xFFFFFD80  }
0x157: {  	_ =	swait.ge [sflag:s9], $0x280  }
0x158: {  	[sflag:s9] =	ssyncset.done $0x0  }
0x159: {  	[sflag:s9] =	ssyncadd.s32 $0xFFFFFD80  }
0x15a: {  	_ =	swait.ge [sflag:s9], $0x280  }
0x15b: {  	[sflag:s9] =	ssyncset.done $0x0  }
0x15c: {  	[sflag:s9] =	ssyncadd.s32 $0xFFFFFD80  }
0x15d: {  	_ =	swait.ge [sflag:s9], $0x280  }
0x15e: {  	[sflag:s9] =	ssyncset.done $0x0  }
0x15f: {  	[sflag:s9] =	ssyncadd.s32 $0xFFFFFD80  }
0x160: {  	_ =	swait.ge [sflag:s9], $0x280  }
0x161: {  	[sflag:s9] =	ssyncset.done $0x0  }
0x162: {  	[sflag:s9] =	ssyncadd.s32 $0xFFFFFD80  }
0x163: {  	_ =	swait.ge [sflag:s9], $0x280  }
0x164: {  	[sflag:s9] =	ssyncset.done $0x0  }
0x165: {  	[sflag:s9] =	ssyncadd.s32 $0xFFFFFD80  }
0x166: {  	_ =	swait.ge [sflag:s9], $0x280  }
0x167: {  	[sflag:s9] =	ssyncset.done $0x0  }
0x168: {  	[sflag:s9] =	ssyncadd.s32 $0xFFFFFD80  }
0x169: {  	s15 =	simm.s32 $0x0;
	_ =	swait.ge [sflag:s9], $0x280  }
0x16a: {  	s7 =	sand.u32 $0x1C00, s15;
	s16 =	sand.u32 $0x70, s15;
	[sflag:s9] =	ssyncset.done $0x0  }
0x16b: {  	s13 =	sor.u32 s16, s7;
	[sflag:s9] =	ssyncadd.s32 $0xFFFFFD80  }
0x16c: {  	v4 =	vld [tilespmem:s13+$0xA00];
	_ =	sdelay $0x4  }
0x16d: {  	vm0 =	vge.s32 v4, v0;
	vm1 =	vlt.s32 v4, v1  }
0x16e: {  	v4 =	vsub.s32 v4, v0;
	vm0 =	vmand vm0, vm1  }
0x16f: {  	v4 =	vnsel vm0, $0x0, v4;
	_ =	sdelay $0x2  }
0x170: {  	s12 =	simm.s32 $0x10;
	s14 =	simm.s32 $0x80  }
0x171: {  	s15 =	sand.u32 $0x70, s12;
	s7 =	simm.s32 $0x20;
	s16 =	sand.u32 $0x1C00, s14  }
.LBB2_4:
0x172: {  	p0 =	sne.s32 s7, $0x270;
	s15 =	sor.u32 s15, s16;
	[tilespmem:v4+s10+$0x0] =	vst.idx.msk vm0, v3  }
0x173: {  	v4 =	vld [tilespmem:s15+$0xA00];
	_ =	sdelay $0x4  }
0x174: {  	vm0 =	vge.s32 v4, v0;
	vm1 =	vlt.s32 v4, v1  }
0x175: {  	v4 =	vsub.s32 v4, v0;
	vm0 =	vmand vm0, vm1  }
.Ltmp1:
0x176: {  	v4 =	vnsel vm0, $0x0, v4;
	(pc) =	sbr.rel @p0 .LBB2_4-.Ltmp1, $3  }
0x177: {  	_ =	sdelay $0x1  }
0x178: {  	s14 =	sadd.s32 $0x80, s14  }
0x179: {  	s15 =	sand.u32 $0x70, s7;
	s16 =	sand.u32 $0x1C00, s14;
	s7 =	sadd.s32 $0x10, s7  }
0x17a: {  	_ =	sdelay $0x4  }
0x17b: {  	s7 =	sor.u32 s15, s16;
	[tilespmem:v4+s10+$0x0] =	vst.idx.msk vm0, v3  }
0x17c: {  	v4 =	vld [tilespmem:s7+$0xA00];
	_ =	sdelay $0x4  }
0x17d: {  	vm0 =	vge.s32 v4, v0;
	vm1 =	vlt.s32 v4, v1  }
0x17e: {  	v4 =	vsub.s32 v4, v0;
	vm0 =	vmand vm0, vm1  }
0x17f: {  	v4 =	vnsel vm0, $0x0, v4;
	_ =	sdelay $0x4  }
0x180: {  	[tilespmem:v4+s10+$0x0] =	vst.idx.msk vm0, v3  }
0x181: {  	v4 =	vld [tilespmem:s13+$0xA80];
	_ =	sdelay $0x4  }
0x182: {  	vm0 =	vge.s32 v4, v0;
	vm1 =	vlt.s32 v4, v1  }
0x183: {  	v4 =	vsub.s32 v4, v0;
	vm0 =	vmand vm0, vm1  }
0x184: {  	v4 =	vnsel vm0, $0x0, v4;
	_ =	sdelay $0x2  }
0x185: {  	s13 =	simm.s32 $0x80  }
0x186: {  	s12 =	sand.u32 $0x70, s12;
	s7 =	simm.s32 $0x20;
	s14 =	sand.u32 $0x1C00, s13  }
.LBB2_6:
0x187: {  	p0 =	sne.s32 s7, $0x270;
	s12 =	sor.u32 s12, s14;
	[tilespmem:v4+s10+$0x0] =	vst.idx.msk vm0, v3  }
0x188: {  	v4 =	vld [tilespmem:s12+$0xA80];
	_ =	sdelay $0x4  }
0x189: {  	vm0 =	vge.s32 v4, v0;
	vm1 =	vlt.s32 v4, v1  }
0x18a: {  	v4 =	vsub.s32 v4, v0;
	vm0 =	vmand vm0, vm1  }
.Ltmp2:
0x18b: {  	v4 =	vnsel vm0, $0x0, v4;
	(pc) =	sbr.rel @p0 .LBB2_6-.Ltmp2, $3  }
0x18c: {  	_ =	sdelay $0x1  }
0x18d: {  	s13 =	sadd.s32 $0x80, s13  }
0x18e: {  	s12 =	sand.u32 $0x70, s7;
	s14 =	sand.u32 $0x1C00, s13;
	s7 =	sadd.s32 $0x10, s7  }
0x18f: {  	_ =	sdelay $0x4  }
0x190: {  	s7 =	sor.u32 s12, s14;
	[tilespmem:v4+s10+$0x0] =	vst.idx.msk vm0, v3  }
0x191: {  	v4 =	vld [tilespmem:s7+$0xA80];
	_ =	sdelay $0x4  }
0x192: {  	vm0 =	vge.s32 v4, v0;
	vm1 =	vlt.s32 v4, v1  }
0x193: {  	v4 =	vsub.s32 v4, v0;
	vm0 =	vmand vm0, vm1  }
0x194: {  	v4 =	vnsel vm0, $0x0, v4;
	_ =	sdelay $0x2  }
0x195: {  	s15 =	simm.s32 $0x0  }
0x196: {  	s16 =	sand.u32 $0x70, s15;
	s7 =	sand.u32 $0x1C00, s15  }
0x197: {  	s13 =	sor.u32 s16, s7;
	[tilespmem:v4+s10+$0x0] =	vst.idx.msk vm0, v3  }
0x198: {  	v4 =	vld [tilespmem:s13+$0xB00];
	_ =	sdelay $0x4  }
0x199: {  	vm0 =	vge.s32 v4, v0;
	vm1 =	vlt.s32 v4, v1  }
0x19a: {  	v4 =	vsub.s32 v4, v0;
	vm0 =	vmand vm0, vm1  }
0x19b: {  	v4 =	vnsel vm0, $0x0, v4;
	_ =	sdelay $0x2  }
0x19c: {  	s12 =	simm.s32 $0x10;
	s14 =	simm.s32 $0x80  }
0x19d: {  	s15 =	sand.u32 $0x70, s12;
	s16 =	sand.u32 $0x1C00, s14;
	s7 =	simm.s32 $0x20  }
.LBB2_8:
0x19e: {  	p0 =	sne.s32 s7, $0x270;
	s15 =	sor.u32 s15, s16;
	[tilespmem:v4+s10+$0x0] =	vst.idx.msk vm0, v3  }
0x19f: {  	v4 =	vld [tilespmem:s15+$0xB00];
	_ =	sdelay $0x4  }
0x1a0: {  	vm0 =	vge.s32 v4, v0;
	vm1 =	vlt.s32 v4, v1  }
0x1a1: {  	v4 =	vsub.s32 v4, v0;
	vm0 =	vmand vm0, vm1  }
.Ltmp3:
0x1a2: {  	v4 =	vnsel vm0, $0x0, v4;
	(pc) =	sbr.rel @p0 .LBB2_8-.Ltmp3, $3  }
0x1a3: {  	_ =	sdelay $0x1  }
0x1a4: {  	s14 =	sadd.s32 $0x80, s14  }
0x1a5: {  	s15 =	sand.u32 $0x70, s7;
	s16 =	sand.u32 $0x1C00, s14;
	s7 =	sadd.s32 $0x10, s7  }
0x1a6: {  	_ =	sdelay $0x4  }
0x1a7: {  	s7 =	sor.u32 s15, s16;
	[tilespmem:v4+s10+$0x0] =	vst.idx.msk vm0, v3  }
0x1a8: {  	v4 =	vld [tilespmem:s7+$0xB00];
	_ =	sdelay $0x4  }
0x1a9: {  	vm0 =	vge.s32 v4, v0;
	vm1 =	vlt.s32 v4, v1  }
0x1aa: {  	v4 =	vsub.s32 v4, v0;
	vm0 =	vmand vm0, vm1  }
0x1ab: {  	v4 =	vnsel vm0, $0x0, v4;
	_ =	sdelay $0x4  }
0x1ac: {  	[tilespmem:v4+s10+$0x0] =	vst.idx.msk vm0, v3  }
0x1ad: {  	v4 =	vld [tilespmem:s13+$0xB80];
	_ =	sdelay $0x4  }
0x1ae: {  	vm0 =	vge.s32 v4, v0;
	vm1 =	vlt.s32 v4, v1  }
0x1af: {  	v4 =	vsub.s32 v4, v0;
	vm0 =	vmand vm0, vm1  }
0x1b0: {  	v4 =	vnsel vm0, $0x0, v4;
	_ =	sdelay $0x2  }
0x1b1: {  	s13 =	simm.s32 $0x80  }
0x1b2: {  	s12 =	sand.u32 $0x70, s12;
	s7 =	simm.s32 $0x20;
	s14 =	sand.u32 $0x1C00, s13  }
.LBB2_10:
0x1b3: {  	p0 =	sne.s32 s7, $0x270;
	s12 =	sor.u32 s12, s14;
	[tilespmem:v4+s10+$0x0] =	vst.idx.msk vm0, v3  }
0x1b4: {  	v4 =	vld [tilespmem:s12+$0xB80];
	_ =	sdelay $0x4  }
0x1b5: {  	vm0 =	vge.s32 v4, v0;
	vm1 =	vlt.s32 v4, v1  }
0x1b6: {  	v4 =	vsub.s32 v4, v0;
	vm0 =	vmand vm0, vm1  }
.Ltmp4:
0x1b7: {  	v4 =	vnsel vm0, $0x0, v4;
	(pc) =	sbr.rel @p0 .LBB2_10-.Ltmp4, $3  }
0x1b8: {  	_ =	sdelay $0x1  }
0x1b9: {  	s13 =	sadd.s32 $0x80, s13  }
0x1ba: {  	s12 =	sand.u32 $0x70, s7;
	s14 =	sand.u32 $0x1C00, s13;
	s7 =	sadd.s32 $0x10, s7  }
0x1bb: {  	_ =	sdelay $0x4  }
0x1bc: {  	s7 =	sor.u32 s12, s14;
	[tilespmem:v4+s10+$0x0] =	vst.idx.msk vm0, v3  }
0x1bd: {  	v4 =	vld [tilespmem:s7+$0xB80];
	_ =	sdelay $0x4  }
0x1be: {  	vm0 =	vge.s32 v4, v0;
	vm1 =	vlt.s32 v4, v1  }
0x1bf: {  	v4 =	vsub.s32 v4, v0;
	vm0 =	vmand vm0, vm1  }
0x1c0: {  	v4 =	vnsel vm0, $0x0, v4;
	_ =	sdelay $0x2  }
0x1c1: {  	s15 =	simm.s32 $0x0  }
0x1c2: {  	s16 =	sand.u32 $0x70, s15;
	s7 =	sand.u32 $0x1C00, s15  }
0x1c3: {  	s13 =	sor.u32 s16, s7;
	[tilespmem:v4+s10+$0x0] =	vst.idx.msk vm0, v3  }
0x1c4: {  	v4 =	vld [tilespmem:s13+$0xC00];
	_ =	sdelay $0x4  }
0x1c5: {  	vm0 =	vge.s32 v4, v0;
	vm1 =	vlt.s32 v4, v1  }
0x1c6: {  	v4 =	vsub.s32 v4, v0;
	vm0 =	vmand vm0, vm1  }
0x1c7: {  	v4 =	vnsel vm0, $0x0, v4;
	_ =	sdelay $0x2  }
0x1c8: {  	s12 =	simm.s32 $0x10;
	s14 =	simm.s32 $0x80  }
0x1c9: {  	s15 =	sand.u32 $0x70, s12;
	s16 =	sand.u32 $0x1C00, s14;
	s7 =	simm.s32 $0x20  }
.LBB2_12:
0x1ca: {  	p0 =	sne.s32 s7, $0x270;
	s15 =	sor.u32 s15, s16;
	[tilespmem:v4+s10+$0x0] =	vst.idx.msk vm0, v3  }
0x1cb: {  	v4 =	vld [tilespmem:s15+$0xC00];
	_ =	sdelay $0x4  }
0x1cc: {  	vm0 =	vge.s32 v4, v0;
	vm1 =	vlt.s32 v4, v1  }
0x1cd: {  	v4 =	vsub.s32 v4, v0;
	vm0 =	vmand vm0, vm1  }
.Ltmp5:
0x1ce: {  	v4 =	vnsel vm0, $0x0, v4;
	(pc) =	sbr.rel @p0 .LBB2_12-.Ltmp5, $3  }
0x1cf: {  	_ =	sdelay $0x1  }
0x1d0: {  	s14 =	sadd.s32 $0x80, s14  }
0x1d1: {  	s15 =	sand.u32 $0x70, s7;
	s16 =	sand.u32 $0x1C00, s14;
	s7 =	sadd.s32 $0x10, s7  }
0x1d2: {  	_ =	sdelay $0x4  }
0x1d3: {  	s7 =	sor.u32 s15, s16;
	[tilespmem:v4+s10+$0x0] =	vst.idx.msk vm0, v3  }
0x1d4: {  	v4 =	vld [tilespmem:s7+$0xC00];
	_ =	sdelay $0x4  }
0x1d5: {  	vm0 =	vge.s32 v4, v0;
	vm1 =	vlt.s32 v4, v1  }
0x1d6: {  	v4 =	vsub.s32 v4, v0;
	vm0 =	vmand vm0, vm1  }
0x1d7: {  	v4 =	vnsel vm0, $0x0, v4;
	_ =	sdelay $0x4  }
0x1d8: {  	[tilespmem:v4+s10+$0x0] =	vst.idx.msk vm0, v3  }
0x1d9: {  	v4 =	vld [tilespmem:s13+$0xC80];
	_ =	sdelay $0x4  }
0x1da: {  	vm0 =	vge.s32 v4, v0;
	vm1 =	vlt.s32 v4, v1  }
0x1db: {  	v4 =	vsub.s32 v4, v0;
	vm0 =	vmand vm0, vm1  }
0x1dc: {  	v4 =	vnsel vm0, $0x0, v4;
	_ =	sdelay $0x2  }
0x1dd: {  	s13 =	simm.s32 $0x80  }
0x1de: {  	s12 =	sand.u32 $0x70, s12;
	s7 =	simm.s32 $0x20;
	s14 =	sand.u32 $0x1C00, s13  }
.LBB2_14:
0x1df: {  	p0 =	sne.s32 s7, $0x270;
	s12 =	sor.u32 s12, s14;
	[tilespmem:v4+s10+$0x0] =	vst.idx.msk vm0, v3  }
0x1e0: {  	v4 =	vld [tilespmem:s12+$0xC80];
	_ =	sdelay $0x4  }
0x1e1: {  	vm0 =	vge.s32 v4, v0;
	vm1 =	vlt.s32 v4, v1  }
0x1e2: {  	v4 =	vsub.s32 v4, v0;
	vm0 =	vmand vm0, vm1  }
.Ltmp6:
0x1e3: {  	v4 =	vnsel vm0, $0x0, v4;
	(pc) =	sbr.rel @p0 .LBB2_14-.Ltmp6, $3  }
0x1e4: {  	_ =	sdelay $0x1  }
0x1e5: {  	s13 =	sadd.s32 $0x80, s13  }
0x1e6: {  	s12 =	sand.u32 $0x70, s7;
	s14 =	sand.u32 $0x1C00, s13;
	s7 =	sadd.s32 $0x10, s7  }
0x1e7: {  	_ =	sdelay $0x4  }
0x1e8: {  	s7 =	sor.u32 s12, s14;
	[tilespmem:v4+s10+$0x0] =	vst.idx.msk vm0, v3  }
0x1e9: {  	v4 =	vld [tilespmem:s7+$0xC80];
	_ =	sdelay $0x4  }
0x1ea: {  	vm0 =	vge.s32 v4, v0;
	vm1 =	vlt.s32 v4, v1  }
0x1eb: {  	v4 =	vsub.s32 v4, v0;
	vm0 =	vmand vm0, vm1  }
0x1ec: {  	v4 =	vnsel vm0, $0x0, v4;
	_ =	sdelay $0x2  }
0x1ed: {  	s13 =	simm.s32 $0x0  }
0x1ee: {  	s15 =	sand.u32 $0x70, s13;
	s16 =	sand.u32 $0x1C00, s13  }
0x1ef: {  	s7 =	sor.u32 s15, s16;
	[tilespmem:v4+s10+$0x0] =	vst.idx.msk vm0, v3  }
0x1f0: {  	v4 =	vld [tilespmem:s7+$0xD00];
	_ =	sdelay $0x4  }
0x1f1: {  	vm0 =	vge.s32 v4, v0;
	vm1 =	vlt.s32 v4, v1  }
0x1f2: {  	v4 =	vsub.s32 v4, v0;
	vm0 =	vmand vm0, vm1  }
0x1f3: {  	v4 =	vnsel vm0, $0x0, v4;
	_ =	sdelay $0x2  }
0x1f4: {  	s12 =	simm.s32 $0x10;
	s14 =	simm.s32 $0x80  }
0x1f5: {  	s15 =	sand.u32 $0x70, s12;
	s16 =	sand.u32 $0x1C00, s14;
	s7 =	simm.s32 $0x20  }
.LBB2_16:
0x1f6: {  	p0 =	sne.s32 s7, $0x270;
	s15 =	sor.u32 s15, s16;
	[tilespmem:v4+s10+$0x0] =	vst.idx.msk vm0, v3  }
0x1f7: {  	v4 =	vld [tilespmem:s15+$0xD00];
	_ =	sdelay $0x4  }
0x1f8: {  	vm0 =	vge.s32 v4, v0;
	vm1 =	vlt.s32 v4, v1  }
0x1f9: {  	v4 =	vsub.s32 v4, v0;
	vm0 =	vmand vm0, vm1  }
.Ltmp7:
0x1fa: {  	v4 =	vnsel vm0, $0x0, v4;
	(pc) =	sbr.rel @p0 .LBB2_16-.Ltmp7, $3  }
0x1fb: {  	_ =	sdelay $0x1  }
0x1fc: {  	s14 =	sadd.s32 $0x80, s14  }
0x1fd: {  	s15 =	sand.u32 $0x70, s7;
	s16 =	sand.u32 $0x1C00, s14;
	s7 =	sadd.s32 $0x10, s7  }
0x1fe: {  	_ =	sdelay $0x4  }
0x1ff: {  	s7 =	sor.u32 s15, s16;
	[tilespmem:v4+s10+$0x0] =	vst.idx.msk vm0, v3  }
0x200: {  	v4 =	vld [tilespmem:s7+$0xD00];
	_ =	sdelay $0x4  }
0x201: {  	vm0 =	vge.s32 v4, v0;
	vm1 =	vlt.s32 v4, v1  }
0x202: {  	v4 =	vsub.s32 v4, v0;
	vm0 =	vmand vm0, vm1  }
0x203: {  	v4 =	vnsel vm0, $0x0, v4;
	_ =	sdelay $0x3  }
0x204: {  	s16 =	sor.u32 s13, s13  }
0x205: {  	s7 =	sor.u32 $0x380, s16;
	[tilespmem:v4+s10+$0x0] =	vst.idx.msk vm0, v3  }
0x206: {  	v4 =	vld [tilespmem:s7+$0xA00];
	_ =	sdelay $0x4  }
0x207: {  	vm0 =	vge.s32 v4, v0;
	vm1 =	vlt.s32 v4, v1  }
0x208: {  	v4 =	vsub.s32 v4, v0;
	vm0 =	vmand vm0, vm1  }
0x209: {  	v4 =	vnsel vm0, $0x0, v4;
	_ =	sdelay $0x2  }
0x20a: {  	s13 =	simm.s32 $0x80  }
0x20b: {  	s12 =	sor.u32 s13, s12;
	s7 =	simm.s32 $0x20  }
.LBB2_18:
0x20c: {  	p0 =	sne.s32 s7, $0x270;
	s12 =	sor.u32 $0x380, s12;
	[tilespmem:v4+s10+$0x0] =	vst.idx.msk vm0, v3  }
0x20d: {  	v4 =	vld [tilespmem:s12+$0xA00];
	_ =	sdelay $0x4  }
0x20e: {  	vm0 =	vge.s32 v4, v0;
	vm1 =	vlt.s32 v4, v1  }
0x20f: {  	v4 =	vsub.s32 v4, v0;
	vm0 =	vmand vm0, vm1  }
.Ltmp8:
0x210: {  	v4 =	vnsel vm0, $0x0, v4;
	(pc) =	sbr.rel @p0 .LBB2_18-.Ltmp8, $3  }
0x211: {  	_ =	sdelay $0x1  }
0x212: {  	s13 =	sadd.s32 $0x80, s13  }
0x213: {  	s12 =	sor.u32 s13, s7;
	s7 =	sadd.s32 $0x10, s7  }
0x214: {  	_ =	sdelay $0x4  }
0x215: {  	s7 =	sor.u32 $0x380, s12;
	[tilespmem:v4+s10+$0x0] =	vst.idx.msk vm0, v3  }
0x216: {  	v4 =	vld [tilespmem:s7+$0xA00];
	_ =	sdelay $0x4  }
0x217: {  	vm0 =	vge.s32 v4, v0;
	vm1 =	vlt.s32 v4, v1  }
0x218: {  	v4 =	vsub.s32 v4, v0;
	vm0 =	vmand vm0, vm1  }
0x219: {  	v4 =	vnsel vm0, $0x0, v4;
	_ =	sdelay $0x2  }
0x21a: {  	s15 =	simm.s32 $0x0  }
0x21b: {  	s16 =	sand.u32 $0x70, s15;
	s7 =	sand.u32 $0x1C00, s15  }
0x21c: {  	s13 =	sor.u32 s16, s7;
	[tilespmem:v4+s10+$0x0] =	vst.idx.msk vm0, v3  }
0x21d: {  	v4 =	vld [tilespmem:s13+$0x1E00];
	_ =	sdelay $0x4  }
0x21e: {  	vm0 =	vge.s32 v4, v0;
	vm1 =	vlt.s32 v4, v1  }
0x21f: {  	v4 =	vsub.s32 v4, v0;
	vm0 =	vmand vm0, vm1  }
0x220: {  	v4 =	vnsel vm0, $0x0, v4;
	_ =	sdelay $0x2  }
0x221: {  	s12 =	simm.s32 $0x10;
	s14 =	simm.s32 $0x80  }
0x222: {  	s15 =	sand.u32 $0x70, s12;
	s16 =	sand.u32 $0x1C00, s14;
	s7 =	simm.s32 $0x20  }
.LBB2_20:
0x223: {  	p0 =	sne.s32 s7, $0x270;
	s15 =	sor.u32 s15, s16;
	[tilespmem:v4+s10+$0x0] =	vst.idx.msk vm0, v3  }
0x224: {  	v4 =	vld [tilespmem:s15+$0x1E00];
	_ =	sdelay $0x4  }
0x225: {  	vm0 =	vge.s32 v4, v0;
	vm1 =	vlt.s32 v4, v1  }
0x226: {  	v4 =	vsub.s32 v4, v0;
	vm0 =	vmand vm0, vm1  }
.Ltmp9:
0x227: {  	v4 =	vnsel vm0, $0x0, v4;
	(pc) =	sbr.rel @p0 .LBB2_20-.Ltmp9, $3  }
0x228: {  	_ =	sdelay $0x1  }
0x229: {  	s14 =	sadd.s32 $0x80, s14  }
0x22a: {  	s15 =	sand.u32 $0x70, s7;
	s16 =	sand.u32 $0x1C00, s14;
	s7 =	sadd.s32 $0x10, s7  }
0x22b: {  	_ =	sdelay $0x4  }
0x22c: {  	s7 =	sor.u32 s15, s16;
	[tilespmem:v4+s10+$0x0] =	vst.idx.msk vm0, v3  }
0x22d: {  	v4 =	vld [tilespmem:s7+$0x1E00];
	_ =	sdelay $0x4  }
0x22e: {  	vm0 =	vge.s32 v4, v0;
	vm1 =	vlt.s32 v4, v1  }
0x22f: {  	v4 =	vsub.s32 v4, v0;
	vm0 =	vmand vm0, vm1  }
0x230: {  	v4 =	vnsel vm0, $0x0, v4;
	_ =	sdelay $0x4  }
0x231: {  	[tilespmem:v4+s10+$0x0] =	vst.idx.msk vm0, v3  }
0x232: {  	v4 =	vld [tilespmem:s13+$0x1E80];
	_ =	sdelay $0x4  }
0x233: {  	vm0 =	vge.s32 v4, v0;
	vm1 =	vlt.s32 v4, v1  }
0x234: {  	v4 =	vsub.s32 v4, v0;
	vm0 =	vmand vm0, vm1  }
0x235: {  	v4 =	vnsel vm0, $0x0, v4;
	_ =	sdelay $0x2  }
0x236: {  	s13 =	simm.s32 $0x80  }
0x237: {  	s12 =	sand.u32 $0x70, s12;
	s7 =	simm.s32 $0x20;
	s14 =	sand.u32 $0x1C00, s13  }
.LBB2_22:
0x238: {  	p0 =	sne.s32 s7, $0x270;
	s12 =	sor.u32 s12, s14;
	[tilespmem:v4+s10+$0x0] =	vst.idx.msk vm0, v3  }
0x239: {  	v4 =	vld [tilespmem:s12+$0x1E80];
	_ =	sdelay $0x4  }
0x23a: {  	vm0 =	vge.s32 v4, v0;
	vm1 =	vlt.s32 v4, v1  }
0x23b: {  	v4 =	vsub.s32 v4, v0;
	vm0 =	vmand vm0, vm1  }
.Ltmp10:
0x23c: {  	v4 =	vnsel vm0, $0x0, v4;
	(pc) =	sbr.rel @p0 .LBB2_22-.Ltmp10, $3  }
0x23d: {  	_ =	sdelay $0x1  }
0x23e: {  	s13 =	sadd.s32 $0x80, s13  }
0x23f: {  	s12 =	sand.u32 $0x70, s7;
	s14 =	sand.u32 $0x1C00, s13;
	s7 =	sadd.s32 $0x10, s7  }
0x240: {  	_ =	sdelay $0x4  }
0x241: {  	s7 =	sor.u32 s12, s14;
	[tilespmem:v4+s10+$0x0] =	vst.idx.msk vm0, v3  }
0x242: {  	v4 =	vld [tilespmem:s7+$0x1E80];
	_ =	sdelay $0x4  }
0x243: {  	vm0 =	vge.s32 v4, v0;
	vm1 =	vlt.s32 v4, v1  }
0x244: {  	v4 =	vsub.s32 v4, v0;
	vm0 =	vmand vm0, vm1  }
0x245: {  	v4 =	vnsel vm0, $0x0, v4;
	_ =	sdelay $0x2  }
0x246: {  	s15 =	simm.s32 $0x0  }
0x247: {  	s16 =	sand.u32 $0x70, s15;
	s7 =	sand.u32 $0x1C00, s15  }
0x248: {  	s13 =	sor.u32 s16, s7;
	[tilespmem:v4+s10+$0x0] =	vst.idx.msk vm0, v3  }
0x249: {  	v4 =	vld [tilespmem:s13+$0x1F00];
	_ =	sdelay $0x4  }
0x24a: {  	vm0 =	vge.s32 v4, v0;
	vm1 =	vlt.s32 v4, v1  }
0x24b: {  	v4 =	vsub.s32 v4, v0;
	vm0 =	vmand vm0, vm1  }
0x24c: {  	v4 =	vnsel vm0, $0x0, v4;
	_ =	sdelay $0x2  }
0x24d: {  	s12 =	simm.s32 $0x10;
	s14 =	simm.s32 $0x80  }
0x24e: {  	s15 =	sand.u32 $0x70, s12;
	s16 =	sand.u32 $0x1C00, s14;
	s7 =	simm.s32 $0x20  }
.LBB2_24:
0x24f: {  	p0 =	sne.s32 s7, $0x270;
	s15 =	sor.u32 s15, s16;
	[tilespmem:v4+s10+$0x0] =	vst.idx.msk vm0, v3  }
0x250: {  	v4 =	vld [tilespmem:s15+$0x1F00];
	_ =	sdelay $0x4  }
0x251: {  	vm0 =	vge.s32 v4, v0;
	vm1 =	vlt.s32 v4, v1  }
0x252: {  	v4 =	vsub.s32 v4, v0;
	vm0 =	vmand vm0, vm1  }
.Ltmp11:
0x253: {  	v4 =	vnsel vm0, $0x0, v4;
	(pc) =	sbr.rel @p0 .LBB2_24-.Ltmp11, $3  }
0x254: {  	_ =	sdelay $0x1  }
0x255: {  	s14 =	sadd.s32 $0x80, s14  }
0x256: {  	s15 =	sand.u32 $0x70, s7;
	s16 =	sand.u32 $0x1C00, s14;
	s7 =	sadd.s32 $0x10, s7  }
0x257: {  	_ =	sdelay $0x4  }
0x258: {  	s7 =	sor.u32 s15, s16;
	[tilespmem:v4+s10+$0x0] =	vst.idx.msk vm0, v3  }
0x259: {  	v4 =	vld [tilespmem:s7+$0x1F00];
	_ =	sdelay $0x4  }
0x25a: {  	vm0 =	vge.s32 v4, v0;
	vm1 =	vlt.s32 v4, v1  }
0x25b: {  	v4 =	vsub.s32 v4, v0;
	vm0 =	vmand vm0, vm1  }
0x25c: {  	v4 =	vnsel vm0, $0x0, v4;
	_ =	sdelay $0x4  }
0x25d: {  	[tilespmem:v4+s10+$0x0] =	vst.idx.msk vm0, v3  }
0x25e: {  	v4 =	vld [tilespmem:s13+$0x1F80];
	_ =	sdelay $0x4  }
0x25f: {  	vm0 =	vge.s32 v4, v0;
	vm1 =	vlt.s32 v4, v1  }
0x260: {  	v4 =	vsub.s32 v4, v0;
	vm0 =	vmand vm0, vm1  }
0x261: {  	v4 =	vnsel vm0, $0x0, v4;
	_ =	sdelay $0x2  }
0x262: {  	s13 =	simm.s32 $0x80  }
0x263: {  	s12 =	sand.u32 $0x70, s12;
	s7 =	simm.s32 $0x20;
	s14 =	sand.u32 $0x1C00, s13  }
.LBB2_26:
0x264: {  	p0 =	sne.s32 s7, $0x270;
	s12 =	sor.u32 s12, s14;
	[tilespmem:v4+s10+$0x0] =	vst.idx.msk vm0, v3  }
0x265: {  	v4 =	vld [tilespmem:s12+$0x1F80];
	_ =	sdelay $0x4  }
0x266: {  	vm0 =	vge.s32 v4, v0;
	vm1 =	vlt.s32 v4, v1  }
0x267: {  	v4 =	vsub.s32 v4, v0;
	vm0 =	vmand vm0, vm1  }
.Ltmp12:
0x268: {  	v4 =	vnsel vm0, $0x0, v4;
	(pc) =	sbr.rel @p0 .LBB2_26-.Ltmp12, $3  }
0x269: {  	_ =	sdelay $0x1  }
0x26a: {  	s13 =	sadd.s32 $0x80, s13  }
0x26b: {  	s12 =	sand.u32 $0x70, s7;
	s14 =	sand.u32 $0x1C00, s13;
	s7 =	sadd.s32 $0x10, s7  }
0x26c: {  	_ =	sdelay $0x4  }
0x26d: {  	s7 =	sor.u32 s12, s14;
	[tilespmem:v4+s10+$0x0] =	vst.idx.msk vm0, v3  }
0x26e: {  	v4 =	vld [tilespmem:s7+$0x1F80];
	_ =	sdelay $0x4  }
0x26f: {  	vm0 =	vge.s32 v4, v0;
	vm1 =	vlt.s32 v4, v1  }
0x270: {  	v4 =	vsub.s32 v4, v0;
	vm0 =	vmand vm0, vm1  }
0x271: {  	v4 =	vnsel vm0, $0x0, v4;
	_ =	sdelay $0x2  }
0x272: {  	s15 =	simm.s32 $0x0  }
0x273: {  	s16 =	sand.u32 $0x70, s15;
	s7 =	sand.u32 $0x1C00, s15  }
0x274: {  	s13 =	sor.u32 s16, s7;
	[tilespmem:v4+s10+$0x0] =	vst.idx.msk vm0, v3  }
0x275: {  	v4 =	vld [tilespmem:s13+$0x2000];
	_ =	sdelay $0x4  }
0x276: {  	vm0 =	vge.s32 v4, v0;
	vm1 =	vlt.s32 v4, v1  }
0x277: {  	v4 =	vsub.s32 v4, v0;
	vm0 =	vmand vm0, vm1  }
0x278: {  	v4 =	vnsel vm0, $0x0, v4;
	_ =	sdelay $0x2  }
0x279: {  	s12 =	simm.s32 $0x10;
	s14 =	simm.s32 $0x80  }
0x27a: {  	s15 =	sand.u32 $0x70, s12;
	s16 =	sand.u32 $0x1C00, s14;
	s7 =	simm.s32 $0x20  }
.LBB2_28:
0x27b: {  	p0 =	sne.s32 s7, $0x270;
	s15 =	sor.u32 s15, s16;
	[tilespmem:v4+s10+$0x0] =	vst.idx.msk vm0, v3  }
0x27c: {  	v4 =	vld [tilespmem:s15+$0x2000];
	_ =	sdelay $0x4  }
0x27d: {  	vm0 =	vge.s32 v4, v0;
	vm1 =	vlt.s32 v4, v1  }
0x27e: {  	v4 =	vsub.s32 v4, v0;
	vm0 =	vmand vm0, vm1  }
.Ltmp13:
0x27f: {  	v4 =	vnsel vm0, $0x0, v4;
	(pc) =	sbr.rel @p0 .LBB2_28-.Ltmp13, $3  }
0x280: {  	_ =	sdelay $0x1  }
0x281: {  	s14 =	sadd.s32 $0x80, s14  }
0x282: {  	s15 =	sand.u32 $0x70, s7;
	s16 =	sand.u32 $0x1C00, s14;
	s7 =	sadd.s32 $0x10, s7  }
0x283: {  	_ =	sdelay $0x4  }
0x284: {  	s7 =	sor.u32 s15, s16;
	[tilespmem:v4+s10+$0x0] =	vst.idx.msk vm0, v3  }
0x285: {  	v4 =	vld [tilespmem:s7+$0x2000];
	_ =	sdelay $0x4  }
0x286: {  	vm0 =	vge.s32 v4, v0;
	vm1 =	vlt.s32 v4, v1  }
0x287: {  	v4 =	vsub.s32 v4, v0;
	vm0 =	vmand vm0, vm1  }
0x288: {  	v4 =	vnsel vm0, $0x0, v4;
	_ =	sdelay $0x4  }
0x289: {  	[tilespmem:v4+s10+$0x0] =	vst.idx.msk vm0, v3  }
0x28a: {  	v4 =	vld [tilespmem:s13+$0x2080];
	_ =	sdelay $0x4  }
0x28b: {  	vm0 =	vge.s32 v4, v0;
	vm1 =	vlt.s32 v4, v1  }
0x28c: {  	v4 =	vsub.s32 v4, v0;
	vm0 =	vmand vm0, vm1  }
0x28d: {  	v4 =	vnsel vm0, $0x0, v4;
	_ =	sdelay $0x2  }
0x28e: {  	s13 =	simm.s32 $0x80  }
0x28f: {  	s12 =	sand.u32 $0x70, s12;
	s7 =	simm.s32 $0x20;
	s14 =	sand.u32 $0x1C00, s13  }
.LBB2_30:
0x290: {  	p0 =	sne.s32 s7, $0x270;
	s12 =	sor.u32 s12, s14;
	[tilespmem:v4+s10+$0x0] =	vst.idx.msk vm0, v3  }
0x291: {  	v4 =	vld [tilespmem:s12+$0x2080];
	_ =	sdelay $0x4  }
0x292: {  	vm0 =	vge.s32 v4, v0;
	vm1 =	vlt.s32 v4, v1  }
0x293: {  	v4 =	vsub.s32 v4, v0;
	vm0 =	vmand vm0, vm1  }
.Ltmp14:
0x294: {  	v4 =	vnsel vm0, $0x0, v4;
	(pc) =	sbr.rel @p0 .LBB2_30-.Ltmp14, $3  }
0x295: {  	_ =	sdelay $0x1  }
0x296: {  	s13 =	sadd.s32 $0x80, s13  }
0x297: {  	s12 =	sand.u32 $0x70, s7;
	s14 =	sand.u32 $0x1C00, s13;
	s7 =	sadd.s32 $0x10, s7  }
0x298: {  	_ =	sdelay $0x4  }
0x299: {  	s7 =	sor.u32 s12, s14;
	[tilespmem:v4+s10+$0x0] =	vst.idx.msk vm0, v3  }
0x29a: {  	v4 =	vld [tilespmem:s7+$0x2080];
	_ =	sdelay $0x4  }
0x29b: {  	vm0 =	vge.s32 v4, v0;
	vm1 =	vlt.s32 v4, v1  }
0x29c: {  	v4 =	vsub.s32 v4, v0;
	vm0 =	vmand vm0, vm1  }
0x29d: {  	v4 =	vnsel vm0, $0x0, v4;
	_ =	sdelay $0x2  }
0x29e: {  	s12 =	simm.s32 $0x0  }
0x29f: {  	s15 =	sand.u32 $0x70, s12;
	s13 =	sand.u32 $0x1C00, s12  }
0x2a0: {  	s7 =	sor.u32 s15, s13;
	[tilespmem:v4+s10+$0x0] =	vst.idx.msk vm0, v3  }
0x2a1: {  	v4 =	vld [tilespmem:s7+$0x2100];
	_ =	sdelay $0x4  }
0x2a2: {  	vm0 =	vge.s32 v4, v0;
	vm1 =	vlt.s32 v4, v1  }
0x2a3: {  	v4 =	vsub.s32 v4, v0;
	vm0 =	vmand vm0, vm1  }
0x2a4: {  	v4 =	vnsel vm0, $0x0, v4;
	_ =	sdelay $0x2  }
0x2a5: {  	s16 =	simm.s32 $0x10;
	s13 =	simm.s32 $0x80  }
0x2a6: {  	s14 =	sand.u32 $0x70, s16;
	s15 =	sand.u32 $0x1C00, s13;
	s7 =	simm.s32 $0x20  }
.LBB2_32:
0x2a7: {  	p0 =	sne.s32 s7, $0x270;
	s14 =	sor.u32 s14, s15;
	[tilespmem:v4+s10+$0x0] =	vst.idx.msk vm0, v3  }
0x2a8: {  	v4 =	vld [tilespmem:s14+$0x2100];
	_ =	sdelay $0x4  }
0x2a9: {  	vm0 =	vge.s32 v4, v0;
	vm1 =	vlt.s32 v4, v1  }
0x2aa: {  	v4 =	vsub.s32 v4, v0;
	vm0 =	vmand vm0, vm1  }
.Ltmp15:
0x2ab: {  	v4 =	vnsel vm0, $0x0, v4;
	(pc) =	sbr.rel @p0 .LBB2_32-.Ltmp15, $3  }
0x2ac: {  	_ =	sdelay $0x1  }
0x2ad: {  	s13 =	sadd.s32 $0x80, s13  }
0x2ae: {  	s14 =	sand.u32 $0x70, s7;
	s15 =	sand.u32 $0x1C00, s13;
	s7 =	sadd.s32 $0x10, s7  }
0x2af: {  	_ =	sdelay $0x4  }
0x2b0: {  	s7 =	sor.u32 s14, s15;
	[tilespmem:v4+s10+$0x0] =	vst.idx.msk vm0, v3  }
0x2b1: {  	v4 =	vld [tilespmem:s7+$0x2100];
	_ =	sdelay $0x4  }
0x2b2: {  	vm15 =	vge.s32 v4, v0;
	vm1 =	vlt.s32 v4, v1  }
0x2b3: {  	v4 =	vsub.s32 v4, v0;
	vm0 =	vmand vm15, vm1  }
0x2b4: {  	v4 =	vnsel vm0, $0x0, v4;
	_ =	sdelay $0x4  }
0x2b5: {  	s7 =	simm.s32 $0x0;
	[tilespmem:v4+s10+$0x0] =	vst.idx.msk vm0, v3  }
.LBB2_34:
0x2b6: {  	s13 =	sand.u32 $0x70, s7;
	s14 =	sand.u32 $0x1C00, s12  }
0x2b7: {  	s13 =	sor.u32 s13, s14  }
0x2b8: {  	v4 =	vld [tilespmem:s13+$0x2180];
	_ =	sdelay $0x4  }
0x2b9: {  	vm0 =	vge.s32 v4, v0;
	vm1 =	vlt.s32 v4, v1  }
0x2ba: {  	v4 =	vsub.s32 v4, v0;
	vm0 =	vmand vm0, vm1  }
0x2bb: {  	p0 =	sne.s32 s7, $0x270;
	v4 =	vnsel vm0, $0x0, v4  }
.Ltmp16:
0x2bc: {  	_ = 	snop;
	(pc) =	sbr.rel @p0 .LBB2_34-.Ltmp16, $2  }
0x2bd: {  	_ =	sdelay $0x2  }
0x2be: {  	s12 =	sadd.s32 $0x80, s12;
	s7 =	sadd.s32 $0x10, s7;
	[tilespmem:v4+s10+$0x0] =	vst.idx.msk vm0, v3  }
0x2bf: {  	s12 =	simm.s32 $0x0  }
0x2c0: {  	v6 =	vld [tilespmem:s12+$0x3500]  }
0x2c1: {  	v7 =	vld [tilespmem:s12+$0x3200]  }
0x2c2: {  	v8 =	vld [tilespmem:s12+$0x3380]  }
0x2c3: {  	v9 =	vld [tilespmem:s12+$0x3680];
	_ =	sdelay $0x1  }
0x2c4: {  	s13 =	simm.s32 $0x10  }
0x2c5: {  	v4 =	vld [tilespmem:s13+$0x3500]  }
0x2c6: {  	v5 =	vld [tilespmem:s13+$0x3200];
	vm0 =	vlt.s32 v7, v8  }
0x2c7: {  	v7 =	vsel vm0, v7, v8;
	v8 =	vor.u32 v6, v9;
	v6 =	vld [tilespmem:s13+$0x3380]  }
0x2c8: {  	vm0 =	vlt.s32 v7, $0x2710;
	vm1 =	vne.s32 v8, $0x0;
	v7 =	vld [tilespmem:s13+$0x3680]  }
0x2c9: {  	s14 =	simm.s32 $0x80;
	vm0 =	vmand vm0, vm1  }
.LBB2_36:
0x2ca: {  	s7 =	sshra.s32 s14, $0x2;
	v10 =	vsel vm0, $0x1, v2;
	v9 =	vmov v4;
	p0 =	sne.s32 s14, $0x4C0  }
.Ltmp17:
0x2cb: {  	v4 =	vld [tilespmem:s7+$0x3500];
	[tilespmem:s12+$0x3800] =	vst v10;
	v8 =	vmov v5;
	s12 =	smov.u32 s13;
	s13 =	smov.u32 s7;
	(pc) =	sbr.rel @p0 .LBB2_36-.Ltmp17, $4  }
0x2cc: {  	s14 =	sadd.s32 $0x40, s14;
	v5 =	vld [tilespmem:s13+$0x3200];
	vm0 =	vlt.s32 v8, v6  }
0x2cd: {  	v8 =	vsel vm0, v8, v6;
	v6 =	vld [tilespmem:s13+$0x3380];
	v9 =	vor.u32 v9, v7  }
0x2ce: {  	v7 =	vld [tilespmem:s13+$0x3680];
	vm0 =	vlt.s32 v8, $0x2710;
	vm1 =	vne.s32 v9, $0x0  }
0x2cf: {  	vm0 =	vmand vm0, vm1  }
0x2d0: {  	_ =	sdelay $0x1  }
0x2d1: {  	vm1 =	vlt.s32 v5, v6  }
0x2d2: {  	v5 =	vsel vm1, v5, v6;
	v4 =	vor.u32 v4, v7  }
0x2d3: {  	vm1 =	vlt.s32 v5, $0x2710;
	vm2 =	vne.s32 v4, $0x0  }
0x2d4: {  	v4 =	vsel vm0, $0x1, v2;
	vm15 =	vmand vm1, vm2  }
0x2d5: {  	[tilespmem:s12+$0x3800] =	vst v4;
	v4 =	vsel vm15, $0x1, v2  }
0x2d6: {  	s7 =	rddreg [dreg:$0x16];
	s15 =	simm.s32 $0x3800;
	[tilespmem:s13+$0x3800] =	vst v4  }
0x2d7: {  	[hbm4b:s7+s2] =	stream.linear.scatter [tilespmem:s15], [sflag:$0x2], $0x140, $0x38;
	[tilespmem:$0x3C00] =	vst v63  }
0x2d8: {  	_ =	swait.ge [sflag:s4], $0x140  }
0x2d9: {  	s11 =	sadd.s32 $0x1, s11;
	s16 =	rddreg [dreg:$0x18]  }
0x2da: {  	p0 =	sne.s32 s11, s16  }
.Ltmp18:
0x2db: {  	_ = 	snop;
	(pc) =	sbr.rel @p0 .LBB2_1-.Ltmp18, $3  }
0x2dc: {  	_ =	sdelay $0x1  }
0x2dd: {  	[sflag:s4] =	ssyncset.done $0x0  }
0x2de: {  	[sflag:s4] =	ssyncadd.s32 $0xFFFFFEC0  }
0x2df: {  	_ =	sfence.sel $0x180000  }
0x2e0: {  	[bflag:$0x0] =	sbarrier.arrive $0xFFFF  }
0x2e1: {  	_ =	strace $0x9000004A  }
0x2e2: {  	s0 =	stileid.u32;
	[bflag:$0x2] =	sbarrier.arrive $0xFFFF  }
0x2e3: {  	p0 =	sne.s32 s0, $0x0;
	s0 =	rddreg [dreg:$0x3]  }
0x2e4: {  	s0 =	sadd.s32 @!p0 $0x100000, s0  }
0x2e5: {  	[sflag:s0] =	ssyncadd.tile.s32 @!p0 $0x1;
	_ =	shalt  }
.Lfunc_end2:
_tile_overlayer_lowered:
.L_overlay_start_2:
0x2e6: {  	(tag) =	ssettag $0x2  }
0x2e7: {  	s0 =	rddreg [dreg:$0x0];
	s2 =	stileid.u32  }
0x2e8: {  	s1 =	rddreg [dreg:$0x1];
	p0 =	sne.s32 s2, $0x0  }
0x2e9: {  	s3 =	rddreg [dreg:$0x2];
	[bflag:$0x3] =	sbarrier.arrive $0xFFFF;
	s2 =	simm.s32 @!p0 $0x1C02  }
0x2ea: {  	[timem:s3], [sflag:s2] =	dma.local @!p0 [hbm:s0], s1  }
0x2eb: {  	s0 =	simm.s32 @!p0 $0x2  }
0x2ec: {  	_ =	swait.ge @!p0 [sflag:s0], s1  }
0x2ed: {  	s1 =	ssub.s32 @!p0 $0x0, s1;
	[sflag:s0] =	ssyncset.done @!p0 $0x0  }
0x2ee: {  	[sflag:s0] =	ssyncadd.s32 @!p0 s1  }
0x2ef: {  	[bflag:$0x3] =	sbarrier.arrive $0xFFFF  }
0x2f0: {  	_ =	shalt  }

</sc_bundles>
